<compile_context>
chip_gen: v7x
topology: tpu7x:2x2x1
jax: 0.10.2.dev20260603
libtpu: 0.0.44.dev20260713+nightly
codegen_flags: <defaults>
</compile_context>

<pallas_src>
import math

import numpy as np
import jax
import jax.numpy as jnp
from jax import lax
from jax.experimental import pallas as pl
from jax.experimental.pallas import tpu as pltpu
from jax.experimental.pallas import tpu_sc as plsc

N = 50176
R = 768
K = 12544
NSEG = 32
ZMAX = 5.5
SEGSCALE = NSEG / (2.0 * ZMAX)
CH = 1792
NCHUNK = N // CH
NW = 32
ROWS_PER_W = R // NW

_zb = np.linspace(-ZMAX, ZMAX, NSEG + 1)
_phi = np.array([0.5 * (1.0 + math.erf(z / math.sqrt(2.0))) for z in _zb])
_yb = _phi * (K - 2) + 1.0
_SLOPE = ((_yb[1:] - _yb[:-1]) / (_zb[1:] - _zb[:-1])).astype(np.float32)
_INTER = (_yb[:-1] - _SLOPE * _zb[:-1]).astype(np.float32)


def _stats_body(x_ref, o_ref):
    xb = x_ref[...]
    s = jnp.sum(xb)
    s2 = jnp.sum(xb * xb)
    col = lax.broadcasted_iota(jnp.int32, (1, 1, 128), 2)
    o_ref[...] = jnp.where(col == 0, s, jnp.where(col == 1, s2, 0.0))


def _gather_vec(v, idx):
    dn = lax.GatherDimensionNumbers(
        offset_dims=(), collapsed_slice_dims=(0,), start_index_map=(0,))
    return lax.gather(v, idx[:, None], dn, (1,),
                      mode=lax.GatherScatterMode.PROMISE_IN_BOUNDS)


def _sc_body(x_hbm, n_hbm, c_hbm, ls_hbm, li_hbm, out_hbm, vs_hbm,
             ga, gb, fx, fn, sa, sb, cv, lsv, liv):
    pltpu.sync_copy(c_hbm, cv)
    pltpu.sync_copy(ls_hbm, lsv)
    pltpu.sync_copy(li_hbm, liv)

    iota = lax.iota(jnp.int32, 16)
    mu_x = cv[0, :]
    is_x = cv[1, :]
    mu_n = cv[2, :]
    is_n = cv[3, :]
    av = cv[4, :]
    bv = cv[5, :]

    def bucketize(v, mu, inv_s):
        z = (v - mu) * inv_s
        seg = jnp.clip(((z + ZMAX) * SEGSCALE).astype(jnp.int32), 0, NSEG - 1)
        sl = plsc.load_gather(lsv, [seg])
        ic = plsc.load_gather(liv, [seg])
        return jnp.clip((sl * z + ic).astype(jnp.int32), 0, K - 1)

    wid = lax.axis_index("s") * 2 + lax.axis_index("c")

    def row_body(t, carry):
        r = wid * ROWS_PER_W + t
        sbase = wid * N

        def zb_(ii, _):
            for u in range(4):
                i = ii * 4 + u
                fx[pl.ds(i * 16, 16)] = jnp.zeros((16,), jnp.int32)
                fn[pl.ds(i * 16, 16)] = jnp.zeros((16,), jnp.int32)
            return 0
        lax.fori_loop(0, K // 64, zb_, 0)

        def p1_chunk(c, _):
            pltpu.sync_copy(x_hbm.at[pl.ds(r * N + c * CH, CH)], sa)
            pltpu.sync_copy(n_hbm.at[pl.ds(r * N + c * CH, CH)], sb)

            def p1_v(ii, _):
                for u in range(8):
                    i = ii * 8 + u
                    xv = sa[pl.ds(i * 16, 16)]
                    nv = sb[pl.ds(i * 16, 16)]
                    nsv = av + bv * nv + 0.9 * xv
                    px = bucketize(xv, mu_x, is_x)
                    pn = bucketize(nsv, mu_n, is_n)
                    cntx, lastx = plsc.scan_count(px)
                    plsc.addupdate_scatter(fx, [px], cntx, mask=lastx)
                    cntn, lastn = plsc.scan_count(pn)
                    plsc.addupdate_scatter(fn, [pn], cntn, mask=lastn)
                    gb[pl.ds(c * CH + i * 16, 16)] = nsv
                return 0
            lax.fori_loop(0, CH // 128, p1_v, 0)
            return 0
        with jax.named_scope("ph_hist"):
            lax.fori_loop(0, NCHUNK, p1_chunk, 0)

        lane15 = jnp.full((16,), 15, jnp.int32)

        def excl2(i, carry_v):
            cvx, cvn = carry_v
            vx_ = fx[pl.ds(i * 16, 16)]
            vn_ = fn[pl.ds(i * 16, 16)]
            incx = plsc.cumsum(vx_)
            incn = plsc.cumsum(vn_)
            fx[pl.ds(i * 16, 16)] = incx - vx_ + cvx
            fn[pl.ds(i * 16, 16)] = incn - vn_ + cvn
            return (_gather_vec(incx, lane15) + cvx,
                    _gather_vec(incn, lane15) + cvn)
        with jax.named_scope("ph_cumsum"):
            lax.fori_loop(0, K // 16, excl2,
                          (jnp.zeros((16,), jnp.int32),
                           jnp.zeros((16,), jnp.int32)))

        def p2n_v(ii, _):
            for u in range(8):
                i = ii * 8 + u
                nsv = gb[pl.ds(i * 16, 16)]
                pn = bucketize(nsv, mu_n, is_n)
                cntn, lastn = plsc.scan_count(pn)
                basen = plsc.load_gather(fn, [pn])
                plsc.store_scatter(ga, [basen + cntn - 1], nsv)
                plsc.store_scatter(fn, [pn], basen + cntn, mask=lastn)
            return 0
        with jax.named_scope("ph_scatter_n"):
            lax.fori_loop(0, N // 128, p2n_v, 0)
        ga[pl.ds(N, 16)] = jnp.full((16,), jnp.inf, jnp.float32)

        def blksort(ii, _):
            for u in range(8):
                i = ii * 8 + u
                v = ga[pl.ds(i * 16, 16)]
                sv, _u = plsc.sort_key_val(v, v)
                ga[pl.ds(i * 16, 16)] = sv
            return 0
        with jax.named_scope("ph_blksort_n"):
            lax.fori_loop(0, N // 128, blksort, 0)

        def merge_sweep(phase):
            def body(tt, acc):
                for u in range(4):
                    t2 = tt * 4 + u
                    base = (t2 * 2 + phase) * 16
                    a = ga[pl.ds(base, 16)]
                    b = ga[pl.ds(base + 16, 16)]
                    rb = lax.rev(b, (0,))
                    lo = jnp.minimum(a, rb)
                    hi = jnp.maximum(a, rb)
                    slo, _u1 = plsc.sort_key_val(lo, lo)
                    shi, _u2 = plsc.sort_key_val(hi, hi)
                    ga[pl.ds(base, 16)] = slo
                    ga[pl.ds(base + 16, 16)] = shi
                    ch = jnp.logical_or(slo != a, shi != b)
                    acc = jnp.logical_or(acc, ch)
                return acc
            return lax.fori_loop(0, N // 128, body, jnp.zeros((16,), jnp.bool_))

        def w_cond(c):
            return c

        def w_body(c):
            s0 = merge_sweep(0)
            s1 = merge_sweep(1)
            return jnp.any(jnp.logical_or(s0, s1))
        with jax.named_scope("ph_merge_n"):
            lax.while_loop(w_cond, w_body, jnp.bool_(True))

        with jax.named_scope("ph_stash"):
            pltpu.sync_copy(ga.at[pl.ds(0, N)], vs_hbm.at[pl.ds(sbase, N)])

        def p2x_chunk(c, _):
            pltpu.sync_copy(x_hbm.at[pl.ds(r * N + c * CH, CH)], sa)

            def p2x_v(ii, _):
                for u in range(8):
                    i = ii * 8 + u
                    xv = sa[pl.ds(i * 16, 16)]
                    idxf = (c * CH + i * 16 + iota).astype(jnp.float32)
                    px = bucketize(xv, mu_x, is_x)
                    cnt, last = plsc.scan_count(px)
                    base = plsc.load_gather(fx, [px])
                    dest = base + cnt - 1
                    plsc.store_scatter(gb, [dest], xv)
                    plsc.store_scatter(ga, [dest], idxf)
                    plsc.store_scatter(fx, [px], base + cnt, mask=last)
                return 0
            lax.fori_loop(0, CH // 128, p2x_v, 0)
            return 0
        with jax.named_scope("ph_scatter_x"):
            lax.fori_loop(0, NCHUNK, p2x_chunk, 0)
        gb[pl.ds(N, 16)] = jnp.full((16,), jnp.inf, jnp.float32)
        ga[pl.ds(N, 16)] = jnp.zeros((16,), jnp.float32)

        def blksort_p(ii, _):
            for u in range(8):
                i = ii * 8 + u
                kv = gb[pl.ds(i * 16, 16)]
                pv = ga[pl.ds(i * 16, 16)]
                sk, sp = plsc.sort_key_val(kv, pv)
                gb[pl.ds(i * 16, 16)] = sk
                ga[pl.ds(i * 16, 16)] = sp
            return 0
        with jax.named_scope("ph_blksort_x"):
            lax.fori_loop(0, N // 128, blksort_p, 0)

        def merge_sweep_p(phase):
            def body(tt, acc):
                for u in range(4):
                    t2 = tt * 4 + u
                    base = (t2 * 2 + phase) * 16
                    ak = gb[pl.ds(base, 16)]
                    ap = ga[pl.ds(base, 16)]
                    bk = gb[pl.ds(base + 16, 16)]
                    bp = ga[pl.ds(base + 16, 16)]
                    rbk = lax.rev(bk, (0,))
                    rbp = lax.rev(bp, (0,))
                    take = ak <= rbk
                    lok = jnp.where(take, ak, rbk)
                    lop = jnp.where(take, ap, rbp)
                    hik = jnp.where(take, rbk, ak)
                    hip = jnp.where(take, rbp, ap)
                    slok, slop = plsc.sort_key_val(lok, lop)
                    shik, ship = plsc.sort_key_val(hik, hip)
                    gb[pl.ds(base, 16)] = slok
                    ga[pl.ds(base, 16)] = slop
                    gb[pl.ds(base + 16, 16)] = shik
                    ga[pl.ds(base + 16, 16)] = ship
                    ch = jnp.logical_or(slok != ak, shik != bk)
                    acc = jnp.logical_or(acc, ch)
                return acc
            return lax.fori_loop(0, N // 128, body, jnp.zeros((16,), jnp.bool_))

        def wp_body(c):
            s0 = merge_sweep_p(0)
            s1 = merge_sweep_p(1)
            return jnp.any(jnp.logical_or(s0, s1))
        with jax.named_scope("ph_merge_x"):
            lax.while_loop(w_cond, wp_body, jnp.bool_(True))

        def fin_chunk(c, _):
            pltpu.sync_copy(vs_hbm.at[pl.ds(sbase + c * CH, CH)], sa)

            def fin_v(ii, _):
                for u in range(8):
                    i = ii * 8 + u
                    v = sa[pl.ds(i * 16, 16)]
                    iv = ga[pl.ds(c * CH + i * 16, 16)].astype(jnp.int32)
                    plsc.store_scatter(gb, [iv], v)
                return 0
            lax.fori_loop(0, CH // 128, fin_v, 0)
            return 0
        with jax.named_scope("ph_final"):
            lax.fori_loop(0, NCHUNK, fin_chunk, 0)
            pltpu.sync_copy(gb.at[pl.ds(0, N)], out_hbm.at[pl.ds(r * N, N)])
        return carry
    lax.fori_loop(0, ROWS_PER_W, row_body, 0)


_sc_call = pl.kernel(
    _sc_body,
    mesh=plsc.VectorSubcoreMesh(core_axis_name="c", subcore_axis_name="s"),
    compiler_params=pltpu.CompilerParams(needs_layout_passes=False),
    out_type=(jax.ShapeDtypeStruct((R * N,), jnp.float32),
              jax.ShapeDtypeStruct((NW * N,), jnp.float32)),
    scratch_types=[
        pltpu.VMEM((N + 16,), jnp.float32),
        pltpu.VMEM((N + 16,), jnp.float32),
        pltpu.VMEM((K + 16,), jnp.int32),
        pltpu.VMEM((K + 16,), jnp.int32),
        pltpu.VMEM((CH,), jnp.float32),
        pltpu.VMEM((CH,), jnp.float32),
        pltpu.VMEM((8, 16), jnp.float32),
        pltpu.VMEM((NSEG,), jnp.float32),
        pltpu.VMEM((NSEG,), jnp.float32),
    ],
)


def kernel(x, noise):
    B, C, W, H = x.shape
    x2 = x.reshape(R, N)
    n2 = noise.reshape(R, N)

    part = pl.pallas_call(
        _stats_body,
        grid=(96,),
        in_specs=[pl.BlockSpec((8, N), lambda i: (i, 0))],
        out_specs=pl.BlockSpec((1, 1, 128), lambda i: (i, 0, 0)),
        out_shape=jax.ShapeDtypeStruct((96, 1, 128), jnp.float32),
    )(x2)
    s = jnp.sum(part[:, 0, 0])
    s2 = jnp.sum(part[:, 0, 1])
    m = R * N
    mean = s / m
    var = (s2 - s * s / m) / (m - 1)
    sd = jnp.sqrt(var)

    def bc(v):
        return jnp.broadcast_to(v, (16,)).astype(jnp.float32)
    consts = jnp.stack([
        bc(mean), bc(1.0 / sd), bc(mean), bc(1.0 / (0.9055 * sd)),
        bc(0.1 * mean), bc(0.1 * sd), bc(0.0), bc(0.0)])

    out, _ = _sc_call(x2.reshape(-1), n2.reshape(-1), consts,
                      jnp.asarray(_SLOPE), jnp.asarray(_INTER))
    return out.reshape(B, C, W, H)

# --- scband reference (transcript-rebuilt; emitter-appended) ---
"""Pipeline reference for scband-value-style-44590350467749 (READ-ONLY COPY).

The authoritative reference and input builder live on the scoring server;
editing this copy changes nothing except your own understanding.
"""

import jax, jax.numpy as jnp
import numpy as np


def setup_inputs(seed: int = 0) -> dict:
    key = jax.random.key(seed)
    k1, k2 = jax.random.split(key)
    x = jax.random.normal(k1, (8, 96, 224, 224), dtype=jnp.float32)
    # standard-normal sample used to realize Normal(mean, std) as mean + std * noise
    noise = jax.random.normal(k2, (8, 96, 224, 224), dtype=jnp.float32)
    return {"x": x, "noise": noise}


def reference(x, noise):
    # ValueStyle.forward with type='noise', p=1.0, training=True
    B, C, W, H = x.shape
    xf = x.reshape(B, C, -1)
    # _, index_content = torch.sort(x.view(B, C, -1))
    index_content = jnp.argsort(xf, axis=-1)
    # inverse_index = index_content.argsort(-1)
    inverse_index = jnp.argsort(index_content, axis=-1)
    zero = jnp.mean(x)
    one = jnp.std(x, ddof=1)  # torch.std is unbiased
    # noise_style = 0.1 * Normal(zero, one).sample(x.shape) + 0.9 * x.detach()
    noise_style = 0.1 * (zero + one * noise) + 0.9 * jax.lax.stop_gradient(x)
    # value_style, _ = torch.sort(noise_style.view(B, C, -1))
    value_style = jnp.sort(noise_style.reshape(B, C, -1), axis=-1)
    # transferred_x = x + (value_style.gather(-1, inverse_index) - x).detach()
    gathered = jnp.take_along_axis(value_style, inverse_index, axis=-1)
    transferred = xf + jax.lax.stop_gradient(gathered - xf)
    return transferred.reshape(B, C, W, H)

if __name__ == "__main__":
    import jax
    _d = setup_inputs()
    print(jax.jit(kernel)(*tuple(_d.values())))

</pallas_src>

<mosaic_0001>
#map = affine_map<(d0, d1) -> (0)>
#map1 = affine_map<(d0, d1) -> (0, 0)>
module attributes {stable_mosaic.version = 14 : i64} {
  func.func @_sc_body(%arg0: i32, %arg1: i32, %arg2: memref<38535168xf32, #tpu.memory_space<hbm>>, %arg3: memref<38535168xf32, #tpu.memory_space<hbm>>, %arg4: memref<8x16xf32, #tpu.memory_space<hbm>>, %arg5: memref<32xf32, #tpu.memory_space<hbm>>, %arg6: memref<32xf32, #tpu.memory_space<hbm>>, %arg7: memref<38535168xf32, #tpu.memory_space<hbm>>, %arg8: memref<1605632xf32, #tpu.memory_space<hbm>>, %arg9: memref<50192xf32, #tpu.memory_space<vmem>>, %arg10: memref<50192xf32, #tpu.memory_space<vmem>>, %arg11: memref<12560xi32, #tpu.memory_space<vmem>>, %arg12: memref<12560xi32, #tpu.memory_space<vmem>>, %arg13: memref<1792xf32, #tpu.memory_space<vmem>>, %arg14: memref<1792xf32, #tpu.memory_space<vmem>>, %arg15: memref<8x16xf32, #tpu.memory_space<vmem>>, %arg16: memref<32xf32, #tpu.memory_space<vmem>>, %arg17: memref<32xf32, #tpu.memory_space<vmem>>) attributes {dimension_semantics = [#tpu.dimension_semantics<core_parallel>, #tpu.dimension_semantics<subcore_parallel>], iteration_bounds = array<i64: 2, 16>, scalar_prefetch = 0 : i64, scratch_operands = 9 : i64, tpu.core_type = #tpu.core_type<sc_vector_subcore>, window_params = [{transform_indices = #map}, {transform_indices = #map}, {transform_indices = #map1}, {transform_indices = #map}, {transform_indices = #map}, {transform_indices = #map}, {transform_indices = #map}]} {
    "tpu.region"() ({
      %run_scoped3A = tpu.sem_alloc : memref<!tpu.dma_semaphore, #tpu.memory_space<semaphore_mem>>
      tpu.enqueue_dma source(%arg4 : memref<8x16xf32, #tpu.memory_space<hbm>>) target(%arg15 : memref<8x16xf32, #tpu.memory_space<vmem>>) target_semaphore(%run_scoped3A : memref<!tpu.dma_semaphore, #tpu.memory_space<semaphore_mem>>)
      tpu.wait_dma2 semaphore(%run_scoped3A : memref<!tpu.dma_semaphore, #tpu.memory_space<semaphore_mem>>) src(%arg4 : memref<8x16xf32, #tpu.memory_space<hbm>>) dst(%arg15 : memref<8x16xf32, #tpu.memory_space<vmem>>)
      tpu.yield
    }) : () -> ()
    "tpu.region"() ({
      %run_scoped3A = tpu.sem_alloc : memref<!tpu.dma_semaphore, #tpu.memory_space<semaphore_mem>>
      tpu.enqueue_dma source(%arg5 : memref<32xf32, #tpu.memory_space<hbm>>) target(%arg16 : memref<32xf32, #tpu.memory_space<vmem>>) target_semaphore(%run_scoped3A : memref<!tpu.dma_semaphore, #tpu.memory_space<semaphore_mem>>)
      tpu.wait_dma2 semaphore(%run_scoped3A : memref<!tpu.dma_semaphore, #tpu.memory_space<semaphore_mem>>) src(%arg5 : memref<32xf32, #tpu.memory_space<hbm>>) dst(%arg16 : memref<32xf32, #tpu.memory_space<vmem>>)
      tpu.yield
    }) : () -> ()
    "tpu.region"() ({
      %run_scoped3A = tpu.sem_alloc : memref<!tpu.dma_semaphore, #tpu.memory_space<semaphore_mem>>
      tpu.enqueue_dma source(%arg6 : memref<32xf32, #tpu.memory_space<hbm>>) target(%arg17 : memref<32xf32, #tpu.memory_space<vmem>>) target_semaphore(%run_scoped3A : memref<!tpu.dma_semaphore, #tpu.memory_space<semaphore_mem>>)
      tpu.wait_dma2 semaphore(%run_scoped3A : memref<!tpu.dma_semaphore, #tpu.memory_space<semaphore_mem>>) src(%arg6 : memref<32xf32, #tpu.memory_space<hbm>>) dst(%arg17 : memref<32xf32, #tpu.memory_space<vmem>>)
      tpu.yield
    }) : () -> ()
    %iota3A = tpu.iota {dimensions = array<i32: 0>} : vector<16xi32>
    %get3A = arith.constant 0 : i32
    %get3A_0 = arith.index_cast %get3A : i32 to index
    %get3A_1 = arith.constant 0 : index
    %get3A_2 = tpu.vector_load %arg15[%get3A_0, %get3A_1] {strides = array<i32>} : memref<8x16xf32, #tpu.memory_space<vmem>>, vector<16xf32>,
    %get3A_3 = arith.constant 1 : i32
    %get3A_4 = arith.index_cast %get3A_3 : i32 to index
    %get3A_5 = arith.constant 0 : index
    %get3A_6 = tpu.vector_load %arg15[%get3A_4, %get3A_5] {strides = array<i32>} : memref<8x16xf32, #tpu.memory_space<vmem>>, vector<16xf32>,
    %get3A_7 = arith.constant 2 : i32
    %get3A_8 = arith.index_cast %get3A_7 : i32 to index
    %get3A_9 = arith.constant 0 : index
    %get3A_10 = tpu.vector_load %arg15[%get3A_8, %get3A_9] {strides = array<i32>} : memref<8x16xf32, #tpu.memory_space<vmem>>, vector<16xf32>,
    %get3A_11 = arith.constant 3 : i32
    %get3A_12 = arith.index_cast %get3A_11 : i32 to index
    %get3A_13 = arith.constant 0 : index
    %get3A_14 = tpu.vector_load %arg15[%get3A_12, %get3A_13] {strides = array<i32>} : memref<8x16xf32, #tpu.memory_space<vmem>>, vector<16xf32>,
    %get3A_15 = arith.constant 4 : i32
    %get3A_16 = arith.index_cast %get3A_15 : i32 to index
    %get3A_17 = arith.constant 0 : index
    %get3A_18 = tpu.vector_load %arg15[%get3A_16, %get3A_17] {strides = array<i32>} : memref<8x16xf32, #tpu.memory_space<vmem>>, vector<16xf32>,
    %get3A_19 = arith.constant 5 : i32
    %get3A_20 = arith.index_cast %get3A_19 : i32 to index
    %get3A_21 = arith.constant 0 : index
    %get3A_22 = tpu.vector_load %arg15[%get3A_20, %get3A_21] {strides = array<i32>} : memref<8x16xf32, #tpu.memory_space<vmem>>, vector<16xf32>,
    %mul3A = arith.constant 2 : i32
    %mul3A_23 = arith.muli %arg1, %mul3A : i32
    %add3A = arith.addi %mul3A_23, %arg0 : i32
    %scan3A = arith.constant 0 : i32
    %scan3A_24 = arith.constant 0 : i32
    %scan3A_25 = arith.constant 24 : i32
    %scan3A_26 = arith.addi %scan3A_24, %scan3A_25 : i32
    %scan3A_27 = arith.constant 1 : i32
    scf.for %scan3A_29 = %scan3A_24 to %scan3A_26 step %scan3A_27  : i32 {
      %mul3A_30 = arith.constant 24 : i32
      %mul3A_31 = arith.muli %add3A, %mul3A_30 : i32
      %add3A_32 = arith.addi %mul3A_31, %scan3A_29 : i32
      %mul3A_33 = arith.constant 50176 : i32
      %mul3A_34 = arith.muli %add3A, %mul3A_33 : i32
      %scan3A_35 = arith.constant 0 : i32
      %scan3A_36 = arith.constant 0 : i32
      %scan3A_37 = arith.constant 196 : i32
      %scan3A_38 = arith.addi %scan3A_36, %scan3A_37 : i32
      %scan3A_39 = arith.constant 1 : i32
      %scan3A_40 = scf.for %scan3A_111 = %scan3A_36 to %scan3A_38 step %scan3A_39 iter_args(%scan3A_112 = %scan3A_35) -> (i32)  : i32 {
        %mul3A_113 = arith.constant 4 : i32
        %mul3A_114 = arith.muli %scan3A_111, %mul3A_113 : i32
        %add3A_115 = arith.constant 0 : i32
        %add3A_116 = arith.addi %mul3A_114, %add3A_115 : i32
        %broadcast_in_dim3A_117 = arith.constant 0 : i32
        %broadcast_in_dim3A_118 = vector.broadcast %broadcast_in_dim3A_117 : i32 to vector<16xi32>
        %mul3A_119 = arith.constant 16 : i32
        %mul3A_120 = arith.muli %add3A_116, %mul3A_119 : i32
        %swap3A_121 = arith.index_cast %mul3A_120 : i32 to index
        %swap3A_122 = tpu.vector_load %arg11[%swap3A_121] {strides = array<i32>} : memref<12560xi32, #tpu.memory_space<vmem>>, vector<16xi32>,
        tpu.vector_store %arg11[%swap3A_121], %broadcast_in_dim3A_118 {strides = array<i32>} : memref<12560xi32, #tpu.memory_space<vmem>>, vector<16xi32>,
        %broadcast_in_dim3A_123 = arith.constant 0 : i32
        %broadcast_in_dim3A_124 = vector.broadcast %broadcast_in_dim3A_123 : i32 to vector<16xi32>
        %mul3A_125 = arith.constant 16 : i32
        %mul3A_126 = arith.muli %add3A_116, %mul3A_125 : i32
        %swap3A_127 = arith.index_cast %mul3A_126 : i32 to index
        %swap3A_128 = tpu.vector_load %arg12[%swap3A_127] {strides = array<i32>} : memref<12560xi32, #tpu.memory_space<vmem>>, vector<16xi32>,
        tpu.vector_store %arg12[%swap3A_127], %broadcast_in_dim3A_124 {strides = array<i32>} : memref<12560xi32, #tpu.memory_space<vmem>>, vector<16xi32>,
        %mul3A_129 = arith.constant 4 : i32
        %mul3A_130 = arith.muli %scan3A_111, %mul3A_129 : i32
        %add3A_131 = arith.constant 1 : i32
        %add3A_132 = arith.addi %mul3A_130, %add3A_131 : i32
        %broadcast_in_dim3A_133 = arith.constant 0 : i32
        %broadcast_in_dim3A_134 = vector.broadcast %broadcast_in_dim3A_133 : i32 to vector<16xi32>
        %mul3A_135 = arith.constant 16 : i32
        %mul3A_136 = arith.muli %add3A_132, %mul3A_135 : i32
        %swap3A_137 = arith.index_cast %mul3A_136 : i32 to index
        %swap3A_138 = tpu.vector_load %arg11[%swap3A_137] {strides = array<i32>} : memref<12560xi32, #tpu.memory_space<vmem>>, vector<16xi32>,
        tpu.vector_store %arg11[%swap3A_137], %broadcast_in_dim3A_134 {strides = array<i32>} : memref<12560xi32, #tpu.memory_space<vmem>>, vector<16xi32>,
        %broadcast_in_dim3A_139 = arith.constant 0 : i32
        %broadcast_in_dim3A_140 = vector.broadcast %broadcast_in_dim3A_139 : i32 to vector<16xi32>
        %mul3A_141 = arith.constant 16 : i32
        %mul3A_142 = arith.muli %add3A_132, %mul3A_141 : i32
        %swap3A_143 = arith.index_cast %mul3A_142 : i32 to index
        %swap3A_144 = tpu.vector_load %arg12[%swap3A_143] {strides = array<i32>} : memref<12560xi32, #tpu.memory_space<vmem>>, vector<16xi32>,
        tpu.vector_store %arg12[%swap3A_143], %broadcast_in_dim3A_140 {strides = array<i32>} : memref<12560xi32, #tpu.memory_space<vmem>>, vector<16xi32>,
        %mul3A_145 = arith.constant 4 : i32
        %mul3A_146 = arith.muli %scan3A_111, %mul3A_145 : i32
        %add3A_147 = arith.constant 2 : i32
        %add3A_148 = arith.addi %mul3A_146, %add3A_147 : i32
        %broadcast_in_dim3A_149 = arith.constant 0 : i32
        %broadcast_in_dim3A_150 = vector.broadcast %broadcast_in_dim3A_149 : i32 to vector<16xi32>
        %mul3A_151 = arith.constant 16 : i32
        %mul3A_152 = arith.muli %add3A_148, %mul3A_151 : i32
        %swap3A_153 = arith.index_cast %mul3A_152 : i32 to index
        %swap3A_154 = tpu.vector_load %arg11[%swap3A_153] {strides = array<i32>} : memref<12560xi32, #tpu.memory_space<vmem>>, vector<16xi32>,
        tpu.vector_store %arg11[%swap3A_153], %broadcast_in_dim3A_150 {strides = array<i32>} : memref<12560xi32, #tpu.memory_space<vmem>>, vector<16xi32>,
        %broadcast_in_dim3A_155 = arith.constant 0 : i32
        %broadcast_in_dim3A_156 = vector.broadcast %broadcast_in_dim3A_155 : i32 to vector<16xi32>
        %mul3A_157 = arith.constant 16 : i32
        %mul3A_158 = arith.muli %add3A_148, %mul3A_157 : i32
        %swap3A_159 = arith.index_cast %mul3A_158 : i32 to index
        %swap3A_160 = tpu.vector_load %arg12[%swap3A_159] {strides = array<i32>} : memref<12560xi32, #tpu.memory_space<vmem>>, vector<16xi32>,
        tpu.vector_store %arg12[%swap3A_159], %broadcast_in_dim3A_156 {strides = array<i32>} : memref<12560xi32, #tpu.memory_space<vmem>>, vector<16xi32>,
        %mul3A_161 = arith.constant 4 : i32
        %mul3A_162 = arith.muli %scan3A_111, %mul3A_161 : i32
        %add3A_163 = arith.constant 3 : i32
        %add3A_164 = arith.addi %mul3A_162, %add3A_163 : i32
        %broadcast_in_dim3A_165 = arith.constant 0 : i32
        %broadcast_in_dim3A_166 = vector.broadcast %broadcast_in_dim3A_165 : i32 to vector<16xi32>
        %mul3A_167 = arith.constant 16 : i32
        %mul3A_168 = arith.muli %add3A_164, %mul3A_167 : i32
        %swap3A_169 = arith.index_cast %mul3A_168 : i32 to index
        %swap3A_170 = tpu.vector_load %arg11[%swap3A_169] {strides = array<i32>} : memref<12560xi32, #tpu.memory_space<vmem>>, vector<16xi32>,
        tpu.vector_store %arg11[%swap3A_169], %broadcast_in_dim3A_166 {strides = array<i32>} : memref<12560xi32, #tpu.memory_space<vmem>>, vector<16xi32>,
        %broadcast_in_dim3A_171 = arith.constant 0 : i32
        %broadcast_in_dim3A_172 = vector.broadcast %broadcast_in_dim3A_171 : i32 to vector<16xi32>
        %mul3A_173 = arith.constant 16 : i32
        %mul3A_174 = arith.muli %add3A_164, %mul3A_173 : i32
        %swap3A_175 = arith.index_cast %mul3A_174 : i32 to index
        %swap3A_176 = tpu.vector_load %arg12[%swap3A_175] {strides = array<i32>} : memref<12560xi32, #tpu.memory_space<vmem>>, vector<16xi32>,
        tpu.vector_store %arg12[%swap3A_175], %broadcast_in_dim3A_172 {strides = array<i32>} : memref<12560xi32, #tpu.memory_space<vmem>>, vector<16xi32>,
        %scan3A_177 = arith.constant 0 : i32
        scf.yield %scan3A_177 : i32
      }
      %scan3A_41 = arith.constant 196 : i32
      "tpu.trace_start"() <{level = 10 : i32, message = "ph_hist"}> : () -> ()
      %scan3A_42 = arith.constant 0 : i32
      %scan3A_43 = arith.constant 0 : i32
      %scan3A_44 = arith.constant 28 : i32
      %scan3A_45 = arith.addi %scan3A_43, %scan3A_44 : i32
      %scan3A_46 = arith.constant 1 : i32
      %scan3A_47 = scf.for %scan3A_111 = %scan3A_43 to %scan3A_45 step %scan3A_46 iter_args(%scan3A_112 = %scan3A_42) -> (i32)  : i32 {
        %mul3A_113 = arith.constant 50176 : i32
        %mul3A_114 = arith.muli %add3A_32, %mul3A_113 : i32
        %mul3A_115 = arith.constant 1792 : i32
        %mul3A_116 = arith.muli %scan3A_111, %mul3A_115 : i32
        %add3A_117 = arith.addi %mul3A_114, %mul3A_116 : i32
        "tpu.region"() ({
          %run_scoped3A = tpu.sem_alloc : memref<!tpu.dma_semaphore, #tpu.memory_space<semaphore_mem>>
          %dma_start3A = tpu.memref_slice %arg2[%add3A_117] : memref<38535168xf32, #tpu.memory_space<hbm>> -> memref<1792xf32, #tpu.memory_space<hbm>>
          %dma_start3A_131 = tpu.memref_slice %arg2[%add3A_117] : memref<38535168xf32, #tpu.memory_space<hbm>> -> memref<1792xf32, #tpu.memory_space<hbm>>
          tpu.enqueue_dma source(%dma_start3A_131 : memref<1792xf32, #tpu.memory_space<hbm>>) target(%arg13 : memref<1792xf32, #tpu.memory_space<vmem>>) target_semaphore(%run_scoped3A : memref<!tpu.dma_semaphore, #tpu.memory_space<semaphore_mem>>)
          %dma_wait3A = tpu.memref_slice %arg2[%add3A_117] : memref<38535168xf32, #tpu.memory_space<hbm>> -> memref<1792xf32, #tpu.memory_space<hbm>>
          %dma_wait3A_132 = tpu.memref_slice %arg2[%add3A_117] : memref<38535168xf32, #tpu.memory_space<hbm>> -> memref<1792xf32, #tpu.memory_space<hbm>>
          tpu.wait_dma2 semaphore(%run_scoped3A : memref<!tpu.dma_semaphore, #tpu.memory_space<semaphore_mem>>) src(%dma_wait3A_132 : memref<1792xf32, #tpu.memory_space<hbm>>) dst(%arg13 : memref<1792xf32, #tpu.memory_space<vmem>>)
          tpu.yield
        }) : () -> ()
        %mul3A_118 = arith.constant 50176 : i32
        %mul3A_119 = arith.muli %add3A_32, %mul3A_118 : i32
        %mul3A_120 = arith.constant 1792 : i32
        %mul3A_121 = arith.muli %scan3A_111, %mul3A_120 : i32
        %add3A_122 = arith.addi %mul3A_119, %mul3A_121 : i32
        "tpu.region"() ({
          %run_scoped3A = tpu.sem_alloc : memref<!tpu.dma_semaphore, #tpu.memory_space<semaphore_mem>>
          %dma_start3A = tpu.memref_slice %arg3[%add3A_122] : memref<38535168xf32, #tpu.memory_space<hbm>> -> memref<1792xf32, #tpu.memory_space<hbm>>
          %dma_start3A_131 = tpu.memref_slice %arg3[%add3A_122] : memref<38535168xf32, #tpu.memory_space<hbm>> -> memref<1792xf32, #tpu.memory_space<hbm>>
          tpu.enqueue_dma source(%dma_start3A_131 : memref<1792xf32, #tpu.memory_space<hbm>>) target(%arg14 : memref<1792xf32, #tpu.memory_space<vmem>>) target_semaphore(%run_scoped3A : memref<!tpu.dma_semaphore, #tpu.memory_space<semaphore_mem>>)
          %dma_wait3A = tpu.memref_slice %arg3[%add3A_122] : memref<38535168xf32, #tpu.memory_space<hbm>> -> memref<1792xf32, #tpu.memory_space<hbm>>
          %dma_wait3A_132 = tpu.memref_slice %arg3[%add3A_122] : memref<38535168xf32, #tpu.memory_space<hbm>> -> memref<1792xf32, #tpu.memory_space<hbm>>
          tpu.wait_dma2 semaphore(%run_scoped3A : memref<!tpu.dma_semaphore, #tpu.memory_space<semaphore_mem>>) src(%dma_wait3A_132 : memref<1792xf32, #tpu.memory_space<hbm>>) dst(%arg14 : memref<1792xf32, #tpu.memory_space<vmem>>)
          tpu.yield
        }) : () -> ()
        %scan3A_123 = arith.constant 0 : i32
        %scan3A_124 = arith.constant 0 : i32
        %scan3A_125 = arith.constant 14 : i32
        %scan3A_126 = arith.addi %scan3A_124, %scan3A_125 : i32
        %scan3A_127 = arith.constant 1 : i32
        %scan3A_128 = scf.for %scan3A_131 = %scan3A_124 to %scan3A_126 step %scan3A_127 iter_args(%scan3A_132 = %scan3A_123) -> (i32)  : i32 {
          %mul3A_133 = arith.constant 8 : i32
          %mul3A_134 = arith.muli %scan3A_131, %mul3A_133 : i32
          %add3A_135 = arith.constant 0 : i32
          %add3A_136 = arith.addi %mul3A_134, %add3A_135 : i32
          %mul3A_137 = arith.constant 16 : i32
          %mul3A_138 = arith.muli %add3A_136, %mul3A_137 : i32
          %get3A_139 = arith.index_cast %mul3A_138 : i32 to index
          %get3A_140 = tpu.vector_load %arg13[%get3A_139] {strides = array<i32>} : memref<1792xf32, #tpu.memory_space<vmem>>, vector<16xf32>,
          %mul3A_141 = arith.constant 16 : i32
          %mul3A_142 = arith.muli %add3A_136, %mul3A_141 : i32
          %get3A_143 = arith.index_cast %mul3A_142 : i32 to index
          %get3A_144 = tpu.vector_load %arg14[%get3A_143] {strides = array<i32>} : memref<1792xf32, #tpu.memory_space<vmem>>, vector<16xf32>,
          %mul3A_145 = arith.mulf %get3A_22, %get3A_144 : vector<16xf32>
          %add3A_146 = arith.addf %get3A_18, %mul3A_145 : vector<16xf32>
          %mul3A_147 = arith.constant 0.899999976 : f32
          %mul3A_148 = vector.broadcast %mul3A_147 : f32 to vector<16xf32>
          %mul3A_149 = arith.mulf %mul3A_148, %get3A_140 : vector<16xf32>
          %add3A_150 = arith.addf %add3A_146, %mul3A_149 : vector<16xf32>
          %sub3A = arith.subf %get3A_140, %get3A_2 : vector<16xf32>
          %mul3A_151 = arith.mulf %sub3A, %get3A_6 : vector<16xf32>
          %add3A_152 = arith.constant 5.500000e+00 : f32
          %add3A_153 = vector.broadcast %add3A_152 : f32 to vector<16xf32>
          %add3A_154 = arith.addf %mul3A_151, %add3A_153 : vector<16xf32>
          %mul3A_155 = arith.constant 2.909091 : f32
          %mul3A_156 = vector.broadcast %mul3A_155 : f32 to vector<16xf32>
          %mul3A_157 = arith.mulf %add3A_154, %mul3A_156 : vector<16xf32>
          %convert_element_type3A = arith.fptosi %mul3A_157 : vector<16xf32> to vector<16xi32>
          %jit3A = arith.constant 0 : i32
          %jit3A_158 = arith.constant 31 : i32
          %max3A = vector.broadcast %jit3A : i32 to vector<16xi32>
          %max3A_159 = arith.maxsi %max3A, %convert_element_type3A : vector<16xi32>
          %min3A = vector.broadcast %jit3A_158 : i32 to vector<16xi32>
          %min3A_160 = arith.minsi %min3A, %max3A_159 : vector<16xi32>
          %gather3A = tpu.vector_load_idx %arg16[%min3A_160] : memref<32xf32, #tpu.memory_space<vmem>>[vector<16xi32>], vector<16xf32>,
          %gather3A_161 = tpu.vector_load_idx %arg17[%min3A_160] : memref<32xf32, #tpu.memory_space<vmem>>[vector<16xi32>], vector<16xf32>,
          %mul3A_162 = arith.mulf %gather3A, %mul3A_151 : vector<16xf32>
          %add3A_163 = arith.addf %mul3A_162, %gather3A_161 : vector<16xf32>
          %convert_element_type3A_164 = arith.fptosi %add3A_163 : vector<16xf32> to vector<16xi32>
          %jit3A_165 = arith.constant 0 : i32
          %jit3A_166 = arith.constant 12543 : i32
          %max3A_167 = vector.broadcast %jit3A_165 : i32 to vector<16xi32>
          %max3A_168 = arith.maxsi %max3A_167, %convert_element_type3A_164 : vector<16xi32>
          %min3A_169 = vector.broadcast %jit3A_166 : i32 to vector<16xi32>
          %min3A_170 = arith.minsi %min3A_169, %max3A_168 : vector<16xi32>
          %sub3A_171 = arith.subf %add3A_150, %get3A_10 : vector<16xf32>
          %mul3A_172 = arith.mulf %sub3A_171, %get3A_14 : vector<16xf32>
          %add3A_173 = arith.constant 5.500000e+00 : f32
          %add3A_174 = vector.broadcast %add3A_173 : f32 to vector<16xf32>
          %add3A_175 = arith.addf %mul3A_172, %add3A_174 : vector<16xf32>
          %mul3A_176 = arith.constant 2.909091 : f32
          %mul3A_177 = vector.broadcast %mul3A_176 : f32 to vector<16xf32>
          %mul3A_178 = arith.mulf %add3A_175, %mul3A_177 : vector<16xf32>
          %convert_element_type3A_179 = arith.fptosi %mul3A_178 : vector<16xf32> to vector<16xi32>
          %jit3A_180 = arith.constant 0 : i32
          %jit3A_181 = arith.constant 31 : i32
          %max3A_182 = vector.broadcast %jit3A_180 : i32 to vector<16xi32>
          %max3A_183 = arith.maxsi %max3A_182, %convert_element_type3A_179 : vector<16xi32>
          %min3A_184 = vector.broadcast %jit3A_181 : i32 to vector<16xi32>
          %min3A_185 = arith.minsi %min3A_184, %max3A_183 : vector<16xi32>
          %gather3A_186 = tpu.vector_load_idx %arg16[%min3A_185] : memref<32xf32, #tpu.memory_space<vmem>>[vector<16xi32>], vector<16xf32>,
          %gather3A_187 = tpu.vector_load_idx %arg17[%min3A_185] : memref<32xf32, #tpu.memory_space<vmem>>[vector<16xi32>], vector<16xf32>,
          %mul3A_188 = arith.mulf %gather3A_186, %mul3A_172 : vector<16xf32>
          %add3A_189 = arith.addf %mul3A_188, %gather3A_187 : vector<16xf32>
          %convert_element_type3A_190 = arith.fptosi %add3A_189 : vector<16xf32> to vector<16xi32>
          %jit3A_191 = arith.constant 0 : i32
          %jit3A_192 = arith.constant 12543 : i32
          %max3A_193 = vector.broadcast %jit3A_191 : i32 to vector<16xi32>
          %max3A_194 = arith.maxsi %max3A_193, %convert_element_type3A_190 : vector<16xi32>
          %min3A_195 = vector.broadcast %jit3A_192 : i32 to vector<16xi32>
          %min3A_196 = arith.minsi %min3A_195, %max3A_194 : vector<16xi32>
          %broadcast_in_dim3A_197 = arith.constant true
          %broadcast_in_dim3A_198 = vector.broadcast %broadcast_in_dim3A_197 : i1 to vector<16xi1>
          %unique3A, %unique3A_199 = tpu.scan_count mask(%broadcast_in_dim3A_198 : vector<16xi1>) value(%min3A_170 : vector<16xi32>) : vector<16xi1>, vector<16xi32>
          tpu.vector_store_idx %arg11[%min3A_170], %unique3A_199 masked %unique3A {add = true} : memref<12560xi32, #tpu.memory_space<vmem>>[vector<16xi32>], vector<16xi32>, vector<16xi1>
          %broadcast_in_dim3A_200 = arith.constant true
          %broadcast_in_dim3A_201 = vector.broadcast %broadcast_in_dim3A_200 : i1 to vector<16xi1>
          %unique3A_202, %unique3A_203 = tpu.scan_count mask(%broadcast_in_dim3A_201 : vector<16xi1>) value(%min3A_196 : vector<16xi32>) : vector<16xi1>, vector<16xi32>
          tpu.vector_store_idx %arg12[%min3A_196], %unique3A_203 masked %unique3A_202 {add = true} : memref<12560xi32, #tpu.memory_space<vmem>>[vector<16xi32>], vector<16xi32>, vector<16xi1>
          %mul3A_204 = arith.constant 1792 : i32
          %mul3A_205 = arith.muli %scan3A_111, %mul3A_204 : i32
          %mul3A_206 = arith.constant 16 : i32
          %mul3A_207 = arith.muli %add3A_136, %mul3A_206 : i32
          %add3A_208 = arith.addi %mul3A_205, %mul3A_207 : i32
          %swap3A_209 = arith.index_cast %add3A_208 : i32 to index
          %swap3A_210 = tpu.vector_load %arg10[%swap3A_209] {strides = array<i32>} : memref<50192xf32, #tpu.memory_space<vmem>>, vector<16xf32>,
          tpu.vector_store %arg10[%swap3A_209], %add3A_150 {strides = array<i32>} : memref<50192xf32, #tpu.memory_space<vmem>>, vector<16xf32>,
          %mul3A_211 = arith.constant 8 : i32
          %mul3A_212 = arith.muli %scan3A_131, %mul3A_211 : i32
          %add3A_213 = arith.constant 1 : i32
          %add3A_214 = arith.addi %mul3A_212, %add3A_213 : i32
          %mul3A_215 = arith.constant 16 : i32
          %mul3A_216 = arith.muli %add3A_214, %mul3A_215 : i32
          %get3A_217 = arith.index_cast %mul3A_216 : i32 to index
          %get3A_218 = tpu.vector_load %arg13[%get3A_217] {strides = array<i32>} : memref<1792xf32, #tpu.memory_space<vmem>>, vector<16xf32>,
          %mul3A_219 = arith.constant 16 : i32
          %mul3A_220 = arith.muli %add3A_214, %mul3A_219 : i32
          %get3A_221 = arith.index_cast %mul3A_220 : i32 to index
          %get3A_222 = tpu.vector_load %arg14[%get3A_221] {strides = array<i32>} : memref<1792xf32, #tpu.memory_space<vmem>>, vector<16xf32>,
          %mul3A_223 = arith.mulf %get3A_22, %get3A_222 : vector<16xf32>
          %add3A_224 = arith.addf %get3A_18, %mul3A_223 : vector<16xf32>
          %mul3A_225 = arith.constant 0.899999976 : f32
          %mul3A_226 = vector.broadcast %mul3A_225 : f32 to vector<16xf32>
          %mul3A_227 = arith.mulf %mul3A_226, %get3A_218 : vector<16xf32>
          %add3A_228 = arith.addf %add3A_224, %mul3A_227 : vector<16xf32>
          %sub3A_229 = arith.subf %get3A_218, %get3A_2 : vector<16xf32>
          %mul3A_230 = arith.mulf %sub3A_229, %get3A_6 : vector<16xf32>
          %add3A_231 = arith.constant 5.500000e+00 : f32
          %add3A_232 = vector.broadcast %add3A_231 : f32 to vector<16xf32>
          %add3A_233 = arith.addf %mul3A_230, %add3A_232 : vector<16xf32>
          %mul3A_234 = arith.constant 2.909091 : f32
          %mul3A_235 = vector.broadcast %mul3A_234 : f32 to vector<16xf32>
          %mul3A_236 = arith.mulf %add3A_233, %mul3A_235 : vector<16xf32>
          %convert_element_type3A_237 = arith.fptosi %mul3A_236 : vector<16xf32> to vector<16xi32>
          %jit3A_238 = arith.constant 0 : i32
          %jit3A_239 = arith.constant 31 : i32
          %max3A_240 = vector.broadcast %jit3A_238 : i32 to vector<16xi32>
          %max3A_241 = arith.maxsi %max3A_240, %convert_element_type3A_237 : vector<16xi32>
          %min3A_242 = vector.broadcast %jit3A_239 : i32 to vector<16xi32>
          %min3A_243 = arith.minsi %min3A_242, %max3A_241 : vector<16xi32>
          %gather3A_244 = tpu.vector_load_idx %arg16[%min3A_243] : memref<32xf32, #tpu.memory_space<vmem>>[vector<16xi32>], vector<16xf32>,
          %gather3A_245 = tpu.vector_load_idx %arg17[%min3A_243] : memref<32xf32, #tpu.memory_space<vmem>>[vector<16xi32>], vector<16xf32>,
          %mul3A_246 = arith.mulf %gather3A_244, %mul3A_230 : vector<16xf32>
          %add3A_247 = arith.addf %mul3A_246, %gather3A_245 : vector<16xf32>
          %convert_element_type3A_248 = arith.fptosi %add3A_247 : vector<16xf32> to vector<16xi32>
          %jit3A_249 = arith.constant 0 : i32
          %jit3A_250 = arith.constant 12543 : i32
          %max3A_251 = vector.broadcast %jit3A_249 : i32 to vector<16xi32>
          %max3A_252 = arith.maxsi %max3A_251, %convert_element_type3A_248 : vector<16xi32>
          %min3A_253 = vector.broadcast %jit3A_250 : i32 to vector<16xi32>
          %min3A_254 = arith.minsi %min3A_253, %max3A_252 : vector<16xi32>
          %sub3A_255 = arith.subf %add3A_228, %get3A_10 : vector<16xf32>
          %mul3A_256 = arith.mulf %sub3A_255, %get3A_14 : vector<16xf32>
          %add3A_257 = arith.constant 5.500000e+00 : f32
          %add3A_258 = vector.broadcast %add3A_257 : f32 to vector<16xf32>
          %add3A_259 = arith.addf %mul3A_256, %add3A_258 : vector<16xf32>
          %mul3A_260 = arith.constant 2.909091 : f32
          %mul3A_261 = vector.broadcast %mul3A_260 : f32 to vector<16xf32>
          %mul3A_262 = arith.mulf %add3A_259, %mul3A_261 : vector<16xf32>
          %convert_element_type3A_263 = arith.fptosi %mul3A_262 : vector<16xf32> to vector<16xi32>
          %jit3A_264 = arith.constant 0 : i32
          %jit3A_265 = arith.constant 31 : i32
          %max3A_266 = vector.broadcast %jit3A_264 : i32 to vector<16xi32>
          %max3A_267 = arith.maxsi %max3A_266, %convert_element_type3A_263 : vector<16xi32>
          %min3A_268 = vector.broadcast %jit3A_265 : i32 to vector<16xi32>
          %min3A_269 = arith.minsi %min3A_268, %max3A_267 : vector<16xi32>
          %gather3A_270 = tpu.vector_load_idx %arg16[%min3A_269] : memref<32xf32, #tpu.memory_space<vmem>>[vector<16xi32>], vector<16xf32>,
          %gather3A_271 = tpu.vector_load_idx %arg17[%min3A_269] : memref<32xf32, #tpu.memory_space<vmem>>[vector<16xi32>], vector<16xf32>,
          %mul3A_272 = arith.mulf %gather3A_270, %mul3A_256 : vector<16xf32>
          %add3A_273 = arith.addf %mul3A_272, %gather3A_271 : vector<16xf32>
          %convert_element_type3A_274 = arith.fptosi %add3A_273 : vector<16xf32> to vector<16xi32>
          %jit3A_275 = arith.constant 0 : i32
          %jit3A_276 = arith.constant 12543 : i32
          %max3A_277 = vector.broadcast %jit3A_275 : i32 to vector<16xi32>
          %max3A_278 = arith.maxsi %max3A_277, %convert_element_type3A_274 : vector<16xi32>
          %min3A_279 = vector.broadcast %jit3A_276 : i32 to vector<16xi32>
          %min3A_280 = arith.minsi %min3A_279, %max3A_278 : vector<16xi32>
          %broadcast_in_dim3A_281 = arith.constant true
          %broadcast_in_dim3A_282 = vector.broadcast %broadcast_in_dim3A_281 : i1 to vector<16xi1>
          %unique3A_283, %unique3A_284 = tpu.scan_count mask(%broadcast_in_dim3A_282 : vector<16xi1>) value(%min3A_254 : vector<16xi32>) : vector<16xi1>, vector<16xi32>
          tpu.vector_store_idx %arg11[%min3A_254], %unique3A_284 masked %unique3A_283 {add = true} : memref<12560xi32, #tpu.memory_space<vmem>>[vector<16xi32>], vector<16xi32>, vector<16xi1>
          %broadcast_in_dim3A_285 = arith.constant true
          %broadcast_in_dim3A_286 = vector.broadcast %broadcast_in_dim3A_285 : i1 to vector<16xi1>
          %unique3A_287, %unique3A_288 = tpu.scan_count mask(%broadcast_in_dim3A_286 : vector<16xi1>) value(%min3A_280 : vector<16xi32>) : vector<16xi1>, vector<16xi32>
          tpu.vector_store_idx %arg12[%min3A_280], %unique3A_288 masked %unique3A_287 {add = true} : memref<12560xi32, #tpu.memory_space<vmem>>[vector<16xi32>], vector<16xi32>, vector<16xi1>
          %mul3A_289 = arith.constant 1792 : i32
          %mul3A_290 = arith.muli %scan3A_111, %mul3A_289 : i32
          %mul3A_291 = arith.constant 16 : i32
          %mul3A_292 = arith.muli %add3A_214, %mul3A_291 : i32
          %add3A_293 = arith.addi %mul3A_290, %mul3A_292 : i32
          %swap3A_294 = arith.index_cast %add3A_293 : i32 to index
          %swap3A_295 = tpu.vector_load %arg10[%swap3A_294] {strides = array<i32>} : memref<50192xf32, #tpu.memory_space<vmem>>, vector<16xf32>,
          tpu.vector_store %arg10[%swap3A_294], %add3A_228 {strides = array<i32>} : memref<50192xf32, #tpu.memory_space<vmem>>, vector<16xf32>,
          %mul3A_296 = arith.constant 8 : i32
          %mul3A_297 = arith.muli %scan3A_131, %mul3A_296 : i32
          %add3A_298 = arith.constant 2 : i32
          %add3A_299 = arith.addi %mul3A_297, %add3A_298 : i32
          %mul3A_300 = arith.constant 16 : i32
          %mul3A_301 = arith.muli %add3A_299, %mul3A_300 : i32
          %get3A_302 = arith.index_cast %mul3A_301 : i32 to index
          %get3A_303 = tpu.vector_load %arg13[%get3A_302] {strides = array<i32>} : memref<1792xf32, #tpu.memory_space<vmem>>, vector<16xf32>,
          %mul3A_304 = arith.constant 16 : i32
          %mul3A_305 = arith.muli %add3A_299, %mul3A_304 : i32
          %get3A_306 = arith.index_cast %mul3A_305 : i32 to index
          %get3A_307 = tpu.vector_load %arg14[%get3A_306] {strides = array<i32>} : memref<1792xf32, #tpu.memory_space<vmem>>, vector<16xf32>,
          %mul3A_308 = arith.mulf %get3A_22, %get3A_307 : vector<16xf32>
          %add3A_309 = arith.addf %get3A_18, %mul3A_308 : vector<16xf32>
          %mul3A_310 = arith.constant 0.899999976 : f32
          %mul3A_311 = vector.broadcast %mul3A_310 : f32 to vector<16xf32>
          %mul3A_312 = arith.mulf %mul3A_311, %get3A_303 : vector<16xf32>
          %add3A_313 = arith.addf %add3A_309, %mul3A_312 : vector<16xf32>
          %sub3A_314 = arith.subf %get3A_303, %get3A_2 : vector<16xf32>
          %mul3A_315 = arith.mulf %sub3A_314, %get3A_6 : vector<16xf32>
          %add3A_316 = arith.constant 5.500000e+00 : f32
          %add3A_317 = vector.broadcast %add3A_316 : f32 to vector<16xf32>
          %add3A_318 = arith.addf %mul3A_315, %add3A_317 : vector<16xf32>
          %mul3A_319 = arith.constant 2.909091 : f32
          %mul3A_320 = vector.broadcast %mul3A_319 : f32 to vector<16xf32>
          %mul3A_321 = arith.mulf %add3A_318, %mul3A_320 : vector<16xf32>
          %convert_element_type3A_322 = arith.fptosi %mul3A_321 : vector<16xf32> to vector<16xi32>
          %jit3A_323 = arith.constant 0 : i32
          %jit3A_324 = arith.constant 31 : i32
          %max3A_325 = vector.broadcast %jit3A_323 : i32 to vector<16xi32>
          %max3A_326 = arith.maxsi %max3A_325, %convert_element_type3A_322 : vector<16xi32>
          %min3A_327 = vector.broadcast %jit3A_324 : i32 to vector<16xi32>
          %min3A_328 = arith.minsi %min3A_327, %max3A_326 : vector<16xi32>
          %gather3A_329 = tpu.vector_load_idx %arg16[%min3A_328] : memref<32xf32, #tpu.memory_space<vmem>>[vector<16xi32>], vector<16xf32>,
          %gather3A_330 = tpu.vector_load_idx %arg17[%min3A_328] : memref<32xf32, #tpu.memory_space<vmem>>[vector<16xi32>], vector<16xf32>,
          %mul3A_331 = arith.mulf %gather3A_329, %mul3A_315 : vector<16xf32>
          %add3A_332 = arith.addf %mul3A_331, %gather3A_330 : vector<16xf32>
          %convert_element_type3A_333 = arith.fptosi %add3A_332 : vector<16xf32> to vector<16xi32>
          %jit3A_334 = arith.constant 0 : i32
          %jit3A_335 = arith.constant 12543 : i32
          %max3A_336 = vector.broadcast %jit3A_334 : i32 to vector<16xi32>
          %max3A_337 = arith.maxsi %max3A_336, %convert_element_type3A_333 : vector<16xi32>
          %min3A_338 = vector.broadcast %jit3A_335 : i32 to vector<16xi32>
          %min3A_339 = arith.minsi %min3A_338, %max3A_337 : vector<16xi32>
          %sub3A_340 = arith.subf %add3A_313, %get3A_10 : vector<16xf32>
          %mul3A_341 = arith.mulf %sub3A_340, %get3A_14 : vector<16xf32>
          %add3A_342 = arith.constant 5.500000e+00 : f32
          %add3A_343 = vector.broadcast %add3A_342 : f32 to vector<16xf32>
          %add3A_344 = arith.addf %mul3A_341, %add3A_343 : vector<16xf32>
          %mul3A_345 = arith.constant 2.909091 : f32
          %mul3A_346 = vector.broadcast %mul3A_345 : f32 to vector<16xf32>
          %mul3A_347 = arith.mulf %add3A_344, %mul3A_346 : vector<16xf32>
          %convert_element_type3A_348 = arith.fptosi %mul3A_347 : vector<16xf32> to vector<16xi32>
          %jit3A_349 = arith.constant 0 : i32
          %jit3A_350 = arith.constant 31 : i32
          %max3A_351 = vector.broadcast %jit3A_349 : i32 to vector<16xi32>
          %max3A_352 = arith.maxsi %max3A_351, %convert_element_type3A_348 : vector<16xi32>
          %min3A_353 = vector.broadcast %jit3A_350 : i32 to vector<16xi32>
          %min3A_354 = arith.minsi %min3A_353, %max3A_352 : vector<16xi32>
          %gather3A_355 = tpu.vector_load_idx %arg16[%min3A_354] : memref<32xf32, #tpu.memory_space<vmem>>[vector<16xi32>], vector<16xf32>,
          %gather3A_356 = tpu.vector_load_idx %arg17[%min3A_354] : memref<32xf32, #tpu.memory_space<vmem>>[vector<16xi32>], vector<16xf32>,
          %mul3A_357 = arith.mulf %gather3A_355, %mul3A_341 : vector<16xf32>
          %add3A_358 = arith.addf %mul3A_357, %gather3A_356 : vector<16xf32>
          %convert_element_type3A_359 = arith.fptosi %add3A_358 : vector<16xf32> to vector<16xi32>
          %jit3A_360 = arith.constant 0 : i32
          %jit3A_361 = arith.constant 12543 : i32
          %max3A_362 = vector.broadcast %jit3A_360 : i32 to vector<16xi32>
          %max3A_363 = arith.maxsi %max3A_362, %convert_element_type3A_359 : vector<16xi32>
          %min3A_364 = vector.broadcast %jit3A_361 : i32 to vector<16xi32>
          %min3A_365 = arith.minsi %min3A_364, %max3A_363 : vector<16xi32>
          %broadcast_in_dim3A_366 = arith.constant true
          %broadcast_in_dim3A_367 = vector.broadcast %broadcast_in_dim3A_366 : i1 to vector<16xi1>
          %unique3A_368, %unique3A_369 = tpu.scan_count mask(%broadcast_in_dim3A_367 : vector<16xi1>) value(%min3A_339 : vector<16xi32>) : vector<16xi1>, vector<16xi32>
          tpu.vector_store_idx %arg11[%min3A_339], %unique3A_369 masked %unique3A_368 {add = true} : memref<12560xi32, #tpu.memory_space<vmem>>[vector<16xi32>], vector<16xi32>, vector<16xi1>
          %broadcast_in_dim3A_370 = arith.constant true
          %broadcast_in_dim3A_371 = vector.broadcast %broadcast_in_dim3A_370 : i1 to vector<16xi1>
          %unique3A_372, %unique3A_373 = tpu.scan_count mask(%broadcast_in_dim3A_371 : vector<16xi1>) value(%min3A_365 : vector<16xi32>) : vector<16xi1>, vector<16xi32>
          tpu.vector_store_idx %arg12[%min3A_365], %unique3A_373 masked %unique3A_372 {add = true} : memref<12560xi32, #tpu.memory_space<vmem>>[vector<16xi32>], vector<16xi32>, vector<16xi1>
          %mul3A_374 = arith.constant 1792 : i32
          %mul3A_375 = arith.muli %scan3A_111, %mul3A_374 : i32
          %mul3A_376 = arith.constant 16 : i32
          %mul3A_377 = arith.muli %add3A_299, %mul3A_376 : i32
          %add3A_378 = arith.addi %mul3A_375, %mul3A_377 : i32
          %swap3A_379 = arith.index_cast %add3A_378 : i32 to index
          %swap3A_380 = tpu.vector_load %arg10[%swap3A_379] {strides = array<i32>} : memref<50192xf32, #tpu.memory_space<vmem>>, vector<16xf32>,
          tpu.vector_store %arg10[%swap3A_379], %add3A_313 {strides = array<i32>} : memref<50192xf32, #tpu.memory_space<vmem>>, vector<16xf32>,
          %mul3A_381 = arith.constant 8 : i32
          %mul3A_382 = arith.muli %scan3A_131, %mul3A_381 : i32
          %add3A_383 = arith.constant 3 : i32
          %add3A_384 = arith.addi %mul3A_382, %add3A_383 : i32
          %mul3A_385 = arith.constant 16 : i32
          %mul3A_386 = arith.muli %add3A_384, %mul3A_385 : i32
          %get3A_387 = arith.index_cast %mul3A_386 : i32 to index
          %get3A_388 = tpu.vector_load %arg13[%get3A_387] {strides = array<i32>} : memref<1792xf32, #tpu.memory_space<vmem>>, vector<16xf32>,
          %mul3A_389 = arith.constant 16 : i32
          %mul3A_390 = arith.muli %add3A_384, %mul3A_389 : i32
          %get3A_391 = arith.index_cast %mul3A_390 : i32 to index
          %get3A_392 = tpu.vector_load %arg14[%get3A_391] {strides = array<i32>} : memref<1792xf32, #tpu.memory_space<vmem>>, vector<16xf32>,
          %mul3A_393 = arith.mulf %get3A_22, %get3A_392 : vector<16xf32>
          %add3A_394 = arith.addf %get3A_18, %mul3A_393 : vector<16xf32>
          %mul3A_395 = arith.constant 0.899999976 : f32
          %mul3A_396 = vector.broadcast %mul3A_395 : f32 to vector<16xf32>
          %mul3A_397 = arith.mulf %mul3A_396, %get3A_388 : vector<16xf32>
          %add3A_398 = arith.addf %add3A_394, %mul3A_397 : vector<16xf32>
          %sub3A_399 = arith.subf %get3A_388, %get3A_2 : vector<16xf32>
          %mul3A_400 = arith.mulf %sub3A_399, %get3A_6 : vector<16xf32>
          %add3A_401 = arith.constant 5.500000e+00 : f32
          %add3A_402 = vector.broadcast %add3A_401 : f32 to vector<16xf32>
          %add3A_403 = arith.addf %mul3A_400, %add3A_402 : vector<16xf32>
          %mul3A_404 = arith.constant 2.909091 : f32
          %mul3A_405 = vector.broadcast %mul3A_404 : f32 to vector<16xf32>
          %mul3A_406 = arith.mulf %add3A_403, %mul3A_405 : vector<16xf32>
          %convert_element_type3A_407 = arith.fptosi %mul3A_406 : vector<16xf32> to vector<16xi32>
          %jit3A_408 = arith.constant 0 : i32
          %jit3A_409 = arith.constant 31 : i32
          %max3A_410 = vector.broadcast %jit3A_408 : i32 to vector<16xi32>
          %max3A_411 = arith.maxsi %max3A_410, %convert_element_type3A_407 : vector<16xi32>
          %min3A_412 = vector.broadcast %jit3A_409 : i32 to vector<16xi32>
          %min3A_413 = arith.minsi %min3A_412, %max3A_411 : vector<16xi32>
          %gather3A_414 = tpu.vector_load_idx %arg16[%min3A_413] : memref<32xf32, #tpu.memory_space<vmem>>[vector<16xi32>], vector<16xf32>,
          %gather3A_415 = tpu.vector_load_idx %arg17[%min3A_413] : memref<32xf32, #tpu.memory_space<vmem>>[vector<16xi32>], vector<16xf32>,
          %mul3A_416 = arith.mulf %gather3A_414, %mul3A_400 : vector<16xf32>
          %add3A_417 = arith.addf %mul3A_416, %gather3A_415 : vector<16xf32>
          %convert_element_type3A_418 = arith.fptosi %add3A_417 : vector<16xf32> to vector<16xi32>
          %jit3A_419 = arith.constant 0 : i32
          %jit3A_420 = arith.constant 12543 : i32
          %max3A_421 = vector.broadcast %jit3A_419 : i32 to vector<16xi32>
          %max3A_422 = arith.maxsi %max3A_421, %convert_element_type3A_418 : vector<16xi32>
          %min3A_423 = vector.broadcast %jit3A_420 : i32 to vector<16xi32>
          %min3A_424 = arith.minsi %min3A_423, %max3A_422 : vector<16xi32>
          %sub3A_425 = arith.subf %add3A_398, %get3A_10 : vector<16xf32>
          %mul3A_426 = arith.mulf %sub3A_425, %get3A_14 : vector<16xf32>
          %add3A_427 = arith.constant 5.500000e+00 : f32
          %add3A_428 = vector.broadcast %add3A_427 : f32 to vector<16xf32>
          %add3A_429 = arith.addf %mul3A_426, %add3A_428 : vector<16xf32>
          %mul3A_430 = arith.constant 2.909091 : f32
          %mul3A_431 = vector.broadcast %mul3A_430 : f32 to vector<16xf32>
          %mul3A_432 = arith.mulf %add3A_429, %mul3A_431 : vector<16xf32>
          %convert_element_type3A_433 = arith.fptosi %mul3A_432 : vector<16xf32> to vector<16xi32>
          %jit3A_434 = arith.constant 0 : i32
          %jit3A_435 = arith.constant 31 : i32
          %max3A_436 = vector.broadcast %jit3A_434 : i32 to vector<16xi32>
          %max3A_437 = arith.maxsi %max3A_436, %convert_element_type3A_433 : vector<16xi32>
          %min3A_438 = vector.broadcast %jit3A_435 : i32 to vector<16xi32>
          %min3A_439 = arith.minsi %min3A_438, %max3A_437 : vector<16xi32>
          %gather3A_440 = tpu.vector_load_idx %arg16[%min3A_439] : memref<32xf32, #tpu.memory_space<vmem>>[vector<16xi32>], vector<16xf32>,
          %gather3A_441 = tpu.vector_load_idx %arg17[%min3A_439] : memref<32xf32, #tpu.memory_space<vmem>>[vector<16xi32>], vector<16xf32>,
          %mul3A_442 = arith.mulf %gather3A_440, %mul3A_426 : vector<16xf32>
          %add3A_443 = arith.addf %mul3A_442, %gather3A_441 : vector<16xf32>
          %convert_element_type3A_444 = arith.fptosi %add3A_443 : vector<16xf32> to vector<16xi32>
          %jit3A_445 = arith.constant 0 : i32
          %jit3A_446 = arith.constant 12543 : i32
          %max3A_447 = vector.broadcast %jit3A_445 : i32 to vector<16xi32>
          %max3A_448 = arith.maxsi %max3A_447, %convert_element_type3A_444 : vector<16xi32>
          %min3A_449 = vector.broadcast %jit3A_446 : i32 to vector<16xi32>
          %min3A_450 = arith.minsi %min3A_449, %max3A_448 : vector<16xi32>
          %broadcast_in_dim3A_451 = arith.constant true
          %broadcast_in_dim3A_452 = vector.broadcast %broadcast_in_dim3A_451 : i1 to vector<16xi1>
          %unique3A_453, %unique3A_454 = tpu.scan_count mask(%broadcast_in_dim3A_452 : vector<16xi1>) value(%min3A_424 : vector<16xi32>) : vector<16xi1>, vector<16xi32>
          tpu.vector_store_idx %arg11[%min3A_424], %unique3A_454 masked %unique3A_453 {add = true} : memref<12560xi32, #tpu.memory_space<vmem>>[vector<16xi32>], vector<16xi32>, vector<16xi1>
          %broadcast_in_dim3A_455 = arith.constant true
          %broadcast_in_dim3A_456 = vector.broadcast %broadcast_in_dim3A_455 : i1 to vector<16xi1>
          %unique3A_457, %unique3A_458 = tpu.scan_count mask(%broadcast_in_dim3A_456 : vector<16xi1>) value(%min3A_450 : vector<16xi32>) : vector<16xi1>, vector<16xi32>
          tpu.vector_store_idx %arg12[%min3A_450], %unique3A_458 masked %unique3A_457 {add = true} : memref<12560xi32, #tpu.memory_space<vmem>>[vector<16xi32>], vector<16xi32>, vector<16xi1>
          %mul3A_459 = arith.constant 1792 : i32
          %mul3A_460 = arith.muli %scan3A_111, %mul3A_459 : i32
          %mul3A_461 = arith.constant 16 : i32
          %mul3A_462 = arith.muli %add3A_384, %mul3A_461 : i32
          %add3A_463 = arith.addi %mul3A_460, %mul3A_462 : i32
          %swap3A_464 = arith.index_cast %add3A_463 : i32 to index
          %swap3A_465 = tpu.vector_load %arg10[%swap3A_464] {strides = array<i32>} : memref<50192xf32, #tpu.memory_space<vmem>>, vector<16xf32>,
          tpu.vector_store %arg10[%swap3A_464], %add3A_398 {strides = array<i32>} : memref<50192xf32, #tpu.memory_space<vmem>>, vector<16xf32>,
          %mul3A_466 = arith.constant 8 : i32
          %mul3A_467 = arith.muli %scan3A_131, %mul3A_466 : i32
          %add3A_468 = arith.constant 4 : i32
          %add3A_469 = arith.addi %mul3A_467, %add3A_468 : i32
          %mul3A_470 = arith.constant 16 : i32
          %mul3A_471 = arith.muli %add3A_469, %mul3A_470 : i32
          %get3A_472 = arith.index_cast %mul3A_471 : i32 to index
          %get3A_473 = tpu.vector_load %arg13[%get3A_472] {strides = array<i32>} : memref<1792xf32, #tpu.memory_space<vmem>>, vector<16xf32>,
          %mul3A_474 = arith.constant 16 : i32
          %mul3A_475 = arith.muli %add3A_469, %mul3A_474 : i32
          %get3A_476 = arith.index_cast %mul3A_475 : i32 to index
          %get3A_477 = tpu.vector_load %arg14[%get3A_476] {strides = array<i32>} : memref<1792xf32, #tpu.memory_space<vmem>>, vector<16xf32>,
          %mul3A_478 = arith.mulf %get3A_22, %get3A_477 : vector<16xf32>
          %add3A_479 = arith.addf %get3A_18, %mul3A_478 : vector<16xf32>
          %mul3A_480 = arith.constant 0.899999976 : f32
          %mul3A_481 = vector.broadcast %mul3A_480 : f32 to vector<16xf32>
          %mul3A_482 = arith.mulf %mul3A_481, %get3A_473 : vector<16xf32>
          %add3A_483 = arith.addf %add3A_479, %mul3A_482 : vector<16xf32>
          %sub3A_484 = arith.subf %get3A_473, %get3A_2 : vector<16xf32>
          %mul3A_485 = arith.mulf %sub3A_484, %get3A_6 : vector<16xf32>
          %add3A_486 = arith.constant 5.500000e+00 : f32
          %add3A_487 = vector.broadcast %add3A_486 : f32 to vector<16xf32>
          %add3A_488 = arith.addf %mul3A_485, %add3A_487 : vector<16xf32>
          %mul3A_489 = arith.constant 2.909091 : f32
          %mul3A_490 = vector.broadcast %mul3A_489 : f32 to vector<16xf32>
          %mul3A_491 = arith.mulf %add3A_488, %mul3A_490 : vector<16xf32>
          %convert_element_type3A_492 = arith.fptosi %mul3A_491 : vector<16xf32> to vector<16xi32>
          %jit3A_493 = arith.constant 0 : i32
          %jit3A_494 = arith.constant 31 : i32
          %max3A_495 = vector.broadcast %jit3A_493 : i32 to vector<16xi32>
          %max3A_496 = arith.maxsi %max3A_495, %convert_element_type3A_492 : vector<16xi32>
          %min3A_497 = vector.broadcast %jit3A_494 : i32 to vector<16xi32>
          %min3A_498 = arith.minsi %min3A_497, %max3A_496 : vector<16xi32>
          %gather3A_499 = tpu.vector_load_idx %arg16[%min3A_498] : memref<32xf32, #tpu.memory_space<vmem>>[vector<16xi32>], vector<16xf32>,
          %gather3A_500 = tpu.vector_load_idx %arg17[%min3A_498] : memref<32xf32, #tpu.memory_space<vmem>>[vector<16xi32>], vector<16xf32>,
          %mul3A_501 = arith.mulf %gather3A_499, %mul3A_485 : vector<16xf32>
          %add3A_502 = arith.addf %mul3A_501, %gather3A_500 : vector<16xf32>
          %convert_element_type3A_503 = arith.fptosi %add3A_502 : vector<16xf32> to vector<16xi32>
          %jit3A_504 = arith.constant 0 : i32
          %jit3A_505 = arith.constant 12543 : i32
          %max3A_506 = vector.broadcast %jit3A_504 : i32 to vector<16xi32>
          %max3A_507 = arith.maxsi %max3A_506, %convert_element_type3A_503 : vector<16xi32>
          %min3A_508 = vector.broadcast %jit3A_505 : i32 to vector<16xi32>
          %min3A_509 = arith.minsi %min3A_508, %max3A_507 : vector<16xi32>
          %sub3A_510 = arith.subf %add3A_483, %get3A_10 : vector<16xf32>
          %mul3A_511 = arith.mulf %sub3A_510, %get3A_14 : vector<16xf32>
          %add3A_512 = arith.constant 5.500000e+00 : f32
          %add3A_513 = vector.broadcast %add3A_512 : f32 to vector<16xf32>
          %add3A_514 = arith.addf %mul3A_511, %add3A_513 : vector<16xf32>
          %mul3A_515 = arith.constant 2.909091 : f32
          %mul3A_516 = vector.broadcast %mul3A_515 : f32 to vector<16xf32>
          %mul3A_517 = arith.mulf %add3A_514, %mul3A_516 : vector<16xf32>
          %convert_element_type3A_518 = arith.fptosi %mul3A_517 : vector<16xf32> to vector<16xi32>
          %jit3A_519 = arith.constant 0 : i32
          %jit3A_520 = arith.constant 31 : i32
          %max3A_521 = vector.broadcast %jit3A_519 : i32 to vector<16xi32>
          %max3A_522 = arith.maxsi %max3A_521, %convert_element_type3A_518 : vector<16xi32>
          %min3A_523 = vector.broadcast %jit3A_520 : i32 to vector<16xi32>
          %min3A_524 = arith.minsi %min3A_523, %max3A_522 : vector<16xi32>
          %gather3A_525 = tpu.vector_load_idx %arg16[%min3A_524] : memref<32xf32, #tpu.memory_space<vmem>>[vector<16xi32>], vector<16xf32>,
          %gather3A_526 = tpu.vector_load_idx %arg17[%min3A_524] : memref<32xf32, #tpu.memory_space<vmem>>[vector<16xi32>], vector<16xf32>,
          %mul3A_527 = arith.mulf %gather3A_525, %mul3A_511 : vector<16xf32>
          %add3A_528 = arith.addf %mul3A_527, %gather3A_526 : vector<16xf32>
          %convert_element_type3A_529 = arith.fptosi %add3A_528 : vector<16xf32> to vector<16xi32>
          %jit3A_530 = arith.constant 0 : i32
          %jit3A_531 = arith.constant 12543 : i32
          %max3A_532 = vector.broadcast %jit3A_530 : i32 to vector<16xi32>
          %max3A_533 = arith.maxsi %max3A_532, %convert_element_type3A_529 : vector<16xi32>
          %min3A_534 = vector.broadcast %jit3A_531 : i32 to vector<16xi32>
          %min3A_535 = arith.minsi %min3A_534, %max3A_533 : vector<16xi32>
          %broadcast_in_dim3A_536 = arith.constant true
          %broadcast_in_dim3A_537 = vector.broadcast %broadcast_in_dim3A_536 : i1 to vector<16xi1>
          %unique3A_538, %unique3A_539 = tpu.scan_count mask(%broadcast_in_dim3A_537 : vector<16xi1>) value(%min3A_509 : vector<16xi32>) : vector<16xi1>, vector<16xi32>
          tpu.vector_store_idx %arg11[%min3A_509], %unique3A_539 masked %unique3A_538 {add = true} : memref<12560xi32, #tpu.memory_space<vmem>>[vector<16xi32>], vector<16xi32>, vector<16xi1>
          %broadcast_in_dim3A_540 = arith.constant true
          %broadcast_in_dim3A_541 = vector.broadcast %broadcast_in_dim3A_540 : i1 to vector<16xi1>
          %unique3A_542, %unique3A_543 = tpu.scan_count mask(%broadcast_in_dim3A_541 : vector<16xi1>) value(%min3A_535 : vector<16xi32>) : vector<16xi1>, vector<16xi32>
          tpu.vector_store_idx %arg12[%min3A_535], %unique3A_543 masked %unique3A_542 {add = true} : memref<12560xi32, #tpu.memory_space<vmem>>[vector<16xi32>], vector<16xi32>, vector<16xi1>
          %mul3A_544 = arith.constant 1792 : i32
          %mul3A_545 = arith.muli %scan3A_111, %mul3A_544 : i32
          %mul3A_546 = arith.constant 16 : i32
          %mul3A_547 = arith.muli %add3A_469, %mul3A_546 : i32
          %add3A_548 = arith.addi %mul3A_545, %mul3A_547 : i32
          %swap3A_549 = arith.index_cast %add3A_548 : i32 to index
          %swap3A_550 = tpu.vector_load %arg10[%swap3A_549] {strides = array<i32>} : memref<50192xf32, #tpu.memory_space<vmem>>, vector<16xf32>,
          tpu.vector_store %arg10[%swap3A_549], %add3A_483 {strides = array<i32>} : memref<50192xf32, #tpu.memory_space<vmem>>, vector<16xf32>,
          %mul3A_551 = arith.constant 8 : i32
          %mul3A_552 = arith.muli %scan3A_131, %mul3A_551 : i32
          %add3A_553 = arith.constant 5 : i32
          %add3A_554 = arith.addi %mul3A_552, %add3A_553 : i32
          %mul3A_555 = arith.constant 16 : i32
          %mul3A_556 = arith.muli %add3A_554, %mul3A_555 : i32
          %get3A_557 = arith.index_cast %mul3A_556 : i32 to index
          %get3A_558 = tpu.vector_load %arg13[%get3A_557] {strides = array<i32>} : memref<1792xf32, #tpu.memory_space<vmem>>, vector<16xf32>,
          %mul3A_559 = arith.constant 16 : i32
          %mul3A_560 = arith.muli %add3A_554, %mul3A_559 : i32
          %get3A_561 = arith.index_cast %mul3A_560 : i32 to index
          %get3A_562 = tpu.vector_load %arg14[%get3A_561] {strides = array<i32>} : memref<1792xf32, #tpu.memory_space<vmem>>, vector<16xf32>,
          %mul3A_563 = arith.mulf %get3A_22, %get3A_562 : vector<16xf32>
          %add3A_564 = arith.addf %get3A_18, %mul3A_563 : vector<16xf32>
          %mul3A_565 = arith.constant 0.899999976 : f32
          %mul3A_566 = vector.broadcast %mul3A_565 : f32 to vector<16xf32>
          %mul3A_567 = arith.mulf %mul3A_566, %get3A_558 : vector<16xf32>
          %add3A_568 = arith.addf %add3A_564, %mul3A_567 : vector<16xf32>
          %sub3A_569 = arith.subf %get3A_558, %get3A_2 : vector<16xf32>
          %mul3A_570 = arith.mulf %sub3A_569, %get3A_6 : vector<16xf32>
          %add3A_571 = arith.constant 5.500000e+00 : f32
          %add3A_572 = vector.broadcast %add3A_571 : f32 to vector<16xf32>
          %add3A_573 = arith.addf %mul3A_570, %add3A_572 : vector<16xf32>
          %mul3A_574 = arith.constant 2.909091 : f32
          %mul3A_575 = vector.broadcast %mul3A_574 : f32 to vector<16xf32>
          %mul3A_576 = arith.mulf %add3A_573, %mul3A_575 : vector<16xf32>
          %convert_element_type3A_577 = arith.fptosi %mul3A_576 : vector<16xf32> to vector<16xi32>
          %jit3A_578 = arith.constant 0 : i32
          %jit3A_579 = arith.constant 31 : i32
          %max3A_580 = vector.broadcast %jit3A_578 : i32 to vector<16xi32>
          %max3A_581 = arith.maxsi %max3A_580, %convert_element_type3A_577 : vector<16xi32>
          %min3A_582 = vector.broadcast %jit3A_579 : i32 to vector<16xi32>
          %min3A_583 = arith.minsi %min3A_582, %max3A_581 : vector<16xi32>
          %gather3A_584 = tpu.vector_load_idx %arg16[%min3A_583] : memref<32xf32, #tpu.memory_space<vmem>>[vector<16xi32>], vector<16xf32>,
          %gather3A_585 = tpu.vector_load_idx %arg17[%min3A_583] : memref<32xf32, #tpu.memory_space<vmem>>[vector<16xi32>], vector<16xf32>,
          %mul3A_586 = arith.mulf %gather3A_584, %mul3A_570 : vector<16xf32>
          %add3A_587 = arith.addf %mul3A_586, %gather3A_585 : vector<16xf32>
          %convert_element_type3A_588 = arith.fptosi %add3A_587 : vector<16xf32> to vector<16xi32>
          %jit3A_589 = arith.constant 0 : i32
          %jit3A_590 = arith.constant 12543 : i32
          %max3A_591 = vector.broadcast %jit3A_589 : i32 to vector<16xi32>
          %max3A_592 = arith.maxsi %max3A_591, %convert_element_type3A_588 : vector<16xi32>
          %min3A_593 = vector.broadcast %jit3A_590 : i32 to vector<16xi32>
          %min3A_594 = arith.minsi %min3A_593, %max3A_592 : vector<16xi32>
          %sub3A_595 = arith.subf %add3A_568, %get3A_10 : vector<16xf32>
          %mul3A_596 = arith.mulf %sub3A_595, %get3A_14 : vector<16xf32>
          %add3A_597 = arith.constant 5.500000e+00 : f32
          %add3A_598 = vector.broadcast %add3A_597 : f32 to vector<16xf32>
          %add3A_599 = arith.addf %mul3A_596, %add3A_598 : vector<16xf32>
          %mul3A_600 = arith.constant 2.909091 : f32
          %mul3A_601 = vector.broadcast %mul3A_600 : f32 to vector<16xf32>
          %mul3A_602 = arith.mulf %add3A_599, %mul3A_601 : vector<16xf32>
          %convert_element_type3A_603 = arith.fptosi %mul3A_602 : vector<16xf32> to vector<16xi32>
          %jit3A_604 = arith.constant 0 : i32
          %jit3A_605 = arith.constant 31 : i32
          %max3A_606 = vector.broadcast %jit3A_604 : i32 to vector<16xi32>
          %max3A_607 = arith.maxsi %max3A_606, %convert_element_type3A_603 : vector<16xi32>
          %min3A_608 = vector.broadcast %jit3A_605 : i32 to vector<16xi32>
          %min3A_609 = arith.minsi %min3A_608, %max3A_607 : vector<16xi32>
          %gather3A_610 = tpu.vector_load_idx %arg16[%min3A_609] : memref<32xf32, #tpu.memory_space<vmem>>[vector<16xi32>], vector<16xf32>,
          %gather3A_611 = tpu.vector_load_idx %arg17[%min3A_609] : memref<32xf32, #tpu.memory_space<vmem>>[vector<16xi32>], vector<16xf32>,
          %mul3A_612 = arith.mulf %gather3A_610, %mul3A_596 : vector<16xf32>
          %add3A_613 = arith.addf %mul3A_612, %gather3A_611 : vector<16xf32>
          %convert_element_type3A_614 = arith.fptosi %add3A_613 : vector<16xf32> to vector<16xi32>
          %jit3A_615 = arith.constant 0 : i32
          %jit3A_616 = arith.constant 12543 : i32
          %max3A_617 = vector.broadcast %jit3A_615 : i32 to vector<16xi32>
          %max3A_618 = arith.maxsi %max3A_617, %convert_element_type3A_614 : vector<16xi32>
          %min3A_619 = vector.broadcast %jit3A_616 : i32 to vector<16xi32>
          %min3A_620 = arith.minsi %min3A_619, %max3A_618 : vector<16xi32>
          %broadcast_in_dim3A_621 = arith.constant true
          %broadcast_in_dim3A_622 = vector.broadcast %broadcast_in_dim3A_621 : i1 to vector<16xi1>
          %unique3A_623, %unique3A_624 = tpu.scan_count mask(%broadcast_in_dim3A_622 : vector<16xi1>) value(%min3A_594 : vector<16xi32>) : vector<16xi1>, vector<16xi32>
          tpu.vector_store_idx %arg11[%min3A_594], %unique3A_624 masked %unique3A_623 {add = true} : memref<12560xi32, #tpu.memory_space<vmem>>[vector<16xi32>], vector<16xi32>, vector<16xi1>
          %broadcast_in_dim3A_625 = arith.constant true
          %broadcast_in_dim3A_626 = vector.broadcast %broadcast_in_dim3A_625 : i1 to vector<16xi1>
          %unique3A_627, %unique3A_628 = tpu.scan_count mask(%broadcast_in_dim3A_626 : vector<16xi1>) value(%min3A_620 : vector<16xi32>) : vector<16xi1>, vector<16xi32>
          tpu.vector_store_idx %arg12[%min3A_620], %unique3A_628 masked %unique3A_627 {add = true} : memref<12560xi32, #tpu.memory_space<vmem>>[vector<16xi32>], vector<16xi32>, vector<16xi1>
          %mul3A_629 = arith.constant 1792 : i32
          %mul3A_630 = arith.muli %scan3A_111, %mul3A_629 : i32
          %mul3A_631 = arith.constant 16 : i32
          %mul3A_632 = arith.muli %add3A_554, %mul3A_631 : i32
          %add3A_633 = arith.addi %mul3A_630, %mul3A_632 : i32
          %swap3A_634 = arith.index_cast %add3A_633 : i32 to index
          %swap3A_635 = tpu.vector_load %arg10[%swap3A_634] {strides = array<i32>} : memref<50192xf32, #tpu.memory_space<vmem>>, vector<16xf32>,
          tpu.vector_store %arg10[%swap3A_634], %add3A_568 {strides = array<i32>} : memref<50192xf32, #tpu.memory_space<vmem>>, vector<16xf32>,
          %mul3A_636 = arith.constant 8 : i32
          %mul3A_637 = arith.muli %scan3A_131, %mul3A_636 : i32
          %add3A_638 = arith.constant 6 : i32
          %add3A_639 = arith.addi %mul3A_637, %add3A_638 : i32
          %mul3A_640 = arith.constant 16 : i32
          %mul3A_641 = arith.muli %add3A_639, %mul3A_640 : i32
          %get3A_642 = arith.index_cast %mul3A_641 : i32 to index
          %get3A_643 = tpu.vector_load %arg13[%get3A_642] {strides = array<i32>} : memref<1792xf32, #tpu.memory_space<vmem>>, vector<16xf32>,
          %mul3A_644 = arith.constant 16 : i32
          %mul3A_645 = arith.muli %add3A_639, %mul3A_644 : i32
          %get3A_646 = arith.index_cast %mul3A_645 : i32 to index
          %get3A_647 = tpu.vector_load %arg14[%get3A_646] {strides = array<i32>} : memref<1792xf32, #tpu.memory_space<vmem>>, vector<16xf32>,
          %mul3A_648 = arith.mulf %get3A_22, %get3A_647 : vector<16xf32>
          %add3A_649 = arith.addf %get3A_18, %mul3A_648 : vector<16xf32>
          %mul3A_650 = arith.constant 0.899999976 : f32
          %mul3A_651 = vector.broadcast %mul3A_650 : f32 to vector<16xf32>
          %mul3A_652 = arith.mulf %mul3A_651, %get3A_643 : vector<16xf32>
          %add3A_653 = arith.addf %add3A_649, %mul3A_652 : vector<16xf32>
          %sub3A_654 = arith.subf %get3A_643, %get3A_2 : vector<16xf32>
          %mul3A_655 = arith.mulf %sub3A_654, %get3A_6 : vector<16xf32>
          %add3A_656 = arith.constant 5.500000e+00 : f32
          %add3A_657 = vector.broadcast %add3A_656 : f32 to vector<16xf32>
          %add3A_658 = arith.addf %mul3A_655, %add3A_657 : vector<16xf32>
          %mul3A_659 = arith.constant 2.909091 : f32
          %mul3A_660 = vector.broadcast %mul3A_659 : f32 to vector<16xf32>
          %mul3A_661 = arith.mulf %add3A_658, %mul3A_660 : vector<16xf32>
          %convert_element_type3A_662 = arith.fptosi %mul3A_661 : vector<16xf32> to vector<16xi32>
          %jit3A_663 = arith.constant 0 : i32
          %jit3A_664 = arith.constant 31 : i32
          %max3A_665 = vector.broadcast %jit3A_663 : i32 to vector<16xi32>
          %max3A_666 = arith.maxsi %max3A_665, %convert_element_type3A_662 : vector<16xi32>
          %min3A_667 = vector.broadcast %jit3A_664 : i32 to vector<16xi32>
          %min3A_668 = arith.minsi %min3A_667, %max3A_666 : vector<16xi32>
          %gather3A_669 = tpu.vector_load_idx %arg16[%min3A_668] : memref<32xf32, #tpu.memory_space<vmem>>[vector<16xi32>], vector<16xf32>,
          %gather3A_670 = tpu.vector_load_idx %arg17[%min3A_668] : memref<32xf32, #tpu.memory_space<vmem>>[vector<16xi32>], vector<16xf32>,
          %mul3A_671 = arith.mulf %gather3A_669, %mul3A_655 : vector<16xf32>
          %add3A_672 = arith.addf %mul3A_671, %gather3A_670 : vector<16xf32>
          %convert_element_type3A_673 = arith.fptosi %add3A_672 : vector<16xf32> to vector<16xi32>
          %jit3A_674 = arith.constant 0 : i32
          %jit3A_675 = arith.constant 12543 : i32
          %max3A_676 = vector.broadcast %jit3A_674 : i32 to vector<16xi32>
          %max3A_677 = arith.maxsi %max3A_676, %convert_element_type3A_673 : vector<16xi32>
          %min3A_678 = vector.broadcast %jit3A_675 : i32 to vector<16xi32>
          %min3A_679 = arith.minsi %min3A_678, %max3A_677 : vector<16xi32>
          %sub3A_680 = arith.subf %add3A_653, %get3A_10 : vector<16xf32>
          %mul3A_681 = arith.mulf %sub3A_680, %get3A_14 : vector<16xf32>
          %add3A_682 = arith.constant 5.500000e+00 : f32
          %add3A_683 = vector.broadcast %add3A_682 : f32 to vector<16xf32>
          %add3A_684 = arith.addf %mul3A_681, %add3A_683 : vector<16xf32>
          %mul3A_685 = arith.constant 2.909091 : f32
          %mul3A_686 = vector.broadcast %mul3A_685 : f32 to vector<16xf32>
          %mul3A_687 = arith.mulf %add3A_684, %mul3A_686 : vector<16xf32>
          %convert_element_type3A_688 = arith.fptosi %mul3A_687 : vector<16xf32> to vector<16xi32>
          %jit3A_689 = arith.constant 0 : i32
          %jit3A_690 = arith.constant 31 : i32
          %max3A_691 = vector.broadcast %jit3A_689 : i32 to vector<16xi32>
          %max3A_692 = arith.maxsi %max3A_691, %convert_element_type3A_688 : vector<16xi32>
          %min3A_693 = vector.broadcast %jit3A_690 : i32 to vector<16xi32>
          %min3A_694 = arith.minsi %min3A_693, %max3A_692 : vector<16xi32>
          %gather3A_695 = tpu.vector_load_idx %arg16[%min3A_694] : memref<32xf32, #tpu.memory_space<vmem>>[vector<16xi32>], vector<16xf32>,
          %gather3A_696 = tpu.vector_load_idx %arg17[%min3A_694] : memref<32xf32, #tpu.memory_space<vmem>>[vector<16xi32>], vector<16xf32>,
          %mul3A_697 = arith.mulf %gather3A_695, %mul3A_681 : vector<16xf32>
          %add3A_698 = arith.addf %mul3A_697, %gather3A_696 : vector<16xf32>
          %convert_element_type3A_699 = arith.fptosi %add3A_698 : vector<16xf32> to vector<16xi32>
          %jit3A_700 = arith.constant 0 : i32
          %jit3A_701 = arith.constant 12543 : i32
          %max3A_702 = vector.broadcast %jit3A_700 : i32 to vector<16xi32>
          %max3A_703 = arith.maxsi %max3A_702, %convert_element_type3A_699 : vector<16xi32>
          %min3A_704 = vector.broadcast %jit3A_701 : i32 to vector<16xi32>
          %min3A_705 = arith.minsi %min3A_704, %max3A_703 : vector<16xi32>
          %broadcast_in_dim3A_706 = arith.constant true
          %broadcast_in_dim3A_707 = vector.broadcast %broadcast_in_dim3A_706 : i1 to vector<16xi1>
          %unique3A_708, %unique3A_709 = tpu.scan_count mask(%broadcast_in_dim3A_707 : vector<16xi1>) value(%min3A_679 : vector<16xi32>) : vector<16xi1>, vector<16xi32>
          tpu.vector_store_idx %arg11[%min3A_679], %unique3A_709 masked %unique3A_708 {add = true} : memref<12560xi32, #tpu.memory_space<vmem>>[vector<16xi32>], vector<16xi32>, vector<16xi1>
          %broadcast_in_dim3A_710 = arith.constant true
          %broadcast_in_dim3A_711 = vector.broadcast %broadcast_in_dim3A_710 : i1 to vector<16xi1>
          %unique3A_712, %unique3A_713 = tpu.scan_count mask(%broadcast_in_dim3A_711 : vector<16xi1>) value(%min3A_705 : vector<16xi32>) : vector<16xi1>, vector<16xi32>
          tpu.vector_store_idx %arg12[%min3A_705], %unique3A_713 masked %unique3A_712 {add = true} : memref<12560xi32, #tpu.memory_space<vmem>>[vector<16xi32>], vector<16xi32>, vector<16xi1>
          %mul3A_714 = arith.constant 1792 : i32
          %mul3A_715 = arith.muli %scan3A_111, %mul3A_714 : i32
          %mul3A_716 = arith.constant 16 : i32
          %mul3A_717 = arith.muli %add3A_639, %mul3A_716 : i32
          %add3A_718 = arith.addi %mul3A_715, %mul3A_717 : i32
          %swap3A_719 = arith.index_cast %add3A_718 : i32 to index
          %swap3A_720 = tpu.vector_load %arg10[%swap3A_719] {strides = array<i32>} : memref<50192xf32, #tpu.memory_space<vmem>>, vector<16xf32>,
          tpu.vector_store %arg10[%swap3A_719], %add3A_653 {strides = array<i32>} : memref<50192xf32, #tpu.memory_space<vmem>>, vector<16xf32>,
          %mul3A_721 = arith.constant 8 : i32
          %mul3A_722 = arith.muli %scan3A_131, %mul3A_721 : i32
          %add3A_723 = arith.constant 7 : i32
          %add3A_724 = arith.addi %mul3A_722, %add3A_723 : i32
          %mul3A_725 = arith.constant 16 : i32
          %mul3A_726 = arith.muli %add3A_724, %mul3A_725 : i32
          %get3A_727 = arith.index_cast %mul3A_726 : i32 to index
          %get3A_728 = tpu.vector_load %arg13[%get3A_727] {strides = array<i32>} : memref<1792xf32, #tpu.memory_space<vmem>>, vector<16xf32>,
          %mul3A_729 = arith.constant 16 : i32
          %mul3A_730 = arith.muli %add3A_724, %mul3A_729 : i32
          %get3A_731 = arith.index_cast %mul3A_730 : i32 to index
          %get3A_732 = tpu.vector_load %arg14[%get3A_731] {strides = array<i32>} : memref<1792xf32, #tpu.memory_space<vmem>>, vector<16xf32>,
          %mul3A_733 = arith.mulf %get3A_22, %get3A_732 : vector<16xf32>
          %add3A_734 = arith.addf %get3A_18, %mul3A_733 : vector<16xf32>
          %mul3A_735 = arith.constant 0.899999976 : f32
          %mul3A_736 = vector.broadcast %mul3A_735 : f32 to vector<16xf32>
          %mul3A_737 = arith.mulf %mul3A_736, %get3A_728 : vector<16xf32>
          %add3A_738 = arith.addf %add3A_734, %mul3A_737 : vector<16xf32>
          %sub3A_739 = arith.subf %get3A_728, %get3A_2 : vector<16xf32>
          %mul3A_740 = arith.mulf %sub3A_739, %get3A_6 : vector<16xf32>
          %add3A_741 = arith.constant 5.500000e+00 : f32
          %add3A_742 = vector.broadcast %add3A_741 : f32 to vector<16xf32>
          %add3A_743 = arith.addf %mul3A_740, %add3A_742 : vector<16xf32>
          %mul3A_744 = arith.constant 2.909091 : f32
          %mul3A_745 = vector.broadcast %mul3A_744 : f32 to vector<16xf32>
          %mul3A_746 = arith.mulf %add3A_743, %mul3A_745 : vector<16xf32>
          %convert_element_type3A_747 = arith.fptosi %mul3A_746 : vector<16xf32> to vector<16xi32>
          %jit3A_748 = arith.constant 0 : i32
          %jit3A_749 = arith.constant 31 : i32
          %max3A_750 = vector.broadcast %jit3A_748 : i32 to vector<16xi32>
          %max3A_751 = arith.maxsi %max3A_750, %convert_element_type3A_747 : vector<16xi32>
          %min3A_752 = vector.broadcast %jit3A_749 : i32 to vector<16xi32>
          %min3A_753 = arith.minsi %min3A_752, %max3A_751 : vector<16xi32>
          %gather3A_754 = tpu.vector_load_idx %arg16[%min3A_753] : memref<32xf32, #tpu.memory_space<vmem>>[vector<16xi32>], vector<16xf32>,
          %gather3A_755 = tpu.vector_load_idx %arg17[%min3A_753] : memref<32xf32, #tpu.memory_space<vmem>>[vector<16xi32>], vector<16xf32>,
          %mul3A_756 = arith.mulf %gather3A_754, %mul3A_740 : vector<16xf32>
          %add3A_757 = arith.addf %mul3A_756, %gather3A_755 : vector<16xf32>
          %convert_element_type3A_758 = arith.fptosi %add3A_757 : vector<16xf32> to vector<16xi32>
          %jit3A_759 = arith.constant 0 : i32
          %jit3A_760 = arith.constant 12543 : i32
          %max3A_761 = vector.broadcast %jit3A_759 : i32 to vector<16xi32>
          %max3A_762 = arith.maxsi %max3A_761, %convert_element_type3A_758 : vector<16xi32>
          %min3A_763 = vector.broadcast %jit3A_760 : i32 to vector<16xi32>
          %min3A_764 = arith.minsi %min3A_763, %max3A_762 : vector<16xi32>
          %sub3A_765 = arith.subf %add3A_738, %get3A_10 : vector<16xf32>
          %mul3A_766 = arith.mulf %sub3A_765, %get3A_14 : vector<16xf32>
          %add3A_767 = arith.constant 5.500000e+00 : f32
          %add3A_768 = vector.broadcast %add3A_767 : f32 to vector<16xf32>
          %add3A_769 = arith.addf %mul3A_766, %add3A_768 : vector<16xf32>
          %mul3A_770 = arith.constant 2.909091 : f32
          %mul3A_771 = vector.broadcast %mul3A_770 : f32 to vector<16xf32>
          %mul3A_772 = arith.mulf %add3A_769, %mul3A_771 : vector<16xf32>
          %convert_element_type3A_773 = arith.fptosi %mul3A_772 : vector<16xf32> to vector<16xi32>
          %jit3A_774 = arith.constant 0 : i32
          %jit3A_775 = arith.constant 31 : i32
          %max3A_776 = vector.broadcast %jit3A_774 : i32 to vector<16xi32>
          %max3A_777 = arith.maxsi %max3A_776, %convert_element_type3A_773 : vector<16xi32>
          %min3A_778 = vector.broadcast %jit3A_775 : i32 to vector<16xi32>
          %min3A_779 = arith.minsi %min3A_778, %max3A_777 : vector<16xi32>
          %gather3A_780 = tpu.vector_load_idx %arg16[%min3A_779] : memref<32xf32, #tpu.memory_space<vmem>>[vector<16xi32>], vector<16xf32>,
          %gather3A_781 = tpu.vector_load_idx %arg17[%min3A_779] : memref<32xf32, #tpu.memory_space<vmem>>[vector<16xi32>], vector<16xf32>,
          %mul3A_782 = arith.mulf %gather3A_780, %mul3A_766 : vector<16xf32>
          %add3A_783 = arith.addf %mul3A_782, %gather3A_781 : vector<16xf32>
          %convert_element_type3A_784 = arith.fptosi %add3A_783 : vector<16xf32> to vector<16xi32>
          %jit3A_785 = arith.constant 0 : i32
          %jit3A_786 = arith.constant 12543 : i32
          %max3A_787 = vector.broadcast %jit3A_785 : i32 to vector<16xi32>
          %max3A_788 = arith.maxsi %max3A_787, %convert_element_type3A_784 : vector<16xi32>
          %min3A_789 = vector.broadcast %jit3A_786 : i32 to vector<16xi32>
          %min3A_790 = arith.minsi %min3A_789, %max3A_788 : vector<16xi32>
          %broadcast_in_dim3A_791 = arith.constant true
          %broadcast_in_dim3A_792 = vector.broadcast %broadcast_in_dim3A_791 : i1 to vector<16xi1>
          %unique3A_793, %unique3A_794 = tpu.scan_count mask(%broadcast_in_dim3A_792 : vector<16xi1>) value(%min3A_764 : vector<16xi32>) : vector<16xi1>, vector<16xi32>
          tpu.vector_store_idx %arg11[%min3A_764], %unique3A_794 masked %unique3A_793 {add = true} : memref<12560xi32, #tpu.memory_space<vmem>>[vector<16xi32>], vector<16xi32>, vector<16xi1>
          %broadcast_in_dim3A_795 = arith.constant true
          %broadcast_in_dim3A_796 = vector.broadcast %broadcast_in_dim3A_795 : i1 to vector<16xi1>
          %unique3A_797, %unique3A_798 = tpu.scan_count mask(%broadcast_in_dim3A_796 : vector<16xi1>) value(%min3A_790 : vector<16xi32>) : vector<16xi1>, vector<16xi32>
          tpu.vector_store_idx %arg12[%min3A_790], %unique3A_798 masked %unique3A_797 {add = true} : memref<12560xi32, #tpu.memory_space<vmem>>[vector<16xi32>], vector<16xi32>, vector<16xi1>
          %mul3A_799 = arith.constant 1792 : i32
          %mul3A_800 = arith.muli %scan3A_111, %mul3A_799 : i32
          %mul3A_801 = arith.constant 16 : i32
          %mul3A_802 = arith.muli %add3A_724, %mul3A_801 : i32
          %add3A_803 = arith.addi %mul3A_800, %mul3A_802 : i32
          %swap3A_804 = arith.index_cast %add3A_803 : i32 to index
          %swap3A_805 = tpu.vector_load %arg10[%swap3A_804] {strides = array<i32>} : memref<50192xf32, #tpu.memory_space<vmem>>, vector<16xf32>,
          tpu.vector_store %arg10[%swap3A_804], %add3A_738 {strides = array<i32>} : memref<50192xf32, #tpu.memory_space<vmem>>, vector<16xf32>,
          %scan3A_806 = arith.constant 0 : i32
          scf.yield %scan3A_806 : i32
        }
        %scan3A_129 = arith.constant 14 : i32
        %scan3A_130 = arith.constant 0 : i32
        scf.yield %scan3A_130 : i32
      }
      %scan3A_48 = arith.constant 28 : i32
      %broadcast_in_dim3A = arith.constant 15 : i32
      "tpu.trace_stop"() : () -> ()
      %broadcast_in_dim3A_49 = vector.broadcast %broadcast_in_dim3A : i32 to vector<16xi32>
      %broadcast_in_dim3A_50 = arith.constant 0 : i32
      "tpu.trace_start"() <{level = 10 : i32, message = "ph_cumsum"}> : () -> ()
      %broadcast_in_dim3A_51 = vector.broadcast %broadcast_in_dim3A_50 : i32 to vector<16xi32>
      %broadcast_in_dim3A_52 = arith.constant 0 : i32
      %broadcast_in_dim3A_53 = vector.broadcast %broadcast_in_dim3A_52 : i32 to vector<16xi32>
      %scan3A_54 = arith.constant 0 : i32
      %scan3A_55 = arith.constant 784 : i32
      %scan3A_56 = arith.addi %scan3A_54, %scan3A_55 : i32
      %scan3A_57 = arith.constant 1 : i32
      %scan3A_58:2 = scf.for %scan3A_111 = %scan3A_54 to %scan3A_56 step %scan3A_57 iter_args(%scan3A_112 = %broadcast_in_dim3A_51, %scan3A_113 = %broadcast_in_dim3A_53) -> (vector<16xi32>, vector<16xi32>)  : i32 {
        %mul3A_114 = arith.constant 16 : i32
        %mul3A_115 = arith.muli %scan3A_111, %mul3A_114 : i32
        %get3A_116 = arith.index_cast %mul3A_115 : i32 to index
        %get3A_117 = tpu.vector_load %arg11[%get3A_116] {strides = array<i32>} : memref<12560xi32, #tpu.memory_space<vmem>>, vector<16xi32>,
        %mul3A_118 = arith.constant 16 : i32
        %mul3A_119 = arith.muli %scan3A_111, %mul3A_118 : i32
        %get3A_120 = arith.index_cast %mul3A_119 : i32 to index
        %get3A_121 = tpu.vector_load %arg12[%get3A_120] {strides = array<i32>} : memref<12560xi32, #tpu.memory_space<vmem>>, vector<16xi32>,
        %broadcast_in_dim3A_122 = arith.constant true
        %broadcast_in_dim3A_123 = vector.broadcast %broadcast_in_dim3A_122 : i1 to vector<16xi1>
        %masked_cumsum3A = tpu.scan <sum>, %get3A_117 masked %broadcast_in_dim3A_123 : vector<16xi32>, vector<16xi1> -> vector<16xi32>
        %broadcast_in_dim3A_124 = arith.constant true
        %broadcast_in_dim3A_125 = vector.broadcast %broadcast_in_dim3A_124 : i1 to vector<16xi1>
        %masked_cumsum3A_126 = tpu.scan <sum>, %get3A_121 masked %broadcast_in_dim3A_125 : vector<16xi32>, vector<16xi1> -> vector<16xi32>
        %sub3A = arith.subi %masked_cumsum3A, %get3A_117 : vector<16xi32>
        %add3A_127 = arith.addi %sub3A, %scan3A_112 : vector<16xi32>
        %mul3A_128 = arith.constant 16 : i32
        %mul3A_129 = arith.muli %scan3A_111, %mul3A_128 : i32
        %swap3A_130 = arith.index_cast %mul3A_129 : i32 to index
        %swap3A_131 = tpu.vector_load %arg11[%swap3A_130] {strides = array<i32>} : memref<12560xi32, #tpu.memory_space<vmem>>, vector<16xi32>,
        tpu.vector_store %arg11[%swap3A_130], %add3A_127 {strides = array<i32>} : memref<12560xi32, #tpu.memory_space<vmem>>, vector<16xi32>,
        %sub3A_132 = arith.subi %masked_cumsum3A_126, %get3A_121 : vector<16xi32>
        %add3A_133 = arith.addi %sub3A_132, %scan3A_113 : vector<16xi32>
        %mul3A_134 = arith.constant 16 : i32
        %mul3A_135 = arith.muli %scan3A_111, %mul3A_134 : i32
        %swap3A_136 = arith.index_cast %mul3A_135 : i32 to index
        %swap3A_137 = tpu.vector_load %arg12[%swap3A_136] {strides = array<i32>} : memref<12560xi32, #tpu.memory_space<vmem>>, vector<16xi32>,
        tpu.vector_store %arg12[%swap3A_136], %add3A_133 {strides = array<i32>} : memref<12560xi32, #tpu.memory_space<vmem>>, vector<16xi32>,
        %broadcast_in_dim3A_138 = vector.shape_cast %broadcast_in_dim3A_49 : vector<16xi32> to vector<16x1xi32>
        %gather3A = vector.shape_cast %broadcast_in_dim3A_138 : vector<16x1xi32> to vector<16xi32>
        %gather3A_139 = tpu.dynamic_gather %masked_cumsum3A[%gather3A] in [0] : vector<16xi32>, vector<16xi32> -> vector<16xi32>
        %add3A_140 = arith.addi %gather3A_139, %scan3A_112 : vector<16xi32>
        %broadcast_in_dim3A_141 = vector.shape_cast %broadcast_in_dim3A_49 : vector<16xi32> to vector<16x1xi32>
        %gather3A_142 = vector.shape_cast %broadcast_in_dim3A_141 : vector<16x1xi32> to vector<16xi32>
        %gather3A_143 = tpu.dynamic_gather %masked_cumsum3A_126[%gather3A_142] in [0] : vector<16xi32>, vector<16xi32> -> vector<16xi32>
        %add3A_144 = arith.addi %gather3A_143, %scan3A_113 : vector<16xi32>
        scf.yield %add3A_140, %add3A_144 : vector<16xi32>, vector<16xi32>
      }
      %scan3A_59 = arith.constant 784 : i32
      "tpu.trace_stop"() : () -> ()
      "tpu.trace_start"() <{level = 10 : i32, message = "ph_scatter_n"}> : () -> ()
      %scan3A_60 = arith.constant 0 : i32
      %scan3A_61 = arith.constant 0 : i32
      %scan3A_62 = arith.constant 392 : i32
      %scan3A_63 = arith.addi %scan3A_61, %scan3A_62 : i32
      %scan3A_64 = arith.constant 1 : i32
      %scan3A_65 = scf.for %scan3A_111 = %scan3A_61 to %scan3A_63 step %scan3A_64 iter_args(%scan3A_112 = %scan3A_60) -> (i32)  : i32 {
        %mul3A_113 = arith.constant 8 : i32
        %mul3A_114 = arith.muli %scan3A_111, %mul3A_113 : i32
        %add3A_115 = arith.constant 0 : i32
        %add3A_116 = arith.addi %mul3A_114, %add3A_115 : i32
        %mul3A_117 = arith.constant 16 : i32
        %mul3A_118 = arith.muli %add3A_116, %mul3A_117 : i32
        %get3A_119 = arith.index_cast %mul3A_118 : i32 to index
        %get3A_120 = tpu.vector_load %arg10[%get3A_119] {strides = array<i32>} : memref<50192xf32, #tpu.memory_space<vmem>>, vector<16xf32>,
        %sub3A = arith.subf %get3A_120, %get3A_10 : vector<16xf32>
        %mul3A_121 = arith.mulf %sub3A, %get3A_14 : vector<16xf32>
        %add3A_122 = arith.constant 5.500000e+00 : f32
        %add3A_123 = vector.broadcast %add3A_122 : f32 to vector<16xf32>
        %add3A_124 = arith.addf %mul3A_121, %add3A_123 : vector<16xf32>
        %mul3A_125 = arith.constant 2.909091 : f32
        %mul3A_126 = vector.broadcast %mul3A_125 : f32 to vector<16xf32>
        %mul3A_127 = arith.mulf %add3A_124, %mul3A_126 : vector<16xf32>
        %convert_element_type3A = arith.fptosi %mul3A_127 : vector<16xf32> to vector<16xi32>
        %jit3A = arith.constant 0 : i32
        %jit3A_128 = arith.constant 31 : i32
        %max3A = vector.broadcast %jit3A : i32 to vector<16xi32>
        %max3A_129 = arith.maxsi %max3A, %convert_element_type3A : vector<16xi32>
        %min3A = vector.broadcast %jit3A_128 : i32 to vector<16xi32>
        %min3A_130 = arith.minsi %min3A, %max3A_129 : vector<16xi32>
        %gather3A = tpu.vector_load_idx %arg16[%min3A_130] : memref<32xf32, #tpu.memory_space<vmem>>[vector<16xi32>], vector<16xf32>,
        %gather3A_131 = tpu.vector_load_idx %arg17[%min3A_130] : memref<32xf32, #tpu.memory_space<vmem>>[vector<16xi32>], vector<16xf32>,
        %mul3A_132 = arith.mulf %gather3A, %mul3A_121 : vector<16xf32>
        %add3A_133 = arith.addf %mul3A_132, %gather3A_131 : vector<16xf32>
        %convert_element_type3A_134 = arith.fptosi %add3A_133 : vector<16xf32> to vector<16xi32>
        %jit3A_135 = arith.constant 0 : i32
        %jit3A_136 = arith.constant 12543 : i32
        %max3A_137 = vector.broadcast %jit3A_135 : i32 to vector<16xi32>
        %max3A_138 = arith.maxsi %max3A_137, %convert_element_type3A_134 : vector<16xi32>
        %min3A_139 = vector.broadcast %jit3A_136 : i32 to vector<16xi32>
        %min3A_140 = arith.minsi %min3A_139, %max3A_138 : vector<16xi32>
        %broadcast_in_dim3A_141 = arith.constant true
        %broadcast_in_dim3A_142 = vector.broadcast %broadcast_in_dim3A_141 : i1 to vector<16xi1>
        %unique3A, %unique3A_143 = tpu.scan_count mask(%broadcast_in_dim3A_142 : vector<16xi1>) value(%min3A_140 : vector<16xi32>) : vector<16xi1>, vector<16xi32>
        %gather3A_144 = tpu.vector_load_idx %arg12[%min3A_140] : memref<12560xi32, #tpu.memory_space<vmem>>[vector<16xi32>], vector<16xi32>,
        %add3A_145 = arith.addi %gather3A_144, %unique3A_143 : vector<16xi32>
        %sub3A_146 = arith.constant 1 : i32
        %sub3A_147 = vector.broadcast %sub3A_146 : i32 to vector<16xi32>
        %sub3A_148 = arith.subi %add3A_145, %sub3A_147 : vector<16xi32>
        tpu.vector_store_idx %arg9[%sub3A_148], %get3A_120 : memref<50192xf32, #tpu.memory_space<vmem>>[vector<16xi32>], vector<16xf32>,
        %add3A_149 = arith.addi %gather3A_144, %unique3A_143 : vector<16xi32>
        tpu.vector_store_idx %arg12[%min3A_140], %add3A_149 masked %unique3A : memref<12560xi32, #tpu.memory_space<vmem>>[vector<16xi32>], vector<16xi32>, vector<16xi1>
        %mul3A_150 = arith.constant 8 : i32
        %mul3A_151 = arith.muli %scan3A_111, %mul3A_150 : i32
        %add3A_152 = arith.constant 1 : i32
        %add3A_153 = arith.addi %mul3A_151, %add3A_152 : i32
        %mul3A_154 = arith.constant 16 : i32
        %mul3A_155 = arith.muli %add3A_153, %mul3A_154 : i32
        %get3A_156 = arith.index_cast %mul3A_155 : i32 to index
        %get3A_157 = tpu.vector_load %arg10[%get3A_156] {strides = array<i32>} : memref<50192xf32, #tpu.memory_space<vmem>>, vector<16xf32>,
        %sub3A_158 = arith.subf %get3A_157, %get3A_10 : vector<16xf32>
        %mul3A_159 = arith.mulf %sub3A_158, %get3A_14 : vector<16xf32>
        %add3A_160 = arith.constant 5.500000e+00 : f32
        %add3A_161 = vector.broadcast %add3A_160 : f32 to vector<16xf32>
        %add3A_162 = arith.addf %mul3A_159, %add3A_161 : vector<16xf32>
        %mul3A_163 = arith.constant 2.909091 : f32
        %mul3A_164 = vector.broadcast %mul3A_163 : f32 to vector<16xf32>
        %mul3A_165 = arith.mulf %add3A_162, %mul3A_164 : vector<16xf32>
        %convert_element_type3A_166 = arith.fptosi %mul3A_165 : vector<16xf32> to vector<16xi32>
        %jit3A_167 = arith.constant 0 : i32
        %jit3A_168 = arith.constant 31 : i32
        %max3A_169 = vector.broadcast %jit3A_167 : i32 to vector<16xi32>
        %max3A_170 = arith.maxsi %max3A_169, %convert_element_type3A_166 : vector<16xi32>
        %min3A_171 = vector.broadcast %jit3A_168 : i32 to vector<16xi32>
        %min3A_172 = arith.minsi %min3A_171, %max3A_170 : vector<16xi32>
        %gather3A_173 = tpu.vector_load_idx %arg16[%min3A_172] : memref<32xf32, #tpu.memory_space<vmem>>[vector<16xi32>], vector<16xf32>,
        %gather3A_174 = tpu.vector_load_idx %arg17[%min3A_172] : memref<32xf32, #tpu.memory_space<vmem>>[vector<16xi32>], vector<16xf32>,
        %mul3A_175 = arith.mulf %gather3A_173, %mul3A_159 : vector<16xf32>
        %add3A_176 = arith.addf %mul3A_175, %gather3A_174 : vector<16xf32>
        %convert_element_type3A_177 = arith.fptosi %add3A_176 : vector<16xf32> to vector<16xi32>
        %jit3A_178 = arith.constant 0 : i32
        %jit3A_179 = arith.constant 12543 : i32
        %max3A_180 = vector.broadcast %jit3A_178 : i32 to vector<16xi32>
        %max3A_181 = arith.maxsi %max3A_180, %convert_element_type3A_177 : vector<16xi32>
        %min3A_182 = vector.broadcast %jit3A_179 : i32 to vector<16xi32>
        %min3A_183 = arith.minsi %min3A_182, %max3A_181 : vector<16xi32>
        %broadcast_in_dim3A_184 = arith.constant true
        %broadcast_in_dim3A_185 = vector.broadcast %broadcast_in_dim3A_184 : i1 to vector<16xi1>
        %unique3A_186, %unique3A_187 = tpu.scan_count mask(%broadcast_in_dim3A_185 : vector<16xi1>) value(%min3A_183 : vector<16xi32>) : vector<16xi1>, vector<16xi32>
        %gather3A_188 = tpu.vector_load_idx %arg12[%min3A_183] : memref<12560xi32, #tpu.memory_space<vmem>>[vector<16xi32>], vector<16xi32>,
        %add3A_189 = arith.addi %gather3A_188, %unique3A_187 : vector<16xi32>
        %sub3A_190 = arith.constant 1 : i32
        %sub3A_191 = vector.broadcast %sub3A_190 : i32 to vector<16xi32>
        %sub3A_192 = arith.subi %add3A_189, %sub3A_191 : vector<16xi32>
        tpu.vector_store_idx %arg9[%sub3A_192], %get3A_157 : memref<50192xf32, #tpu.memory_space<vmem>>[vector<16xi32>], vector<16xf32>,
        %add3A_193 = arith.addi %gather3A_188, %unique3A_187 : vector<16xi32>
        tpu.vector_store_idx %arg12[%min3A_183], %add3A_193 masked %unique3A_186 : memref<12560xi32, #tpu.memory_space<vmem>>[vector<16xi32>], vector<16xi32>, vector<16xi1>
        %mul3A_194 = arith.constant 8 : i32
        %mul3A_195 = arith.muli %scan3A_111, %mul3A_194 : i32
        %add3A_196 = arith.constant 2 : i32
        %add3A_197 = arith.addi %mul3A_195, %add3A_196 : i32
        %mul3A_198 = arith.constant 16 : i32
        %mul3A_199 = arith.muli %add3A_197, %mul3A_198 : i32
        %get3A_200 = arith.index_cast %mul3A_199 : i32 to index
        %get3A_201 = tpu.vector_load %arg10[%get3A_200] {strides = array<i32>} : memref<50192xf32, #tpu.memory_space<vmem>>, vector<16xf32>,
        %sub3A_202 = arith.subf %get3A_201, %get3A_10 : vector<16xf32>
        %mul3A_203 = arith.mulf %sub3A_202, %get3A_14 : vector<16xf32>
        %add3A_204 = arith.constant 5.500000e+00 : f32
        %add3A_205 = vector.broadcast %add3A_204 : f32 to vector<16xf32>
        %add3A_206 = arith.addf %mul3A_203, %add3A_205 : vector<16xf32>
        %mul3A_207 = arith.constant 2.909091 : f32
        %mul3A_208 = vector.broadcast %mul3A_207 : f32 to vector<16xf32>
        %mul3A_209 = arith.mulf %add3A_206, %mul3A_208 : vector<16xf32>
        %convert_element_type3A_210 = arith.fptosi %mul3A_209 : vector<16xf32> to vector<16xi32>
        %jit3A_211 = arith.constant 0 : i32
        %jit3A_212 = arith.constant 31 : i32
        %max3A_213 = vector.broadcast %jit3A_211 : i32 to vector<16xi32>
        %max3A_214 = arith.maxsi %max3A_213, %convert_element_type3A_210 : vector<16xi32>
        %min3A_215 = vector.broadcast %jit3A_212 : i32 to vector<16xi32>
        %min3A_216 = arith.minsi %min3A_215, %max3A_214 : vector<16xi32>
        %gather3A_217 = tpu.vector_load_idx %arg16[%min3A_216] : memref<32xf32, #tpu.memory_space<vmem>>[vector<16xi32>], vector<16xf32>,
        %gather3A_218 = tpu.vector_load_idx %arg17[%min3A_216] : memref<32xf32, #tpu.memory_space<vmem>>[vector<16xi32>], vector<16xf32>,
        %mul3A_219 = arith.mulf %gather3A_217, %mul3A_203 : vector<16xf32>
        %add3A_220 = arith.addf %mul3A_219, %gather3A_218 : vector<16xf32>
        %convert_element_type3A_221 = arith.fptosi %add3A_220 : vector<16xf32> to vector<16xi32>
        %jit3A_222 = arith.constant 0 : i32
        %jit3A_223 = arith.constant 12543 : i32
        %max3A_224 = vector.broadcast %jit3A_222 : i32 to vector<16xi32>
        %max3A_225 = arith.maxsi %max3A_224, %convert_element_type3A_221 : vector<16xi32>
        %min3A_226 = vector.broadcast %jit3A_223 : i32 to vector<16xi32>
        %min3A_227 = arith.minsi %min3A_226, %max3A_225 : vector<16xi32>
        %broadcast_in_dim3A_228 = arith.constant true
        %broadcast_in_dim3A_229 = vector.broadcast %broadcast_in_dim3A_228 : i1 to vector<16xi1>
        %unique3A_230, %unique3A_231 = tpu.scan_count mask(%broadcast_in_dim3A_229 : vector<16xi1>) value(%min3A_227 : vector<16xi32>) : vector<16xi1>, vector<16xi32>
        %gather3A_232 = tpu.vector_load_idx %arg12[%min3A_227] : memref<12560xi32, #tpu.memory_space<vmem>>[vector<16xi32>], vector<16xi32>,
        %add3A_233 = arith.addi %gather3A_232, %unique3A_231 : vector<16xi32>
        %sub3A_234 = arith.constant 1 : i32
        %sub3A_235 = vector.broadcast %sub3A_234 : i32 to vector<16xi32>
        %sub3A_236 = arith.subi %add3A_233, %sub3A_235 : vector<16xi32>
        tpu.vector_store_idx %arg9[%sub3A_236], %get3A_201 : memref<50192xf32, #tpu.memory_space<vmem>>[vector<16xi32>], vector<16xf32>,
        %add3A_237 = arith.addi %gather3A_232, %unique3A_231 : vector<16xi32>
        tpu.vector_store_idx %arg12[%min3A_227], %add3A_237 masked %unique3A_230 : memref<12560xi32, #tpu.memory_space<vmem>>[vector<16xi32>], vector<16xi32>, vector<16xi1>
        %mul3A_238 = arith.constant 8 : i32
        %mul3A_239 = arith.muli %scan3A_111, %mul3A_238 : i32
        %add3A_240 = arith.constant 3 : i32
        %add3A_241 = arith.addi %mul3A_239, %add3A_240 : i32
        %mul3A_242 = arith.constant 16 : i32
        %mul3A_243 = arith.muli %add3A_241, %mul3A_242 : i32
        %get3A_244 = arith.index_cast %mul3A_243 : i32 to index
        %get3A_245 = tpu.vector_load %arg10[%get3A_244] {strides = array<i32>} : memref<50192xf32, #tpu.memory_space<vmem>>, vector<16xf32>,
        %sub3A_246 = arith.subf %get3A_245, %get3A_10 : vector<16xf32>
        %mul3A_247 = arith.mulf %sub3A_246, %get3A_14 : vector<16xf32>
        %add3A_248 = arith.constant 5.500000e+00 : f32
        %add3A_249 = vector.broadcast %add3A_248 : f32 to vector<16xf32>
        %add3A_250 = arith.addf %mul3A_247, %add3A_249 : vector<16xf32>
        %mul3A_251 = arith.constant 2.909091 : f32
        %mul3A_252 = vector.broadcast %mul3A_251 : f32 to vector<16xf32>
        %mul3A_253 = arith.mulf %add3A_250, %mul3A_252 : vector<16xf32>
        %convert_element_type3A_254 = arith.fptosi %mul3A_253 : vector<16xf32> to vector<16xi32>
        %jit3A_255 = arith.constant 0 : i32
        %jit3A_256 = arith.constant 31 : i32
        %max3A_257 = vector.broadcast %jit3A_255 : i32 to vector<16xi32>
        %max3A_258 = arith.maxsi %max3A_257, %convert_element_type3A_254 : vector<16xi32>
        %min3A_259 = vector.broadcast %jit3A_256 : i32 to vector<16xi32>
        %min3A_260 = arith.minsi %min3A_259, %max3A_258 : vector<16xi32>
        %gather3A_261 = tpu.vector_load_idx %arg16[%min3A_260] : memref<32xf32, #tpu.memory_space<vmem>>[vector<16xi32>], vector<16xf32>,
        %gather3A_262 = tpu.vector_load_idx %arg17[%min3A_260] : memref<32xf32, #tpu.memory_space<vmem>>[vector<16xi32>], vector<16xf32>,
        %mul3A_263 = arith.mulf %gather3A_261, %mul3A_247 : vector<16xf32>
        %add3A_264 = arith.addf %mul3A_263, %gather3A_262 : vector<16xf32>
        %convert_element_type3A_265 = arith.fptosi %add3A_264 : vector<16xf32> to vector<16xi32>
        %jit3A_266 = arith.constant 0 : i32
        %jit3A_267 = arith.constant 12543 : i32
        %max3A_268 = vector.broadcast %jit3A_266 : i32 to vector<16xi32>
        %max3A_269 = arith.maxsi %max3A_268, %convert_element_type3A_265 : vector<16xi32>
        %min3A_270 = vector.broadcast %jit3A_267 : i32 to vector<16xi32>
        %min3A_271 = arith.minsi %min3A_270, %max3A_269 : vector<16xi32>
        %broadcast_in_dim3A_272 = arith.constant true
        %broadcast_in_dim3A_273 = vector.broadcast %broadcast_in_dim3A_272 : i1 to vector<16xi1>
        %unique3A_274, %unique3A_275 = tpu.scan_count mask(%broadcast_in_dim3A_273 : vector<16xi1>) value(%min3A_271 : vector<16xi32>) : vector<16xi1>, vector<16xi32>
        %gather3A_276 = tpu.vector_load_idx %arg12[%min3A_271] : memref<12560xi32, #tpu.memory_space<vmem>>[vector<16xi32>], vector<16xi32>,
        %add3A_277 = arith.addi %gather3A_276, %unique3A_275 : vector<16xi32>
        %sub3A_278 = arith.constant 1 : i32
        %sub3A_279 = vector.broadcast %sub3A_278 : i32 to vector<16xi32>
        %sub3A_280 = arith.subi %add3A_277, %sub3A_279 : vector<16xi32>
        tpu.vector_store_idx %arg9[%sub3A_280], %get3A_245 : memref<50192xf32, #tpu.memory_space<vmem>>[vector<16xi32>], vector<16xf32>,
        %add3A_281 = arith.addi %gather3A_276, %unique3A_275 : vector<16xi32>
        tpu.vector_store_idx %arg12[%min3A_271], %add3A_281 masked %unique3A_274 : memref<12560xi32, #tpu.memory_space<vmem>>[vector<16xi32>], vector<16xi32>, vector<16xi1>
        %mul3A_282 = arith.constant 8 : i32
        %mul3A_283 = arith.muli %scan3A_111, %mul3A_282 : i32
        %add3A_284 = arith.constant 4 : i32
        %add3A_285 = arith.addi %mul3A_283, %add3A_284 : i32
        %mul3A_286 = arith.constant 16 : i32
        %mul3A_287 = arith.muli %add3A_285, %mul3A_286 : i32
        %get3A_288 = arith.index_cast %mul3A_287 : i32 to index
        %get3A_289 = tpu.vector_load %arg10[%get3A_288] {strides = array<i32>} : memref<50192xf32, #tpu.memory_space<vmem>>, vector<16xf32>,
        %sub3A_290 = arith.subf %get3A_289, %get3A_10 : vector<16xf32>
        %mul3A_291 = arith.mulf %sub3A_290, %get3A_14 : vector<16xf32>
        %add3A_292 = arith.constant 5.500000e+00 : f32
        %add3A_293 = vector.broadcast %add3A_292 : f32 to vector<16xf32>
        %add3A_294 = arith.addf %mul3A_291, %add3A_293 : vector<16xf32>
        %mul3A_295 = arith.constant 2.909091 : f32
        %mul3A_296 = vector.broadcast %mul3A_295 : f32 to vector<16xf32>
        %mul3A_297 = arith.mulf %add3A_294, %mul3A_296 : vector<16xf32>
        %convert_element_type3A_298 = arith.fptosi %mul3A_297 : vector<16xf32> to vector<16xi32>
        %jit3A_299 = arith.constant 0 : i32
        %jit3A_300 = arith.constant 31 : i32
        %max3A_301 = vector.broadcast %jit3A_299 : i32 to vector<16xi32>
        %max3A_302 = arith.maxsi %max3A_301, %convert_element_type3A_298 : vector<16xi32>
        %min3A_303 = vector.broadcast %jit3A_300 : i32 to vector<16xi32>
        %min3A_304 = arith.minsi %min3A_303, %max3A_302 : vector<16xi32>
        %gather3A_305 = tpu.vector_load_idx %arg16[%min3A_304] : memref<32xf32, #tpu.memory_space<vmem>>[vector<16xi32>], vector<16xf32>,
        %gather3A_306 = tpu.vector_load_idx %arg17[%min3A_304] : memref<32xf32, #tpu.memory_space<vmem>>[vector<16xi32>], vector<16xf32>,
        %mul3A_307 = arith.mulf %gather3A_305, %mul3A_291 : vector<16xf32>
        %add3A_308 = arith.addf %mul3A_307, %gather3A_306 : vector<16xf32>
        %convert_element_type3A_309 = arith.fptosi %add3A_308 : vector<16xf32> to vector<16xi32>
        %jit3A_310 = arith.constant 0 : i32
        %jit3A_311 = arith.constant 12543 : i32
        %max3A_312 = vector.broadcast %jit3A_310 : i32 to vector<16xi32>
        %max3A_313 = arith.maxsi %max3A_312, %convert_element_type3A_309 : vector<16xi32>
        %min3A_314 = vector.broadcast %jit3A_311 : i32 to vector<16xi32>
        %min3A_315 = arith.minsi %min3A_314, %max3A_313 : vector<16xi32>
        %broadcast_in_dim3A_316 = arith.constant true
        %broadcast_in_dim3A_317 = vector.broadcast %broadcast_in_dim3A_316 : i1 to vector<16xi1>
        %unique3A_318, %unique3A_319 = tpu.scan_count mask(%broadcast_in_dim3A_317 : vector<16xi1>) value(%min3A_315 : vector<16xi32>) : vector<16xi1>, vector<16xi32>
        %gather3A_320 = tpu.vector_load_idx %arg12[%min3A_315] : memref<12560xi32, #tpu.memory_space<vmem>>[vector<16xi32>], vector<16xi32>,
        %add3A_321 = arith.addi %gather3A_320, %unique3A_319 : vector<16xi32>
        %sub3A_322 = arith.constant 1 : i32
        %sub3A_323 = vector.broadcast %sub3A_322 : i32 to vector<16xi32>
        %sub3A_324 = arith.subi %add3A_321, %sub3A_323 : vector<16xi32>
        tpu.vector_store_idx %arg9[%sub3A_324], %get3A_289 : memref<50192xf32, #tpu.memory_space<vmem>>[vector<16xi32>], vector<16xf32>,
        %add3A_325 = arith.addi %gather3A_320, %unique3A_319 : vector<16xi32>
        tpu.vector_store_idx %arg12[%min3A_315], %add3A_325 masked %unique3A_318 : memref<12560xi32, #tpu.memory_space<vmem>>[vector<16xi32>], vector<16xi32>, vector<16xi1>
        %mul3A_326 = arith.constant 8 : i32
        %mul3A_327 = arith.muli %scan3A_111, %mul3A_326 : i32
        %add3A_328 = arith.constant 5 : i32
        %add3A_329 = arith.addi %mul3A_327, %add3A_328 : i32
        %mul3A_330 = arith.constant 16 : i32
        %mul3A_331 = arith.muli %add3A_329, %mul3A_330 : i32
        %get3A_332 = arith.index_cast %mul3A_331 : i32 to index
        %get3A_333 = tpu.vector_load %arg10[%get3A_332] {strides = array<i32>} : memref<50192xf32, #tpu.memory_space<vmem>>, vector<16xf32>,
        %sub3A_334 = arith.subf %get3A_333, %get3A_10 : vector<16xf32>
        %mul3A_335 = arith.mulf %sub3A_334, %get3A_14 : vector<16xf32>
        %add3A_336 = arith.constant 5.500000e+00 : f32
        %add3A_337 = vector.broadcast %add3A_336 : f32 to vector<16xf32>
        %add3A_338 = arith.addf %mul3A_335, %add3A_337 : vector<16xf32>
        %mul3A_339 = arith.constant 2.909091 : f32
        %mul3A_340 = vector.broadcast %mul3A_339 : f32 to vector<16xf32>
        %mul3A_341 = arith.mulf %add3A_338, %mul3A_340 : vector<16xf32>
        %convert_element_type3A_342 = arith.fptosi %mul3A_341 : vector<16xf32> to vector<16xi32>
        %jit3A_343 = arith.constant 0 : i32
        %jit3A_344 = arith.constant 31 : i32
        %max3A_345 = vector.broadcast %jit3A_343 : i32 to vector<16xi32>
        %max3A_346 = arith.maxsi %max3A_345, %convert_element_type3A_342 : vector<16xi32>
        %min3A_347 = vector.broadcast %jit3A_344 : i32 to vector<16xi32>
        %min3A_348 = arith.minsi %min3A_347, %max3A_346 : vector<16xi32>
        %gather3A_349 = tpu.vector_load_idx %arg16[%min3A_348] : memref<32xf32, #tpu.memory_space<vmem>>[vector<16xi32>], vector<16xf32>,
        %gather3A_350 = tpu.vector_load_idx %arg17[%min3A_348] : memref<32xf32, #tpu.memory_space<vmem>>[vector<16xi32>], vector<16xf32>,
        %mul3A_351 = arith.mulf %gather3A_349, %mul3A_335 : vector<16xf32>
        %add3A_352 = arith.addf %mul3A_351, %gather3A_350 : vector<16xf32>
        %convert_element_type3A_353 = arith.fptosi %add3A_352 : vector<16xf32> to vector<16xi32>
        %jit3A_354 = arith.constant 0 : i32
        %jit3A_355 = arith.constant 12543 : i32
        %max3A_356 = vector.broadcast %jit3A_354 : i32 to vector<16xi32>
        %max3A_357 = arith.maxsi %max3A_356, %convert_element_type3A_353 : vector<16xi32>
        %min3A_358 = vector.broadcast %jit3A_355 : i32 to vector<16xi32>
        %min3A_359 = arith.minsi %min3A_358, %max3A_357 : vector<16xi32>
        %broadcast_in_dim3A_360 = arith.constant true
        %broadcast_in_dim3A_361 = vector.broadcast %broadcast_in_dim3A_360 : i1 to vector<16xi1>
        %unique3A_362, %unique3A_363 = tpu.scan_count mask(%broadcast_in_dim3A_361 : vector<16xi1>) value(%min3A_359 : vector<16xi32>) : vector<16xi1>, vector<16xi32>
        %gather3A_364 = tpu.vector_load_idx %arg12[%min3A_359] : memref<12560xi32, #tpu.memory_space<vmem>>[vector<16xi32>], vector<16xi32>,
        %add3A_365 = arith.addi %gather3A_364, %unique3A_363 : vector<16xi32>
        %sub3A_366 = arith.constant 1 : i32
        %sub3A_367 = vector.broadcast %sub3A_366 : i32 to vector<16xi32>
        %sub3A_368 = arith.subi %add3A_365, %sub3A_367 : vector<16xi32>
        tpu.vector_store_idx %arg9[%sub3A_368], %get3A_333 : memref<50192xf32, #tpu.memory_space<vmem>>[vector<16xi32>], vector<16xf32>,
        %add3A_369 = arith.addi %gather3A_364, %unique3A_363 : vector<16xi32>
        tpu.vector_store_idx %arg12[%min3A_359], %add3A_369 masked %unique3A_362 : memref<12560xi32, #tpu.memory_space<vmem>>[vector<16xi32>], vector<16xi32>, vector<16xi1>
        %mul3A_370 = arith.constant 8 : i32
        %mul3A_371 = arith.muli %scan3A_111, %mul3A_370 : i32
        %add3A_372 = arith.constant 6 : i32
        %add3A_373 = arith.addi %mul3A_371, %add3A_372 : i32
        %mul3A_374 = arith.constant 16 : i32
        %mul3A_375 = arith.muli %add3A_373, %mul3A_374 : i32
        %get3A_376 = arith.index_cast %mul3A_375 : i32 to index
        %get3A_377 = tpu.vector_load %arg10[%get3A_376] {strides = array<i32>} : memref<50192xf32, #tpu.memory_space<vmem>>, vector<16xf32>,
        %sub3A_378 = arith.subf %get3A_377, %get3A_10 : vector<16xf32>
        %mul3A_379 = arith.mulf %sub3A_378, %get3A_14 : vector<16xf32>
        %add3A_380 = arith.constant 5.500000e+00 : f32
        %add3A_381 = vector.broadcast %add3A_380 : f32 to vector<16xf32>
        %add3A_382 = arith.addf %mul3A_379, %add3A_381 : vector<16xf32>
        %mul3A_383 = arith.constant 2.909091 : f32
        %mul3A_384 = vector.broadcast %mul3A_383 : f32 to vector<16xf32>
        %mul3A_385 = arith.mulf %add3A_382, %mul3A_384 : vector<16xf32>
        %convert_element_type3A_386 = arith.fptosi %mul3A_385 : vector<16xf32> to vector<16xi32>
        %jit3A_387 = arith.constant 0 : i32
        %jit3A_388 = arith.constant 31 : i32
        %max3A_389 = vector.broadcast %jit3A_387 : i32 to vector<16xi32>
        %max3A_390 = arith.maxsi %max3A_389, %convert_element_type3A_386 : vector<16xi32>
        %min3A_391 = vector.broadcast %jit3A_388 : i32 to vector<16xi32>
        %min3A_392 = arith.minsi %min3A_391, %max3A_390 : vector<16xi32>
        %gather3A_393 = tpu.vector_load_idx %arg16[%min3A_392] : memref<32xf32, #tpu.memory_space<vmem>>[vector<16xi32>], vector<16xf32>,
        %gather3A_394 = tpu.vector_load_idx %arg17[%min3A_392] : memref<32xf32, #tpu.memory_space<vmem>>[vector<16xi32>], vector<16xf32>,
        %mul3A_395 = arith.mulf %gather3A_393, %mul3A_379 : vector<16xf32>
        %add3A_396 = arith.addf %mul3A_395, %gather3A_394 : vector<16xf32>
        %convert_element_type3A_397 = arith.fptosi %add3A_396 : vector<16xf32> to vector<16xi32>
        %jit3A_398 = arith.constant 0 : i32
        %jit3A_399 = arith.constant 12543 : i32
        %max3A_400 = vector.broadcast %jit3A_398 : i32 to vector<16xi32>
        %max3A_401 = arith.maxsi %max3A_400, %convert_element_type3A_397 : vector<16xi32>
        %min3A_402 = vector.broadcast %jit3A_399 : i32 to vector<16xi32>
        %min3A_403 = arith.minsi %min3A_402, %max3A_401 : vector<16xi32>
        %broadcast_in_dim3A_404 = arith.constant true
        %broadcast_in_dim3A_405 = vector.broadcast %broadcast_in_dim3A_404 : i1 to vector<16xi1>
        %unique3A_406, %unique3A_407 = tpu.scan_count mask(%broadcast_in_dim3A_405 : vector<16xi1>) value(%min3A_403 : vector<16xi32>) : vector<16xi1>, vector<16xi32>
        %gather3A_408 = tpu.vector_load_idx %arg12[%min3A_403] : memref<12560xi32, #tpu.memory_space<vmem>>[vector<16xi32>], vector<16xi32>,
        %add3A_409 = arith.addi %gather3A_408, %unique3A_407 : vector<16xi32>
        %sub3A_410 = arith.constant 1 : i32
        %sub3A_411 = vector.broadcast %sub3A_410 : i32 to vector<16xi32>
        %sub3A_412 = arith.subi %add3A_409, %sub3A_411 : vector<16xi32>
        tpu.vector_store_idx %arg9[%sub3A_412], %get3A_377 : memref<50192xf32, #tpu.memory_space<vmem>>[vector<16xi32>], vector<16xf32>,
        %add3A_413 = arith.addi %gather3A_408, %unique3A_407 : vector<16xi32>
        tpu.vector_store_idx %arg12[%min3A_403], %add3A_413 masked %unique3A_406 : memref<12560xi32, #tpu.memory_space<vmem>>[vector<16xi32>], vector<16xi32>, vector<16xi1>
        %mul3A_414 = arith.constant 8 : i32
        %mul3A_415 = arith.muli %scan3A_111, %mul3A_414 : i32
        %add3A_416 = arith.constant 7 : i32
        %add3A_417 = arith.addi %mul3A_415, %add3A_416 : i32
        %mul3A_418 = arith.constant 16 : i32
        %mul3A_419 = arith.muli %add3A_417, %mul3A_418 : i32
        %get3A_420 = arith.index_cast %mul3A_419 : i32 to index
        %get3A_421 = tpu.vector_load %arg10[%get3A_420] {strides = array<i32>} : memref<50192xf32, #tpu.memory_space<vmem>>, vector<16xf32>,
        %sub3A_422 = arith.subf %get3A_421, %get3A_10 : vector<16xf32>
        %mul3A_423 = arith.mulf %sub3A_422, %get3A_14 : vector<16xf32>
        %add3A_424 = arith.constant 5.500000e+00 : f32
        %add3A_425 = vector.broadcast %add3A_424 : f32 to vector<16xf32>
        %add3A_426 = arith.addf %mul3A_423, %add3A_425 : vector<16xf32>
        %mul3A_427 = arith.constant 2.909091 : f32
        %mul3A_428 = vector.broadcast %mul3A_427 : f32 to vector<16xf32>
        %mul3A_429 = arith.mulf %add3A_426, %mul3A_428 : vector<16xf32>
        %convert_element_type3A_430 = arith.fptosi %mul3A_429 : vector<16xf32> to vector<16xi32>
        %jit3A_431 = arith.constant 0 : i32
        %jit3A_432 = arith.constant 31 : i32
        %max3A_433 = vector.broadcast %jit3A_431 : i32 to vector<16xi32>
        %max3A_434 = arith.maxsi %max3A_433, %convert_element_type3A_430 : vector<16xi32>
        %min3A_435 = vector.broadcast %jit3A_432 : i32 to vector<16xi32>
        %min3A_436 = arith.minsi %min3A_435, %max3A_434 : vector<16xi32>
        %gather3A_437 = tpu.vector_load_idx %arg16[%min3A_436] : memref<32xf32, #tpu.memory_space<vmem>>[vector<16xi32>], vector<16xf32>,
        %gather3A_438 = tpu.vector_load_idx %arg17[%min3A_436] : memref<32xf32, #tpu.memory_space<vmem>>[vector<16xi32>], vector<16xf32>,
        %mul3A_439 = arith.mulf %gather3A_437, %mul3A_423 : vector<16xf32>
        %add3A_440 = arith.addf %mul3A_439, %gather3A_438 : vector<16xf32>
        %convert_element_type3A_441 = arith.fptosi %add3A_440 : vector<16xf32> to vector<16xi32>
        %jit3A_442 = arith.constant 0 : i32
        %jit3A_443 = arith.constant 12543 : i32
        %max3A_444 = vector.broadcast %jit3A_442 : i32 to vector<16xi32>
        %max3A_445 = arith.maxsi %max3A_444, %convert_element_type3A_441 : vector<16xi32>
        %min3A_446 = vector.broadcast %jit3A_443 : i32 to vector<16xi32>
        %min3A_447 = arith.minsi %min3A_446, %max3A_445 : vector<16xi32>
        %broadcast_in_dim3A_448 = arith.constant true
        %broadcast_in_dim3A_449 = vector.broadcast %broadcast_in_dim3A_448 : i1 to vector<16xi1>
        %unique3A_450, %unique3A_451 = tpu.scan_count mask(%broadcast_in_dim3A_449 : vector<16xi1>) value(%min3A_447 : vector<16xi32>) : vector<16xi1>, vector<16xi32>
        %gather3A_452 = tpu.vector_load_idx %arg12[%min3A_447] : memref<12560xi32, #tpu.memory_space<vmem>>[vector<16xi32>], vector<16xi32>,
        %add3A_453 = arith.addi %gather3A_452, %unique3A_451 : vector<16xi32>
        %sub3A_454 = arith.constant 1 : i32
        %sub3A_455 = vector.broadcast %sub3A_454 : i32 to vector<16xi32>
        %sub3A_456 = arith.subi %add3A_453, %sub3A_455 : vector<16xi32>
        tpu.vector_store_idx %arg9[%sub3A_456], %get3A_421 : memref<50192xf32, #tpu.memory_space<vmem>>[vector<16xi32>], vector<16xf32>,
        %add3A_457 = arith.addi %gather3A_452, %unique3A_451 : vector<16xi32>
        tpu.vector_store_idx %arg12[%min3A_447], %add3A_457 masked %unique3A_450 : memref<12560xi32, #tpu.memory_space<vmem>>[vector<16xi32>], vector<16xi32>, vector<16xi1>
        %scan3A_458 = arith.constant 0 : i32
        scf.yield %scan3A_458 : i32
      }
      %scan3A_66 = arith.constant 392 : i32
      %broadcast_in_dim3A_67 = arith.constant 0x7F800000 : f32
      "tpu.trace_stop"() : () -> ()
      %broadcast_in_dim3A_68 = vector.broadcast %broadcast_in_dim3A_67 : f32 to vector<16xf32>
      %swap3A = arith.constant 50176 : index
      %swap3A_69 = tpu.vector_load %arg9[%swap3A] {strides = array<i32>} : memref<50192xf32, #tpu.memory_space<vmem>>, vector<16xf32>,
      tpu.vector_store %arg9[%swap3A], %broadcast_in_dim3A_68 {strides = array<i32>} : memref<50192xf32, #tpu.memory_space<vmem>>, vector<16xf32>,
      "tpu.trace_start"() <{level = 10 : i32, message = "ph_blksort_n"}> : () -> ()
      %scan3A_70 = arith.constant 0 : i32
      %scan3A_71 = arith.constant 0 : i32
      %scan3A_72 = arith.constant 392 : i32
      %scan3A_73 = arith.addi %scan3A_71, %scan3A_72 : i32
      %scan3A_74 = arith.constant 1 : i32
      %scan3A_75 = scf.for %scan3A_111 = %scan3A_71 to %scan3A_73 step %scan3A_74 iter_args(%scan3A_112 = %scan3A_70) -> (i32)  : i32 {
        %mul3A_113 = arith.constant 8 : i32
        %mul3A_114 = arith.muli %scan3A_111, %mul3A_113 : i32
        %add3A_115 = arith.constant 0 : i32
        %add3A_116 = arith.addi %mul3A_114, %add3A_115 : i32
        %mul3A_117 = arith.constant 16 : i32
        %mul3A_118 = arith.muli %add3A_116, %mul3A_117 : i32
        %get3A_119 = arith.index_cast %mul3A_118 : i32 to index
        %get3A_120 = tpu.vector_load %arg9[%get3A_119] {strides = array<i32>} : memref<50192xf32, #tpu.memory_space<vmem>>, vector<16xf32>,
        %masked_sort3A = arith.constant dense<true> : vector<16xi1>
        %masked_sort3A_121, %masked_sort3A_122, %masked_sort3A_123 = tpu.sort %get3A_120, %get3A_120 masked %masked_sort3A : (vector<16xf32>, vector<16xf32>, vector<16xi1>) -> (vector<16xi1>, vector<16xf32>, vector<16xf32>)
        %mul3A_124 = arith.constant 16 : i32
        %mul3A_125 = arith.muli %add3A_116, %mul3A_124 : i32
        %swap3A_126 = arith.index_cast %mul3A_125 : i32 to index
        %swap3A_127 = tpu.vector_load %arg9[%swap3A_126] {strides = array<i32>} : memref<50192xf32, #tpu.memory_space<vmem>>, vector<16xf32>,
        tpu.vector_store %arg9[%swap3A_126], %masked_sort3A_122 {strides = array<i32>} : memref<50192xf32, #tpu.memory_space<vmem>>, vector<16xf32>,
        %mul3A_128 = arith.constant 8 : i32
        %mul3A_129 = arith.muli %scan3A_111, %mul3A_128 : i32
        %add3A_130 = arith.constant 1 : i32
        %add3A_131 = arith.addi %mul3A_129, %add3A_130 : i32
        %mul3A_132 = arith.constant 16 : i32
        %mul3A_133 = arith.muli %add3A_131, %mul3A_132 : i32
        %get3A_134 = arith.index_cast %mul3A_133 : i32 to index
        %get3A_135 = tpu.vector_load %arg9[%get3A_134] {strides = array<i32>} : memref<50192xf32, #tpu.memory_space<vmem>>, vector<16xf32>,
        %masked_sort3A_136 = arith.constant dense<true> : vector<16xi1>
        %masked_sort3A_137, %masked_sort3A_138, %masked_sort3A_139 = tpu.sort %get3A_135, %get3A_135 masked %masked_sort3A_136 : (vector<16xf32>, vector<16xf32>, vector<16xi1>) -> (vector<16xi1>, vector<16xf32>, vector<16xf32>)
        %mul3A_140 = arith.constant 16 : i32
        %mul3A_141 = arith.muli %add3A_131, %mul3A_140 : i32
        %swap3A_142 = arith.index_cast %mul3A_141 : i32 to index
        %swap3A_143 = tpu.vector_load %arg9[%swap3A_142] {strides = array<i32>} : memref<50192xf32, #tpu.memory_space<vmem>>, vector<16xf32>,
        tpu.vector_store %arg9[%swap3A_142], %masked_sort3A_138 {strides = array<i32>} : memref<50192xf32, #tpu.memory_space<vmem>>, vector<16xf32>,
        %mul3A_144 = arith.constant 8 : i32
        %mul3A_145 = arith.muli %scan3A_111, %mul3A_144 : i32
        %add3A_146 = arith.constant 2 : i32
        %add3A_147 = arith.addi %mul3A_145, %add3A_146 : i32
        %mul3A_148 = arith.constant 16 : i32
        %mul3A_149 = arith.muli %add3A_147, %mul3A_148 : i32
        %get3A_150 = arith.index_cast %mul3A_149 : i32 to index
        %get3A_151 = tpu.vector_load %arg9[%get3A_150] {strides = array<i32>} : memref<50192xf32, #tpu.memory_space<vmem>>, vector<16xf32>,
        %masked_sort3A_152 = arith.constant dense<true> : vector<16xi1>
        %masked_sort3A_153, %masked_sort3A_154, %masked_sort3A_155 = tpu.sort %get3A_151, %get3A_151 masked %masked_sort3A_152 : (vector<16xf32>, vector<16xf32>, vector<16xi1>) -> (vector<16xi1>, vector<16xf32>, vector<16xf32>)
        %mul3A_156 = arith.constant 16 : i32
        %mul3A_157 = arith.muli %add3A_147, %mul3A_156 : i32
        %swap3A_158 = arith.index_cast %mul3A_157 : i32 to index
        %swap3A_159 = tpu.vector_load %arg9[%swap3A_158] {strides = array<i32>} : memref<50192xf32, #tpu.memory_space<vmem>>, vector<16xf32>,
        tpu.vector_store %arg9[%swap3A_158], %masked_sort3A_154 {strides = array<i32>} : memref<50192xf32, #tpu.memory_space<vmem>>, vector<16xf32>,
        %mul3A_160 = arith.constant 8 : i32
        %mul3A_161 = arith.muli %scan3A_111, %mul3A_160 : i32
        %add3A_162 = arith.constant 3 : i32
        %add3A_163 = arith.addi %mul3A_161, %add3A_162 : i32
        %mul3A_164 = arith.constant 16 : i32
        %mul3A_165 = arith.muli %add3A_163, %mul3A_164 : i32
        %get3A_166 = arith.index_cast %mul3A_165 : i32 to index
        %get3A_167 = tpu.vector_load %arg9[%get3A_166] {strides = array<i32>} : memref<50192xf32, #tpu.memory_space<vmem>>, vector<16xf32>,
        %masked_sort3A_168 = arith.constant dense<true> : vector<16xi1>
        %masked_sort3A_169, %masked_sort3A_170, %masked_sort3A_171 = tpu.sort %get3A_167, %get3A_167 masked %masked_sort3A_168 : (vector<16xf32>, vector<16xf32>, vector<16xi1>) -> (vector<16xi1>, vector<16xf32>, vector<16xf32>)
        %mul3A_172 = arith.constant 16 : i32
        %mul3A_173 = arith.muli %add3A_163, %mul3A_172 : i32
        %swap3A_174 = arith.index_cast %mul3A_173 : i32 to index
        %swap3A_175 = tpu.vector_load %arg9[%swap3A_174] {strides = array<i32>} : memref<50192xf32, #tpu.memory_space<vmem>>, vector<16xf32>,
        tpu.vector_store %arg9[%swap3A_174], %masked_sort3A_170 {strides = array<i32>} : memref<50192xf32, #tpu.memory_space<vmem>>, vector<16xf32>,
        %mul3A_176 = arith.constant 8 : i32
        %mul3A_177 = arith.muli %scan3A_111, %mul3A_176 : i32
        %add3A_178 = arith.constant 4 : i32
        %add3A_179 = arith.addi %mul3A_177, %add3A_178 : i32
        %mul3A_180 = arith.constant 16 : i32
        %mul3A_181 = arith.muli %add3A_179, %mul3A_180 : i32
        %get3A_182 = arith.index_cast %mul3A_181 : i32 to index
        %get3A_183 = tpu.vector_load %arg9[%get3A_182] {strides = array<i32>} : memref<50192xf32, #tpu.memory_space<vmem>>, vector<16xf32>,
        %masked_sort3A_184 = arith.constant dense<true> : vector<16xi1>
        %masked_sort3A_185, %masked_sort3A_186, %masked_sort3A_187 = tpu.sort %get3A_183, %get3A_183 masked %masked_sort3A_184 : (vector<16xf32>, vector<16xf32>, vector<16xi1>) -> (vector<16xi1>, vector<16xf32>, vector<16xf32>)
        %mul3A_188 = arith.constant 16 : i32
        %mul3A_189 = arith.muli %add3A_179, %mul3A_188 : i32
        %swap3A_190 = arith.index_cast %mul3A_189 : i32 to index
        %swap3A_191 = tpu.vector_load %arg9[%swap3A_190] {strides = array<i32>} : memref<50192xf32, #tpu.memory_space<vmem>>, vector<16xf32>,
        tpu.vector_store %arg9[%swap3A_190], %masked_sort3A_186 {strides = array<i32>} : memref<50192xf32, #tpu.memory_space<vmem>>, vector<16xf32>,
        %mul3A_192 = arith.constant 8 : i32
        %mul3A_193 = arith.muli %scan3A_111, %mul3A_192 : i32
        %add3A_194 = arith.constant 5 : i32
        %add3A_195 = arith.addi %mul3A_193, %add3A_194 : i32
        %mul3A_196 = arith.constant 16 : i32
        %mul3A_197 = arith.muli %add3A_195, %mul3A_196 : i32
        %get3A_198 = arith.index_cast %mul3A_197 : i32 to index
        %get3A_199 = tpu.vector_load %arg9[%get3A_198] {strides = array<i32>} : memref<50192xf32, #tpu.memory_space<vmem>>, vector<16xf32>,
        %masked_sort3A_200 = arith.constant dense<true> : vector<16xi1>
        %masked_sort3A_201, %masked_sort3A_202, %masked_sort3A_203 = tpu.sort %get3A_199, %get3A_199 masked %masked_sort3A_200 : (vector<16xf32>, vector<16xf32>, vector<16xi1>) -> (vector<16xi1>, vector<16xf32>, vector<16xf32>)
        %mul3A_204 = arith.constant 16 : i32
        %mul3A_205 = arith.muli %add3A_195, %mul3A_204 : i32
        %swap3A_206 = arith.index_cast %mul3A_205 : i32 to index
        %swap3A_207 = tpu.vector_load %arg9[%swap3A_206] {strides = array<i32>} : memref<50192xf32, #tpu.memory_space<vmem>>, vector<16xf32>,
        tpu.vector_store %arg9[%swap3A_206], %masked_sort3A_202 {strides = array<i32>} : memref<50192xf32, #tpu.memory_space<vmem>>, vector<16xf32>,
        %mul3A_208 = arith.constant 8 : i32
        %mul3A_209 = arith.muli %scan3A_111, %mul3A_208 : i32
        %add3A_210 = arith.constant 6 : i32
        %add3A_211 = arith.addi %mul3A_209, %add3A_210 : i32
        %mul3A_212 = arith.constant 16 : i32
        %mul3A_213 = arith.muli %add3A_211, %mul3A_212 : i32
        %get3A_214 = arith.index_cast %mul3A_213 : i32 to index
        %get3A_215 = tpu.vector_load %arg9[%get3A_214] {strides = array<i32>} : memref<50192xf32, #tpu.memory_space<vmem>>, vector<16xf32>,
        %masked_sort3A_216 = arith.constant dense<true> : vector<16xi1>
        %masked_sort3A_217, %masked_sort3A_218, %masked_sort3A_219 = tpu.sort %get3A_215, %get3A_215 masked %masked_sort3A_216 : (vector<16xf32>, vector<16xf32>, vector<16xi1>) -> (vector<16xi1>, vector<16xf32>, vector<16xf32>)
        %mul3A_220 = arith.constant 16 : i32
        %mul3A_221 = arith.muli %add3A_211, %mul3A_220 : i32
        %swap3A_222 = arith.index_cast %mul3A_221 : i32 to index
        %swap3A_223 = tpu.vector_load %arg9[%swap3A_222] {strides = array<i32>} : memref<50192xf32, #tpu.memory_space<vmem>>, vector<16xf32>,
        tpu.vector_store %arg9[%swap3A_222], %masked_sort3A_218 {strides = array<i32>} : memref<50192xf32, #tpu.memory_space<vmem>>, vector<16xf32>,
        %mul3A_224 = arith.constant 8 : i32
        %mul3A_225 = arith.muli %scan3A_111, %mul3A_224 : i32
        %add3A_226 = arith.constant 7 : i32
        %add3A_227 = arith.addi %mul3A_225, %add3A_226 : i32
        %mul3A_228 = arith.constant 16 : i32
        %mul3A_229 = arith.muli %add3A_227, %mul3A_228 : i32
        %get3A_230 = arith.index_cast %mul3A_229 : i32 to index
        %get3A_231 = tpu.vector_load %arg9[%get3A_230] {strides = array<i32>} : memref<50192xf32, #tpu.memory_space<vmem>>, vector<16xf32>,
        %masked_sort3A_232 = arith.constant dense<true> : vector<16xi1>
        %masked_sort3A_233, %masked_sort3A_234, %masked_sort3A_235 = tpu.sort %get3A_231, %get3A_231 masked %masked_sort3A_232 : (vector<16xf32>, vector<16xf32>, vector<16xi1>) -> (vector<16xi1>, vector<16xf32>, vector<16xf32>)
        %mul3A_236 = arith.constant 16 : i32
        %mul3A_237 = arith.muli %add3A_227, %mul3A_236 : i32
        %swap3A_238 = arith.index_cast %mul3A_237 : i32 to index
        %swap3A_239 = tpu.vector_load %arg9[%swap3A_238] {strides = array<i32>} : memref<50192xf32, #tpu.memory_space<vmem>>, vector<16xf32>,
        tpu.vector_store %arg9[%swap3A_238], %masked_sort3A_234 {strides = array<i32>} : memref<50192xf32, #tpu.memory_space<vmem>>, vector<16xf32>,
        %scan3A_240 = arith.constant 0 : i32
        scf.yield %scan3A_240 : i32
      }
      %scan3A_76 = arith.constant 392 : i32
      %while3A = arith.constant true
      "tpu.trace_stop"() : () -> ()
      "tpu.trace_start"() <{level = 10 : i32, message = "ph_merge_n"}> : () -> ()
      %while3A_77 = scf.while (%while3A_111 = %while3A) : (i1) -> i1 {
        scf.condition(%while3A_111) %while3A_111 : i1
      } do {
      ^bb0(%while3A_111: i1):
        %broadcast_in_dim3A_112 = arith.constant false
        %broadcast_in_dim3A_113 = vector.broadcast %broadcast_in_dim3A_112 : i1 to vector<16xi1>
        %scan3A_114 = arith.constant 0 : i32
        %scan3A_115 = arith.constant 392 : i32
        %scan3A_116 = arith.addi %scan3A_114, %scan3A_115 : i32
        %scan3A_117 = arith.constant 1 : i32
        %scan3A_118 = scf.for %scan3A_138 = %scan3A_114 to %scan3A_116 step %scan3A_117 iter_args(%scan3A_139 = %broadcast_in_dim3A_113) -> (vector<16xi1>)  : i32 {
          %mul3A_140 = arith.constant 4 : i32
          %mul3A_141 = arith.muli %scan3A_138, %mul3A_140 : i32
          %add3A_142 = arith.constant 0 : i32
          %add3A_143 = arith.addi %mul3A_141, %add3A_142 : i32
          %mul3A_144 = arith.constant 2 : i32
          %mul3A_145 = arith.muli %add3A_143, %mul3A_144 : i32
          %add3A_146 = arith.constant 0 : i32
          %add3A_147 = arith.addi %mul3A_145, %add3A_146 : i32
          %mul3A_148 = arith.constant 16 : i32
          %mul3A_149 = arith.muli %add3A_147, %mul3A_148 : i32
          %get3A_150 = arith.index_cast %mul3A_149 : i32 to index
          %get3A_151 = tpu.vector_load %arg9[%get3A_150] {strides = array<i32>} : memref<50192xf32, #tpu.memory_space<vmem>>, vector<16xf32>,
          %add3A_152 = arith.constant 16 : i32
          %add3A_153 = arith.addi %mul3A_149, %add3A_152 : i32
          %get3A_154 = arith.index_cast %add3A_153 : i32 to index
          %get3A_155 = tpu.vector_load %arg9[%get3A_154] {strides = array<i32>} : memref<50192xf32, #tpu.memory_space<vmem>>, vector<16xf32>,
          %rev3A = arith.constant 15 : i32
          %rev3A_156 = vector.broadcast %rev3A : i32 to vector<16xi32>
          %rev3A_157 = tpu.iota {dimensions = array<i32: 0>} : vector<16xi32>
          %rev3A_158 = arith.subi %rev3A_156, %rev3A_157 : vector<16xi32>
          %rev3A_159 = tpu.dynamic_gather %get3A_155[%rev3A_158] in [0] : vector<16xf32>, vector<16xi32> -> vector<16xf32>
          %min3A = arith.minimumf %get3A_151, %rev3A_159 : vector<16xf32>
          %max3A = arith.maximumf %get3A_151, %rev3A_159 : vector<16xf32>
          %masked_sort3A = arith.constant dense<true> : vector<16xi1>
          %masked_sort3A_160, %masked_sort3A_161, %masked_sort3A_162 = tpu.sort %min3A, %min3A masked %masked_sort3A : (vector<16xf32>, vector<16xf32>, vector<16xi1>) -> (vector<16xi1>, vector<16xf32>, vector<16xf32>)
          %masked_sort3A_163 = arith.constant dense<true> : vector<16xi1>
          %masked_sort3A_164, %masked_sort3A_165, %masked_sort3A_166 = tpu.sort %max3A, %max3A masked %masked_sort3A_163 : (vector<16xf32>, vector<16xf32>, vector<16xi1>) -> (vector<16xi1>, vector<16xf32>, vector<16xf32>)
          %swap3A_167 = arith.index_cast %mul3A_149 : i32 to index
          %swap3A_168 = tpu.vector_load %arg9[%swap3A_167] {strides = array<i32>} : memref<50192xf32, #tpu.memory_space<vmem>>, vector<16xf32>,
          tpu.vector_store %arg9[%swap3A_167], %masked_sort3A_161 {strides = array<i32>} : memref<50192xf32, #tpu.memory_space<vmem>>, vector<16xf32>,
          %add3A_169 = arith.constant 16 : i32
          %add3A_170 = arith.addi %mul3A_149, %add3A_169 : i32
          %swap3A_171 = arith.index_cast %add3A_170 : i32 to index
          %swap3A_172 = tpu.vector_load %arg9[%swap3A_171] {strides = array<i32>} : memref<50192xf32, #tpu.memory_space<vmem>>, vector<16xf32>,
          tpu.vector_store %arg9[%swap3A_171], %masked_sort3A_165 {strides = array<i32>} : memref<50192xf32, #tpu.memory_space<vmem>>, vector<16xf32>,
          %ne3A = arith.cmpf one, %masked_sort3A_161, %get3A_151 : vector<16xf32>
          %ne3A_173 = arith.cmpf one, %masked_sort3A_165, %get3A_155 : vector<16xf32>
          %or3A_174 = arith.ori %ne3A, %ne3A_173 : vector<16xi1>
          %or3A_175 = arith.ori %scan3A_139, %or3A_174 : vector<16xi1>
          %mul3A_176 = arith.constant 4 : i32
          %mul3A_177 = arith.muli %scan3A_138, %mul3A_176 : i32
          %add3A_178 = arith.constant 1 : i32
          %add3A_179 = arith.addi %mul3A_177, %add3A_178 : i32
          %mul3A_180 = arith.constant 2 : i32
          %mul3A_181 = arith.muli %add3A_179, %mul3A_180 : i32
          %add3A_182 = arith.constant 0 : i32
          %add3A_183 = arith.addi %mul3A_181, %add3A_182 : i32
          %mul3A_184 = arith.constant 16 : i32
          %mul3A_185 = arith.muli %add3A_183, %mul3A_184 : i32
          %get3A_186 = arith.index_cast %mul3A_185 : i32 to index
          %get3A_187 = tpu.vector_load %arg9[%get3A_186] {strides = array<i32>} : memref<50192xf32, #tpu.memory_space<vmem>>, vector<16xf32>,
          %add3A_188 = arith.constant 16 : i32
          %add3A_189 = arith.addi %mul3A_185, %add3A_188 : i32
          %get3A_190 = arith.index_cast %add3A_189 : i32 to index
          %get3A_191 = tpu.vector_load %arg9[%get3A_190] {strides = array<i32>} : memref<50192xf32, #tpu.memory_space<vmem>>, vector<16xf32>,
          %rev3A_192 = arith.constant 15 : i32
          %rev3A_193 = vector.broadcast %rev3A_192 : i32 to vector<16xi32>
          %rev3A_194 = tpu.iota {dimensions = array<i32: 0>} : vector<16xi32>
          %rev3A_195 = arith.subi %rev3A_193, %rev3A_194 : vector<16xi32>
          %rev3A_196 = tpu.dynamic_gather %get3A_191[%rev3A_195] in [0] : vector<16xf32>, vector<16xi32> -> vector<16xf32>
          %min3A_197 = arith.minimumf %get3A_187, %rev3A_196 : vector<16xf32>
          %max3A_198 = arith.maximumf %get3A_187, %rev3A_196 : vector<16xf32>
          %masked_sort3A_199 = arith.constant dense<true> : vector<16xi1>
          %masked_sort3A_200, %masked_sort3A_201, %masked_sort3A_202 = tpu.sort %min3A_197, %min3A_197 masked %masked_sort3A_199 : (vector<16xf32>, vector<16xf32>, vector<16xi1>) -> (vector<16xi1>, vector<16xf32>, vector<16xf32>)
          %masked_sort3A_203 = arith.constant dense<true> : vector<16xi1>
          %masked_sort3A_204, %masked_sort3A_205, %masked_sort3A_206 = tpu.sort %max3A_198, %max3A_198 masked %masked_sort3A_203 : (vector<16xf32>, vector<16xf32>, vector<16xi1>) -> (vector<16xi1>, vector<16xf32>, vector<16xf32>)
          %swap3A_207 = arith.index_cast %mul3A_185 : i32 to index
          %swap3A_208 = tpu.vector_load %arg9[%swap3A_207] {strides = array<i32>} : memref<50192xf32, #tpu.memory_space<vmem>>, vector<16xf32>,
          tpu.vector_store %arg9[%swap3A_207], %masked_sort3A_201 {strides = array<i32>} : memref<50192xf32, #tpu.memory_space<vmem>>, vector<16xf32>,
          %add3A_209 = arith.constant 16 : i32
          %add3A_210 = arith.addi %mul3A_185, %add3A_209 : i32
          %swap3A_211 = arith.index_cast %add3A_210 : i32 to index
          %swap3A_212 = tpu.vector_load %arg9[%swap3A_211] {strides = array<i32>} : memref<50192xf32, #tpu.memory_space<vmem>>, vector<16xf32>,
          tpu.vector_store %arg9[%swap3A_211], %masked_sort3A_205 {strides = array<i32>} : memref<50192xf32, #tpu.memory_space<vmem>>, vector<16xf32>,
          %ne3A_213 = arith.cmpf one, %masked_sort3A_201, %get3A_187 : vector<16xf32>
          %ne3A_214 = arith.cmpf one, %masked_sort3A_205, %get3A_191 : vector<16xf32>
          %or3A_215 = arith.ori %ne3A_213, %ne3A_214 : vector<16xi1>
          %or3A_216 = arith.ori %or3A_175, %or3A_215 : vector<16xi1>
          %mul3A_217 = arith.constant 4 : i32
          %mul3A_218 = arith.muli %scan3A_138, %mul3A_217 : i32
          %add3A_219 = arith.constant 2 : i32
          %add3A_220 = arith.addi %mul3A_218, %add3A_219 : i32
          %mul3A_221 = arith.constant 2 : i32
          %mul3A_222 = arith.muli %add3A_220, %mul3A_221 : i32
          %add3A_223 = arith.constant 0 : i32
          %add3A_224 = arith.addi %mul3A_222, %add3A_223 : i32
          %mul3A_225 = arith.constant 16 : i32
          %mul3A_226 = arith.muli %add3A_224, %mul3A_225 : i32
          %get3A_227 = arith.index_cast %mul3A_226 : i32 to index
          %get3A_228 = tpu.vector_load %arg9[%get3A_227] {strides = array<i32>} : memref<50192xf32, #tpu.memory_space<vmem>>, vector<16xf32>,
          %add3A_229 = arith.constant 16 : i32
          %add3A_230 = arith.addi %mul3A_226, %add3A_229 : i32
          %get3A_231 = arith.index_cast %add3A_230 : i32 to index
          %get3A_232 = tpu.vector_load %arg9[%get3A_231] {strides = array<i32>} : memref<50192xf32, #tpu.memory_space<vmem>>, vector<16xf32>,
          %rev3A_233 = arith.constant 15 : i32
          %rev3A_234 = vector.broadcast %rev3A_233 : i32 to vector<16xi32>
          %rev3A_235 = tpu.iota {dimensions = array<i32: 0>} : vector<16xi32>
          %rev3A_236 = arith.subi %rev3A_234, %rev3A_235 : vector<16xi32>
          %rev3A_237 = tpu.dynamic_gather %get3A_232[%rev3A_236] in [0] : vector<16xf32>, vector<16xi32> -> vector<16xf32>
          %min3A_238 = arith.minimumf %get3A_228, %rev3A_237 : vector<16xf32>
          %max3A_239 = arith.maximumf %get3A_228, %rev3A_237 : vector<16xf32>
          %masked_sort3A_240 = arith.constant dense<true> : vector<16xi1>
          %masked_sort3A_241, %masked_sort3A_242, %masked_sort3A_243 = tpu.sort %min3A_238, %min3A_238 masked %masked_sort3A_240 : (vector<16xf32>, vector<16xf32>, vector<16xi1>) -> (vector<16xi1>, vector<16xf32>, vector<16xf32>)
          %masked_sort3A_244 = arith.constant dense<true> : vector<16xi1>
          %masked_sort3A_245, %masked_sort3A_246, %masked_sort3A_247 = tpu.sort %max3A_239, %max3A_239 masked %masked_sort3A_244 : (vector<16xf32>, vector<16xf32>, vector<16xi1>) -> (vector<16xi1>, vector<16xf32>, vector<16xf32>)
          %swap3A_248 = arith.index_cast %mul3A_226 : i32 to index
          %swap3A_249 = tpu.vector_load %arg9[%swap3A_248] {strides = array<i32>} : memref<50192xf32, #tpu.memory_space<vmem>>, vector<16xf32>,
          tpu.vector_store %arg9[%swap3A_248], %masked_sort3A_242 {strides = array<i32>} : memref<50192xf32, #tpu.memory_space<vmem>>, vector<16xf32>,
          %add3A_250 = arith.constant 16 : i32
          %add3A_251 = arith.addi %mul3A_226, %add3A_250 : i32
          %swap3A_252 = arith.index_cast %add3A_251 : i32 to index
          %swap3A_253 = tpu.vector_load %arg9[%swap3A_252] {strides = array<i32>} : memref<50192xf32, #tpu.memory_space<vmem>>, vector<16xf32>,
          tpu.vector_store %arg9[%swap3A_252], %masked_sort3A_246 {strides = array<i32>} : memref<50192xf32, #tpu.memory_space<vmem>>, vector<16xf32>,
          %ne3A_254 = arith.cmpf one, %masked_sort3A_242, %get3A_228 : vector<16xf32>
          %ne3A_255 = arith.cmpf one, %masked_sort3A_246, %get3A_232 : vector<16xf32>
          %or3A_256 = arith.ori %ne3A_254, %ne3A_255 : vector<16xi1>
          %or3A_257 = arith.ori %or3A_216, %or3A_256 : vector<16xi1>
          %mul3A_258 = arith.constant 4 : i32
          %mul3A_259 = arith.muli %scan3A_138, %mul3A_258 : i32
          %add3A_260 = arith.constant 3 : i32
          %add3A_261 = arith.addi %mul3A_259, %add3A_260 : i32
          %mul3A_262 = arith.constant 2 : i32
          %mul3A_263 = arith.muli %add3A_261, %mul3A_262 : i32
          %add3A_264 = arith.constant 0 : i32
          %add3A_265 = arith.addi %mul3A_263, %add3A_264 : i32
          %mul3A_266 = arith.constant 16 : i32
          %mul3A_267 = arith.muli %add3A_265, %mul3A_266 : i32
          %get3A_268 = arith.index_cast %mul3A_267 : i32 to index
          %get3A_269 = tpu.vector_load %arg9[%get3A_268] {strides = array<i32>} : memref<50192xf32, #tpu.memory_space<vmem>>, vector<16xf32>,
          %add3A_270 = arith.constant 16 : i32
          %add3A_271 = arith.addi %mul3A_267, %add3A_270 : i32
          %get3A_272 = arith.index_cast %add3A_271 : i32 to index
          %get3A_273 = tpu.vector_load %arg9[%get3A_272] {strides = array<i32>} : memref<50192xf32, #tpu.memory_space<vmem>>, vector<16xf32>,
          %rev3A_274 = arith.constant 15 : i32
          %rev3A_275 = vector.broadcast %rev3A_274 : i32 to vector<16xi32>
          %rev3A_276 = tpu.iota {dimensions = array<i32: 0>} : vector<16xi32>
          %rev3A_277 = arith.subi %rev3A_275, %rev3A_276 : vector<16xi32>
          %rev3A_278 = tpu.dynamic_gather %get3A_273[%rev3A_277] in [0] : vector<16xf32>, vector<16xi32> -> vector<16xf32>
          %min3A_279 = arith.minimumf %get3A_269, %rev3A_278 : vector<16xf32>
          %max3A_280 = arith.maximumf %get3A_269, %rev3A_278 : vector<16xf32>
          %masked_sort3A_281 = arith.constant dense<true> : vector<16xi1>
          %masked_sort3A_282, %masked_sort3A_283, %masked_sort3A_284 = tpu.sort %min3A_279, %min3A_279 masked %masked_sort3A_281 : (vector<16xf32>, vector<16xf32>, vector<16xi1>) -> (vector<16xi1>, vector<16xf32>, vector<16xf32>)
          %masked_sort3A_285 = arith.constant dense<true> : vector<16xi1>
          %masked_sort3A_286, %masked_sort3A_287, %masked_sort3A_288 = tpu.sort %max3A_280, %max3A_280 masked %masked_sort3A_285 : (vector<16xf32>, vector<16xf32>, vector<16xi1>) -> (vector<16xi1>, vector<16xf32>, vector<16xf32>)
          %swap3A_289 = arith.index_cast %mul3A_267 : i32 to index
          %swap3A_290 = tpu.vector_load %arg9[%swap3A_289] {strides = array<i32>} : memref<50192xf32, #tpu.memory_space<vmem>>, vector<16xf32>,
          tpu.vector_store %arg9[%swap3A_289], %masked_sort3A_283 {strides = array<i32>} : memref<50192xf32, #tpu.memory_space<vmem>>, vector<16xf32>,
          %add3A_291 = arith.constant 16 : i32
          %add3A_292 = arith.addi %mul3A_267, %add3A_291 : i32
          %swap3A_293 = arith.index_cast %add3A_292 : i32 to index
          %swap3A_294 = tpu.vector_load %arg9[%swap3A_293] {strides = array<i32>} : memref<50192xf32, #tpu.memory_space<vmem>>, vector<16xf32>,
          tpu.vector_store %arg9[%swap3A_293], %masked_sort3A_287 {strides = array<i32>} : memref<50192xf32, #tpu.memory_space<vmem>>, vector<16xf32>,
          %ne3A_295 = arith.cmpf one, %masked_sort3A_283, %get3A_269 : vector<16xf32>
          %ne3A_296 = arith.cmpf one, %masked_sort3A_287, %get3A_273 : vector<16xf32>
          %or3A_297 = arith.ori %ne3A_295, %ne3A_296 : vector<16xi1>
          %or3A_298 = arith.ori %or3A_257, %or3A_297 : vector<16xi1>
          scf.yield %or3A_298 : vector<16xi1>
        }
        %scan3A_119 = arith.constant 392 : i32
        %broadcast_in_dim3A_120 = arith.constant false
        %broadcast_in_dim3A_121 = vector.broadcast %broadcast_in_dim3A_120 : i1 to vector<16xi1>
        %scan3A_122 = arith.constant 0 : i32
        %scan3A_123 = arith.constant 392 : i32
        %scan3A_124 = arith.addi %scan3A_122, %scan3A_123 : i32
        %scan3A_125 = arith.constant 1 : i32
        %scan3A_126 = scf.for %scan3A_138 = %scan3A_122 to %scan3A_124 step %scan3A_125 iter_args(%scan3A_139 = %broadcast_in_dim3A_121) -> (vector<16xi1>)  : i32 {
          %mul3A_140 = arith.constant 4 : i32
          %mul3A_141 = arith.muli %scan3A_138, %mul3A_140 : i32
          %add3A_142 = arith.constant 0 : i32
          %add3A_143 = arith.addi %mul3A_141, %add3A_142 : i32
          %mul3A_144 = arith.constant 2 : i32
          %mul3A_145 = arith.muli %add3A_143, %mul3A_144 : i32
          %add3A_146 = arith.constant 1 : i32
          %add3A_147 = arith.addi %mul3A_145, %add3A_146 : i32
          %mul3A_148 = arith.constant 16 : i32
          %mul3A_149 = arith.muli %add3A_147, %mul3A_148 : i32
          %get3A_150 = arith.index_cast %mul3A_149 : i32 to index
          %get3A_151 = tpu.vector_load %arg9[%get3A_150] {strides = array<i32>} : memref<50192xf32, #tpu.memory_space<vmem>>, vector<16xf32>,
          %add3A_152 = arith.constant 16 : i32
          %add3A_153 = arith.addi %mul3A_149, %add3A_152 : i32
          %get3A_154 = arith.index_cast %add3A_153 : i32 to index
          %get3A_155 = tpu.vector_load %arg9[%get3A_154] {strides = array<i32>} : memref<50192xf32, #tpu.memory_space<vmem>>, vector<16xf32>,
          %rev3A = arith.constant 15 : i32
          %rev3A_156 = vector.broadcast %rev3A : i32 to vector<16xi32>
          %rev3A_157 = tpu.iota {dimensions = array<i32: 0>} : vector<16xi32>
          %rev3A_158 = arith.subi %rev3A_156, %rev3A_157 : vector<16xi32>
          %rev3A_159 = tpu.dynamic_gather %get3A_155[%rev3A_158] in [0] : vector<16xf32>, vector<16xi32> -> vector<16xf32>
          %min3A = arith.minimumf %get3A_151, %rev3A_159 : vector<16xf32>
          %max3A = arith.maximumf %get3A_151, %rev3A_159 : vector<16xf32>
          %masked_sort3A = arith.constant dense<true> : vector<16xi1>
          %masked_sort3A_160, %masked_sort3A_161, %masked_sort3A_162 = tpu.sort %min3A, %min3A masked %masked_sort3A : (vector<16xf32>, vector<16xf32>, vector<16xi1>) -> (vector<16xi1>, vector<16xf32>, vector<16xf32>)
          %masked_sort3A_163 = arith.constant dense<true> : vector<16xi1>
          %masked_sort3A_164, %masked_sort3A_165, %masked_sort3A_166 = tpu.sort %max3A, %max3A masked %masked_sort3A_163 : (vector<16xf32>, vector<16xf32>, vector<16xi1>) -> (vector<16xi1>, vector<16xf32>, vector<16xf32>)
          %swap3A_167 = arith.index_cast %mul3A_149 : i32 to index
          %swap3A_168 = tpu.vector_load %arg9[%swap3A_167] {strides = array<i32>} : memref<50192xf32, #tpu.memory_space<vmem>>, vector<16xf32>,
          tpu.vector_store %arg9[%swap3A_167], %masked_sort3A_161 {strides = array<i32>} : memref<50192xf32, #tpu.memory_space<vmem>>, vector<16xf32>,
          %add3A_169 = arith.constant 16 : i32
          %add3A_170 = arith.addi %mul3A_149, %add3A_169 : i32
          %swap3A_171 = arith.index_cast %add3A_170 : i32 to index
          %swap3A_172 = tpu.vector_load %arg9[%swap3A_171] {strides = array<i32>} : memref<50192xf32, #tpu.memory_space<vmem>>, vector<16xf32>,
          tpu.vector_store %arg9[%swap3A_171], %masked_sort3A_165 {strides = array<i32>} : memref<50192xf32, #tpu.memory_space<vmem>>, vector<16xf32>,
          %ne3A = arith.cmpf one, %masked_sort3A_161, %get3A_151 : vector<16xf32>
          %ne3A_173 = arith.cmpf one, %masked_sort3A_165, %get3A_155 : vector<16xf32>
          %or3A_174 = arith.ori %ne3A, %ne3A_173 : vector<16xi1>
          %or3A_175 = arith.ori %scan3A_139, %or3A_174 : vector<16xi1>
          %mul3A_176 = arith.constant 4 : i32
          %mul3A_177 = arith.muli %scan3A_138, %mul3A_176 : i32
          %add3A_178 = arith.constant 1 : i32
          %add3A_179 = arith.addi %mul3A_177, %add3A_178 : i32
          %mul3A_180 = arith.constant 2 : i32
          %mul3A_181 = arith.muli %add3A_179, %mul3A_180 : i32
          %add3A_182 = arith.constant 1 : i32
          %add3A_183 = arith.addi %mul3A_181, %add3A_182 : i32
          %mul3A_184 = arith.constant 16 : i32
          %mul3A_185 = arith.muli %add3A_183, %mul3A_184 : i32
          %get3A_186 = arith.index_cast %mul3A_185 : i32 to index
          %get3A_187 = tpu.vector_load %arg9[%get3A_186] {strides = array<i32>} : memref<50192xf32, #tpu.memory_space<vmem>>, vector<16xf32>,
          %add3A_188 = arith.constant 16 : i32
          %add3A_189 = arith.addi %mul3A_185, %add3A_188 : i32
          %get3A_190 = arith.index_cast %add3A_189 : i32 to index
          %get3A_191 = tpu.vector_load %arg9[%get3A_190] {strides = array<i32>} : memref<50192xf32, #tpu.memory_space<vmem>>, vector<16xf32>,
          %rev3A_192 = arith.constant 15 : i32
          %rev3A_193 = vector.broadcast %rev3A_192 : i32 to vector<16xi32>
          %rev3A_194 = tpu.iota {dimensions = array<i32: 0>} : vector<16xi32>
          %rev3A_195 = arith.subi %rev3A_193, %rev3A_194 : vector<16xi32>
          %rev3A_196 = tpu.dynamic_gather %get3A_191[%rev3A_195] in [0] : vector<16xf32>, vector<16xi32> -> vector<16xf32>
          %min3A_197 = arith.minimumf %get3A_187, %rev3A_196 : vector<16xf32>
          %max3A_198 = arith.maximumf %get3A_187, %rev3A_196 : vector<16xf32>
          %masked_sort3A_199 = arith.constant dense<true> : vector<16xi1>
          %masked_sort3A_200, %masked_sort3A_201, %masked_sort3A_202 = tpu.sort %min3A_197, %min3A_197 masked %masked_sort3A_199 : (vector<16xf32>, vector<16xf32>, vector<16xi1>) -> (vector<16xi1>, vector<16xf32>, vector<16xf32>)
          %masked_sort3A_203 = arith.constant dense<true> : vector<16xi1>
          %masked_sort3A_204, %masked_sort3A_205, %masked_sort3A_206 = tpu.sort %max3A_198, %max3A_198 masked %masked_sort3A_203 : (vector<16xf32>, vector<16xf32>, vector<16xi1>) -> (vector<16xi1>, vector<16xf32>, vector<16xf32>)
          %swap3A_207 = arith.index_cast %mul3A_185 : i32 to index
          %swap3A_208 = tpu.vector_load %arg9[%swap3A_207] {strides = array<i32>} : memref<50192xf32, #tpu.memory_space<vmem>>, vector<16xf32>,
          tpu.vector_store %arg9[%swap3A_207], %masked_sort3A_201 {strides = array<i32>} : memref<50192xf32, #tpu.memory_space<vmem>>, vector<16xf32>,
          %add3A_209 = arith.constant 16 : i32
          %add3A_210 = arith.addi %mul3A_185, %add3A_209 : i32
          %swap3A_211 = arith.index_cast %add3A_210 : i32 to index
          %swap3A_212 = tpu.vector_load %arg9[%swap3A_211] {strides = array<i32>} : memref<50192xf32, #tpu.memory_space<vmem>>, vector<16xf32>,
          tpu.vector_store %arg9[%swap3A_211], %masked_sort3A_205 {strides = array<i32>} : memref<50192xf32, #tpu.memory_space<vmem>>, vector<16xf32>,
          %ne3A_213 = arith.cmpf one, %masked_sort3A_201, %get3A_187 : vector<16xf32>
          %ne3A_214 = arith.cmpf one, %masked_sort3A_205, %get3A_191 : vector<16xf32>
          %or3A_215 = arith.ori %ne3A_213, %ne3A_214 : vector<16xi1>
          %or3A_216 = arith.ori %or3A_175, %or3A_215 : vector<16xi1>
          %mul3A_217 = arith.constant 4 : i32
          %mul3A_218 = arith.muli %scan3A_138, %mul3A_217 : i32
          %add3A_219 = arith.constant 2 : i32
          %add3A_220 = arith.addi %mul3A_218, %add3A_219 : i32
          %mul3A_221 = arith.constant 2 : i32
          %mul3A_222 = arith.muli %add3A_220, %mul3A_221 : i32
          %add3A_223 = arith.constant 1 : i32
          %add3A_224 = arith.addi %mul3A_222, %add3A_223 : i32
          %mul3A_225 = arith.constant 16 : i32
          %mul3A_226 = arith.muli %add3A_224, %mul3A_225 : i32
          %get3A_227 = arith.index_cast %mul3A_226 : i32 to index
          %get3A_228 = tpu.vector_load %arg9[%get3A_227] {strides = array<i32>} : memref<50192xf32, #tpu.memory_space<vmem>>, vector<16xf32>,
          %add3A_229 = arith.constant 16 : i32
          %add3A_230 = arith.addi %mul3A_226, %add3A_229 : i32
          %get3A_231 = arith.index_cast %add3A_230 : i32 to index
          %get3A_232 = tpu.vector_load %arg9[%get3A_231] {strides = array<i32>} : memref<50192xf32, #tpu.memory_space<vmem>>, vector<16xf32>,
          %rev3A_233 = arith.constant 15 : i32
          %rev3A_234 = vector.broadcast %rev3A_233 : i32 to vector<16xi32>
          %rev3A_235 = tpu.iota {dimensions = array<i32: 0>} : vector<16xi32>
          %rev3A_236 = arith.subi %rev3A_234, %rev3A_235 : vector<16xi32>
          %rev3A_237 = tpu.dynamic_gather %get3A_232[%rev3A_236] in [0] : vector<16xf32>, vector<16xi32> -> vector<16xf32>
          %min3A_238 = arith.minimumf %get3A_228, %rev3A_237 : vector<16xf32>
          %max3A_239 = arith.maximumf %get3A_228, %rev3A_237 : vector<16xf32>
          %masked_sort3A_240 = arith.constant dense<true> : vector<16xi1>
          %masked_sort3A_241, %masked_sort3A_242, %masked_sort3A_243 = tpu.sort %min3A_238, %min3A_238 masked %masked_sort3A_240 : (vector<16xf32>, vector<16xf32>, vector<16xi1>) -> (vector<16xi1>, vector<16xf32>, vector<16xf32>)
          %masked_sort3A_244 = arith.constant dense<true> : vector<16xi1>
          %masked_sort3A_245, %masked_sort3A_246, %masked_sort3A_247 = tpu.sort %max3A_239, %max3A_239 masked %masked_sort3A_244 : (vector<16xf32>, vector<16xf32>, vector<16xi1>) -> (vector<16xi1>, vector<16xf32>, vector<16xf32>)
          %swap3A_248 = arith.index_cast %mul3A_226 : i32 to index
          %swap3A_249 = tpu.vector_load %arg9[%swap3A_248] {strides = array<i32>} : memref<50192xf32, #tpu.memory_space<vmem>>, vector<16xf32>,
          tpu.vector_store %arg9[%swap3A_248], %masked_sort3A_242 {strides = array<i32>} : memref<50192xf32, #tpu.memory_space<vmem>>, vector<16xf32>,
          %add3A_250 = arith.constant 16 : i32
          %add3A_251 = arith.addi %mul3A_226, %add3A_250 : i32
          %swap3A_252 = arith.index_cast %add3A_251 : i32 to index
          %swap3A_253 = tpu.vector_load %arg9[%swap3A_252] {strides = array<i32>} : memref<50192xf32, #tpu.memory_space<vmem>>, vector<16xf32>,
          tpu.vector_store %arg9[%swap3A_252], %masked_sort3A_246 {strides = array<i32>} : memref<50192xf32, #tpu.memory_space<vmem>>, vector<16xf32>,
          %ne3A_254 = arith.cmpf one, %masked_sort3A_242, %get3A_228 : vector<16xf32>
          %ne3A_255 = arith.cmpf one, %masked_sort3A_246, %get3A_232 : vector<16xf32>
          %or3A_256 = arith.ori %ne3A_254, %ne3A_255 : vector<16xi1>
          %or3A_257 = arith.ori %or3A_216, %or3A_256 : vector<16xi1>
          %mul3A_258 = arith.constant 4 : i32
          %mul3A_259 = arith.muli %scan3A_138, %mul3A_258 : i32
          %add3A_260 = arith.constant 3 : i32
          %add3A_261 = arith.addi %mul3A_259, %add3A_260 : i32
          %mul3A_262 = arith.constant 2 : i32
          %mul3A_263 = arith.muli %add3A_261, %mul3A_262 : i32
          %add3A_264 = arith.constant 1 : i32
          %add3A_265 = arith.addi %mul3A_263, %add3A_264 : i32
          %mul3A_266 = arith.constant 16 : i32
          %mul3A_267 = arith.muli %add3A_265, %mul3A_266 : i32
          %get3A_268 = arith.index_cast %mul3A_267 : i32 to index
          %get3A_269 = tpu.vector_load %arg9[%get3A_268] {strides = array<i32>} : memref<50192xf32, #tpu.memory_space<vmem>>, vector<16xf32>,
          %add3A_270 = arith.constant 16 : i32
          %add3A_271 = arith.addi %mul3A_267, %add3A_270 : i32
          %get3A_272 = arith.index_cast %add3A_271 : i32 to index
          %get3A_273 = tpu.vector_load %arg9[%get3A_272] {strides = array<i32>} : memref<50192xf32, #tpu.memory_space<vmem>>, vector<16xf32>,
          %rev3A_274 = arith.constant 15 : i32
          %rev3A_275 = vector.broadcast %rev3A_274 : i32 to vector<16xi32>
          %rev3A_276 = tpu.iota {dimensions = array<i32: 0>} : vector<16xi32>
          %rev3A_277 = arith.subi %rev3A_275, %rev3A_276 : vector<16xi32>
          %rev3A_278 = tpu.dynamic_gather %get3A_273[%rev3A_277] in [0] : vector<16xf32>, vector<16xi32> -> vector<16xf32>
          %min3A_279 = arith.minimumf %get3A_269, %rev3A_278 : vector<16xf32>
          %max3A_280 = arith.maximumf %get3A_269, %rev3A_278 : vector<16xf32>
          %masked_sort3A_281 = arith.constant dense<true> : vector<16xi1>
          %masked_sort3A_282, %masked_sort3A_283, %masked_sort3A_284 = tpu.sort %min3A_279, %min3A_279 masked %masked_sort3A_281 : (vector<16xf32>, vector<16xf32>, vector<16xi1>) -> (vector<16xi1>, vector<16xf32>, vector<16xf32>)
          %masked_sort3A_285 = arith.constant dense<true> : vector<16xi1>
          %masked_sort3A_286, %masked_sort3A_287, %masked_sort3A_288 = tpu.sort %max3A_280, %max3A_280 masked %masked_sort3A_285 : (vector<16xf32>, vector<16xf32>, vector<16xi1>) -> (vector<16xi1>, vector<16xf32>, vector<16xf32>)
          %swap3A_289 = arith.index_cast %mul3A_267 : i32 to index
          %swap3A_290 = tpu.vector_load %arg9[%swap3A_289] {strides = array<i32>} : memref<50192xf32, #tpu.memory_space<vmem>>, vector<16xf32>,
          tpu.vector_store %arg9[%swap3A_289], %masked_sort3A_283 {strides = array<i32>} : memref<50192xf32, #tpu.memory_space<vmem>>, vector<16xf32>,
          %add3A_291 = arith.constant 16 : i32
          %add3A_292 = arith.addi %mul3A_267, %add3A_291 : i32
          %swap3A_293 = arith.index_cast %add3A_292 : i32 to index
          %swap3A_294 = tpu.vector_load %arg9[%swap3A_293] {strides = array<i32>} : memref<50192xf32, #tpu.memory_space<vmem>>, vector<16xf32>,
          tpu.vector_store %arg9[%swap3A_293], %masked_sort3A_287 {strides = array<i32>} : memref<50192xf32, #tpu.memory_space<vmem>>, vector<16xf32>,
          %ne3A_295 = arith.cmpf one, %masked_sort3A_283, %get3A_269 : vector<16xf32>
          %ne3A_296 = arith.cmpf one, %masked_sort3A_287, %get3A_273 : vector<16xf32>
          %or3A_297 = arith.ori %ne3A_295, %ne3A_296 : vector<16xi1>
          %or3A_298 = arith.ori %or3A_257, %or3A_297 : vector<16xi1>
          scf.yield %or3A_298 : vector<16xi1>
        }
        %scan3A_127 = arith.constant 392 : i32
        %or3A = arith.ori %scan3A_118, %scan3A_126 : vector<16xi1>
        %reduce_or3A = arith.constant 1.000000e+00 : f32
        %reduce_or3A_128 = arith.constant 0.000000e+00 : f32
        %reduce_or3A_129 = vector.broadcast %reduce_or3A : f32 to vector<16xf32>
        %reduce_or3A_130 = vector.broadcast %reduce_or3A_128 : f32 to vector<16xf32>
        %reduce_or3A_131 = arith.select %or3A, %reduce_or3A_129, %reduce_or3A_130 : vector<16xi1>, vector<16xf32>
        %reduce_or3A_132 = arith.constant true
        %reduce_or3A_133 = vector.broadcast %reduce_or3A_132 : i1 to vector<16xi1>
        %reduce_or3A_134 = tpu.scan <max>, %reduce_or3A_131 masked %reduce_or3A_133 : vector<16xf32>, vector<16xi1> -> vector<16xf32>
        %reduce_or3A_135 = vector.extract %reduce_or3A_134[15] : f32 from vector<16xf32>
        %reduce_or3A_136 = arith.constant 0.000000e+00 : f32
        %reduce_or3A_137 = arith.cmpf ogt, %reduce_or3A_135, %reduce_or3A_136 : f32
        scf.yield %reduce_or3A_137 : i1
      }
      "tpu.trace_stop"() : () -> ()
      "tpu.trace_start"() <{level = 10 : i32, message = "ph_stash"}> : () -> ()
      "tpu.region"() ({
        %run_scoped3A = tpu.sem_alloc : memref<!tpu.dma_semaphore, #tpu.memory_space<semaphore_mem>>
        %dma_start3A = arith.constant 0 : i32
        %dma_start3A_111 = tpu.memref_slice %arg9[%dma_start3A] : memref<50192xf32, #tpu.memory_space<vmem>> -> memref<50176xf32, #tpu.memory_space<vmem>>
        %dma_start3A_112 = tpu.memref_slice %arg8[%mul3A_34] : memref<1605632xf32, #tpu.memory_space<hbm>> -> memref<50176xf32, #tpu.memory_space<hbm>>
        %dma_start3A_113 = tpu.memref_slice %arg8[%mul3A_34] : memref<1605632xf32, #tpu.memory_space<hbm>> -> memref<50176xf32, #tpu.memory_space<hbm>>
        %dma_start3A_114 = arith.constant 0 : i32
        %dma_start3A_115 = tpu.memref_slice %arg9[%dma_start3A_114] : memref<50192xf32, #tpu.memory_space<vmem>> -> memref<50176xf32, #tpu.memory_space<vmem>>
        tpu.enqueue_dma source(%dma_start3A_115 : memref<50176xf32, #tpu.memory_space<vmem>>) target(%dma_start3A_113 : memref<50176xf32, #tpu.memory_space<hbm>>) target_semaphore(%run_scoped3A : memref<!tpu.dma_semaphore, #tpu.memory_space<semaphore_mem>>)
        %dma_wait3A = arith.constant 0 : i32
        %dma_wait3A_116 = tpu.memref_slice %arg9[%dma_wait3A] : memref<50192xf32, #tpu.memory_space<vmem>> -> memref<50176xf32, #tpu.memory_space<vmem>>
        %dma_wait3A_117 = tpu.memref_slice %arg8[%mul3A_34] : memref<1605632xf32, #tpu.memory_space<hbm>> -> memref<50176xf32, #tpu.memory_space<hbm>>
        %dma_wait3A_118 = tpu.memref_slice %arg8[%mul3A_34] : memref<1605632xf32, #tpu.memory_space<hbm>> -> memref<50176xf32, #tpu.memory_space<hbm>>
        %dma_wait3A_119 = arith.constant 0 : i32
        %dma_wait3A_120 = tpu.memref_slice %arg9[%dma_wait3A_119] : memref<50192xf32, #tpu.memory_space<vmem>> -> memref<50176xf32, #tpu.memory_space<vmem>>
        tpu.wait_dma2 semaphore(%run_scoped3A : memref<!tpu.dma_semaphore, #tpu.memory_space<semaphore_mem>>) src(%dma_wait3A_120 : memref<50176xf32, #tpu.memory_space<vmem>>) dst(%dma_wait3A_118 : memref<50176xf32, #tpu.memory_space<hbm>>)
        tpu.yield
      }) : () -> ()
      "tpu.trace_stop"() : () -> ()
      "tpu.trace_start"() <{level = 10 : i32, message = "ph_scatter_x"}> : () -> ()
      %scan3A_78 = arith.constant 0 : i32
      %scan3A_79 = arith.constant 0 : i32
      %scan3A_80 = arith.constant 28 : i32
      %scan3A_81 = arith.addi %scan3A_79, %scan3A_80 : i32
      %scan3A_82 = arith.constant 1 : i32
      %scan3A_83 = scf.for %scan3A_111 = %scan3A_79 to %scan3A_81 step %scan3A_82 iter_args(%scan3A_112 = %scan3A_78) -> (i32)  : i32 {
        %mul3A_113 = arith.constant 50176 : i32
        %mul3A_114 = arith.muli %add3A_32, %mul3A_113 : i32
        %mul3A_115 = arith.constant 1792 : i32
        %mul3A_116 = arith.muli %scan3A_111, %mul3A_115 : i32
        %add3A_117 = arith.addi %mul3A_114, %mul3A_116 : i32
        "tpu.region"() ({
          %run_scoped3A = tpu.sem_alloc : memref<!tpu.dma_semaphore, #tpu.memory_space<semaphore_mem>>
          %dma_start3A = tpu.memref_slice %arg2[%add3A_117] : memref<38535168xf32, #tpu.memory_space<hbm>> -> memref<1792xf32, #tpu.memory_space<hbm>>
          %dma_start3A_126 = tpu.memref_slice %arg2[%add3A_117] : memref<38535168xf32, #tpu.memory_space<hbm>> -> memref<1792xf32, #tpu.memory_space<hbm>>
          tpu.enqueue_dma source(%dma_start3A_126 : memref<1792xf32, #tpu.memory_space<hbm>>) target(%arg13 : memref<1792xf32, #tpu.memory_space<vmem>>) target_semaphore(%run_scoped3A : memref<!tpu.dma_semaphore, #tpu.memory_space<semaphore_mem>>)
          %dma_wait3A = tpu.memref_slice %arg2[%add3A_117] : memref<38535168xf32, #tpu.memory_space<hbm>> -> memref<1792xf32, #tpu.memory_space<hbm>>
          %dma_wait3A_127 = tpu.memref_slice %arg2[%add3A_117] : memref<38535168xf32, #tpu.memory_space<hbm>> -> memref<1792xf32, #tpu.memory_space<hbm>>
          tpu.wait_dma2 semaphore(%run_scoped3A : memref<!tpu.dma_semaphore, #tpu.memory_space<semaphore_mem>>) src(%dma_wait3A_127 : memref<1792xf32, #tpu.memory_space<hbm>>) dst(%arg13 : memref<1792xf32, #tpu.memory_space<vmem>>)
          tpu.yield
        }) : () -> ()
        %scan3A_118 = arith.constant 0 : i32
        %scan3A_119 = arith.constant 0 : i32
        %scan3A_120 = arith.constant 14 : i32
        %scan3A_121 = arith.addi %scan3A_119, %scan3A_120 : i32
        %scan3A_122 = arith.constant 1 : i32
        %scan3A_123 = scf.for %scan3A_126 = %scan3A_119 to %scan3A_121 step %scan3A_122 iter_args(%scan3A_127 = %scan3A_118) -> (i32)  : i32 {
          %mul3A_128 = arith.constant 8 : i32
          %mul3A_129 = arith.muli %scan3A_126, %mul3A_128 : i32
          %add3A_130 = arith.constant 0 : i32
          %add3A_131 = arith.addi %mul3A_129, %add3A_130 : i32
          %mul3A_132 = arith.constant 16 : i32
          %mul3A_133 = arith.muli %add3A_131, %mul3A_132 : i32
          %get3A_134 = arith.index_cast %mul3A_133 : i32 to index
          %get3A_135 = tpu.vector_load %arg13[%get3A_134] {strides = array<i32>} : memref<1792xf32, #tpu.memory_space<vmem>>, vector<16xf32>,
          %mul3A_136 = arith.constant 1792 : i32
          %mul3A_137 = arith.muli %scan3A_111, %mul3A_136 : i32
          %mul3A_138 = arith.constant 16 : i32
          %mul3A_139 = arith.muli %add3A_131, %mul3A_138 : i32
          %add3A_140 = arith.addi %mul3A_137, %mul3A_139 : i32
          %add3A_141 = vector.broadcast %add3A_140 : i32 to vector<16xi32>
          %add3A_142 = arith.addi %add3A_141, %iota3A : vector<16xi32>
          %convert_element_type3A = arith.sitofp %add3A_142 : vector<16xi32> to vector<16xf32>
          %sub3A = arith.subf %get3A_135, %get3A_2 : vector<16xf32>
          %mul3A_143 = arith.mulf %sub3A, %get3A_6 : vector<16xf32>
          %add3A_144 = arith.constant 5.500000e+00 : f32
          %add3A_145 = vector.broadcast %add3A_144 : f32 to vector<16xf32>
          %add3A_146 = arith.addf %mul3A_143, %add3A_145 : vector<16xf32>
          %mul3A_147 = arith.constant 2.909091 : f32
          %mul3A_148 = vector.broadcast %mul3A_147 : f32 to vector<16xf32>
          %mul3A_149 = arith.mulf %add3A_146, %mul3A_148 : vector<16xf32>
          %convert_element_type3A_150 = arith.fptosi %mul3A_149 : vector<16xf32> to vector<16xi32>
          %jit3A = arith.constant 0 : i32
          %jit3A_151 = arith.constant 31 : i32
          %max3A = vector.broadcast %jit3A : i32 to vector<16xi32>
          %max3A_152 = arith.maxsi %max3A, %convert_element_type3A_150 : vector<16xi32>
          %min3A = vector.broadcast %jit3A_151 : i32 to vector<16xi32>
          %min3A_153 = arith.minsi %min3A, %max3A_152 : vector<16xi32>
          %gather3A = tpu.vector_load_idx %arg16[%min3A_153] : memref<32xf32, #tpu.memory_space<vmem>>[vector<16xi32>], vector<16xf32>,
          %gather3A_154 = tpu.vector_load_idx %arg17[%min3A_153] : memref<32xf32, #tpu.memory_space<vmem>>[vector<16xi32>], vector<16xf32>,
          %mul3A_155 = arith.mulf %gather3A, %mul3A_143 : vector<16xf32>
          %add3A_156 = arith.addf %mul3A_155, %gather3A_154 : vector<16xf32>
          %convert_element_type3A_157 = arith.fptosi %add3A_156 : vector<16xf32> to vector<16xi32>
          %jit3A_158 = arith.constant 0 : i32
          %jit3A_159 = arith.constant 12543 : i32
          %max3A_160 = vector.broadcast %jit3A_158 : i32 to vector<16xi32>
          %max3A_161 = arith.maxsi %max3A_160, %convert_element_type3A_157 : vector<16xi32>
          %min3A_162 = vector.broadcast %jit3A_159 : i32 to vector<16xi32>
          %min3A_163 = arith.minsi %min3A_162, %max3A_161 : vector<16xi32>
          %broadcast_in_dim3A_164 = arith.constant true
          %broadcast_in_dim3A_165 = vector.broadcast %broadcast_in_dim3A_164 : i1 to vector<16xi1>
          %unique3A, %unique3A_166 = tpu.scan_count mask(%broadcast_in_dim3A_165 : vector<16xi1>) value(%min3A_163 : vector<16xi32>) : vector<16xi1>, vector<16xi32>
          %gather3A_167 = tpu.vector_load_idx %arg11[%min3A_163] : memref<12560xi32, #tpu.memory_space<vmem>>[vector<16xi32>], vector<16xi32>,
          %add3A_168 = arith.addi %gather3A_167, %unique3A_166 : vector<16xi32>
          %sub3A_169 = arith.constant 1 : i32
          %sub3A_170 = vector.broadcast %sub3A_169 : i32 to vector<16xi32>
          %sub3A_171 = arith.subi %add3A_168, %sub3A_170 : vector<16xi32>
          tpu.vector_store_idx %arg10[%sub3A_171], %get3A_135 : memref<50192xf32, #tpu.memory_space<vmem>>[vector<16xi32>], vector<16xf32>,
          tpu.vector_store_idx %arg9[%sub3A_171], %convert_element_type3A : memref<50192xf32, #tpu.memory_space<vmem>>[vector<16xi32>], vector<16xf32>,
          %add3A_172 = arith.addi %gather3A_167, %unique3A_166 : vector<16xi32>
          tpu.vector_store_idx %arg11[%min3A_163], %add3A_172 masked %unique3A : memref<12560xi32, #tpu.memory_space<vmem>>[vector<16xi32>], vector<16xi32>, vector<16xi1>
          %mul3A_173 = arith.constant 8 : i32
          %mul3A_174 = arith.muli %scan3A_126, %mul3A_173 : i32
          %add3A_175 = arith.constant 1 : i32
          %add3A_176 = arith.addi %mul3A_174, %add3A_175 : i32
          %mul3A_177 = arith.constant 16 : i32
          %mul3A_178 = arith.muli %add3A_176, %mul3A_177 : i32
          %get3A_179 = arith.index_cast %mul3A_178 : i32 to index
          %get3A_180 = tpu.vector_load %arg13[%get3A_179] {strides = array<i32>} : memref<1792xf32, #tpu.memory_space<vmem>>, vector<16xf32>,
          %mul3A_181 = arith.constant 1792 : i32
          %mul3A_182 = arith.muli %scan3A_111, %mul3A_181 : i32
          %mul3A_183 = arith.constant 16 : i32
          %mul3A_184 = arith.muli %add3A_176, %mul3A_183 : i32
          %add3A_185 = arith.addi %mul3A_182, %mul3A_184 : i32
          %add3A_186 = vector.broadcast %add3A_185 : i32 to vector<16xi32>
          %add3A_187 = arith.addi %add3A_186, %iota3A : vector<16xi32>
          %convert_element_type3A_188 = arith.sitofp %add3A_187 : vector<16xi32> to vector<16xf32>
          %sub3A_189 = arith.subf %get3A_180, %get3A_2 : vector<16xf32>
          %mul3A_190 = arith.mulf %sub3A_189, %get3A_6 : vector<16xf32>
          %add3A_191 = arith.constant 5.500000e+00 : f32
          %add3A_192 = vector.broadcast %add3A_191 : f32 to vector<16xf32>
          %add3A_193 = arith.addf %mul3A_190, %add3A_192 : vector<16xf32>
          %mul3A_194 = arith.constant 2.909091 : f32
          %mul3A_195 = vector.broadcast %mul3A_194 : f32 to vector<16xf32>
          %mul3A_196 = arith.mulf %add3A_193, %mul3A_195 : vector<16xf32>
          %convert_element_type3A_197 = arith.fptosi %mul3A_196 : vector<16xf32> to vector<16xi32>
          %jit3A_198 = arith.constant 0 : i32
          %jit3A_199 = arith.constant 31 : i32
          %max3A_200 = vector.broadcast %jit3A_198 : i32 to vector<16xi32>
          %max3A_201 = arith.maxsi %max3A_200, %convert_element_type3A_197 : vector<16xi32>
          %min3A_202 = vector.broadcast %jit3A_199 : i32 to vector<16xi32>
          %min3A_203 = arith.minsi %min3A_202, %max3A_201 : vector<16xi32>
          %gather3A_204 = tpu.vector_load_idx %arg16[%min3A_203] : memref<32xf32, #tpu.memory_space<vmem>>[vector<16xi32>], vector<16xf32>,
          %gather3A_205 = tpu.vector_load_idx %arg17[%min3A_203] : memref<32xf32, #tpu.memory_space<vmem>>[vector<16xi32>], vector<16xf32>,
          %mul3A_206 = arith.mulf %gather3A_204, %mul3A_190 : vector<16xf32>
          %add3A_207 = arith.addf %mul3A_206, %gather3A_205 : vector<16xf32>
          %convert_element_type3A_208 = arith.fptosi %add3A_207 : vector<16xf32> to vector<16xi32>
          %jit3A_209 = arith.constant 0 : i32
          %jit3A_210 = arith.constant 12543 : i32
          %max3A_211 = vector.broadcast %jit3A_209 : i32 to vector<16xi32>
          %max3A_212 = arith.maxsi %max3A_211, %convert_element_type3A_208 : vector<16xi32>
          %min3A_213 = vector.broadcast %jit3A_210 : i32 to vector<16xi32>
          %min3A_214 = arith.minsi %min3A_213, %max3A_212 : vector<16xi32>
          %broadcast_in_dim3A_215 = arith.constant true
          %broadcast_in_dim3A_216 = vector.broadcast %broadcast_in_dim3A_215 : i1 to vector<16xi1>
          %unique3A_217, %unique3A_218 = tpu.scan_count mask(%broadcast_in_dim3A_216 : vector<16xi1>) value(%min3A_214 : vector<16xi32>) : vector<16xi1>, vector<16xi32>
          %gather3A_219 = tpu.vector_load_idx %arg11[%min3A_214] : memref<12560xi32, #tpu.memory_space<vmem>>[vector<16xi32>], vector<16xi32>,
          %add3A_220 = arith.addi %gather3A_219, %unique3A_218 : vector<16xi32>
          %sub3A_221 = arith.constant 1 : i32
          %sub3A_222 = vector.broadcast %sub3A_221 : i32 to vector<16xi32>
          %sub3A_223 = arith.subi %add3A_220, %sub3A_222 : vector<16xi32>
          tpu.vector_store_idx %arg10[%sub3A_223], %get3A_180 : memref<50192xf32, #tpu.memory_space<vmem>>[vector<16xi32>], vector<16xf32>,
          tpu.vector_store_idx %arg9[%sub3A_223], %convert_element_type3A_188 : memref<50192xf32, #tpu.memory_space<vmem>>[vector<16xi32>], vector<16xf32>,
          %add3A_224 = arith.addi %gather3A_219, %unique3A_218 : vector<16xi32>
          tpu.vector_store_idx %arg11[%min3A_214], %add3A_224 masked %unique3A_217 : memref<12560xi32, #tpu.memory_space<vmem>>[vector<16xi32>], vector<16xi32>, vector<16xi1>
          %mul3A_225 = arith.constant 8 : i32
          %mul3A_226 = arith.muli %scan3A_126, %mul3A_225 : i32
          %add3A_227 = arith.constant 2 : i32
          %add3A_228 = arith.addi %mul3A_226, %add3A_227 : i32
          %mul3A_229 = arith.constant 16 : i32
          %mul3A_230 = arith.muli %add3A_228, %mul3A_229 : i32
          %get3A_231 = arith.index_cast %mul3A_230 : i32 to index
          %get3A_232 = tpu.vector_load %arg13[%get3A_231] {strides = array<i32>} : memref<1792xf32, #tpu.memory_space<vmem>>, vector<16xf32>,
          %mul3A_233 = arith.constant 1792 : i32
          %mul3A_234 = arith.muli %scan3A_111, %mul3A_233 : i32
          %mul3A_235 = arith.constant 16 : i32
          %mul3A_236 = arith.muli %add3A_228, %mul3A_235 : i32
          %add3A_237 = arith.addi %mul3A_234, %mul3A_236 : i32
          %add3A_238 = vector.broadcast %add3A_237 : i32 to vector<16xi32>
          %add3A_239 = arith.addi %add3A_238, %iota3A : vector<16xi32>
          %convert_element_type3A_240 = arith.sitofp %add3A_239 : vector<16xi32> to vector<16xf32>
          %sub3A_241 = arith.subf %get3A_232, %get3A_2 : vector<16xf32>
          %mul3A_242 = arith.mulf %sub3A_241, %get3A_6 : vector<16xf32>
          %add3A_243 = arith.constant 5.500000e+00 : f32
          %add3A_244 = vector.broadcast %add3A_243 : f32 to vector<16xf32>
          %add3A_245 = arith.addf %mul3A_242, %add3A_244 : vector<16xf32>
          %mul3A_246 = arith.constant 2.909091 : f32
          %mul3A_247 = vector.broadcast %mul3A_246 : f32 to vector<16xf32>
          %mul3A_248 = arith.mulf %add3A_245, %mul3A_247 : vector<16xf32>
          %convert_element_type3A_249 = arith.fptosi %mul3A_248 : vector<16xf32> to vector<16xi32>
          %jit3A_250 = arith.constant 0 : i32
          %jit3A_251 = arith.constant 31 : i32
          %max3A_252 = vector.broadcast %jit3A_250 : i32 to vector<16xi32>
          %max3A_253 = arith.maxsi %max3A_252, %convert_element_type3A_249 : vector<16xi32>
          %min3A_254 = vector.broadcast %jit3A_251 : i32 to vector<16xi32>
          %min3A_255 = arith.minsi %min3A_254, %max3A_253 : vector<16xi32>
          %gather3A_256 = tpu.vector_load_idx %arg16[%min3A_255] : memref<32xf32, #tpu.memory_space<vmem>>[vector<16xi32>], vector<16xf32>,
          %gather3A_257 = tpu.vector_load_idx %arg17[%min3A_255] : memref<32xf32, #tpu.memory_space<vmem>>[vector<16xi32>], vector<16xf32>,
          %mul3A_258 = arith.mulf %gather3A_256, %mul3A_242 : vector<16xf32>
          %add3A_259 = arith.addf %mul3A_258, %gather3A_257 : vector<16xf32>
          %convert_element_type3A_260 = arith.fptosi %add3A_259 : vector<16xf32> to vector<16xi32>
          %jit3A_261 = arith.constant 0 : i32
          %jit3A_262 = arith.constant 12543 : i32
          %max3A_263 = vector.broadcast %jit3A_261 : i32 to vector<16xi32>
          %max3A_264 = arith.maxsi %max3A_263, %convert_element_type3A_260 : vector<16xi32>
          %min3A_265 = vector.broadcast %jit3A_262 : i32 to vector<16xi32>
          %min3A_266 = arith.minsi %min3A_265, %max3A_264 : vector<16xi32>
          %broadcast_in_dim3A_267 = arith.constant true
          %broadcast_in_dim3A_268 = vector.broadcast %broadcast_in_dim3A_267 : i1 to vector<16xi1>
          %unique3A_269, %unique3A_270 = tpu.scan_count mask(%broadcast_in_dim3A_268 : vector<16xi1>) value(%min3A_266 : vector<16xi32>) : vector<16xi1>, vector<16xi32>
          %gather3A_271 = tpu.vector_load_idx %arg11[%min3A_266] : memref<12560xi32, #tpu.memory_space<vmem>>[vector<16xi32>], vector<16xi32>,
          %add3A_272 = arith.addi %gather3A_271, %unique3A_270 : vector<16xi32>
          %sub3A_273 = arith.constant 1 : i32
          %sub3A_274 = vector.broadcast %sub3A_273 : i32 to vector<16xi32>
          %sub3A_275 = arith.subi %add3A_272, %sub3A_274 : vector<16xi32>
          tpu.vector_store_idx %arg10[%sub3A_275], %get3A_232 : memref<50192xf32, #tpu.memory_space<vmem>>[vector<16xi32>], vector<16xf32>,
          tpu.vector_store_idx %arg9[%sub3A_275], %convert_element_type3A_240 : memref<50192xf32, #tpu.memory_space<vmem>>[vector<16xi32>], vector<16xf32>,
          %add3A_276 = arith.addi %gather3A_271, %unique3A_270 : vector<16xi32>
          tpu.vector_store_idx %arg11[%min3A_266], %add3A_276 masked %unique3A_269 : memref<12560xi32, #tpu.memory_space<vmem>>[vector<16xi32>], vector<16xi32>, vector<16xi1>
          %mul3A_277 = arith.constant 8 : i32
          %mul3A_278 = arith.muli %scan3A_126, %mul3A_277 : i32
          %add3A_279 = arith.constant 3 : i32
          %add3A_280 = arith.addi %mul3A_278, %add3A_279 : i32
          %mul3A_281 = arith.constant 16 : i32
          %mul3A_282 = arith.muli %add3A_280, %mul3A_281 : i32
          %get3A_283 = arith.index_cast %mul3A_282 : i32 to index
          %get3A_284 = tpu.vector_load %arg13[%get3A_283] {strides = array<i32>} : memref<1792xf32, #tpu.memory_space<vmem>>, vector<16xf32>,
          %mul3A_285 = arith.constant 1792 : i32
          %mul3A_286 = arith.muli %scan3A_111, %mul3A_285 : i32
          %mul3A_287 = arith.constant 16 : i32
          %mul3A_288 = arith.muli %add3A_280, %mul3A_287 : i32
          %add3A_289 = arith.addi %mul3A_286, %mul3A_288 : i32
          %add3A_290 = vector.broadcast %add3A_289 : i32 to vector<16xi32>
          %add3A_291 = arith.addi %add3A_290, %iota3A : vector<16xi32>
          %convert_element_type3A_292 = arith.sitofp %add3A_291 : vector<16xi32> to vector<16xf32>
          %sub3A_293 = arith.subf %get3A_284, %get3A_2 : vector<16xf32>
          %mul3A_294 = arith.mulf %sub3A_293, %get3A_6 : vector<16xf32>
          %add3A_295 = arith.constant 5.500000e+00 : f32
          %add3A_296 = vector.broadcast %add3A_295 : f32 to vector<16xf32>
          %add3A_297 = arith.addf %mul3A_294, %add3A_296 : vector<16xf32>
          %mul3A_298 = arith.constant 2.909091 : f32
          %mul3A_299 = vector.broadcast %mul3A_298 : f32 to vector<16xf32>
          %mul3A_300 = arith.mulf %add3A_297, %mul3A_299 : vector<16xf32>
          %convert_element_type3A_301 = arith.fptosi %mul3A_300 : vector<16xf32> to vector<16xi32>
          %jit3A_302 = arith.constant 0 : i32
          %jit3A_303 = arith.constant 31 : i32
          %max3A_304 = vector.broadcast %jit3A_302 : i32 to vector<16xi32>
          %max3A_305 = arith.maxsi %max3A_304, %convert_element_type3A_301 : vector<16xi32>
          %min3A_306 = vector.broadcast %jit3A_303 : i32 to vector<16xi32>
          %min3A_307 = arith.minsi %min3A_306, %max3A_305 : vector<16xi32>
          %gather3A_308 = tpu.vector_load_idx %arg16[%min3A_307] : memref<32xf32, #tpu.memory_space<vmem>>[vector<16xi32>], vector<16xf32>,
          %gather3A_309 = tpu.vector_load_idx %arg17[%min3A_307] : memref<32xf32, #tpu.memory_space<vmem>>[vector<16xi32>], vector<16xf32>,
          %mul3A_310 = arith.mulf %gather3A_308, %mul3A_294 : vector<16xf32>
          %add3A_311 = arith.addf %mul3A_310, %gather3A_309 : vector<16xf32>
          %convert_element_type3A_312 = arith.fptosi %add3A_311 : vector<16xf32> to vector<16xi32>
          %jit3A_313 = arith.constant 0 : i32
          %jit3A_314 = arith.constant 12543 : i32
          %max3A_315 = vector.broadcast %jit3A_313 : i32 to vector<16xi32>
          %max3A_316 = arith.maxsi %max3A_315, %convert_element_type3A_312 : vector<16xi32>
          %min3A_317 = vector.broadcast %jit3A_314 : i32 to vector<16xi32>
          %min3A_318 = arith.minsi %min3A_317, %max3A_316 : vector<16xi32>
          %broadcast_in_dim3A_319 = arith.constant true
          %broadcast_in_dim3A_320 = vector.broadcast %broadcast_in_dim3A_319 : i1 to vector<16xi1>
          %unique3A_321, %unique3A_322 = tpu.scan_count mask(%broadcast_in_dim3A_320 : vector<16xi1>) value(%min3A_318 : vector<16xi32>) : vector<16xi1>, vector<16xi32>
          %gather3A_323 = tpu.vector_load_idx %arg11[%min3A_318] : memref<12560xi32, #tpu.memory_space<vmem>>[vector<16xi32>], vector<16xi32>,
          %add3A_324 = arith.addi %gather3A_323, %unique3A_322 : vector<16xi32>
          %sub3A_325 = arith.constant 1 : i32
          %sub3A_326 = vector.broadcast %sub3A_325 : i32 to vector<16xi32>
          %sub3A_327 = arith.subi %add3A_324, %sub3A_326 : vector<16xi32>
          tpu.vector_store_idx %arg10[%sub3A_327], %get3A_284 : memref<50192xf32, #tpu.memory_space<vmem>>[vector<16xi32>], vector<16xf32>,
          tpu.vector_store_idx %arg9[%sub3A_327], %convert_element_type3A_292 : memref<50192xf32, #tpu.memory_space<vmem>>[vector<16xi32>], vector<16xf32>,
          %add3A_328 = arith.addi %gather3A_323, %unique3A_322 : vector<16xi32>
          tpu.vector_store_idx %arg11[%min3A_318], %add3A_328 masked %unique3A_321 : memref<12560xi32, #tpu.memory_space<vmem>>[vector<16xi32>], vector<16xi32>, vector<16xi1>
          %mul3A_329 = arith.constant 8 : i32
          %mul3A_330 = arith.muli %scan3A_126, %mul3A_329 : i32
          %add3A_331 = arith.constant 4 : i32
          %add3A_332 = arith.addi %mul3A_330, %add3A_331 : i32
          %mul3A_333 = arith.constant 16 : i32
          %mul3A_334 = arith.muli %add3A_332, %mul3A_333 : i32
          %get3A_335 = arith.index_cast %mul3A_334 : i32 to index
          %get3A_336 = tpu.vector_load %arg13[%get3A_335] {strides = array<i32>} : memref<1792xf32, #tpu.memory_space<vmem>>, vector<16xf32>,
          %mul3A_337 = arith.constant 1792 : i32
          %mul3A_338 = arith.muli %scan3A_111, %mul3A_337 : i32
          %mul3A_339 = arith.constant 16 : i32
          %mul3A_340 = arith.muli %add3A_332, %mul3A_339 : i32
          %add3A_341 = arith.addi %mul3A_338, %mul3A_340 : i32
          %add3A_342 = vector.broadcast %add3A_341 : i32 to vector<16xi32>
          %add3A_343 = arith.addi %add3A_342, %iota3A : vector<16xi32>
          %convert_element_type3A_344 = arith.sitofp %add3A_343 : vector<16xi32> to vector<16xf32>
          %sub3A_345 = arith.subf %get3A_336, %get3A_2 : vector<16xf32>
          %mul3A_346 = arith.mulf %sub3A_345, %get3A_6 : vector<16xf32>
          %add3A_347 = arith.constant 5.500000e+00 : f32
          %add3A_348 = vector.broadcast %add3A_347 : f32 to vector<16xf32>
          %add3A_349 = arith.addf %mul3A_346, %add3A_348 : vector<16xf32>
          %mul3A_350 = arith.constant 2.909091 : f32
          %mul3A_351 = vector.broadcast %mul3A_350 : f32 to vector<16xf32>
          %mul3A_352 = arith.mulf %add3A_349, %mul3A_351 : vector<16xf32>
          %convert_element_type3A_353 = arith.fptosi %mul3A_352 : vector<16xf32> to vector<16xi32>
          %jit3A_354 = arith.constant 0 : i32
          %jit3A_355 = arith.constant 31 : i32
          %max3A_356 = vector.broadcast %jit3A_354 : i32 to vector<16xi32>
          %max3A_357 = arith.maxsi %max3A_356, %convert_element_type3A_353 : vector<16xi32>
          %min3A_358 = vector.broadcast %jit3A_355 : i32 to vector<16xi32>
          %min3A_359 = arith.minsi %min3A_358, %max3A_357 : vector<16xi32>
          %gather3A_360 = tpu.vector_load_idx %arg16[%min3A_359] : memref<32xf32, #tpu.memory_space<vmem>>[vector<16xi32>], vector<16xf32>,
          %gather3A_361 = tpu.vector_load_idx %arg17[%min3A_359] : memref<32xf32, #tpu.memory_space<vmem>>[vector<16xi32>], vector<16xf32>,
          %mul3A_362 = arith.mulf %gather3A_360, %mul3A_346 : vector<16xf32>
          %add3A_363 = arith.addf %mul3A_362, %gather3A_361 : vector<16xf32>
          %convert_element_type3A_364 = arith.fptosi %add3A_363 : vector<16xf32> to vector<16xi32>
          %jit3A_365 = arith.constant 0 : i32
          %jit3A_366 = arith.constant 12543 : i32
          %max3A_367 = vector.broadcast %jit3A_365 : i32 to vector<16xi32>
          %max3A_368 = arith.maxsi %max3A_367, %convert_element_type3A_364 : vector<16xi32>
          %min3A_369 = vector.broadcast %jit3A_366 : i32 to vector<16xi32>
          %min3A_370 = arith.minsi %min3A_369, %max3A_368 : vector<16xi32>
          %broadcast_in_dim3A_371 = arith.constant true
          %broadcast_in_dim3A_372 = vector.broadcast %broadcast_in_dim3A_371 : i1 to vector<16xi1>
          %unique3A_373, %unique3A_374 = tpu.scan_count mask(%broadcast_in_dim3A_372 : vector<16xi1>) value(%min3A_370 : vector<16xi32>) : vector<16xi1>, vector<16xi32>
          %gather3A_375 = tpu.vector_load_idx %arg11[%min3A_370] : memref<12560xi32, #tpu.memory_space<vmem>>[vector<16xi32>], vector<16xi32>,
          %add3A_376 = arith.addi %gather3A_375, %unique3A_374 : vector<16xi32>
          %sub3A_377 = arith.constant 1 : i32
          %sub3A_378 = vector.broadcast %sub3A_377 : i32 to vector<16xi32>
          %sub3A_379 = arith.subi %add3A_376, %sub3A_378 : vector<16xi32>
          tpu.vector_store_idx %arg10[%sub3A_379], %get3A_336 : memref<50192xf32, #tpu.memory_space<vmem>>[vector<16xi32>], vector<16xf32>,
          tpu.vector_store_idx %arg9[%sub3A_379], %convert_element_type3A_344 : memref<50192xf32, #tpu.memory_space<vmem>>[vector<16xi32>], vector<16xf32>,
          %add3A_380 = arith.addi %gather3A_375, %unique3A_374 : vector<16xi32>
          tpu.vector_store_idx %arg11[%min3A_370], %add3A_380 masked %unique3A_373 : memref<12560xi32, #tpu.memory_space<vmem>>[vector<16xi32>], vector<16xi32>, vector<16xi1>
          %mul3A_381 = arith.constant 8 : i32
          %mul3A_382 = arith.muli %scan3A_126, %mul3A_381 : i32
          %add3A_383 = arith.constant 5 : i32
          %add3A_384 = arith.addi %mul3A_382, %add3A_383 : i32
          %mul3A_385 = arith.constant 16 : i32
          %mul3A_386 = arith.muli %add3A_384, %mul3A_385 : i32
          %get3A_387 = arith.index_cast %mul3A_386 : i32 to index
          %get3A_388 = tpu.vector_load %arg13[%get3A_387] {strides = array<i32>} : memref<1792xf32, #tpu.memory_space<vmem>>, vector<16xf32>,
          %mul3A_389 = arith.constant 1792 : i32
          %mul3A_390 = arith.muli %scan3A_111, %mul3A_389 : i32
          %mul3A_391 = arith.constant 16 : i32
          %mul3A_392 = arith.muli %add3A_384, %mul3A_391 : i32
          %add3A_393 = arith.addi %mul3A_390, %mul3A_392 : i32
          %add3A_394 = vector.broadcast %add3A_393 : i32 to vector<16xi32>
          %add3A_395 = arith.addi %add3A_394, %iota3A : vector<16xi32>
          %convert_element_type3A_396 = arith.sitofp %add3A_395 : vector<16xi32> to vector<16xf32>
          %sub3A_397 = arith.subf %get3A_388, %get3A_2 : vector<16xf32>
          %mul3A_398 = arith.mulf %sub3A_397, %get3A_6 : vector<16xf32>
          %add3A_399 = arith.constant 5.500000e+00 : f32
          %add3A_400 = vector.broadcast %add3A_399 : f32 to vector<16xf32>
          %add3A_401 = arith.addf %mul3A_398, %add3A_400 : vector<16xf32>
          %mul3A_402 = arith.constant 2.909091 : f32
          %mul3A_403 = vector.broadcast %mul3A_402 : f32 to vector<16xf32>
          %mul3A_404 = arith.mulf %add3A_401, %mul3A_403 : vector<16xf32>
          %convert_element_type3A_405 = arith.fptosi %mul3A_404 : vector<16xf32> to vector<16xi32>
          %jit3A_406 = arith.constant 0 : i32
          %jit3A_407 = arith.constant 31 : i32
          %max3A_408 = vector.broadcast %jit3A_406 : i32 to vector<16xi32>
          %max3A_409 = arith.maxsi %max3A_408, %convert_element_type3A_405 : vector<16xi32>
          %min3A_410 = vector.broadcast %jit3A_407 : i32 to vector<16xi32>
          %min3A_411 = arith.minsi %min3A_410, %max3A_409 : vector<16xi32>
          %gather3A_412 = tpu.vector_load_idx %arg16[%min3A_411] : memref<32xf32, #tpu.memory_space<vmem>>[vector<16xi32>], vector<16xf32>,
          %gather3A_413 = tpu.vector_load_idx %arg17[%min3A_411] : memref<32xf32, #tpu.memory_space<vmem>>[vector<16xi32>], vector<16xf32>,
          %mul3A_414 = arith.mulf %gather3A_412, %mul3A_398 : vector<16xf32>
          %add3A_415 = arith.addf %mul3A_414, %gather3A_413 : vector<16xf32>
          %convert_element_type3A_416 = arith.fptosi %add3A_415 : vector<16xf32> to vector<16xi32>
          %jit3A_417 = arith.constant 0 : i32
          %jit3A_418 = arith.constant 12543 : i32
          %max3A_419 = vector.broadcast %jit3A_417 : i32 to vector<16xi32>
          %max3A_420 = arith.maxsi %max3A_419, %convert_element_type3A_416 : vector<16xi32>
          %min3A_421 = vector.broadcast %jit3A_418 : i32 to vector<16xi32>
          %min3A_422 = arith.minsi %min3A_421, %max3A_420 : vector<16xi32>
          %broadcast_in_dim3A_423 = arith.constant true
          %broadcast_in_dim3A_424 = vector.broadcast %broadcast_in_dim3A_423 : i1 to vector<16xi1>
          %unique3A_425, %unique3A_426 = tpu.scan_count mask(%broadcast_in_dim3A_424 : vector<16xi1>) value(%min3A_422 : vector<16xi32>) : vector<16xi1>, vector<16xi32>
          %gather3A_427 = tpu.vector_load_idx %arg11[%min3A_422] : memref<12560xi32, #tpu.memory_space<vmem>>[vector<16xi32>], vector<16xi32>,
          %add3A_428 = arith.addi %gather3A_427, %unique3A_426 : vector<16xi32>
          %sub3A_429 = arith.constant 1 : i32
          %sub3A_430 = vector.broadcast %sub3A_429 : i32 to vector<16xi32>
          %sub3A_431 = arith.subi %add3A_428, %sub3A_430 : vector<16xi32>
          tpu.vector_store_idx %arg10[%sub3A_431], %get3A_388 : memref<50192xf32, #tpu.memory_space<vmem>>[vector<16xi32>], vector<16xf32>,
          tpu.vector_store_idx %arg9[%sub3A_431], %convert_element_type3A_396 : memref<50192xf32, #tpu.memory_space<vmem>>[vector<16xi32>], vector<16xf32>,
          %add3A_432 = arith.addi %gather3A_427, %unique3A_426 : vector<16xi32>
          tpu.vector_store_idx %arg11[%min3A_422], %add3A_432 masked %unique3A_425 : memref<12560xi32, #tpu.memory_space<vmem>>[vector<16xi32>], vector<16xi32>, vector<16xi1>
          %mul3A_433 = arith.constant 8 : i32
          %mul3A_434 = arith.muli %scan3A_126, %mul3A_433 : i32
          %add3A_435 = arith.constant 6 : i32
          %add3A_436 = arith.addi %mul3A_434, %add3A_435 : i32
          %mul3A_437 = arith.constant 16 : i32
          %mul3A_438 = arith.muli %add3A_436, %mul3A_437 : i32
          %get3A_439 = arith.index_cast %mul3A_438 : i32 to index
          %get3A_440 = tpu.vector_load %arg13[%get3A_439] {strides = array<i32>} : memref<1792xf32, #tpu.memory_space<vmem>>, vector<16xf32>,
          %mul3A_441 = arith.constant 1792 : i32
          %mul3A_442 = arith.muli %scan3A_111, %mul3A_441 : i32
          %mul3A_443 = arith.constant 16 : i32
          %mul3A_444 = arith.muli %add3A_436, %mul3A_443 : i32
          %add3A_445 = arith.addi %mul3A_442, %mul3A_444 : i32
          %add3A_446 = vector.broadcast %add3A_445 : i32 to vector<16xi32>
          %add3A_447 = arith.addi %add3A_446, %iota3A : vector<16xi32>
          %convert_element_type3A_448 = arith.sitofp %add3A_447 : vector<16xi32> to vector<16xf32>
          %sub3A_449 = arith.subf %get3A_440, %get3A_2 : vector<16xf32>
          %mul3A_450 = arith.mulf %sub3A_449, %get3A_6 : vector<16xf32>
          %add3A_451 = arith.constant 5.500000e+00 : f32
          %add3A_452 = vector.broadcast %add3A_451 : f32 to vector<16xf32>
          %add3A_453 = arith.addf %mul3A_450, %add3A_452 : vector<16xf32>
          %mul3A_454 = arith.constant 2.909091 : f32
          %mul3A_455 = vector.broadcast %mul3A_454 : f32 to vector<16xf32>
          %mul3A_456 = arith.mulf %add3A_453, %mul3A_455 : vector<16xf32>
          %convert_element_type3A_457 = arith.fptosi %mul3A_456 : vector<16xf32> to vector<16xi32>
          %jit3A_458 = arith.constant 0 : i32
          %jit3A_459 = arith.constant 31 : i32
          %max3A_460 = vector.broadcast %jit3A_458 : i32 to vector<16xi32>
          %max3A_461 = arith.maxsi %max3A_460, %convert_element_type3A_457 : vector<16xi32>
          %min3A_462 = vector.broadcast %jit3A_459 : i32 to vector<16xi32>
          %min3A_463 = arith.minsi %min3A_462, %max3A_461 : vector<16xi32>
          %gather3A_464 = tpu.vector_load_idx %arg16[%min3A_463] : memref<32xf32, #tpu.memory_space<vmem>>[vector<16xi32>], vector<16xf32>,
          %gather3A_465 = tpu.vector_load_idx %arg17[%min3A_463] : memref<32xf32, #tpu.memory_space<vmem>>[vector<16xi32>], vector<16xf32>,
          %mul3A_466 = arith.mulf %gather3A_464, %mul3A_450 : vector<16xf32>
          %add3A_467 = arith.addf %mul3A_466, %gather3A_465 : vector<16xf32>
          %convert_element_type3A_468 = arith.fptosi %add3A_467 : vector<16xf32> to vector<16xi32>
          %jit3A_469 = arith.constant 0 : i32
          %jit3A_470 = arith.constant 12543 : i32
          %max3A_471 = vector.broadcast %jit3A_469 : i32 to vector<16xi32>
          %max3A_472 = arith.maxsi %max3A_471, %convert_element_type3A_468 : vector<16xi32>
          %min3A_473 = vector.broadcast %jit3A_470 : i32 to vector<16xi32>
          %min3A_474 = arith.minsi %min3A_473, %max3A_472 : vector<16xi32>
          %broadcast_in_dim3A_475 = arith.constant true
          %broadcast_in_dim3A_476 = vector.broadcast %broadcast_in_dim3A_475 : i1 to vector<16xi1>
          %unique3A_477, %unique3A_478 = tpu.scan_count mask(%broadcast_in_dim3A_476 : vector<16xi1>) value(%min3A_474 : vector<16xi32>) : vector<16xi1>, vector<16xi32>
          %gather3A_479 = tpu.vector_load_idx %arg11[%min3A_474] : memref<12560xi32, #tpu.memory_space<vmem>>[vector<16xi32>], vector<16xi32>,
          %add3A_480 = arith.addi %gather3A_479, %unique3A_478 : vector<16xi32>
          %sub3A_481 = arith.constant 1 : i32
          %sub3A_482 = vector.broadcast %sub3A_481 : i32 to vector<16xi32>
          %sub3A_483 = arith.subi %add3A_480, %sub3A_482 : vector<16xi32>
          tpu.vector_store_idx %arg10[%sub3A_483], %get3A_440 : memref<50192xf32, #tpu.memory_space<vmem>>[vector<16xi32>], vector<16xf32>,
          tpu.vector_store_idx %arg9[%sub3A_483], %convert_element_type3A_448 : memref<50192xf32, #tpu.memory_space<vmem>>[vector<16xi32>], vector<16xf32>,
          %add3A_484 = arith.addi %gather3A_479, %unique3A_478 : vector<16xi32>
          tpu.vector_store_idx %arg11[%min3A_474], %add3A_484 masked %unique3A_477 : memref<12560xi32, #tpu.memory_space<vmem>>[vector<16xi32>], vector<16xi32>, vector<16xi1>
          %mul3A_485 = arith.constant 8 : i32
          %mul3A_486 = arith.muli %scan3A_126, %mul3A_485 : i32
          %add3A_487 = arith.constant 7 : i32
          %add3A_488 = arith.addi %mul3A_486, %add3A_487 : i32
          %mul3A_489 = arith.constant 16 : i32
          %mul3A_490 = arith.muli %add3A_488, %mul3A_489 : i32
          %get3A_491 = arith.index_cast %mul3A_490 : i32 to index
          %get3A_492 = tpu.vector_load %arg13[%get3A_491] {strides = array<i32>} : memref<1792xf32, #tpu.memory_space<vmem>>, vector<16xf32>,
          %mul3A_493 = arith.constant 1792 : i32
          %mul3A_494 = arith.muli %scan3A_111, %mul3A_493 : i32
          %mul3A_495 = arith.constant 16 : i32
          %mul3A_496 = arith.muli %add3A_488, %mul3A_495 : i32
          %add3A_497 = arith.addi %mul3A_494, %mul3A_496 : i32
          %add3A_498 = vector.broadcast %add3A_497 : i32 to vector<16xi32>
          %add3A_499 = arith.addi %add3A_498, %iota3A : vector<16xi32>
          %convert_element_type3A_500 = arith.sitofp %add3A_499 : vector<16xi32> to vector<16xf32>
          %sub3A_501 = arith.subf %get3A_492, %get3A_2 : vector<16xf32>
          %mul3A_502 = arith.mulf %sub3A_501, %get3A_6 : vector<16xf32>
          %add3A_503 = arith.constant 5.500000e+00 : f32
          %add3A_504 = vector.broadcast %add3A_503 : f32 to vector<16xf32>
          %add3A_505 = arith.addf %mul3A_502, %add3A_504 : vector<16xf32>
          %mul3A_506 = arith.constant 2.909091 : f32
          %mul3A_507 = vector.broadcast %mul3A_506 : f32 to vector<16xf32>
          %mul3A_508 = arith.mulf %add3A_505, %mul3A_507 : vector<16xf32>
          %convert_element_type3A_509 = arith.fptosi %mul3A_508 : vector<16xf32> to vector<16xi32>
          %jit3A_510 = arith.constant 0 : i32
          %jit3A_511 = arith.constant 31 : i32
          %max3A_512 = vector.broadcast %jit3A_510 : i32 to vector<16xi32>
          %max3A_513 = arith.maxsi %max3A_512, %convert_element_type3A_509 : vector<16xi32>
          %min3A_514 = vector.broadcast %jit3A_511 : i32 to vector<16xi32>
          %min3A_515 = arith.minsi %min3A_514, %max3A_513 : vector<16xi32>
          %gather3A_516 = tpu.vector_load_idx %arg16[%min3A_515] : memref<32xf32, #tpu.memory_space<vmem>>[vector<16xi32>], vector<16xf32>,
          %gather3A_517 = tpu.vector_load_idx %arg17[%min3A_515] : memref<32xf32, #tpu.memory_space<vmem>>[vector<16xi32>], vector<16xf32>,
          %mul3A_518 = arith.mulf %gather3A_516, %mul3A_502 : vector<16xf32>
          %add3A_519 = arith.addf %mul3A_518, %gather3A_517 : vector<16xf32>
          %convert_element_type3A_520 = arith.fptosi %add3A_519 : vector<16xf32> to vector<16xi32>
          %jit3A_521 = arith.constant 0 : i32
          %jit3A_522 = arith.constant 12543 : i32
          %max3A_523 = vector.broadcast %jit3A_521 : i32 to vector<16xi32>
          %max3A_524 = arith.maxsi %max3A_523, %convert_element_type3A_520 : vector<16xi32>
          %min3A_525 = vector.broadcast %jit3A_522 : i32 to vector<16xi32>
          %min3A_526 = arith.minsi %min3A_525, %max3A_524 : vector<16xi32>
          %broadcast_in_dim3A_527 = arith.constant true
          %broadcast_in_dim3A_528 = vector.broadcast %broadcast_in_dim3A_527 : i1 to vector<16xi1>
          %unique3A_529, %unique3A_530 = tpu.scan_count mask(%broadcast_in_dim3A_528 : vector<16xi1>) value(%min3A_526 : vector<16xi32>) : vector<16xi1>, vector<16xi32>
          %gather3A_531 = tpu.vector_load_idx %arg11[%min3A_526] : memref<12560xi32, #tpu.memory_space<vmem>>[vector<16xi32>], vector<16xi32>,
          %add3A_532 = arith.addi %gather3A_531, %unique3A_530 : vector<16xi32>
          %sub3A_533 = arith.constant 1 : i32
          %sub3A_534 = vector.broadcast %sub3A_533 : i32 to vector<16xi32>
          %sub3A_535 = arith.subi %add3A_532, %sub3A_534 : vector<16xi32>
          tpu.vector_store_idx %arg10[%sub3A_535], %get3A_492 : memref<50192xf32, #tpu.memory_space<vmem>>[vector<16xi32>], vector<16xf32>,
          tpu.vector_store_idx %arg9[%sub3A_535], %convert_element_type3A_500 : memref<50192xf32, #tpu.memory_space<vmem>>[vector<16xi32>], vector<16xf32>,
          %add3A_536 = arith.addi %gather3A_531, %unique3A_530 : vector<16xi32>
          tpu.vector_store_idx %arg11[%min3A_526], %add3A_536 masked %unique3A_529 : memref<12560xi32, #tpu.memory_space<vmem>>[vector<16xi32>], vector<16xi32>, vector<16xi1>
          %scan3A_537 = arith.constant 0 : i32
          scf.yield %scan3A_537 : i32
        }
        %scan3A_124 = arith.constant 14 : i32
        %scan3A_125 = arith.constant 0 : i32
        scf.yield %scan3A_125 : i32
      }
      %scan3A_84 = arith.constant 28 : i32
      %broadcast_in_dim3A_85 = arith.constant 0x7F800000 : f32
      "tpu.trace_stop"() : () -> ()
      %broadcast_in_dim3A_86 = vector.broadcast %broadcast_in_dim3A_85 : f32 to vector<16xf32>
      %swap3A_87 = arith.constant 50176 : index
      %swap3A_88 = tpu.vector_load %arg10[%swap3A_87] {strides = array<i32>} : memref<50192xf32, #tpu.memory_space<vmem>>, vector<16xf32>,
      tpu.vector_store %arg10[%swap3A_87], %broadcast_in_dim3A_86 {strides = array<i32>} : memref<50192xf32, #tpu.memory_space<vmem>>, vector<16xf32>,
      %broadcast_in_dim3A_89 = arith.constant 0.000000e+00 : f32
      %broadcast_in_dim3A_90 = vector.broadcast %broadcast_in_dim3A_89 : f32 to vector<16xf32>
      %swap3A_91 = arith.constant 50176 : index
      %swap3A_92 = tpu.vector_load %arg9[%swap3A_91] {strides = array<i32>} : memref<50192xf32, #tpu.memory_space<vmem>>, vector<16xf32>,
      tpu.vector_store %arg9[%swap3A_91], %broadcast_in_dim3A_90 {strides = array<i32>} : memref<50192xf32, #tpu.memory_space<vmem>>, vector<16xf32>,
      "tpu.trace_start"() <{level = 10 : i32, message = "ph_blksort_x"}> : () -> ()
      %scan3A_93 = arith.constant 0 : i32
      %scan3A_94 = arith.constant 0 : i32
      %scan3A_95 = arith.constant 392 : i32
      %scan3A_96 = arith.addi %scan3A_94, %scan3A_95 : i32
      %scan3A_97 = arith.constant 1 : i32
      %scan3A_98 = scf.for %scan3A_111 = %scan3A_94 to %scan3A_96 step %scan3A_97 iter_args(%scan3A_112 = %scan3A_93) -> (i32)  : i32 {
        %mul3A_113 = arith.constant 8 : i32
        %mul3A_114 = arith.muli %scan3A_111, %mul3A_113 : i32
        %add3A_115 = arith.constant 0 : i32
        %add3A_116 = arith.addi %mul3A_114, %add3A_115 : i32
        %mul3A_117 = arith.constant 16 : i32
        %mul3A_118 = arith.muli %add3A_116, %mul3A_117 : i32
        %get3A_119 = arith.index_cast %mul3A_118 : i32 to index
        %get3A_120 = tpu.vector_load %arg10[%get3A_119] {strides = array<i32>} : memref<50192xf32, #tpu.memory_space<vmem>>, vector<16xf32>,
        %mul3A_121 = arith.constant 16 : i32
        %mul3A_122 = arith.muli %add3A_116, %mul3A_121 : i32
        %get3A_123 = arith.index_cast %mul3A_122 : i32 to index
        %get3A_124 = tpu.vector_load %arg9[%get3A_123] {strides = array<i32>} : memref<50192xf32, #tpu.memory_space<vmem>>, vector<16xf32>,
        %masked_sort3A = arith.constant dense<true> : vector<16xi1>
        %masked_sort3A_125, %masked_sort3A_126, %masked_sort3A_127 = tpu.sort %get3A_120, %get3A_124 masked %masked_sort3A : (vector<16xf32>, vector<16xf32>, vector<16xi1>) -> (vector<16xi1>, vector<16xf32>, vector<16xf32>)
        %mul3A_128 = arith.constant 16 : i32
        %mul3A_129 = arith.muli %add3A_116, %mul3A_128 : i32
        %swap3A_130 = arith.index_cast %mul3A_129 : i32 to index
        %swap3A_131 = tpu.vector_load %arg10[%swap3A_130] {strides = array<i32>} : memref<50192xf32, #tpu.memory_space<vmem>>, vector<16xf32>,
        tpu.vector_store %arg10[%swap3A_130], %masked_sort3A_126 {strides = array<i32>} : memref<50192xf32, #tpu.memory_space<vmem>>, vector<16xf32>,
        %mul3A_132 = arith.constant 16 : i32
        %mul3A_133 = arith.muli %add3A_116, %mul3A_132 : i32
        %swap3A_134 = arith.index_cast %mul3A_133 : i32 to index
        %swap3A_135 = tpu.vector_load %arg9[%swap3A_134] {strides = array<i32>} : memref<50192xf32, #tpu.memory_space<vmem>>, vector<16xf32>,
        tpu.vector_store %arg9[%swap3A_134], %masked_sort3A_127 {strides = array<i32>} : memref<50192xf32, #tpu.memory_space<vmem>>, vector<16xf32>,
        %mul3A_136 = arith.constant 8 : i32
        %mul3A_137 = arith.muli %scan3A_111, %mul3A_136 : i32
        %add3A_138 = arith.constant 1 : i32
        %add3A_139 = arith.addi %mul3A_137, %add3A_138 : i32
        %mul3A_140 = arith.constant 16 : i32
        %mul3A_141 = arith.muli %add3A_139, %mul3A_140 : i32
        %get3A_142 = arith.index_cast %mul3A_141 : i32 to index
        %get3A_143 = tpu.vector_load %arg10[%get3A_142] {strides = array<i32>} : memref<50192xf32, #tpu.memory_space<vmem>>, vector<16xf32>,
        %mul3A_144 = arith.constant 16 : i32
        %mul3A_145 = arith.muli %add3A_139, %mul3A_144 : i32
        %get3A_146 = arith.index_cast %mul3A_145 : i32 to index
        %get3A_147 = tpu.vector_load %arg9[%get3A_146] {strides = array<i32>} : memref<50192xf32, #tpu.memory_space<vmem>>, vector<16xf32>,
        %masked_sort3A_148 = arith.constant dense<true> : vector<16xi1>
        %masked_sort3A_149, %masked_sort3A_150, %masked_sort3A_151 = tpu.sort %get3A_143, %get3A_147 masked %masked_sort3A_148 : (vector<16xf32>, vector<16xf32>, vector<16xi1>) -> (vector<16xi1>, vector<16xf32>, vector<16xf32>)
        %mul3A_152 = arith.constant 16 : i32
        %mul3A_153 = arith.muli %add3A_139, %mul3A_152 : i32
        %swap3A_154 = arith.index_cast %mul3A_153 : i32 to index
        %swap3A_155 = tpu.vector_load %arg10[%swap3A_154] {strides = array<i32>} : memref<50192xf32, #tpu.memory_space<vmem>>, vector<16xf32>,
        tpu.vector_store %arg10[%swap3A_154], %masked_sort3A_150 {strides = array<i32>} : memref<50192xf32, #tpu.memory_space<vmem>>, vector<16xf32>,
        %mul3A_156 = arith.constant 16 : i32
        %mul3A_157 = arith.muli %add3A_139, %mul3A_156 : i32
        %swap3A_158 = arith.index_cast %mul3A_157 : i32 to index
        %swap3A_159 = tpu.vector_load %arg9[%swap3A_158] {strides = array<i32>} : memref<50192xf32, #tpu.memory_space<vmem>>, vector<16xf32>,
        tpu.vector_store %arg9[%swap3A_158], %masked_sort3A_151 {strides = array<i32>} : memref<50192xf32, #tpu.memory_space<vmem>>, vector<16xf32>,
        %mul3A_160 = arith.constant 8 : i32
        %mul3A_161 = arith.muli %scan3A_111, %mul3A_160 : i32
        %add3A_162 = arith.constant 2 : i32
        %add3A_163 = arith.addi %mul3A_161, %add3A_162 : i32
        %mul3A_164 = arith.constant 16 : i32
        %mul3A_165 = arith.muli %add3A_163, %mul3A_164 : i32
        %get3A_166 = arith.index_cast %mul3A_165 : i32 to index
        %get3A_167 = tpu.vector_load %arg10[%get3A_166] {strides = array<i32>} : memref<50192xf32, #tpu.memory_space<vmem>>, vector<16xf32>,
        %mul3A_168 = arith.constant 16 : i32
        %mul3A_169 = arith.muli %add3A_163, %mul3A_168 : i32
        %get3A_170 = arith.index_cast %mul3A_169 : i32 to index
        %get3A_171 = tpu.vector_load %arg9[%get3A_170] {strides = array<i32>} : memref<50192xf32, #tpu.memory_space<vmem>>, vector<16xf32>,
        %masked_sort3A_172 = arith.constant dense<true> : vector<16xi1>
        %masked_sort3A_173, %masked_sort3A_174, %masked_sort3A_175 = tpu.sort %get3A_167, %get3A_171 masked %masked_sort3A_172 : (vector<16xf32>, vector<16xf32>, vector<16xi1>) -> (vector<16xi1>, vector<16xf32>, vector<16xf32>)
        %mul3A_176 = arith.constant 16 : i32
        %mul3A_177 = arith.muli %add3A_163, %mul3A_176 : i32
        %swap3A_178 = arith.index_cast %mul3A_177 : i32 to index
        %swap3A_179 = tpu.vector_load %arg10[%swap3A_178] {strides = array<i32>} : memref<50192xf32, #tpu.memory_space<vmem>>, vector<16xf32>,
        tpu.vector_store %arg10[%swap3A_178], %masked_sort3A_174 {strides = array<i32>} : memref<50192xf32, #tpu.memory_space<vmem>>, vector<16xf32>,
        %mul3A_180 = arith.constant 16 : i32
        %mul3A_181 = arith.muli %add3A_163, %mul3A_180 : i32
        %swap3A_182 = arith.index_cast %mul3A_181 : i32 to index
        %swap3A_183 = tpu.vector_load %arg9[%swap3A_182] {strides = array<i32>} : memref<50192xf32, #tpu.memory_space<vmem>>, vector<16xf32>,
        tpu.vector_store %arg9[%swap3A_182], %masked_sort3A_175 {strides = array<i32>} : memref<50192xf32, #tpu.memory_space<vmem>>, vector<16xf32>,
        %mul3A_184 = arith.constant 8 : i32
        %mul3A_185 = arith.muli %scan3A_111, %mul3A_184 : i32
        %add3A_186 = arith.constant 3 : i32
        %add3A_187 = arith.addi %mul3A_185, %add3A_186 : i32
        %mul3A_188 = arith.constant 16 : i32
        %mul3A_189 = arith.muli %add3A_187, %mul3A_188 : i32
        %get3A_190 = arith.index_cast %mul3A_189 : i32 to index
        %get3A_191 = tpu.vector_load %arg10[%get3A_190] {strides = array<i32>} : memref<50192xf32, #tpu.memory_space<vmem>>, vector<16xf32>,
        %mul3A_192 = arith.constant 16 : i32
        %mul3A_193 = arith.muli %add3A_187, %mul3A_192 : i32
        %get3A_194 = arith.index_cast %mul3A_193 : i32 to index
        %get3A_195 = tpu.vector_load %arg9[%get3A_194] {strides = array<i32>} : memref<50192xf32, #tpu.memory_space<vmem>>, vector<16xf32>,
        %masked_sort3A_196 = arith.constant dense<true> : vector<16xi1>
        %masked_sort3A_197, %masked_sort3A_198, %masked_sort3A_199 = tpu.sort %get3A_191, %get3A_195 masked %masked_sort3A_196 : (vector<16xf32>, vector<16xf32>, vector<16xi1>) -> (vector<16xi1>, vector<16xf32>, vector<16xf32>)
        %mul3A_200 = arith.constant 16 : i32
        %mul3A_201 = arith.muli %add3A_187, %mul3A_200 : i32
        %swap3A_202 = arith.index_cast %mul3A_201 : i32 to index
        %swap3A_203 = tpu.vector_load %arg10[%swap3A_202] {strides = array<i32>} : memref<50192xf32, #tpu.memory_space<vmem>>, vector<16xf32>,
        tpu.vector_store %arg10[%swap3A_202], %masked_sort3A_198 {strides = array<i32>} : memref<50192xf32, #tpu.memory_space<vmem>>, vector<16xf32>,
        %mul3A_204 = arith.constant 16 : i32
        %mul3A_205 = arith.muli %add3A_187, %mul3A_204 : i32
        %swap3A_206 = arith.index_cast %mul3A_205 : i32 to index
        %swap3A_207 = tpu.vector_load %arg9[%swap3A_206] {strides = array<i32>} : memref<50192xf32, #tpu.memory_space<vmem>>, vector<16xf32>,
        tpu.vector_store %arg9[%swap3A_206], %masked_sort3A_199 {strides = array<i32>} : memref<50192xf32, #tpu.memory_space<vmem>>, vector<16xf32>,
        %mul3A_208 = arith.constant 8 : i32
        %mul3A_209 = arith.muli %scan3A_111, %mul3A_208 : i32
        %add3A_210 = arith.constant 4 : i32
        %add3A_211 = arith.addi %mul3A_209, %add3A_210 : i32
        %mul3A_212 = arith.constant 16 : i32
        %mul3A_213 = arith.muli %add3A_211, %mul3A_212 : i32
        %get3A_214 = arith.index_cast %mul3A_213 : i32 to index
        %get3A_215 = tpu.vector_load %arg10[%get3A_214] {strides = array<i32>} : memref<50192xf32, #tpu.memory_space<vmem>>, vector<16xf32>,
        %mul3A_216 = arith.constant 16 : i32
        %mul3A_217 = arith.muli %add3A_211, %mul3A_216 : i32
        %get3A_218 = arith.index_cast %mul3A_217 : i32 to index
        %get3A_219 = tpu.vector_load %arg9[%get3A_218] {strides = array<i32>} : memref<50192xf32, #tpu.memory_space<vmem>>, vector<16xf32>,
        %masked_sort3A_220 = arith.constant dense<true> : vector<16xi1>
        %masked_sort3A_221, %masked_sort3A_222, %masked_sort3A_223 = tpu.sort %get3A_215, %get3A_219 masked %masked_sort3A_220 : (vector<16xf32>, vector<16xf32>, vector<16xi1>) -> (vector<16xi1>, vector<16xf32>, vector<16xf32>)
        %mul3A_224 = arith.constant 16 : i32
        %mul3A_225 = arith.muli %add3A_211, %mul3A_224 : i32
        %swap3A_226 = arith.index_cast %mul3A_225 : i32 to index
        %swap3A_227 = tpu.vector_load %arg10[%swap3A_226] {strides = array<i32>} : memref<50192xf32, #tpu.memory_space<vmem>>, vector<16xf32>,
        tpu.vector_store %arg10[%swap3A_226], %masked_sort3A_222 {strides = array<i32>} : memref<50192xf32, #tpu.memory_space<vmem>>, vector<16xf32>,
        %mul3A_228 = arith.constant 16 : i32
        %mul3A_229 = arith.muli %add3A_211, %mul3A_228 : i32
        %swap3A_230 = arith.index_cast %mul3A_229 : i32 to index
        %swap3A_231 = tpu.vector_load %arg9[%swap3A_230] {strides = array<i32>} : memref<50192xf32, #tpu.memory_space<vmem>>, vector<16xf32>,
        tpu.vector_store %arg9[%swap3A_230], %masked_sort3A_223 {strides = array<i32>} : memref<50192xf32, #tpu.memory_space<vmem>>, vector<16xf32>,
        %mul3A_232 = arith.constant 8 : i32
        %mul3A_233 = arith.muli %scan3A_111, %mul3A_232 : i32
        %add3A_234 = arith.constant 5 : i32
        %add3A_235 = arith.addi %mul3A_233, %add3A_234 : i32
        %mul3A_236 = arith.constant 16 : i32
        %mul3A_237 = arith.muli %add3A_235, %mul3A_236 : i32
        %get3A_238 = arith.index_cast %mul3A_237 : i32 to index
        %get3A_239 = tpu.vector_load %arg10[%get3A_238] {strides = array<i32>} : memref<50192xf32, #tpu.memory_space<vmem>>, vector<16xf32>,
        %mul3A_240 = arith.constant 16 : i32
        %mul3A_241 = arith.muli %add3A_235, %mul3A_240 : i32
        %get3A_242 = arith.index_cast %mul3A_241 : i32 to index
        %get3A_243 = tpu.vector_load %arg9[%get3A_242] {strides = array<i32>} : memref<50192xf32, #tpu.memory_space<vmem>>, vector<16xf32>,
        %masked_sort3A_244 = arith.constant dense<true> : vector<16xi1>
        %masked_sort3A_245, %masked_sort3A_246, %masked_sort3A_247 = tpu.sort %get3A_239, %get3A_243 masked %masked_sort3A_244 : (vector<16xf32>, vector<16xf32>, vector<16xi1>) -> (vector<16xi1>, vector<16xf32>, vector<16xf32>)
        %mul3A_248 = arith.constant 16 : i32
        %mul3A_249 = arith.muli %add3A_235, %mul3A_248 : i32
        %swap3A_250 = arith.index_cast %mul3A_249 : i32 to index
        %swap3A_251 = tpu.vector_load %arg10[%swap3A_250] {strides = array<i32>} : memref<50192xf32, #tpu.memory_space<vmem>>, vector<16xf32>,
        tpu.vector_store %arg10[%swap3A_250], %masked_sort3A_246 {strides = array<i32>} : memref<50192xf32, #tpu.memory_space<vmem>>, vector<16xf32>,
        %mul3A_252 = arith.constant 16 : i32
        %mul3A_253 = arith.muli %add3A_235, %mul3A_252 : i32
        %swap3A_254 = arith.index_cast %mul3A_253 : i32 to index
        %swap3A_255 = tpu.vector_load %arg9[%swap3A_254] {strides = array<i32>} : memref<50192xf32, #tpu.memory_space<vmem>>, vector<16xf32>,
        tpu.vector_store %arg9[%swap3A_254], %masked_sort3A_247 {strides = array<i32>} : memref<50192xf32, #tpu.memory_space<vmem>>, vector<16xf32>,
        %mul3A_256 = arith.constant 8 : i32
        %mul3A_257 = arith.muli %scan3A_111, %mul3A_256 : i32
        %add3A_258 = arith.constant 6 : i32
        %add3A_259 = arith.addi %mul3A_257, %add3A_258 : i32
        %mul3A_260 = arith.constant 16 : i32
        %mul3A_261 = arith.muli %add3A_259, %mul3A_260 : i32
        %get3A_262 = arith.index_cast %mul3A_261 : i32 to index
        %get3A_263 = tpu.vector_load %arg10[%get3A_262] {strides = array<i32>} : memref<50192xf32, #tpu.memory_space<vmem>>, vector<16xf32>,
        %mul3A_264 = arith.constant 16 : i32
        %mul3A_265 = arith.muli %add3A_259, %mul3A_264 : i32
        %get3A_266 = arith.index_cast %mul3A_265 : i32 to index
        %get3A_267 = tpu.vector_load %arg9[%get3A_266] {strides = array<i32>} : memref<50192xf32, #tpu.memory_space<vmem>>, vector<16xf32>,
        %masked_sort3A_268 = arith.constant dense<true> : vector<16xi1>
        %masked_sort3A_269, %masked_sort3A_270, %masked_sort3A_271 = tpu.sort %get3A_263, %get3A_267 masked %masked_sort3A_268 : (vector<16xf32>, vector<16xf32>, vector<16xi1>) -> (vector<16xi1>, vector<16xf32>, vector<16xf32>)
        %mul3A_272 = arith.constant 16 : i32
        %mul3A_273 = arith.muli %add3A_259, %mul3A_272 : i32
        %swap3A_274 = arith.index_cast %mul3A_273 : i32 to index
        %swap3A_275 = tpu.vector_load %arg10[%swap3A_274] {strides = array<i32>} : memref<50192xf32, #tpu.memory_space<vmem>>, vector<16xf32>,
        tpu.vector_store %arg10[%swap3A_274], %masked_sort3A_270 {strides = array<i32>} : memref<50192xf32, #tpu.memory_space<vmem>>, vector<16xf32>,
        %mul3A_276 = arith.constant 16 : i32
        %mul3A_277 = arith.muli %add3A_259, %mul3A_276 : i32
        %swap3A_278 = arith.index_cast %mul3A_277 : i32 to index
        %swap3A_279 = tpu.vector_load %arg9[%swap3A_278] {strides = array<i32>} : memref<50192xf32, #tpu.memory_space<vmem>>, vector<16xf32>,
        tpu.vector_store %arg9[%swap3A_278], %masked_sort3A_271 {strides = array<i32>} : memref<50192xf32, #tpu.memory_space<vmem>>, vector<16xf32>,
        %mul3A_280 = arith.constant 8 : i32
        %mul3A_281 = arith.muli %scan3A_111, %mul3A_280 : i32
        %add3A_282 = arith.constant 7 : i32
        %add3A_283 = arith.addi %mul3A_281, %add3A_282 : i32
        %mul3A_284 = arith.constant 16 : i32
        %mul3A_285 = arith.muli %add3A_283, %mul3A_284 : i32
        %get3A_286 = arith.index_cast %mul3A_285 : i32 to index
        %get3A_287 = tpu.vector_load %arg10[%get3A_286] {strides = array<i32>} : memref<50192xf32, #tpu.memory_space<vmem>>, vector<16xf32>,
        %mul3A_288 = arith.constant 16 : i32
        %mul3A_289 = arith.muli %add3A_283, %mul3A_288 : i32
        %get3A_290 = arith.index_cast %mul3A_289 : i32 to index
        %get3A_291 = tpu.vector_load %arg9[%get3A_290] {strides = array<i32>} : memref<50192xf32, #tpu.memory_space<vmem>>, vector<16xf32>,
        %masked_sort3A_292 = arith.constant dense<true> : vector<16xi1>
        %masked_sort3A_293, %masked_sort3A_294, %masked_sort3A_295 = tpu.sort %get3A_287, %get3A_291 masked %masked_sort3A_292 : (vector<16xf32>, vector<16xf32>, vector<16xi1>) -> (vector<16xi1>, vector<16xf32>, vector<16xf32>)
        %mul3A_296 = arith.constant 16 : i32
        %mul3A_297 = arith.muli %add3A_283, %mul3A_296 : i32
        %swap3A_298 = arith.index_cast %mul3A_297 : i32 to index
        %swap3A_299 = tpu.vector_load %arg10[%swap3A_298] {strides = array<i32>} : memref<50192xf32, #tpu.memory_space<vmem>>, vector<16xf32>,
        tpu.vector_store %arg10[%swap3A_298], %masked_sort3A_294 {strides = array<i32>} : memref<50192xf32, #tpu.memory_space<vmem>>, vector<16xf32>,
        %mul3A_300 = arith.constant 16 : i32
        %mul3A_301 = arith.muli %add3A_283, %mul3A_300 : i32
        %swap3A_302 = arith.index_cast %mul3A_301 : i32 to index
        %swap3A_303 = tpu.vector_load %arg9[%swap3A_302] {strides = array<i32>} : memref<50192xf32, #tpu.memory_space<vmem>>, vector<16xf32>,
        tpu.vector_store %arg9[%swap3A_302], %masked_sort3A_295 {strides = array<i32>} : memref<50192xf32, #tpu.memory_space<vmem>>, vector<16xf32>,
        %scan3A_304 = arith.constant 0 : i32
        scf.yield %scan3A_304 : i32
      }
      %scan3A_99 = arith.constant 392 : i32
      %while3A_100 = arith.constant true
      "tpu.trace_stop"() : () -> ()
      "tpu.trace_start"() <{level = 10 : i32, message = "ph_merge_x"}> : () -> ()
      %while3A_101 = scf.while (%while3A_111 = %while3A_100) : (i1) -> i1 {
        scf.condition(%while3A_111) %while3A_111 : i1
      } do {
      ^bb0(%while3A_111: i1):
        %broadcast_in_dim3A_112 = arith.constant false
        %broadcast_in_dim3A_113 = vector.broadcast %broadcast_in_dim3A_112 : i1 to vector<16xi1>
        %scan3A_114 = arith.constant 0 : i32
        %scan3A_115 = arith.constant 392 : i32
        %scan3A_116 = arith.addi %scan3A_114, %scan3A_115 : i32
        %scan3A_117 = arith.constant 1 : i32
        %scan3A_118 = scf.for %scan3A_138 = %scan3A_114 to %scan3A_116 step %scan3A_117 iter_args(%scan3A_139 = %broadcast_in_dim3A_113) -> (vector<16xi1>)  : i32 {
          %mul3A_140 = arith.constant 4 : i32
          %mul3A_141 = arith.muli %scan3A_138, %mul3A_140 : i32
          %add3A_142 = arith.constant 0 : i32
          %add3A_143 = arith.addi %mul3A_141, %add3A_142 : i32
          %mul3A_144 = arith.constant 2 : i32
          %mul3A_145 = arith.muli %add3A_143, %mul3A_144 : i32
          %add3A_146 = arith.constant 0 : i32
          %add3A_147 = arith.addi %mul3A_145, %add3A_146 : i32
          %mul3A_148 = arith.constant 16 : i32
          %mul3A_149 = arith.muli %add3A_147, %mul3A_148 : i32
          %get3A_150 = arith.index_cast %mul3A_149 : i32 to index
          %get3A_151 = tpu.vector_load %arg10[%get3A_150] {strides = array<i32>} : memref<50192xf32, #tpu.memory_space<vmem>>, vector<16xf32>,
          %get3A_152 = arith.index_cast %mul3A_149 : i32 to index
          %get3A_153 = tpu.vector_load %arg9[%get3A_152] {strides = array<i32>} : memref<50192xf32, #tpu.memory_space<vmem>>, vector<16xf32>,
          %add3A_154 = arith.constant 16 : i32
          %add3A_155 = arith.addi %mul3A_149, %add3A_154 : i32
          %get3A_156 = arith.index_cast %add3A_155 : i32 to index
          %get3A_157 = tpu.vector_load %arg10[%get3A_156] {strides = array<i32>} : memref<50192xf32, #tpu.memory_space<vmem>>, vector<16xf32>,
          %add3A_158 = arith.constant 16 : i32
          %add3A_159 = arith.addi %mul3A_149, %add3A_158 : i32
          %get3A_160 = arith.index_cast %add3A_159 : i32 to index
          %get3A_161 = tpu.vector_load %arg9[%get3A_160] {strides = array<i32>} : memref<50192xf32, #tpu.memory_space<vmem>>, vector<16xf32>,
          %rev3A = arith.constant 15 : i32
          %rev3A_162 = vector.broadcast %rev3A : i32 to vector<16xi32>
          %rev3A_163 = tpu.iota {dimensions = array<i32: 0>} : vector<16xi32>
          %rev3A_164 = arith.subi %rev3A_162, %rev3A_163 : vector<16xi32>
          %rev3A_165 = tpu.dynamic_gather %get3A_157[%rev3A_164] in [0] : vector<16xf32>, vector<16xi32> -> vector<16xf32>
          %rev3A_166 = arith.constant 15 : i32
          %rev3A_167 = vector.broadcast %rev3A_166 : i32 to vector<16xi32>
          %rev3A_168 = tpu.iota {dimensions = array<i32: 0>} : vector<16xi32>
          %rev3A_169 = arith.subi %rev3A_167, %rev3A_168 : vector<16xi32>
          %rev3A_170 = tpu.dynamic_gather %get3A_161[%rev3A_169] in [0] : vector<16xf32>, vector<16xi32> -> vector<16xf32>
          %le3A = arith.cmpf ole, %get3A_151, %rev3A_165 : vector<16xf32>
          %select_n3A = arith.select %le3A, %get3A_151, %rev3A_165 : vector<16xi1>, vector<16xf32>
          %select_n3A_171 = arith.select %le3A, %get3A_153, %rev3A_170 : vector<16xi1>, vector<16xf32>
          %select_n3A_172 = arith.select %le3A, %rev3A_165, %get3A_151 : vector<16xi1>, vector<16xf32>
          %select_n3A_173 = arith.select %le3A, %rev3A_170, %get3A_153 : vector<16xi1>, vector<16xf32>
          %masked_sort3A = arith.constant dense<true> : vector<16xi1>
          %masked_sort3A_174, %masked_sort3A_175, %masked_sort3A_176 = tpu.sort %select_n3A, %select_n3A_171 masked %masked_sort3A : (vector<16xf32>, vector<16xf32>, vector<16xi1>) -> (vector<16xi1>, vector<16xf32>, vector<16xf32>)
          %masked_sort3A_177 = arith.constant dense<true> : vector<16xi1>
          %masked_sort3A_178, %masked_sort3A_179, %masked_sort3A_180 = tpu.sort %select_n3A_172, %select_n3A_173 masked %masked_sort3A_177 : (vector<16xf32>, vector<16xf32>, vector<16xi1>) -> (vector<16xi1>, vector<16xf32>, vector<16xf32>)
          %swap3A_181 = arith.index_cast %mul3A_149 : i32 to index
          %swap3A_182 = tpu.vector_load %arg10[%swap3A_181] {strides = array<i32>} : memref<50192xf32, #tpu.memory_space<vmem>>, vector<16xf32>,
          tpu.vector_store %arg10[%swap3A_181], %masked_sort3A_175 {strides = array<i32>} : memref<50192xf32, #tpu.memory_space<vmem>>, vector<16xf32>,
          %swap3A_183 = arith.index_cast %mul3A_149 : i32 to index
          %swap3A_184 = tpu.vector_load %arg9[%swap3A_183] {strides = array<i32>} : memref<50192xf32, #tpu.memory_space<vmem>>, vector<16xf32>,
          tpu.vector_store %arg9[%swap3A_183], %masked_sort3A_176 {strides = array<i32>} : memref<50192xf32, #tpu.memory_space<vmem>>, vector<16xf32>,
          %add3A_185 = arith.constant 16 : i32
          %add3A_186 = arith.addi %mul3A_149, %add3A_185 : i32
          %swap3A_187 = arith.index_cast %add3A_186 : i32 to index
          %swap3A_188 = tpu.vector_load %arg10[%swap3A_187] {strides = array<i32>} : memref<50192xf32, #tpu.memory_space<vmem>>, vector<16xf32>,
          tpu.vector_store %arg10[%swap3A_187], %masked_sort3A_179 {strides = array<i32>} : memref<50192xf32, #tpu.memory_space<vmem>>, vector<16xf32>,
          %add3A_189 = arith.constant 16 : i32
          %add3A_190 = arith.addi %mul3A_149, %add3A_189 : i32
          %swap3A_191 = arith.index_cast %add3A_190 : i32 to index
          %swap3A_192 = tpu.vector_load %arg9[%swap3A_191] {strides = array<i32>} : memref<50192xf32, #tpu.memory_space<vmem>>, vector<16xf32>,
          tpu.vector_store %arg9[%swap3A_191], %masked_sort3A_180 {strides = array<i32>} : memref<50192xf32, #tpu.memory_space<vmem>>, vector<16xf32>,
          %ne3A = arith.cmpf one, %masked_sort3A_175, %get3A_151 : vector<16xf32>
          %ne3A_193 = arith.cmpf one, %masked_sort3A_179, %get3A_157 : vector<16xf32>
          %or3A_194 = arith.ori %ne3A, %ne3A_193 : vector<16xi1>
          %or3A_195 = arith.ori %scan3A_139, %or3A_194 : vector<16xi1>
          %mul3A_196 = arith.constant 4 : i32
          %mul3A_197 = arith.muli %scan3A_138, %mul3A_196 : i32
          %add3A_198 = arith.constant 1 : i32
          %add3A_199 = arith.addi %mul3A_197, %add3A_198 : i32
          %mul3A_200 = arith.constant 2 : i32
          %mul3A_201 = arith.muli %add3A_199, %mul3A_200 : i32
          %add3A_202 = arith.constant 0 : i32
          %add3A_203 = arith.addi %mul3A_201, %add3A_202 : i32
          %mul3A_204 = arith.constant 16 : i32
          %mul3A_205 = arith.muli %add3A_203, %mul3A_204 : i32
          %get3A_206 = arith.index_cast %mul3A_205 : i32 to index
          %get3A_207 = tpu.vector_load %arg10[%get3A_206] {strides = array<i32>} : memref<50192xf32, #tpu.memory_space<vmem>>, vector<16xf32>,
          %get3A_208 = arith.index_cast %mul3A_205 : i32 to index
          %get3A_209 = tpu.vector_load %arg9[%get3A_208] {strides = array<i32>} : memref<50192xf32, #tpu.memory_space<vmem>>, vector<16xf32>,
          %add3A_210 = arith.constant 16 : i32
          %add3A_211 = arith.addi %mul3A_205, %add3A_210 : i32
          %get3A_212 = arith.index_cast %add3A_211 : i32 to index
          %get3A_213 = tpu.vector_load %arg10[%get3A_212] {strides = array<i32>} : memref<50192xf32, #tpu.memory_space<vmem>>, vector<16xf32>,
          %add3A_214 = arith.constant 16 : i32
          %add3A_215 = arith.addi %mul3A_205, %add3A_214 : i32
          %get3A_216 = arith.index_cast %add3A_215 : i32 to index
          %get3A_217 = tpu.vector_load %arg9[%get3A_216] {strides = array<i32>} : memref<50192xf32, #tpu.memory_space<vmem>>, vector<16xf32>,
          %rev3A_218 = arith.constant 15 : i32
          %rev3A_219 = vector.broadcast %rev3A_218 : i32 to vector<16xi32>
          %rev3A_220 = tpu.iota {dimensions = array<i32: 0>} : vector<16xi32>
          %rev3A_221 = arith.subi %rev3A_219, %rev3A_220 : vector<16xi32>
          %rev3A_222 = tpu.dynamic_gather %get3A_213[%rev3A_221] in [0] : vector<16xf32>, vector<16xi32> -> vector<16xf32>
          %rev3A_223 = arith.constant 15 : i32
          %rev3A_224 = vector.broadcast %rev3A_223 : i32 to vector<16xi32>
          %rev3A_225 = tpu.iota {dimensions = array<i32: 0>} : vector<16xi32>
          %rev3A_226 = arith.subi %rev3A_224, %rev3A_225 : vector<16xi32>
          %rev3A_227 = tpu.dynamic_gather %get3A_217[%rev3A_226] in [0] : vector<16xf32>, vector<16xi32> -> vector<16xf32>
          %le3A_228 = arith.cmpf ole, %get3A_207, %rev3A_222 : vector<16xf32>
          %select_n3A_229 = arith.select %le3A_228, %get3A_207, %rev3A_222 : vector<16xi1>, vector<16xf32>
          %select_n3A_230 = arith.select %le3A_228, %get3A_209, %rev3A_227 : vector<16xi1>, vector<16xf32>
          %select_n3A_231 = arith.select %le3A_228, %rev3A_222, %get3A_207 : vector<16xi1>, vector<16xf32>
          %select_n3A_232 = arith.select %le3A_228, %rev3A_227, %get3A_209 : vector<16xi1>, vector<16xf32>
          %masked_sort3A_233 = arith.constant dense<true> : vector<16xi1>
          %masked_sort3A_234, %masked_sort3A_235, %masked_sort3A_236 = tpu.sort %select_n3A_229, %select_n3A_230 masked %masked_sort3A_233 : (vector<16xf32>, vector<16xf32>, vector<16xi1>) -> (vector<16xi1>, vector<16xf32>, vector<16xf32>)
          %masked_sort3A_237 = arith.constant dense<true> : vector<16xi1>
          %masked_sort3A_238, %masked_sort3A_239, %masked_sort3A_240 = tpu.sort %select_n3A_231, %select_n3A_232 masked %masked_sort3A_237 : (vector<16xf32>, vector<16xf32>, vector<16xi1>) -> (vector<16xi1>, vector<16xf32>, vector<16xf32>)
          %swap3A_241 = arith.index_cast %mul3A_205 : i32 to index
          %swap3A_242 = tpu.vector_load %arg10[%swap3A_241] {strides = array<i32>} : memref<50192xf32, #tpu.memory_space<vmem>>, vector<16xf32>,
          tpu.vector_store %arg10[%swap3A_241], %masked_sort3A_235 {strides = array<i32>} : memref<50192xf32, #tpu.memory_space<vmem>>, vector<16xf32>,
          %swap3A_243 = arith.index_cast %mul3A_205 : i32 to index
          %swap3A_244 = tpu.vector_load %arg9[%swap3A_243] {strides = array<i32>} : memref<50192xf32, #tpu.memory_space<vmem>>, vector<16xf32>,
          tpu.vector_store %arg9[%swap3A_243], %masked_sort3A_236 {strides = array<i32>} : memref<50192xf32, #tpu.memory_space<vmem>>, vector<16xf32>,
          %add3A_245 = arith.constant 16 : i32
          %add3A_246 = arith.addi %mul3A_205, %add3A_245 : i32
          %swap3A_247 = arith.index_cast %add3A_246 : i32 to index
          %swap3A_248 = tpu.vector_load %arg10[%swap3A_247] {strides = array<i32>} : memref<50192xf32, #tpu.memory_space<vmem>>, vector<16xf32>,
          tpu.vector_store %arg10[%swap3A_247], %masked_sort3A_239 {strides = array<i32>} : memref<50192xf32, #tpu.memory_space<vmem>>, vector<16xf32>,
          %add3A_249 = arith.constant 16 : i32
          %add3A_250 = arith.addi %mul3A_205, %add3A_249 : i32
          %swap3A_251 = arith.index_cast %add3A_250 : i32 to index
          %swap3A_252 = tpu.vector_load %arg9[%swap3A_251] {strides = array<i32>} : memref<50192xf32, #tpu.memory_space<vmem>>, vector<16xf32>,
          tpu.vector_store %arg9[%swap3A_251], %masked_sort3A_240 {strides = array<i32>} : memref<50192xf32, #tpu.memory_space<vmem>>, vector<16xf32>,
          %ne3A_253 = arith.cmpf one, %masked_sort3A_235, %get3A_207 : vector<16xf32>
          %ne3A_254 = arith.cmpf one, %masked_sort3A_239, %get3A_213 : vector<16xf32>
          %or3A_255 = arith.ori %ne3A_253, %ne3A_254 : vector<16xi1>
          %or3A_256 = arith.ori %or3A_195, %or3A_255 : vector<16xi1>
          %mul3A_257 = arith.constant 4 : i32
          %mul3A_258 = arith.muli %scan3A_138, %mul3A_257 : i32
          %add3A_259 = arith.constant 2 : i32
          %add3A_260 = arith.addi %mul3A_258, %add3A_259 : i32
          %mul3A_261 = arith.constant 2 : i32
          %mul3A_262 = arith.muli %add3A_260, %mul3A_261 : i32
          %add3A_263 = arith.constant 0 : i32
          %add3A_264 = arith.addi %mul3A_262, %add3A_263 : i32
          %mul3A_265 = arith.constant 16 : i32
          %mul3A_266 = arith.muli %add3A_264, %mul3A_265 : i32
          %get3A_267 = arith.index_cast %mul3A_266 : i32 to index
          %get3A_268 = tpu.vector_load %arg10[%get3A_267] {strides = array<i32>} : memref<50192xf32, #tpu.memory_space<vmem>>, vector<16xf32>,
          %get3A_269 = arith.index_cast %mul3A_266 : i32 to index
          %get3A_270 = tpu.vector_load %arg9[%get3A_269] {strides = array<i32>} : memref<50192xf32, #tpu.memory_space<vmem>>, vector<16xf32>,
          %add3A_271 = arith.constant 16 : i32
          %add3A_272 = arith.addi %mul3A_266, %add3A_271 : i32
          %get3A_273 = arith.index_cast %add3A_272 : i32 to index
          %get3A_274 = tpu.vector_load %arg10[%get3A_273] {strides = array<i32>} : memref<50192xf32, #tpu.memory_space<vmem>>, vector<16xf32>,
          %add3A_275 = arith.constant 16 : i32
          %add3A_276 = arith.addi %mul3A_266, %add3A_275 : i32
          %get3A_277 = arith.index_cast %add3A_276 : i32 to index
          %get3A_278 = tpu.vector_load %arg9[%get3A_277] {strides = array<i32>} : memref<50192xf32, #tpu.memory_space<vmem>>, vector<16xf32>,
          %rev3A_279 = arith.constant 15 : i32
          %rev3A_280 = vector.broadcast %rev3A_279 : i32 to vector<16xi32>
          %rev3A_281 = tpu.iota {dimensions = array<i32: 0>} : vector<16xi32>
          %rev3A_282 = arith.subi %rev3A_280, %rev3A_281 : vector<16xi32>
          %rev3A_283 = tpu.dynamic_gather %get3A_274[%rev3A_282] in [0] : vector<16xf32>, vector<16xi32> -> vector<16xf32>
          %rev3A_284 = arith.constant 15 : i32
          %rev3A_285 = vector.broadcast %rev3A_284 : i32 to vector<16xi32>
          %rev3A_286 = tpu.iota {dimensions = array<i32: 0>} : vector<16xi32>
          %rev3A_287 = arith.subi %rev3A_285, %rev3A_286 : vector<16xi32>
          %rev3A_288 = tpu.dynamic_gather %get3A_278[%rev3A_287] in [0] : vector<16xf32>, vector<16xi32> -> vector<16xf32>
          %le3A_289 = arith.cmpf ole, %get3A_268, %rev3A_283 : vector<16xf32>
          %select_n3A_290 = arith.select %le3A_289, %get3A_268, %rev3A_283 : vector<16xi1>, vector<16xf32>
          %select_n3A_291 = arith.select %le3A_289, %get3A_270, %rev3A_288 : vector<16xi1>, vector<16xf32>
          %select_n3A_292 = arith.select %le3A_289, %rev3A_283, %get3A_268 : vector<16xi1>, vector<16xf32>
          %select_n3A_293 = arith.select %le3A_289, %rev3A_288, %get3A_270 : vector<16xi1>, vector<16xf32>
          %masked_sort3A_294 = arith.constant dense<true> : vector<16xi1>
          %masked_sort3A_295, %masked_sort3A_296, %masked_sort3A_297 = tpu.sort %select_n3A_290, %select_n3A_291 masked %masked_sort3A_294 : (vector<16xf32>, vector<16xf32>, vector<16xi1>) -> (vector<16xi1>, vector<16xf32>, vector<16xf32>)
          %masked_sort3A_298 = arith.constant dense<true> : vector<16xi1>
          %masked_sort3A_299, %masked_sort3A_300, %masked_sort3A_301 = tpu.sort %select_n3A_292, %select_n3A_293 masked %masked_sort3A_298 : (vector<16xf32>, vector<16xf32>, vector<16xi1>) -> (vector<16xi1>, vector<16xf32>, vector<16xf32>)
          %swap3A_302 = arith.index_cast %mul3A_266 : i32 to index
          %swap3A_303 = tpu.vector_load %arg10[%swap3A_302] {strides = array<i32>} : memref<50192xf32, #tpu.memory_space<vmem>>, vector<16xf32>,
          tpu.vector_store %arg10[%swap3A_302], %masked_sort3A_296 {strides = array<i32>} : memref<50192xf32, #tpu.memory_space<vmem>>, vector<16xf32>,
          %swap3A_304 = arith.index_cast %mul3A_266 : i32 to index
          %swap3A_305 = tpu.vector_load %arg9[%swap3A_304] {strides = array<i32>} : memref<50192xf32, #tpu.memory_space<vmem>>, vector<16xf32>,
          tpu.vector_store %arg9[%swap3A_304], %masked_sort3A_297 {strides = array<i32>} : memref<50192xf32, #tpu.memory_space<vmem>>, vector<16xf32>,
          %add3A_306 = arith.constant 16 : i32
          %add3A_307 = arith.addi %mul3A_266, %add3A_306 : i32
          %swap3A_308 = arith.index_cast %add3A_307 : i32 to index
          %swap3A_309 = tpu.vector_load %arg10[%swap3A_308] {strides = array<i32>} : memref<50192xf32, #tpu.memory_space<vmem>>, vector<16xf32>,
          tpu.vector_store %arg10[%swap3A_308], %masked_sort3A_300 {strides = array<i32>} : memref<50192xf32, #tpu.memory_space<vmem>>, vector<16xf32>,
          %add3A_310 = arith.constant 16 : i32
          %add3A_311 = arith.addi %mul3A_266, %add3A_310 : i32
          %swap3A_312 = arith.index_cast %add3A_311 : i32 to index
          %swap3A_313 = tpu.vector_load %arg9[%swap3A_312] {strides = array<i32>} : memref<50192xf32, #tpu.memory_space<vmem>>, vector<16xf32>,
          tpu.vector_store %arg9[%swap3A_312], %masked_sort3A_301 {strides = array<i32>} : memref<50192xf32, #tpu.memory_space<vmem>>, vector<16xf32>,
          %ne3A_314 = arith.cmpf one, %masked_sort3A_296, %get3A_268 : vector<16xf32>
          %ne3A_315 = arith.cmpf one, %masked_sort3A_300, %get3A_274 : vector<16xf32>
          %or3A_316 = arith.ori %ne3A_314, %ne3A_315 : vector<16xi1>
          %or3A_317 = arith.ori %or3A_256, %or3A_316 : vector<16xi1>
          %mul3A_318 = arith.constant 4 : i32
          %mul3A_319 = arith.muli %scan3A_138, %mul3A_318 : i32
          %add3A_320 = arith.constant 3 : i32
          %add3A_321 = arith.addi %mul3A_319, %add3A_320 : i32
          %mul3A_322 = arith.constant 2 : i32
          %mul3A_323 = arith.muli %add3A_321, %mul3A_322 : i32
          %add3A_324 = arith.constant 0 : i32
          %add3A_325 = arith.addi %mul3A_323, %add3A_324 : i32
          %mul3A_326 = arith.constant 16 : i32
          %mul3A_327 = arith.muli %add3A_325, %mul3A_326 : i32
          %get3A_328 = arith.index_cast %mul3A_327 : i32 to index
          %get3A_329 = tpu.vector_load %arg10[%get3A_328] {strides = array<i32>} : memref<50192xf32, #tpu.memory_space<vmem>>, vector<16xf32>,
          %get3A_330 = arith.index_cast %mul3A_327 : i32 to index
          %get3A_331 = tpu.vector_load %arg9[%get3A_330] {strides = array<i32>} : memref<50192xf32, #tpu.memory_space<vmem>>, vector<16xf32>,
          %add3A_332 = arith.constant 16 : i32
          %add3A_333 = arith.addi %mul3A_327, %add3A_332 : i32
          %get3A_334 = arith.index_cast %add3A_333 : i32 to index
          %get3A_335 = tpu.vector_load %arg10[%get3A_334] {strides = array<i32>} : memref<50192xf32, #tpu.memory_space<vmem>>, vector<16xf32>,
          %add3A_336 = arith.constant 16 : i32
          %add3A_337 = arith.addi %mul3A_327, %add3A_336 : i32
          %get3A_338 = arith.index_cast %add3A_337 : i32 to index
          %get3A_339 = tpu.vector_load %arg9[%get3A_338] {strides = array<i32>} : memref<50192xf32, #tpu.memory_space<vmem>>, vector<16xf32>,
          %rev3A_340 = arith.constant 15 : i32
          %rev3A_341 = vector.broadcast %rev3A_340 : i32 to vector<16xi32>
          %rev3A_342 = tpu.iota {dimensions = array<i32: 0>} : vector<16xi32>
          %rev3A_343 = arith.subi %rev3A_341, %rev3A_342 : vector<16xi32>
          %rev3A_344 = tpu.dynamic_gather %get3A_335[%rev3A_343] in [0] : vector<16xf32>, vector<16xi32> -> vector<16xf32>
          %rev3A_345 = arith.constant 15 : i32
          %rev3A_346 = vector.broadcast %rev3A_345 : i32 to vector<16xi32>
          %rev3A_347 = tpu.iota {dimensions = array<i32: 0>} : vector<16xi32>
          %rev3A_348 = arith.subi %rev3A_346, %rev3A_347 : vector<16xi32>
          %rev3A_349 = tpu.dynamic_gather %get3A_339[%rev3A_348] in [0] : vector<16xf32>, vector<16xi32> -> vector<16xf32>
          %le3A_350 = arith.cmpf ole, %get3A_329, %rev3A_344 : vector<16xf32>
          %select_n3A_351 = arith.select %le3A_350, %get3A_329, %rev3A_344 : vector<16xi1>, vector<16xf32>
          %select_n3A_352 = arith.select %le3A_350, %get3A_331, %rev3A_349 : vector<16xi1>, vector<16xf32>
          %select_n3A_353 = arith.select %le3A_350, %rev3A_344, %get3A_329 : vector<16xi1>, vector<16xf32>
          %select_n3A_354 = arith.select %le3A_350, %rev3A_349, %get3A_331 : vector<16xi1>, vector<16xf32>
          %masked_sort3A_355 = arith.constant dense<true> : vector<16xi1>
          %masked_sort3A_356, %masked_sort3A_357, %masked_sort3A_358 = tpu.sort %select_n3A_351, %select_n3A_352 masked %masked_sort3A_355 : (vector<16xf32>, vector<16xf32>, vector<16xi1>) -> (vector<16xi1>, vector<16xf32>, vector<16xf32>)
          %masked_sort3A_359 = arith.constant dense<true> : vector<16xi1>
          %masked_sort3A_360, %masked_sort3A_361, %masked_sort3A_362 = tpu.sort %select_n3A_353, %select_n3A_354 masked %masked_sort3A_359 : (vector<16xf32>, vector<16xf32>, vector<16xi1>) -> (vector<16xi1>, vector<16xf32>, vector<16xf32>)
          %swap3A_363 = arith.index_cast %mul3A_327 : i32 to index
          %swap3A_364 = tpu.vector_load %arg10[%swap3A_363] {strides = array<i32>} : memref<50192xf32, #tpu.memory_space<vmem>>, vector<16xf32>,
          tpu.vector_store %arg10[%swap3A_363], %masked_sort3A_357 {strides = array<i32>} : memref<50192xf32, #tpu.memory_space<vmem>>, vector<16xf32>,
          %swap3A_365 = arith.index_cast %mul3A_327 : i32 to index
          %swap3A_366 = tpu.vector_load %arg9[%swap3A_365] {strides = array<i32>} : memref<50192xf32, #tpu.memory_space<vmem>>, vector<16xf32>,
          tpu.vector_store %arg9[%swap3A_365], %masked_sort3A_358 {strides = array<i32>} : memref<50192xf32, #tpu.memory_space<vmem>>, vector<16xf32>,
          %add3A_367 = arith.constant 16 : i32
          %add3A_368 = arith.addi %mul3A_327, %add3A_367 : i32
          %swap3A_369 = arith.index_cast %add3A_368 : i32 to index
          %swap3A_370 = tpu.vector_load %arg10[%swap3A_369] {strides = array<i32>} : memref<50192xf32, #tpu.memory_space<vmem>>, vector<16xf32>,
          tpu.vector_store %arg10[%swap3A_369], %masked_sort3A_361 {strides = array<i32>} : memref<50192xf32, #tpu.memory_space<vmem>>, vector<16xf32>,
          %add3A_371 = arith.constant 16 : i32
          %add3A_372 = arith.addi %mul3A_327, %add3A_371 : i32
          %swap3A_373 = arith.index_cast %add3A_372 : i32 to index
          %swap3A_374 = tpu.vector_load %arg9[%swap3A_373] {strides = array<i32>} : memref<50192xf32, #tpu.memory_space<vmem>>, vector<16xf32>,
          tpu.vector_store %arg9[%swap3A_373], %masked_sort3A_362 {strides = array<i32>} : memref<50192xf32, #tpu.memory_space<vmem>>, vector<16xf32>,
          %ne3A_375 = arith.cmpf one, %masked_sort3A_357, %get3A_329 : vector<16xf32>
          %ne3A_376 = arith.cmpf one, %masked_sort3A_361, %get3A_335 : vector<16xf32>
          %or3A_377 = arith.ori %ne3A_375, %ne3A_376 : vector<16xi1>
          %or3A_378 = arith.ori %or3A_317, %or3A_377 : vector<16xi1>
          scf.yield %or3A_378 : vector<16xi1>
        }
        %scan3A_119 = arith.constant 392 : i32
        %broadcast_in_dim3A_120 = arith.constant false
        %broadcast_in_dim3A_121 = vector.broadcast %broadcast_in_dim3A_120 : i1 to vector<16xi1>
        %scan3A_122 = arith.constant 0 : i32
        %scan3A_123 = arith.constant 392 : i32
        %scan3A_124 = arith.addi %scan3A_122, %scan3A_123 : i32
        %scan3A_125 = arith.constant 1 : i32
        %scan3A_126 = scf.for %scan3A_138 = %scan3A_122 to %scan3A_124 step %scan3A_125 iter_args(%scan3A_139 = %broadcast_in_dim3A_121) -> (vector<16xi1>)  : i32 {
          %mul3A_140 = arith.constant 4 : i32
          %mul3A_141 = arith.muli %scan3A_138, %mul3A_140 : i32
          %add3A_142 = arith.constant 0 : i32
          %add3A_143 = arith.addi %mul3A_141, %add3A_142 : i32
          %mul3A_144 = arith.constant 2 : i32
          %mul3A_145 = arith.muli %add3A_143, %mul3A_144 : i32
          %add3A_146 = arith.constant 1 : i32
          %add3A_147 = arith.addi %mul3A_145, %add3A_146 : i32
          %mul3A_148 = arith.constant 16 : i32
          %mul3A_149 = arith.muli %add3A_147, %mul3A_148 : i32
          %get3A_150 = arith.index_cast %mul3A_149 : i32 to index
          %get3A_151 = tpu.vector_load %arg10[%get3A_150] {strides = array<i32>} : memref<50192xf32, #tpu.memory_space<vmem>>, vector<16xf32>,
          %get3A_152 = arith.index_cast %mul3A_149 : i32 to index
          %get3A_153 = tpu.vector_load %arg9[%get3A_152] {strides = array<i32>} : memref<50192xf32, #tpu.memory_space<vmem>>, vector<16xf32>,
          %add3A_154 = arith.constant 16 : i32
          %add3A_155 = arith.addi %mul3A_149, %add3A_154 : i32
          %get3A_156 = arith.index_cast %add3A_155 : i32 to index
          %get3A_157 = tpu.vector_load %arg10[%get3A_156] {strides = array<i32>} : memref<50192xf32, #tpu.memory_space<vmem>>, vector<16xf32>,
          %add3A_158 = arith.constant 16 : i32
          %add3A_159 = arith.addi %mul3A_149, %add3A_158 : i32
          %get3A_160 = arith.index_cast %add3A_159 : i32 to index
          %get3A_161 = tpu.vector_load %arg9[%get3A_160] {strides = array<i32>} : memref<50192xf32, #tpu.memory_space<vmem>>, vector<16xf32>,
          %rev3A = arith.constant 15 : i32
          %rev3A_162 = vector.broadcast %rev3A : i32 to vector<16xi32>
          %rev3A_163 = tpu.iota {dimensions = array<i32: 0>} : vector<16xi32>
          %rev3A_164 = arith.subi %rev3A_162, %rev3A_163 : vector<16xi32>
          %rev3A_165 = tpu.dynamic_gather %get3A_157[%rev3A_164] in [0] : vector<16xf32>, vector<16xi32> -> vector<16xf32>
          %rev3A_166 = arith.constant 15 : i32
          %rev3A_167 = vector.broadcast %rev3A_166 : i32 to vector<16xi32>
          %rev3A_168 = tpu.iota {dimensions = array<i32: 0>} : vector<16xi32>
          %rev3A_169 = arith.subi %rev3A_167, %rev3A_168 : vector<16xi32>
          %rev3A_170 = tpu.dynamic_gather %get3A_161[%rev3A_169] in [0] : vector<16xf32>, vector<16xi32> -> vector<16xf32>
          %le3A = arith.cmpf ole, %get3A_151, %rev3A_165 : vector<16xf32>
          %select_n3A = arith.select %le3A, %get3A_151, %rev3A_165 : vector<16xi1>, vector<16xf32>
          %select_n3A_171 = arith.select %le3A, %get3A_153, %rev3A_170 : vector<16xi1>, vector<16xf32>
          %select_n3A_172 = arith.select %le3A, %rev3A_165, %get3A_151 : vector<16xi1>, vector<16xf32>
          %select_n3A_173 = arith.select %le3A, %rev3A_170, %get3A_153 : vector<16xi1>, vector<16xf32>
          %masked_sort3A = arith.constant dense<true> : vector<16xi1>
          %masked_sort3A_174, %masked_sort3A_175, %masked_sort3A_176 = tpu.sort %select_n3A, %select_n3A_171 masked %masked_sort3A : (vector<16xf32>, vector<16xf32>, vector<16xi1>) -> (vector<16xi1>, vector<16xf32>, vector<16xf32>)
          %masked_sort3A_177 = arith.constant dense<true> : vector<16xi1>
          %masked_sort3A_178, %masked_sort3A_179, %masked_sort3A_180 = tpu.sort %select_n3A_172, %select_n3A_173 masked %masked_sort3A_177 : (vector<16xf32>, vector<16xf32>, vector<16xi1>) -> (vector<16xi1>, vector<16xf32>, vector<16xf32>)
          %swap3A_181 = arith.index_cast %mul3A_149 : i32 to index
          %swap3A_182 = tpu.vector_load %arg10[%swap3A_181] {strides = array<i32>} : memref<50192xf32, #tpu.memory_space<vmem>>, vector<16xf32>,
          tpu.vector_store %arg10[%swap3A_181], %masked_sort3A_175 {strides = array<i32>} : memref<50192xf32, #tpu.memory_space<vmem>>, vector<16xf32>,
          %swap3A_183 = arith.index_cast %mul3A_149 : i32 to index
          %swap3A_184 = tpu.vector_load %arg9[%swap3A_183] {strides = array<i32>} : memref<50192xf32, #tpu.memory_space<vmem>>, vector<16xf32>,
          tpu.vector_store %arg9[%swap3A_183], %masked_sort3A_176 {strides = array<i32>} : memref<50192xf32, #tpu.memory_space<vmem>>, vector<16xf32>,
          %add3A_185 = arith.constant 16 : i32
          %add3A_186 = arith.addi %mul3A_149, %add3A_185 : i32
          %swap3A_187 = arith.index_cast %add3A_186 : i32 to index
          %swap3A_188 = tpu.vector_load %arg10[%swap3A_187] {strides = array<i32>} : memref<50192xf32, #tpu.memory_space<vmem>>, vector<16xf32>,
          tpu.vector_store %arg10[%swap3A_187], %masked_sort3A_179 {strides = array<i32>} : memref<50192xf32, #tpu.memory_space<vmem>>, vector<16xf32>,
          %add3A_189 = arith.constant 16 : i32
          %add3A_190 = arith.addi %mul3A_149, %add3A_189 : i32
          %swap3A_191 = arith.index_cast %add3A_190 : i32 to index
          %swap3A_192 = tpu.vector_load %arg9[%swap3A_191] {strides = array<i32>} : memref<50192xf32, #tpu.memory_space<vmem>>, vector<16xf32>,
          tpu.vector_store %arg9[%swap3A_191], %masked_sort3A_180 {strides = array<i32>} : memref<50192xf32, #tpu.memory_space<vmem>>, vector<16xf32>,
          %ne3A = arith.cmpf one, %masked_sort3A_175, %get3A_151 : vector<16xf32>
          %ne3A_193 = arith.cmpf one, %masked_sort3A_179, %get3A_157 : vector<16xf32>
          %or3A_194 = arith.ori %ne3A, %ne3A_193 : vector<16xi1>
          %or3A_195 = arith.ori %scan3A_139, %or3A_194 : vector<16xi1>
          %mul3A_196 = arith.constant 4 : i32
          %mul3A_197 = arith.muli %scan3A_138, %mul3A_196 : i32
          %add3A_198 = arith.constant 1 : i32
          %add3A_199 = arith.addi %mul3A_197, %add3A_198 : i32
          %mul3A_200 = arith.constant 2 : i32
          %mul3A_201 = arith.muli %add3A_199, %mul3A_200 : i32
          %add3A_202 = arith.constant 1 : i32
          %add3A_203 = arith.addi %mul3A_201, %add3A_202 : i32
          %mul3A_204 = arith.constant 16 : i32
          %mul3A_205 = arith.muli %add3A_203, %mul3A_204 : i32
          %get3A_206 = arith.index_cast %mul3A_205 : i32 to index
          %get3A_207 = tpu.vector_load %arg10[%get3A_206] {strides = array<i32>} : memref<50192xf32, #tpu.memory_space<vmem>>, vector<16xf32>,
          %get3A_208 = arith.index_cast %mul3A_205 : i32 to index
          %get3A_209 = tpu.vector_load %arg9[%get3A_208] {strides = array<i32>} : memref<50192xf32, #tpu.memory_space<vmem>>, vector<16xf32>,
          %add3A_210 = arith.constant 16 : i32
          %add3A_211 = arith.addi %mul3A_205, %add3A_210 : i32
          %get3A_212 = arith.index_cast %add3A_211 : i32 to index
          %get3A_213 = tpu.vector_load %arg10[%get3A_212] {strides = array<i32>} : memref<50192xf32, #tpu.memory_space<vmem>>, vector<16xf32>,
          %add3A_214 = arith.constant 16 : i32
          %add3A_215 = arith.addi %mul3A_205, %add3A_214 : i32
          %get3A_216 = arith.index_cast %add3A_215 : i32 to index
          %get3A_217 = tpu.vector_load %arg9[%get3A_216] {strides = array<i32>} : memref<50192xf32, #tpu.memory_space<vmem>>, vector<16xf32>,
          %rev3A_218 = arith.constant 15 : i32
          %rev3A_219 = vector.broadcast %rev3A_218 : i32 to vector<16xi32>
          %rev3A_220 = tpu.iota {dimensions = array<i32: 0>} : vector<16xi32>
          %rev3A_221 = arith.subi %rev3A_219, %rev3A_220 : vector<16xi32>
          %rev3A_222 = tpu.dynamic_gather %get3A_213[%rev3A_221] in [0] : vector<16xf32>, vector<16xi32> -> vector<16xf32>
          %rev3A_223 = arith.constant 15 : i32
          %rev3A_224 = vector.broadcast %rev3A_223 : i32 to vector<16xi32>
          %rev3A_225 = tpu.iota {dimensions = array<i32: 0>} : vector<16xi32>
          %rev3A_226 = arith.subi %rev3A_224, %rev3A_225 : vector<16xi32>
          %rev3A_227 = tpu.dynamic_gather %get3A_217[%rev3A_226] in [0] : vector<16xf32>, vector<16xi32> -> vector<16xf32>
          %le3A_228 = arith.cmpf ole, %get3A_207, %rev3A_222 : vector<16xf32>
          %select_n3A_229 = arith.select %le3A_228, %get3A_207, %rev3A_222 : vector<16xi1>, vector<16xf32>
          %select_n3A_230 = arith.select %le3A_228, %get3A_209, %rev3A_227 : vector<16xi1>, vector<16xf32>
          %select_n3A_231 = arith.select %le3A_228, %rev3A_222, %get3A_207 : vector<16xi1>, vector<16xf32>
          %select_n3A_232 = arith.select %le3A_228, %rev3A_227, %get3A_209 : vector<16xi1>, vector<16xf32>
          %masked_sort3A_233 = arith.constant dense<true> : vector<16xi1>
          %masked_sort3A_234, %masked_sort3A_235, %masked_sort3A_236 = tpu.sort %select_n3A_229, %select_n3A_230 masked %masked_sort3A_233 : (vector<16xf32>, vector<16xf32>, vector<16xi1>) -> (vector<16xi1>, vector<16xf32>, vector<16xf32>)
          %masked_sort3A_237 = arith.constant dense<true> : vector<16xi1>
          %masked_sort3A_238, %masked_sort3A_239, %masked_sort3A_240 = tpu.sort %select_n3A_231, %select_n3A_232 masked %masked_sort3A_237 : (vector<16xf32>, vector<16xf32>, vector<16xi1>) -> (vector<16xi1>, vector<16xf32>, vector<16xf32>)
          %swap3A_241 = arith.index_cast %mul3A_205 : i32 to index
          %swap3A_242 = tpu.vector_load %arg10[%swap3A_241] {strides = array<i32>} : memref<50192xf32, #tpu.memory_space<vmem>>, vector<16xf32>,
          tpu.vector_store %arg10[%swap3A_241], %masked_sort3A_235 {strides = array<i32>} : memref<50192xf32, #tpu.memory_space<vmem>>, vector<16xf32>,
          %swap3A_243 = arith.index_cast %mul3A_205 : i32 to index
          %swap3A_244 = tpu.vector_load %arg9[%swap3A_243] {strides = array<i32>} : memref<50192xf32, #tpu.memory_space<vmem>>, vector<16xf32>,
          tpu.vector_store %arg9[%swap3A_243], %masked_sort3A_236 {strides = array<i32>} : memref<50192xf32, #tpu.memory_space<vmem>>, vector<16xf32>,
          %add3A_245 = arith.constant 16 : i32
          %add3A_246 = arith.addi %mul3A_205, %add3A_245 : i32
          %swap3A_247 = arith.index_cast %add3A_246 : i32 to index
          %swap3A_248 = tpu.vector_load %arg10[%swap3A_247] {strides = array<i32>} : memref<50192xf32, #tpu.memory_space<vmem>>, vector<16xf32>,
          tpu.vector_store %arg10[%swap3A_247], %masked_sort3A_239 {strides = array<i32>} : memref<50192xf32, #tpu.memory_space<vmem>>, vector<16xf32>,
          %add3A_249 = arith.constant 16 : i32
          %add3A_250 = arith.addi %mul3A_205, %add3A_249 : i32
          %swap3A_251 = arith.index_cast %add3A_250 : i32 to index
          %swap3A_252 = tpu.vector_load %arg9[%swap3A_251] {strides = array<i32>} : memref<50192xf32, #tpu.memory_space<vmem>>, vector<16xf32>,
          tpu.vector_store %arg9[%swap3A_251], %masked_sort3A_240 {strides = array<i32>} : memref<50192xf32, #tpu.memory_space<vmem>>, vector<16xf32>,
          %ne3A_253 = arith.cmpf one, %masked_sort3A_235, %get3A_207 : vector<16xf32>
          %ne3A_254 = arith.cmpf one, %masked_sort3A_239, %get3A_213 : vector<16xf32>
          %or3A_255 = arith.ori %ne3A_253, %ne3A_254 : vector<16xi1>
          %or3A_256 = arith.ori %or3A_195, %or3A_255 : vector<16xi1>
          %mul3A_257 = arith.constant 4 : i32
          %mul3A_258 = arith.muli %scan3A_138, %mul3A_257 : i32
          %add3A_259 = arith.constant 2 : i32
          %add3A_260 = arith.addi %mul3A_258, %add3A_259 : i32
          %mul3A_261 = arith.constant 2 : i32
          %mul3A_262 = arith.muli %add3A_260, %mul3A_261 : i32
          %add3A_263 = arith.constant 1 : i32
          %add3A_264 = arith.addi %mul3A_262, %add3A_263 : i32
          %mul3A_265 = arith.constant 16 : i32
          %mul3A_266 = arith.muli %add3A_264, %mul3A_265 : i32
          %get3A_267 = arith.index_cast %mul3A_266 : i32 to index
          %get3A_268 = tpu.vector_load %arg10[%get3A_267] {strides = array<i32>} : memref<50192xf32, #tpu.memory_space<vmem>>, vector<16xf32>,
          %get3A_269 = arith.index_cast %mul3A_266 : i32 to index
          %get3A_270 = tpu.vector_load %arg9[%get3A_269] {strides = array<i32>} : memref<50192xf32, #tpu.memory_space<vmem>>, vector<16xf32>,
          %add3A_271 = arith.constant 16 : i32
          %add3A_272 = arith.addi %mul3A_266, %add3A_271 : i32
          %get3A_273 = arith.index_cast %add3A_272 : i32 to index
          %get3A_274 = tpu.vector_load %arg10[%get3A_273] {strides = array<i32>} : memref<50192xf32, #tpu.memory_space<vmem>>, vector<16xf32>,
          %add3A_275 = arith.constant 16 : i32
          %add3A_276 = arith.addi %mul3A_266, %add3A_275 : i32
          %get3A_277 = arith.index_cast %add3A_276 : i32 to index
          %get3A_278 = tpu.vector_load %arg9[%get3A_277] {strides = array<i32>} : memref<50192xf32, #tpu.memory_space<vmem>>, vector<16xf32>,
          %rev3A_279 = arith.constant 15 : i32
          %rev3A_280 = vector.broadcast %rev3A_279 : i32 to vector<16xi32>
          %rev3A_281 = tpu.iota {dimensions = array<i32: 0>} : vector<16xi32>
          %rev3A_282 = arith.subi %rev3A_280, %rev3A_281 : vector<16xi32>
          %rev3A_283 = tpu.dynamic_gather %get3A_274[%rev3A_282] in [0] : vector<16xf32>, vector<16xi32> -> vector<16xf32>
          %rev3A_284 = arith.constant 15 : i32
          %rev3A_285 = vector.broadcast %rev3A_284 : i32 to vector<16xi32>
          %rev3A_286 = tpu.iota {dimensions = array<i32: 0>} : vector<16xi32>
          %rev3A_287 = arith.subi %rev3A_285, %rev3A_286 : vector<16xi32>
          %rev3A_288 = tpu.dynamic_gather %get3A_278[%rev3A_287] in [0] : vector<16xf32>, vector<16xi32> -> vector<16xf32>
          %le3A_289 = arith.cmpf ole, %get3A_268, %rev3A_283 : vector<16xf32>
          %select_n3A_290 = arith.select %le3A_289, %get3A_268, %rev3A_283 : vector<16xi1>, vector<16xf32>
          %select_n3A_291 = arith.select %le3A_289, %get3A_270, %rev3A_288 : vector<16xi1>, vector<16xf32>
          %select_n3A_292 = arith.select %le3A_289, %rev3A_283, %get3A_268 : vector<16xi1>, vector<16xf32>
          %select_n3A_293 = arith.select %le3A_289, %rev3A_288, %get3A_270 : vector<16xi1>, vector<16xf32>
          %masked_sort3A_294 = arith.constant dense<true> : vector<16xi1>
          %masked_sort3A_295, %masked_sort3A_296, %masked_sort3A_297 = tpu.sort %select_n3A_290, %select_n3A_291 masked %masked_sort3A_294 : (vector<16xf32>, vector<16xf32>, vector<16xi1>) -> (vector<16xi1>, vector<16xf32>, vector<16xf32>)
          %masked_sort3A_298 = arith.constant dense<true> : vector<16xi1>
          %masked_sort3A_299, %masked_sort3A_300, %masked_sort3A_301 = tpu.sort %select_n3A_292, %select_n3A_293 masked %masked_sort3A_298 : (vector<16xf32>, vector<16xf32>, vector<16xi1>) -> (vector<16xi1>, vector<16xf32>, vector<16xf32>)
          %swap3A_302 = arith.index_cast %mul3A_266 : i32 to index
          %swap3A_303 = tpu.vector_load %arg10[%swap3A_302] {strides = array<i32>} : memref<50192xf32, #tpu.memory_space<vmem>>, vector<16xf32>,
          tpu.vector_store %arg10[%swap3A_302], %masked_sort3A_296 {strides = array<i32>} : memref<50192xf32, #tpu.memory_space<vmem>>, vector<16xf32>,
          %swap3A_304 = arith.index_cast %mul3A_266 : i32 to index
          %swap3A_305 = tpu.vector_load %arg9[%swap3A_304] {strides = array<i32>} : memref<50192xf32, #tpu.memory_space<vmem>>, vector<16xf32>,
          tpu.vector_store %arg9[%swap3A_304], %masked_sort3A_297 {strides = array<i32>} : memref<50192xf32, #tpu.memory_space<vmem>>, vector<16xf32>,
          %add3A_306 = arith.constant 16 : i32
          %add3A_307 = arith.addi %mul3A_266, %add3A_306 : i32
          %swap3A_308 = arith.index_cast %add3A_307 : i32 to index
          %swap3A_309 = tpu.vector_load %arg10[%swap3A_308] {strides = array<i32>} : memref<50192xf32, #tpu.memory_space<vmem>>, vector<16xf32>,
          tpu.vector_store %arg10[%swap3A_308], %masked_sort3A_300 {strides = array<i32>} : memref<50192xf32, #tpu.memory_space<vmem>>, vector<16xf32>,
          %add3A_310 = arith.constant 16 : i32
          %add3A_311 = arith.addi %mul3A_266, %add3A_310 : i32
          %swap3A_312 = arith.index_cast %add3A_311 : i32 to index
          %swap3A_313 = tpu.vector_load %arg9[%swap3A_312] {strides = array<i32>} : memref<50192xf32, #tpu.memory_space<vmem>>, vector<16xf32>,
          tpu.vector_store %arg9[%swap3A_312], %masked_sort3A_301 {strides = array<i32>} : memref<50192xf32, #tpu.memory_space<vmem>>, vector<16xf32>,
          %ne3A_314 = arith.cmpf one, %masked_sort3A_296, %get3A_268 : vector<16xf32>
          %ne3A_315 = arith.cmpf one, %masked_sort3A_300, %get3A_274 : vector<16xf32>
          %or3A_316 = arith.ori %ne3A_314, %ne3A_315 : vector<16xi1>
          %or3A_317 = arith.ori %or3A_256, %or3A_316 : vector<16xi1>
          %mul3A_318 = arith.constant 4 : i32
          %mul3A_319 = arith.muli %scan3A_138, %mul3A_318 : i32
          %add3A_320 = arith.constant 3 : i32
          %add3A_321 = arith.addi %mul3A_319, %add3A_320 : i32
          %mul3A_322 = arith.constant 2 : i32
          %mul3A_323 = arith.muli %add3A_321, %mul3A_322 : i32
          %add3A_324 = arith.constant 1 : i32
          %add3A_325 = arith.addi %mul3A_323, %add3A_324 : i32
          %mul3A_326 = arith.constant 16 : i32
          %mul3A_327 = arith.muli %add3A_325, %mul3A_326 : i32
          %get3A_328 = arith.index_cast %mul3A_327 : i32 to index
          %get3A_329 = tpu.vector_load %arg10[%get3A_328] {strides = array<i32>} : memref<50192xf32, #tpu.memory_space<vmem>>, vector<16xf32>,
          %get3A_330 = arith.index_cast %mul3A_327 : i32 to index
          %get3A_331 = tpu.vector_load %arg9[%get3A_330] {strides = array<i32>} : memref<50192xf32, #tpu.memory_space<vmem>>, vector<16xf32>,
          %add3A_332 = arith.constant 16 : i32
          %add3A_333 = arith.addi %mul3A_327, %add3A_332 : i32
          %get3A_334 = arith.index_cast %add3A_333 : i32 to index
          %get3A_335 = tpu.vector_load %arg10[%get3A_334] {strides = array<i32>} : memref<50192xf32, #tpu.memory_space<vmem>>, vector<16xf32>,
          %add3A_336 = arith.constant 16 : i32
          %add3A_337 = arith.addi %mul3A_327, %add3A_336 : i32
          %get3A_338 = arith.index_cast %add3A_337 : i32 to index
          %get3A_339 = tpu.vector_load %arg9[%get3A_338] {strides = array<i32>} : memref<50192xf32, #tpu.memory_space<vmem>>, vector<16xf32>,
          %rev3A_340 = arith.constant 15 : i32
          %rev3A_341 = vector.broadcast %rev3A_340 : i32 to vector<16xi32>
          %rev3A_342 = tpu.iota {dimensions = array<i32: 0>} : vector<16xi32>
          %rev3A_343 = arith.subi %rev3A_341, %rev3A_342 : vector<16xi32>
          %rev3A_344 = tpu.dynamic_gather %get3A_335[%rev3A_343] in [0] : vector<16xf32>, vector<16xi32> -> vector<16xf32>
          %rev3A_345 = arith.constant 15 : i32
          %rev3A_346 = vector.broadcast %rev3A_345 : i32 to vector<16xi32>
          %rev3A_347 = tpu.iota {dimensions = array<i32: 0>} : vector<16xi32>
          %rev3A_348 = arith.subi %rev3A_346, %rev3A_347 : vector<16xi32>
          %rev3A_349 = tpu.dynamic_gather %get3A_339[%rev3A_348] in [0] : vector<16xf32>, vector<16xi32> -> vector<16xf32>
          %le3A_350 = arith.cmpf ole, %get3A_329, %rev3A_344 : vector<16xf32>
          %select_n3A_351 = arith.select %le3A_350, %get3A_329, %rev3A_344 : vector<16xi1>, vector<16xf32>
          %select_n3A_352 = arith.select %le3A_350, %get3A_331, %rev3A_349 : vector<16xi1>, vector<16xf32>
          %select_n3A_353 = arith.select %le3A_350, %rev3A_344, %get3A_329 : vector<16xi1>, vector<16xf32>
          %select_n3A_354 = arith.select %le3A_350, %rev3A_349, %get3A_331 : vector<16xi1>, vector<16xf32>
          %masked_sort3A_355 = arith.constant dense<true> : vector<16xi1>
          %masked_sort3A_356, %masked_sort3A_357, %masked_sort3A_358 = tpu.sort %select_n3A_351, %select_n3A_352 masked %masked_sort3A_355 : (vector<16xf32>, vector<16xf32>, vector<16xi1>) -> (vector<16xi1>, vector<16xf32>, vector<16xf32>)
          %masked_sort3A_359 = arith.constant dense<true> : vector<16xi1>
          %masked_sort3A_360, %masked_sort3A_361, %masked_sort3A_362 = tpu.sort %select_n3A_353, %select_n3A_354 masked %masked_sort3A_359 : (vector<16xf32>, vector<16xf32>, vector<16xi1>) -> (vector<16xi1>, vector<16xf32>, vector<16xf32>)
          %swap3A_363 = arith.index_cast %mul3A_327 : i32 to index
          %swap3A_364 = tpu.vector_load %arg10[%swap3A_363] {strides = array<i32>} : memref<50192xf32, #tpu.memory_space<vmem>>, vector<16xf32>,
          tpu.vector_store %arg10[%swap3A_363], %masked_sort3A_357 {strides = array<i32>} : memref<50192xf32, #tpu.memory_space<vmem>>, vector<16xf32>,
          %swap3A_365 = arith.index_cast %mul3A_327 : i32 to index
          %swap3A_366 = tpu.vector_load %arg9[%swap3A_365] {strides = array<i32>} : memref<50192xf32, #tpu.memory_space<vmem>>, vector<16xf32>,
          tpu.vector_store %arg9[%swap3A_365], %masked_sort3A_358 {strides = array<i32>} : memref<50192xf32, #tpu.memory_space<vmem>>, vector<16xf32>,
          %add3A_367 = arith.constant 16 : i32
          %add3A_368 = arith.addi %mul3A_327, %add3A_367 : i32
          %swap3A_369 = arith.index_cast %add3A_368 : i32 to index
          %swap3A_370 = tpu.vector_load %arg10[%swap3A_369] {strides = array<i32>} : memref<50192xf32, #tpu.memory_space<vmem>>, vector<16xf32>,
          tpu.vector_store %arg10[%swap3A_369], %masked_sort3A_361 {strides = array<i32>} : memref<50192xf32, #tpu.memory_space<vmem>>, vector<16xf32>,
          %add3A_371 = arith.constant 16 : i32
          %add3A_372 = arith.addi %mul3A_327, %add3A_371 : i32
          %swap3A_373 = arith.index_cast %add3A_372 : i32 to index
          %swap3A_374 = tpu.vector_load %arg9[%swap3A_373] {strides = array<i32>} : memref<50192xf32, #tpu.memory_space<vmem>>, vector<16xf32>,
          tpu.vector_store %arg9[%swap3A_373], %masked_sort3A_362 {strides = array<i32>} : memref<50192xf32, #tpu.memory_space<vmem>>, vector<16xf32>,
          %ne3A_375 = arith.cmpf one, %masked_sort3A_357, %get3A_329 : vector<16xf32>
          %ne3A_376 = arith.cmpf one, %masked_sort3A_361, %get3A_335 : vector<16xf32>
          %or3A_377 = arith.ori %ne3A_375, %ne3A_376 : vector<16xi1>
          %or3A_378 = arith.ori %or3A_317, %or3A_377 : vector<16xi1>
          scf.yield %or3A_378 : vector<16xi1>
        }
        %scan3A_127 = arith.constant 392 : i32
        %or3A = arith.ori %scan3A_118, %scan3A_126 : vector<16xi1>
        %reduce_or3A = arith.constant 1.000000e+00 : f32
        %reduce_or3A_128 = arith.constant 0.000000e+00 : f32
        %reduce_or3A_129 = vector.broadcast %reduce_or3A : f32 to vector<16xf32>
        %reduce_or3A_130 = vector.broadcast %reduce_or3A_128 : f32 to vector<16xf32>
        %reduce_or3A_131 = arith.select %or3A, %reduce_or3A_129, %reduce_or3A_130 : vector<16xi1>, vector<16xf32>
        %reduce_or3A_132 = arith.constant true
        %reduce_or3A_133 = vector.broadcast %reduce_or3A_132 : i1 to vector<16xi1>
        %reduce_or3A_134 = tpu.scan <max>, %reduce_or3A_131 masked %reduce_or3A_133 : vector<16xf32>, vector<16xi1> -> vector<16xf32>
        %reduce_or3A_135 = vector.extract %reduce_or3A_134[15] : f32 from vector<16xf32>
        %reduce_or3A_136 = arith.constant 0.000000e+00 : f32
        %reduce_or3A_137 = arith.cmpf ogt, %reduce_or3A_135, %reduce_or3A_136 : f32
        scf.yield %reduce_or3A_137 : i1
      }
      "tpu.trace_stop"() : () -> ()
      "tpu.trace_start"() <{level = 10 : i32, message = "ph_final"}> : () -> ()
      %scan3A_102 = arith.constant 0 : i32
      %scan3A_103 = arith.constant 0 : i32
      %scan3A_104 = arith.constant 28 : i32
      %scan3A_105 = arith.addi %scan3A_103, %scan3A_104 : i32
      %scan3A_106 = arith.constant 1 : i32
      %scan3A_107 = scf.for %scan3A_111 = %scan3A_103 to %scan3A_105 step %scan3A_106 iter_args(%scan3A_112 = %scan3A_102) -> (i32)  : i32 {
        %mul3A_113 = arith.constant 1792 : i32
        %mul3A_114 = arith.muli %scan3A_111, %mul3A_113 : i32
        %add3A_115 = arith.addi %mul3A_34, %mul3A_114 : i32
        "tpu.region"() ({
          %run_scoped3A = tpu.sem_alloc : memref<!tpu.dma_semaphore, #tpu.memory_space<semaphore_mem>>
          %dma_start3A = tpu.memref_slice %arg8[%add3A_115] : memref<1605632xf32, #tpu.memory_space<hbm>> -> memref<1792xf32, #tpu.memory_space<hbm>>
          %dma_start3A_124 = tpu.memref_slice %arg8[%add3A_115] : memref<1605632xf32, #tpu.memory_space<hbm>> -> memref<1792xf32, #tpu.memory_space<hbm>>
          tpu.enqueue_dma source(%dma_start3A_124 : memref<1792xf32, #tpu.memory_space<hbm>>) target(%arg13 : memref<1792xf32, #tpu.memory_space<vmem>>) target_semaphore(%run_scoped3A : memref<!tpu.dma_semaphore, #tpu.memory_space<semaphore_mem>>)
          %dma_wait3A = tpu.memref_slice %arg8[%add3A_115] : memref<1605632xf32, #tpu.memory_space<hbm>> -> memref<1792xf32, #tpu.memory_space<hbm>>
          %dma_wait3A_125 = tpu.memref_slice %arg8[%add3A_115] : memref<1605632xf32, #tpu.memory_space<hbm>> -> memref<1792xf32, #tpu.memory_space<hbm>>
          tpu.wait_dma2 semaphore(%run_scoped3A : memref<!tpu.dma_semaphore, #tpu.memory_space<semaphore_mem>>) src(%dma_wait3A_125 : memref<1792xf32, #tpu.memory_space<hbm>>) dst(%arg13 : memref<1792xf32, #tpu.memory_space<vmem>>)
          tpu.yield
        }) : () -> ()
        %scan3A_116 = arith.constant 0 : i32
        %scan3A_117 = arith.constant 0 : i32
        %scan3A_118 = arith.constant 14 : i32
        %scan3A_119 = arith.addi %scan3A_117, %scan3A_118 : i32
        %scan3A_120 = arith.constant 1 : i32
        %scan3A_121 = scf.for %scan3A_124 = %scan3A_117 to %scan3A_119 step %scan3A_120 iter_args(%scan3A_125 = %scan3A_116) -> (i32)  : i32 {
          %mul3A_126 = arith.constant 8 : i32
          %mul3A_127 = arith.muli %scan3A_124, %mul3A_126 : i32
          %add3A_128 = arith.constant 0 : i32
          %add3A_129 = arith.addi %mul3A_127, %add3A_128 : i32
          %mul3A_130 = arith.constant 16 : i32
          %mul3A_131 = arith.muli %add3A_129, %mul3A_130 : i32
          %get3A_132 = arith.index_cast %mul3A_131 : i32 to index
          %get3A_133 = tpu.vector_load %arg13[%get3A_132] {strides = array<i32>} : memref<1792xf32, #tpu.memory_space<vmem>>, vector<16xf32>,
          %mul3A_134 = arith.constant 1792 : i32
          %mul3A_135 = arith.muli %scan3A_111, %mul3A_134 : i32
          %mul3A_136 = arith.constant 16 : i32
          %mul3A_137 = arith.muli %add3A_129, %mul3A_136 : i32
          %add3A_138 = arith.addi %mul3A_135, %mul3A_137 : i32
          %get3A_139 = arith.index_cast %add3A_138 : i32 to index
          %get3A_140 = tpu.vector_load %arg9[%get3A_139] {strides = array<i32>} : memref<50192xf32, #tpu.memory_space<vmem>>, vector<16xf32>,
          %convert_element_type3A = arith.fptosi %get3A_140 : vector<16xf32> to vector<16xi32>
          tpu.vector_store_idx %arg10[%convert_element_type3A], %get3A_133 : memref<50192xf32, #tpu.memory_space<vmem>>[vector<16xi32>], vector<16xf32>,
          %mul3A_141 = arith.constant 8 : i32
          %mul3A_142 = arith.muli %scan3A_124, %mul3A_141 : i32
          %add3A_143 = arith.constant 1 : i32
          %add3A_144 = arith.addi %mul3A_142, %add3A_143 : i32
          %mul3A_145 = arith.constant 16 : i32
          %mul3A_146 = arith.muli %add3A_144, %mul3A_145 : i32
          %get3A_147 = arith.index_cast %mul3A_146 : i32 to index
          %get3A_148 = tpu.vector_load %arg13[%get3A_147] {strides = array<i32>} : memref<1792xf32, #tpu.memory_space<vmem>>, vector<16xf32>,
          %mul3A_149 = arith.constant 1792 : i32
          %mul3A_150 = arith.muli %scan3A_111, %mul3A_149 : i32
          %mul3A_151 = arith.constant 16 : i32
          %mul3A_152 = arith.muli %add3A_144, %mul3A_151 : i32
          %add3A_153 = arith.addi %mul3A_150, %mul3A_152 : i32
          %get3A_154 = arith.index_cast %add3A_153 : i32 to index
          %get3A_155 = tpu.vector_load %arg9[%get3A_154] {strides = array<i32>} : memref<50192xf32, #tpu.memory_space<vmem>>, vector<16xf32>,
          %convert_element_type3A_156 = arith.fptosi %get3A_155 : vector<16xf32> to vector<16xi32>
          tpu.vector_store_idx %arg10[%convert_element_type3A_156], %get3A_148 : memref<50192xf32, #tpu.memory_space<vmem>>[vector<16xi32>], vector<16xf32>,
          %mul3A_157 = arith.constant 8 : i32
          %mul3A_158 = arith.muli %scan3A_124, %mul3A_157 : i32
          %add3A_159 = arith.constant 2 : i32
          %add3A_160 = arith.addi %mul3A_158, %add3A_159 : i32
          %mul3A_161 = arith.constant 16 : i32
          %mul3A_162 = arith.muli %add3A_160, %mul3A_161 : i32
          %get3A_163 = arith.index_cast %mul3A_162 : i32 to index
          %get3A_164 = tpu.vector_load %arg13[%get3A_163] {strides = array<i32>} : memref<1792xf32, #tpu.memory_space<vmem>>, vector<16xf32>,
          %mul3A_165 = arith.constant 1792 : i32
          %mul3A_166 = arith.muli %scan3A_111, %mul3A_165 : i32
          %mul3A_167 = arith.constant 16 : i32
          %mul3A_168 = arith.muli %add3A_160, %mul3A_167 : i32
          %add3A_169 = arith.addi %mul3A_166, %mul3A_168 : i32
          %get3A_170 = arith.index_cast %add3A_169 : i32 to index
          %get3A_171 = tpu.vector_load %arg9[%get3A_170] {strides = array<i32>} : memref<50192xf32, #tpu.memory_space<vmem>>, vector<16xf32>,
          %convert_element_type3A_172 = arith.fptosi %get3A_171 : vector<16xf32> to vector<16xi32>
          tpu.vector_store_idx %arg10[%convert_element_type3A_172], %get3A_164 : memref<50192xf32, #tpu.memory_space<vmem>>[vector<16xi32>], vector<16xf32>,
          %mul3A_173 = arith.constant 8 : i32
          %mul3A_174 = arith.muli %scan3A_124, %mul3A_173 : i32
          %add3A_175 = arith.constant 3 : i32
          %add3A_176 = arith.addi %mul3A_174, %add3A_175 : i32
          %mul3A_177 = arith.constant 16 : i32
          %mul3A_178 = arith.muli %add3A_176, %mul3A_177 : i32
          %get3A_179 = arith.index_cast %mul3A_178 : i32 to index
          %get3A_180 = tpu.vector_load %arg13[%get3A_179] {strides = array<i32>} : memref<1792xf32, #tpu.memory_space<vmem>>, vector<16xf32>,
          %mul3A_181 = arith.constant 1792 : i32
          %mul3A_182 = arith.muli %scan3A_111, %mul3A_181 : i32
          %mul3A_183 = arith.constant 16 : i32
          %mul3A_184 = arith.muli %add3A_176, %mul3A_183 : i32
          %add3A_185 = arith.addi %mul3A_182, %mul3A_184 : i32
          %get3A_186 = arith.index_cast %add3A_185 : i32 to index
          %get3A_187 = tpu.vector_load %arg9[%get3A_186] {strides = array<i32>} : memref<50192xf32, #tpu.memory_space<vmem>>, vector<16xf32>,
          %convert_element_type3A_188 = arith.fptosi %get3A_187 : vector<16xf32> to vector<16xi32>
          tpu.vector_store_idx %arg10[%convert_element_type3A_188], %get3A_180 : memref<50192xf32, #tpu.memory_space<vmem>>[vector<16xi32>], vector<16xf32>,
          %mul3A_189 = arith.constant 8 : i32
          %mul3A_190 = arith.muli %scan3A_124, %mul3A_189 : i32
          %add3A_191 = arith.constant 4 : i32
          %add3A_192 = arith.addi %mul3A_190, %add3A_191 : i32
          %mul3A_193 = arith.constant 16 : i32
          %mul3A_194 = arith.muli %add3A_192, %mul3A_193 : i32
          %get3A_195 = arith.index_cast %mul3A_194 : i32 to index
          %get3A_196 = tpu.vector_load %arg13[%get3A_195] {strides = array<i32>} : memref<1792xf32, #tpu.memory_space<vmem>>, vector<16xf32>,
          %mul3A_197 = arith.constant 1792 : i32
          %mul3A_198 = arith.muli %scan3A_111, %mul3A_197 : i32
          %mul3A_199 = arith.constant 16 : i32
          %mul3A_200 = arith.muli %add3A_192, %mul3A_199 : i32
          %add3A_201 = arith.addi %mul3A_198, %mul3A_200 : i32
          %get3A_202 = arith.index_cast %add3A_201 : i32 to index
          %get3A_203 = tpu.vector_load %arg9[%get3A_202] {strides = array<i32>} : memref<50192xf32, #tpu.memory_space<vmem>>, vector<16xf32>,
          %convert_element_type3A_204 = arith.fptosi %get3A_203 : vector<16xf32> to vector<16xi32>
          tpu.vector_store_idx %arg10[%convert_element_type3A_204], %get3A_196 : memref<50192xf32, #tpu.memory_space<vmem>>[vector<16xi32>], vector<16xf32>,
          %mul3A_205 = arith.constant 8 : i32
          %mul3A_206 = arith.muli %scan3A_124, %mul3A_205 : i32
          %add3A_207 = arith.constant 5 : i32
          %add3A_208 = arith.addi %mul3A_206, %add3A_207 : i32
          %mul3A_209 = arith.constant 16 : i32
          %mul3A_210 = arith.muli %add3A_208, %mul3A_209 : i32
          %get3A_211 = arith.index_cast %mul3A_210 : i32 to index
          %get3A_212 = tpu.vector_load %arg13[%get3A_211] {strides = array<i32>} : memref<1792xf32, #tpu.memory_space<vmem>>, vector<16xf32>,
          %mul3A_213 = arith.constant 1792 : i32
          %mul3A_214 = arith.muli %scan3A_111, %mul3A_213 : i32
          %mul3A_215 = arith.constant 16 : i32
          %mul3A_216 = arith.muli %add3A_208, %mul3A_215 : i32
          %add3A_217 = arith.addi %mul3A_214, %mul3A_216 : i32
          %get3A_218 = arith.index_cast %add3A_217 : i32 to index
          %get3A_219 = tpu.vector_load %arg9[%get3A_218] {strides = array<i32>} : memref<50192xf32, #tpu.memory_space<vmem>>, vector<16xf32>,
          %convert_element_type3A_220 = arith.fptosi %get3A_219 : vector<16xf32> to vector<16xi32>
          tpu.vector_store_idx %arg10[%convert_element_type3A_220], %get3A_212 : memref<50192xf32, #tpu.memory_space<vmem>>[vector<16xi32>], vector<16xf32>,
          %mul3A_221 = arith.constant 8 : i32
          %mul3A_222 = arith.muli %scan3A_124, %mul3A_221 : i32
          %add3A_223 = arith.constant 6 : i32
          %add3A_224 = arith.addi %mul3A_222, %add3A_223 : i32
          %mul3A_225 = arith.constant 16 : i32
          %mul3A_226 = arith.muli %add3A_224, %mul3A_225 : i32
          %get3A_227 = arith.index_cast %mul3A_226 : i32 to index
          %get3A_228 = tpu.vector_load %arg13[%get3A_227] {strides = array<i32>} : memref<1792xf32, #tpu.memory_space<vmem>>, vector<16xf32>,
          %mul3A_229 = arith.constant 1792 : i32
          %mul3A_230 = arith.muli %scan3A_111, %mul3A_229 : i32
          %mul3A_231 = arith.constant 16 : i32
          %mul3A_232 = arith.muli %add3A_224, %mul3A_231 : i32
          %add3A_233 = arith.addi %mul3A_230, %mul3A_232 : i32
          %get3A_234 = arith.index_cast %add3A_233 : i32 to index
          %get3A_235 = tpu.vector_load %arg9[%get3A_234] {strides = array<i32>} : memref<50192xf32, #tpu.memory_space<vmem>>, vector<16xf32>,
          %convert_element_type3A_236 = arith.fptosi %get3A_235 : vector<16xf32> to vector<16xi32>
          tpu.vector_store_idx %arg10[%convert_element_type3A_236], %get3A_228 : memref<50192xf32, #tpu.memory_space<vmem>>[vector<16xi32>], vector<16xf32>,
          %mul3A_237 = arith.constant 8 : i32
          %mul3A_238 = arith.muli %scan3A_124, %mul3A_237 : i32
          %add3A_239 = arith.constant 7 : i32
          %add3A_240 = arith.addi %mul3A_238, %add3A_239 : i32
          %mul3A_241 = arith.constant 16 : i32
          %mul3A_242 = arith.muli %add3A_240, %mul3A_241 : i32
          %get3A_243 = arith.index_cast %mul3A_242 : i32 to index
          %get3A_244 = tpu.vector_load %arg13[%get3A_243] {strides = array<i32>} : memref<1792xf32, #tpu.memory_space<vmem>>, vector<16xf32>,
          %mul3A_245 = arith.constant 1792 : i32
          %mul3A_246 = arith.muli %scan3A_111, %mul3A_245 : i32
          %mul3A_247 = arith.constant 16 : i32
          %mul3A_248 = arith.muli %add3A_240, %mul3A_247 : i32
          %add3A_249 = arith.addi %mul3A_246, %mul3A_248 : i32
          %get3A_250 = arith.index_cast %add3A_249 : i32 to index
          %get3A_251 = tpu.vector_load %arg9[%get3A_250] {strides = array<i32>} : memref<50192xf32, #tpu.memory_space<vmem>>, vector<16xf32>,
          %convert_element_type3A_252 = arith.fptosi %get3A_251 : vector<16xf32> to vector<16xi32>
          tpu.vector_store_idx %arg10[%convert_element_type3A_252], %get3A_244 : memref<50192xf32, #tpu.memory_space<vmem>>[vector<16xi32>], vector<16xf32>,
          %scan3A_253 = arith.constant 0 : i32
          scf.yield %scan3A_253 : i32
        }
        %scan3A_122 = arith.constant 14 : i32
        %scan3A_123 = arith.constant 0 : i32
        scf.yield %scan3A_123 : i32
      }
      %scan3A_108 = arith.constant 28 : i32
      %mul3A_109 = arith.constant 50176 : i32
      %mul3A_110 = arith.muli %add3A_32, %mul3A_109 : i32
      "tpu.region"() ({
        %run_scoped3A = tpu.sem_alloc : memref<!tpu.dma_semaphore, #tpu.memory_space<semaphore_mem>>
        %dma_start3A = arith.constant 0 : i32
        %dma_start3A_111 = tpu.memref_slice %arg10[%dma_start3A] : memref<50192xf32, #tpu.memory_space<vmem>> -> memref<50176xf32, #tpu.memory_space<vmem>>
        %dma_start3A_112 = tpu.memref_slice %arg7[%mul3A_110] : memref<38535168xf32, #tpu.memory_space<hbm>> -> memref<50176xf32, #tpu.memory_space<hbm>>
        %dma_start3A_113 = tpu.memref_slice %arg7[%mul3A_110] : memref<38535168xf32, #tpu.memory_space<hbm>> -> memref<50176xf32, #tpu.memory_space<hbm>>
        %dma_start3A_114 = arith.constant 0 : i32
        %dma_start3A_115 = tpu.memref_slice %arg10[%dma_start3A_114] : memref<50192xf32, #tpu.memory_space<vmem>> -> memref<50176xf32, #tpu.memory_space<vmem>>
        tpu.enqueue_dma source(%dma_start3A_115 : memref<50176xf32, #tpu.memory_space<vmem>>) target(%dma_start3A_113 : memref<50176xf32, #tpu.memory_space<hbm>>) target_semaphore(%run_scoped3A : memref<!tpu.dma_semaphore, #tpu.memory_space<semaphore_mem>>)
        %dma_wait3A = arith.constant 0 : i32
        %dma_wait3A_116 = tpu.memref_slice %arg10[%dma_wait3A] : memref<50192xf32, #tpu.memory_space<vmem>> -> memref<50176xf32, #tpu.memory_space<vmem>>
        %dma_wait3A_117 = tpu.memref_slice %arg7[%mul3A_110] : memref<38535168xf32, #tpu.memory_space<hbm>> -> memref<50176xf32, #tpu.memory_space<hbm>>
        %dma_wait3A_118 = tpu.memref_slice %arg7[%mul3A_110] : memref<38535168xf32, #tpu.memory_space<hbm>> -> memref<50176xf32, #tpu.memory_space<hbm>>
        %dma_wait3A_119 = arith.constant 0 : i32
        %dma_wait3A_120 = tpu.memref_slice %arg10[%dma_wait3A_119] : memref<50192xf32, #tpu.memory_space<vmem>> -> memref<50176xf32, #tpu.memory_space<vmem>>
        tpu.wait_dma2 semaphore(%run_scoped3A : memref<!tpu.dma_semaphore, #tpu.memory_space<semaphore_mem>>) src(%dma_wait3A_120 : memref<50176xf32, #tpu.memory_space<vmem>>) dst(%dma_wait3A_118 : memref<50176xf32, #tpu.memory_space<hbm>>)
        tpu.yield
      }) : () -> ()
      "tpu.trace_stop"() : () -> ()
    }
    %scan3A_28 = arith.constant 24 : i32
    return
  }
}

module attributes {stable_mosaic.version = 14 : i64} {
  func.func @_stats_body(%arg0: i32, %arg1: memref<8x50176xf32, #tpu.memory_space<vmem>>, %arg2: memref<1x1x128xf32, #tpu.memory_space<vmem>>) attributes {dimension_semantics = [#tpu.dimension_semantics<arbitrary>], iteration_bounds = array<i64: 96>, scalar_prefetch = 0 : i64, scratch_operands = 0 : i64, tpu.core_type = #tpu.core_type<tc>, window_params = [{transform_indices = @transform_0, window_bounds = array<i64: 8, 50176>}, {transform_indices = @transform_1, window_bounds = array<i64: 1, 1, 128>}]} {
    %get3A = arith.constant 0 : index
    %get3A_0 = arith.constant 0 : index
    %get3A_1 = vector.load %arg1[%get3A, %get3A_0] : memref<8x50176xf32, #tpu.memory_space<vmem>>, vector<8x50176xf32>
    %reduce_sum3A = vector.shape_cast %get3A_1 : vector<8x50176xf32> to vector<1x8x50176xf32>
    %reduce_sum3A_2 = arith.constant dense<0.000000e+00> : vector<1xf32>
    %reduce_sum3A_3 = vector.multi_reduction <add>, %reduce_sum3A, %reduce_sum3A_2 [1, 2] : vector<1x8x50176xf32> to vector<1xf32>
    %reduce_sum3A_4 = vector.shape_cast %reduce_sum3A_3 : vector<1xf32> to vector<1x1x1xf32>
    %reduce_sum3A_5 = vector.extract %reduce_sum3A_4[0, 0, 0] : f32 from vector<1x1x1xf32>
    %mul3A = arith.mulf %get3A_1, %get3A_1 : vector<8x50176xf32>
    %reduce_sum3A_6 = vector.shape_cast %mul3A : vector<8x50176xf32> to vector<1x8x50176xf32>
    %reduce_sum3A_7 = arith.constant dense<0.000000e+00> : vector<1xf32>
    %reduce_sum3A_8 = vector.multi_reduction <add>, %reduce_sum3A_6, %reduce_sum3A_7 [1, 2] : vector<1x8x50176xf32> to vector<1xf32>
    %reduce_sum3A_9 = vector.shape_cast %reduce_sum3A_8 : vector<1xf32> to vector<1x1x1xf32>
    %reduce_sum3A_10 = vector.extract %reduce_sum3A_9[0, 0, 0] : f32 from vector<1x1x1xf32>
    %iota3A = tpu.iota {dimensions = array<i32: 2>} : vector<1x1x128xi32>
    %eq3A = arith.constant 0 : i32
    %eq3A_11 = vector.broadcast %eq3A : i32 to vector<1x1x128xi32>
    %eq3A_12 = arith.cmpi eq, %iota3A, %eq3A_11 : vector<1x1x128xi32>
    %eq3A_13 = arith.constant 1 : i32
    %eq3A_14 = vector.broadcast %eq3A_13 : i32 to vector<1x1x128xi32>
    %eq3A_15 = arith.cmpi eq, %iota3A, %eq3A_14 : vector<1x1x128xi32>
    %jit3A = arith.constant 0.000000e+00 : f32
    %broadcast_in_dim3A = vector.broadcast %reduce_sum3A_10 : f32 to vector<1x1x128xf32>
    %broadcast_in_dim3A_16 = vector.broadcast %jit3A : f32 to vector<1x1x128xf32>
    %select_n3A = arith.select %eq3A_15, %broadcast_in_dim3A, %broadcast_in_dim3A_16 : vector<1x1x128xi1>, vector<1x1x128xf32>
    %broadcast_in_dim3A_17 = vector.broadcast %reduce_sum3A_5 : f32 to vector<1x1x128xf32>
    %select_n3A_18 = arith.select %eq3A_12, %broadcast_in_dim3A_17, %select_n3A : vector<1x1x128xi1>, vector<1x1x128xf32>
    %swap3A = arith.constant 0 : index
    %swap3A_19 = arith.constant 0 : index
    %swap3A_20 = arith.constant 0 : index
    %swap3A_21 = vector.load %arg2[%swap3A, %swap3A_19, %swap3A_20] : memref<1x1x128xf32, #tpu.memory_space<vmem>>, vector<1x1x128xf32>
    tpu.vector_store %arg2[%swap3A, %swap3A_19, %swap3A_20], %select_n3A_18 {strides = array<i32>} : memref<1x1x128xf32, #tpu.memory_space<vmem>>, vector<1x1x128xf32>,
    return
  }
  func.func @transform_0(%arg0: i32) -> (i32, i32) {
    %c0_i32 = arith.constant 0 : i32
    %c0_i32_0 = arith.constant 0 : i32
    return %arg0, %c0_i32 : i32, i32
  }
  func.func @transform_1(%arg0: i32) -> (i32, i32, i32) {
    %c0_i32 = arith.constant 0 : i32
    %c0_i32_0 = arith.constant 0 : i32
    %c0_i32_1 = arith.constant 0 : i32
    return %arg0, %c0_i32, %c0_i32_0 : i32, i32, i32
  }
}

</mosaic_0001>

<sc_bundles>
// kernel: kernel.4.cloned.1.call-start
scs
__scs_entry_jumppad:
0x0: {  	(pc) =	sbr.rel $0x88, $3  }
0x1: {  	(tag) =	ssettag $0x0;
	lr =	simm.s32 $0x1  }
0x2: {  	[smem:$0x3F9F] =	sst lr;
	_ =	strace $0xD0000000  }
0x3: {  	_ = 	snop  }
0x4: {  	_ = 	snop  }
0x5: {  	_ = 	snop  }
0x6: {  	_ = 	snop  }
0x7: {  	_ = 	snop  }
__scs_overlays_trampoline_lowered:
0x8: {  	[smem:$0x3FAE] =	sst s0  }
0x9: {  	[smem:$0x3FAF] =	sst s1  }
0xa: {  	[smem:$0x3FB0] =	sst s2  }
0xb: {  	[smem:$0x3FB1] =	sst s3  }
0xc: {  	[smem:$0x3FB2] =	sst s4  }
0xd: {  	[smem:$0x3FB3] =	sst s5  }
0xe: {  	[smem:$0x3FB4] =	sst s6  }
0xf: {  	[smem:$0x3FB5] =	sst s7  }
0x10: {  	[smem:$0x3FB6] =	sst s8  }
0x11: {  	[smem:$0x3FB7] =	sst s9;
	s0 =	simm.s32 @!p0 $0x0  }
0x12: {  	s1 =	sld [smem:$0x3F9D];
	s0 =	simm.s32 @p0 $0x1  }
0x13: {  	[smem:$0x3FB8] =	sst s0;
	s0 =	simm.s32 @!p1 $0x0  }
0x14: {  	s2 =	sld [smem:$0x3F9C];
	s0 =	simm.s32 @p1 $0x1  }
0x15: {  	[smem:$0x3FB9] =	sst s0;
	s0 =	simm.s32 @!p2 $0x0  }
0x16: {  	s3 =	sld [smem:$0x3FDB];
	s0 =	simm.s32 @p2 $0x1  }
0x17: {  	s4 =	simm.s32 $0x1BF5;
	[smem:$0x3FBB] =	sst s0  }
0x18: {  	s0 =	sld [smem:$0x3F9E];
	_ =	swait.ge [sflag:s4], $0x0  }
0x19: {  	s7 =	sld [smem:$0x3F9F]  }
0x1a: {  	s8 =	sadd.s32 $0xFFFFE003, lr  }
0x1b: {  	s9 =	sadd.s32 $0xFFFFFEF7, lr;
	s5 =	simm.s32 $0xFFFFFFFF;
	p2 =	slt.u32 s8, $0xFFFFF086  }
0x1c: {  	p1 =	slt.u32 s9, $0xF7A;
	s5 =	simm.s32 @!p2 $0x0  }
0x1d: {  	s5 =	simm.s32 @p1 $0x1;
	p0 =	seq.s32 s7, s2  }
0x1e: {  	s7 =	smul.u32 @!p0 $0xF7A, s2;
	p2 =	seq.s32 @!p0 s5, $0x0  }
0x1f: {  	s9 =	smul.u32 $0xF7A, s1;
	s8 =	simm.s32 @!p0 $0x1BF5;
	p2 =	por !p2, p0  }
0x20: {  	[sflag:s8] =	ssyncset.s32 @!p0 $0xFFFFF086;
	s6 =	sadd.s32 @!p0 s3, s7;
	s7 =	simm.s32 @!p0 $0x108  }
0x21: {  	s3 =	sadd.s32 s3, s9;
	s6 =	sadd.s32 @!p0 $0x88, s6;
	s7 =	simm.s32 @p2 $0x1082  }
0x22: {  	[simem:s7], [sflag:s8] =	dma.local @!p0 [hbm:s6], $0xF7A  }
0x23: {  	s9 =	sor.u32 $0xD0000000, s2;
	s6 =	simm.s32 $0x108;
	_ =	swait.ge @!p0 [sflag:s8], $0x0  }
0x24: {  	s3 =	sadd.s32 $0x88, s3;
	s6 =	simm.s32 @!p1 $0x1082;
	[sflag:s4] =	ssyncset.s32 $0xFFFFF086  }
0x25: {  	[simem:s6], [sflag:s4] =	dma.local [hbm:s3], $0xF7A  }
0x26: {  	[smem:$0x3F9F] =	sst s1;
	(tag) =	ssettag s2;
	_ =	strace s9  }
0x27: {  	s1 =	sld [smem:$0x3FAF]  }
0x28: {  	s2 =	sld [smem:$0x3FB0]  }
0x29: {  	s4 =	sld [smem:$0x3FB2]  }
0x2a: {  	p0 =	seq.s32 s5, $0x0;
	s5 =	sld [smem:$0x3FB3]  }
0x2b: {  	s6 =	sld [smem:$0x3FB4]  }
0x2c: {  	s7 =	sld [smem:$0x3FB5]  }
0x2d: {  	s3 =	simm.s32 $0x108;
	s8 =	sld [smem:$0x3FB6]  }
0x2e: {  	s3 =	simm.s32 @!p0 $0x1082;
	s9 =	sld [smem:$0x3FB7]  }
0x2f: {  	lr =	sadd.s32 s0, s3;
	s0 =	sld [smem:$0x3FAE]  }
0x30: {  	s3 =	sld [smem:$0x3FB1]  }
0x31: {  	[smem:$0x3FBA] =	sst s10  }
0x32: {  	s10 =	sld [smem:$0x3FB8];
	_ =	sdelay $0x3  }
0x33: {  	p0 =	seq.s32 s10, $0x1;
	s10 =	sld [smem:$0x3FBA];
	_ =	sdelay $0x3  }
0x34: {  	[smem:$0x3FBA] =	sst s10  }
0x35: {  	s10 =	sld [smem:$0x3FB9];
	_ =	sdelay $0x3  }
0x36: {  	p1 =	seq.s32 s10, $0x1;
	s10 =	sld [smem:$0x3FBA];
	_ =	sdelay $0x3  }
0x37: {  	[smem:$0x3FBA] =	sst s10  }
0x38: {  	s10 =	sld [smem:$0x3FBB]  }
0x39: {  	_ = 	snop;
	(pc) =	sbr.ind lr, $3  }
0x3a: {  	_ = 	snop  }
0x3b: {  	_ = 	snop  }
0x3c: {  	p2 =	seq.s32 s10, $0x1;
	s10 =	sld [smem:$0x3FBA]  }
0x3d: {  	_ =	shalt  }
0x3e: {  	_ =	shalt  }
0x3f: {  	_ =	shalt  }
0x40: {  	_ =	shalt  }
0x41: {  	_ =	shalt  }
0x42: {  	_ =	shalt  }
0x43: {  	_ =	shalt  }
0x44: {  	_ =	shalt  }
0x45: {  	_ =	shalt  }
0x46: {  	_ =	shalt  }
0x47: {  	_ =	shalt  }
0x48: {  	_ =	shalt  }
0x49: {  	_ =	shalt  }
0x4a: {  	_ =	shalt  }
0x4b: {  	_ =	shalt  }
0x4c: {  	_ =	shalt  }
0x4d: {  	_ =	shalt  }
0x4e: {  	_ =	shalt  }
0x4f: {  	_ =	shalt  }
0x50: {  	_ =	shalt  }
0x51: {  	_ =	shalt  }
0x52: {  	_ =	shalt  }
0x53: {  	_ =	shalt  }
0x54: {  	_ =	shalt  }
0x55: {  	_ =	shalt  }
0x56: {  	_ =	shalt  }
0x57: {  	_ =	shalt  }
0x58: {  	_ =	shalt  }
0x59: {  	_ =	shalt  }
0x5a: {  	_ =	shalt  }
0x5b: {  	_ =	shalt  }
0x5c: {  	_ =	shalt  }
0x5d: {  	_ =	shalt  }
0x5e: {  	_ =	shalt  }
0x5f: {  	_ =	shalt  }
0x60: {  	_ =	shalt  }
0x61: {  	_ =	shalt  }
0x62: {  	_ =	shalt  }
0x63: {  	_ =	shalt  }
0x64: {  	_ =	shalt  }
0x65: {  	_ =	shalt  }
0x66: {  	_ =	shalt  }
0x67: {  	_ =	shalt  }
0x68: {  	_ =	shalt  }
0x69: {  	_ =	shalt  }
0x6a: {  	_ =	shalt  }
0x6b: {  	_ =	shalt  }
0x6c: {  	_ =	shalt  }
0x6d: {  	_ =	shalt  }
0x6e: {  	_ =	shalt  }
0x6f: {  	_ =	shalt  }
0x70: {  	_ =	shalt  }
0x71: {  	_ =	shalt  }
0x72: {  	_ =	shalt  }
0x73: {  	_ =	shalt  }
0x74: {  	_ =	shalt  }
0x75: {  	_ =	shalt  }
0x76: {  	_ =	shalt  }
0x77: {  	_ =	shalt  }
0x78: {  	_ =	shalt  }
0x79: {  	_ =	shalt  }
0x7a: {  	_ =	shalt  }
0x7b: {  	_ =	shalt  }
0x7c: {  	_ =	shalt  }
0x7d: {  	_ =	shalt  }
0x7e: {  	_ =	shalt  }
0x7f: {  	_ =	shalt  }
0x80: {  	_ =	shalt  }
0x81: {  	_ =	shalt  }
0x82: {  	_ =	shalt  }
0x83: {  	_ =	shalt  }
0x84: {  	_ =	shalt  }
0x85: {  	_ =	shalt  }
0x86: {  	_ =	shalt  }
0x87: {  	_ =	shalt  }
.Lfunc_end0:
.L_simem_size_0:
called_computation_lowered:
.L_overlay_start_0:
0x88: {  	s2 =	sld [smem:$0x3FD9]  }
0x89: {  	s3 =	sld [smem:$0x3FFE];
	_ =	sdelay $0x1  }
0x8a: {  	s1 =	srdreg.scid  }
0x8b: {  	s0 =	sand.u32 $0x1, s1  }
0x8c: {  	s17 =	sshll.u32 s0, $0xA;
	s2 =	sadd.s32 s3, s2  }
0x8d: {  	s2 =	sadd.s32 s2, s17  }
0x8e: {  	[smem:$0x3FC6] =	sst s2  }
0x8f: {  	_ = 	snop  }
0x90: {  	s2 =	sld [smem:$0x3FD0];
	(tm) =	ssettm $0x1  }
0x91: {  	s18 =	sld [smem:$0x3FFB];
	_ =	sdelay $0x3  }
0x92: {  	_ =	strace s18  }
0x93: {  	s3 =	sld [smem:$0x3FFC];
	_ =	sdelay $0x3  }
0x94: {  	_ =	strace s3  }
0x95: {  	s3 =	sld [smem:$0x3FFD];
	_ =	sdelay $0x3  }
0x96: {  	_ =	strace s3  }
0x97: {  	_ =	strace $0x8FFFFFFF  }
0x98: {  	s19 =	sld [smem:$0x3FDB];
	_ =	sdelay $0x1  }
0x99: {  	s4 =	simm.s32 $_scs_section_size  }
0x9a: {  	s5 =	simm.s32 $_size__tile_overlayer_lowered;
	s6 =	simm.s32 $_tile_overlayer_lowered  }
0x9b: {  	s22 =	simm.s32 $0x1BFF;
	s21 =	sshll.u32 s6, $0x1;
	s3 =	sadd.s32 s4, s19  }
0x9c: {  	s7 =	simm.s32 $0x0;
	s20 =	sshll.u32 s5, $0x1;
	s5 =	sadd.s32 s21, s3  }
0x9d: {  	[timem:s7], [sflag:s22] =	dma.local [hbm:s5], s20  }
0x9e: {  	_ =	swait.ge [sflag:s22], s20  }
0x9f: {  	s4 =	ssub.s32 $0x0, s20;
	[sflag:s22] =	ssyncset.done $0x0  }
0xa0: {  	[sflag:s22] =	ssyncadd.s32 s4;
	_ =	sdelay $0x1  }
0xa1: {  	s23 =	simm.s32 $0x1B8B  }
0xa2: {  	_ =	swait.ge [sflag:s23], $0x1  }
0xa3: {  	[sflag:s23] =	ssyncset.done $0x0  }
0xa4: {  	s25 =	simm.s32 $0x1B8E;
	s24 =	sld [smem:$0x3FFE];
	[sflag:s23] =	ssyncadd.s32 $0xFFFFFFFF  }
0xa5: {  	s26 =	simm.s32 $execute0_lowered;
	[smem:$0x3FD2] =	sst s25  }
0xa6: {  	s5 =	sshll.u32 s26, $0x1;
	_ =	strace $0x80000046;
	[dreg:$0x1] =	wrdreg $0xFFFFFFFF  }
0xa7: {  	s28 =	simm.s32 $_size_execute0_lowered;
	s3 =	sadd.s32 s3, s5;
	[dreg:$0x0] =	wrdreg $0x0  }
0xa8: {  	s5 =	sshll.u32 s28, $0x1;
	[dreg:$0x2] =	wrdreg s3  }
0xa9: {  	[dreg:$0x3] =	wrdreg s5  }
0xaa: {  	[dreg:$0x4] =	wrdreg $0xC0  }
0xab: {  	_ =	task [dreg:s7], $0x5FFFF  }
0xac: {  	[dreg:$0x1] =	wrdreg $0xFFFFFFFF  }
0xad: {  	[dreg:$0x0] =	wrdreg $0x60  }
0xae: {  	[dreg:$0x2] =	wrdreg s2  }
0xaf: {  	[dreg:$0x3] =	wrdreg s24  }
0xb0: {  	[dreg:$0x4] =	wrdreg $0x9  }
0xb1: {  	_ =	task.clear_ibuf [dreg:s7], $0x5FFFF;
	_ =	strace $0x90000046  }
0xb2: {  	s29 =	simm.s32 $0x9;
	_ =	strace $0x80000052  }
0xb3: {  	_ =	swait.ge [sflag:s29], $0x1  }
0xb4: {  	[sflag:s29] =	ssyncadd.s32 $0xFFFFFFFF  }
0xb5: {  	_ =	strace $0x90000052  }
0xb6: {  	_ =	sfence  }
0xb7: {  	s30 =	sld [smem:$0x0];
	_ =	sdelay $0x2  }
0xb8: {  	s31 =	sshll.u32 s1, $0xD;
	s1 =	sshrl.u32 s1, $0x2  }
0xb9: {  	s3 =	sand.u32 $0x4000, s31;
	s1 =	sadd.s32 s1, s30  }
0xba: {  	s0 =	sor.u32 s3, s0;
	s1 =	sshll.u32 s1, $0x11  }
0xbb: {  	s0 =	sor.u32 s1, s0  }
0xbc: {  	s0 =	sadd.s32 $0x8F2B, s0  }
0xbd: {  	[sflag:s0] =	ssyncadd.remote.s32 $0x1  }
0xbe: {  	_ =	sfence.sel $0xFFFF  }
0xbf: {  	[dreg:$0x0] =	wrdreg $0xFFFFFFFF;
	(pc) =	sbr.abs _section_cstart, $3  }
0xc0: {  	[dreg:$0x1] =	wrdreg $0xFFFFFFFF  }
0xc1: {  	_ =	task.clear_ibuf [dreg:s7], $0x2FFFF;
	_ =	strace $0x9FFFFFFF  }
0xc2: {  	(tm) =	ssettm $0x7FFFFFFF  }
0xc3: {  	_ =	shalt  }
tec
execute0_lowered:
.L_overlay_start_1:
0x0: {  	(tag) =	ssettag $0x1  }
0x1: {  	s1 =	rddreg [dreg:$0x0]  }
0x2: {  	s0 =	rddreg [dreg:$0x1];
	s3 =	simm.s32 $0x0  }
0x3: {  	s2 =	srdreg.scid;
	s5 =	stileid.u32;
	s15 =	simm.s32 $0x1  }
0x4: {  	s16 =	simm.s32 $0x1FE00;
	s17 =	simm.s32 $0x1FE80;
	s18 =	simm.s32 $0x1EC00  }
0x5: {  	s19 =	simm.s32 $0x1F300;
	s20 =	simm.s32 $0x18900;
	s21 =	simm.s32 $0x1BA80  }
0x6: {  	s22 =	simm.s32 $0xC480;
	s23 =	simm.s32 $0x0;
	[smem:$0x7FF] =	sst s3  }
0x7: {  	s4 =	sadd.s32 $0x498400, s0;
	s2 =	sand.u32 $0x1, s2;
	s7 =	sshll.u32 s5, $0x1  }
0x8: {  	s5 =	sadd.s32 $0x400, s0;
	s6 =	sadd.s32 $0x800, s0;
	s11 =	sor.u32 s2, s7  }
0x9: {  	v0 =	vlaneseq.u32;
	s9 =	sadd.s32 $0x930400, s0;
	s2 =	ssub.s32 $0x2, s2;
	s8 =	smul.u32 $0xC400, s11  }
0xa: {  	s10 =	sadd.s32 $0xA00, s0;
	v4 =	vmul.u32 $0xFFFFFFFF, v0;
	_ =	strace $0x80000047;
	s30 =	sshrl.u32 s2, $0x1  }
0xb: {  	v1 =	vimm.s32 $0x0;
	v2 =	vimm.s32 $0xF;
	v3 =	vimm.f32 $+Inf;
	s7 =	sadd.s32 $0x600, s0;
	s0 =	ssub.s32 s2, s30;
	s31 =	sshrl.u32 s8, $0x3  }
0xc: {  	vm0 =	vmxor vm0, vm0;
	v5 =	vimm.f32 $0.0e+00;
	s11 =	smul.u32 $0x18, s11;
	v4 =	vadd.s32 $0xF, v4;
	s13 =	smax.u32 s0, $0x1;
	s12 =	sadd.s32 s10, s31  }
.LBB2_1:
0xd: {  	s0 =	simm.s32 $0x1FA00  }
0xe: {  	[tilespmem:s0], [sflag:$0x1] =	stream.linear.gather [hbm4b:s5+s3], $0x400, $0x38;
	[tilespmem:$0x1FF00] =	vst v63  }
0xf: {  	_ =	swait.ge [sflag:s15], $0x400  }
0x10: {  	[sflag:s15] =	ssyncset.done $0x0  }
0x11: {  	[sflag:s15] =	ssyncadd.s32 $0xFFFFFC00  }
0x12: {  	[tilespmem:s16], [sflag:$0x1] =	stream.linear.gather [hbm4b:s6+s3], $0x80, $0x38;
	[tilespmem:$0x1FF00] =	vst v63  }
0x13: {  	_ =	swait.ge [sflag:s15], $0x80  }
0x14: {  	[sflag:s15] =	ssyncset.done $0x0  }
0x15: {  	[sflag:s15] =	ssyncadd.s32 $0xFFFFFF80  }
0x16: {  	[tilespmem:s17], [sflag:$0x1] =	stream.linear.gather [hbm4b:s7+s3], $0x80, $0x38;
	[tilespmem:$0x1FF00] =	vst v63  }
0x17: {  	_ =	swait.ge [sflag:s15], $0x80  }
0x18: {  	[sflag:s15] =	ssyncset.done $0x0  }
0x19: {  	[sflag:s15] =	ssyncadd.s32 $0xFFFFFF80  }
0x1a: {  	v6 =	vld [tilespmem:$0x1FA00]  }
0x1b: {  	v7 =	vld [tilespmem:$0x1FA80]  }
0x1c: {  	v8 =	vld [tilespmem:$0x1FB00]  }
0x1d: {  	v9 =	vld [tilespmem:$0x1FB80]  }
0x1e: {  	v10 =	vld [tilespmem:$0x1FC00]  }
0x1f: {  	s24 =	simm.s32 $0x0;
	v11 =	vld [tilespmem:$0x1FC80]  }
.LBB2_2:
0x20: {  	s0 =	simm.s32 $0x0;
	s2 =	simm.s32 $0x100  }
.LBB2_3:
0x21: {  	p0 =	sne.s32 s2, $0xC300;
	[tilespmem:s0+$0x1BAB0] =	vst v1  }
0x22: {  	[tilespmem:s0+$0x18900] =	vst v1  }
0x23: {  	[tilespmem:s0+$0x1BA80] =	vst v1  }
.Ltmp0:
0x24: {  	[tilespmem:s0+$0x18910] =	vst v1;
	(pc) =	sbr.rel @p0 .LBB2_3-.Ltmp0, $4  }
0x25: {  	[tilespmem:s0+$0x1BA90] =	vst v1  }
0x26: {  	[tilespmem:s0+$0x18920] =	vst v1  }
0x27: {  	[tilespmem:s0+$0x1BAA0] =	vst v1  }
0x28: {  	[tilespmem:s0+$0x18930] =	vst v1;
	s0 =	sshra.s32 s2, $0x2;
	s2 =	sadd.s32 $0x100, s2  }
0x29: {  	[tilespmem:s0+$0x1BAB0] =	vst v1  }
0x2a: {  	[tilespmem:s0+$0x18900] =	vst v1  }
0x2b: {  	[tilespmem:s0+$0x1BA80] =	vst v1  }
0x2c: {  	[tilespmem:s0+$0x18910] =	vst v1  }
0x2d: {  	[tilespmem:s0+$0x1BA90] =	vst v1  }
0x2e: {  	[tilespmem:s0+$0x18920] =	vst v1  }
0x2f: {  	[tilespmem:s0+$0x1BAA0] =	vst v1  }
0x30: {  	[tilespmem:s0+$0x18930] =	vst v1;
	s25 =	sadd.s32 s11, s24;
	s28 =	simm.s32 $0x0;
	s29 =	simm.s32 $0xC4C0  }
0x31: {  	s30 =	simm.s32 $0x0;
	_ =	strace $0x80000048;
	s26 =	smul.u32 $0xC400, s25  }
.LBB2_5:
0x32: {  	s0 =	smul.u32 $0x700, s30;
	_ =	sdelay $0x1  }
0x33: {  	s0 =	sadd.s32 s26, s0  }
0x34: {  	s0 =	sshrl.u32 s0, $0x3  }
0x35: {  	s2 =	sadd.s32 s1, s0  }
0x36: {  	[tilespmem:s18], [sflag:$0x1] =	stream.linear.gather [hbm4b:s2+s28], $0x700, $0x200038;
	[tilespmem:$0x1FF00] =	vst v63  }
0x37: {  	_ =	swait.ge [sflag:s15], $0x700  }
0x38: {  	[sflag:s15] =	ssyncset.done $0x0  }
0x39: {  	s0 =	sadd.s32 s4, s0;
	[sflag:s15] =	ssyncadd.s32 $0xFFFFF900  }
0x3a: {  	[tilespmem:s19], [sflag:$0x1] =	stream.linear.gather [hbm4b:s0+s28], $0x700, $0x200038;
	[tilespmem:$0x1FF00] =	vst v63  }
0x3b: {  	_ =	swait.ge [sflag:s15], $0x700  }
0x3c: {  	[sflag:s15] =	ssyncset.done $0x0  }
0x3d: {  	v12 =	vmov s29;
	s31 =	simm.s32 $0x0;
	[sflag:s15] =	ssyncadd.s32 $0xFFFFF900  }
.LBB2_6:
0x3e: {  	s0 =	sshra.s32 s31, $0x2  }
0x3f: {  	v13 =	vld [tilespmem:s0+$0x1F300];
	_ =	sdelay $0x1  }
0x40: {  	v14 =	vld [tilespmem:s0+$0x1EC00];
	_ =	sdelay $0x2  }
0x41: {  	v13 =	vmul.f32 v13, v11;
	_ =	sdelay $0x1  }
0x42: {  	v15 =	vmul.f32 $8.999999760e-01, v14;
	v13 =	vadd.f32 v13, v10;
	_ =	sdelay $0x1  }
0x43: {  	v13 =	vadd.f32 v13, v15  }
0x44: {  	v14 =	vsub.f32 v14, v6  }
0x45: {  	v15 =	vsub.f32 v13, v8  }
0x46: {  	v14 =	vmul.f32 v14, v7  }
0x47: {  	v15 =	vmul.f32 v15, v9  }
0x48: {  	v16 =	vadd.f32 $5.500000000e+00, v14  }
0x49: {  	v17 =	vadd.f32 $5.500000000e+00, v15  }
0x4a: {  	v16 =	vmul.f32 $2.909091000e+00, v16  }
0x4b: {  	v17 =	vmul.f32 $2.909091000e+00, v17  }
0x4c: {  	v16 =	vtrunc.f32 v16  }
0x4d: {  	v16 =	vcvt.f32.s32 v16;
	v17 =	vtrunc.f32 v17  }
0x4e: {  	v17 =	vcvt.f32.s32 v17  }
0x4f: {  	vm1 =	vgt.s32 v16, $0x0  }
0x50: {  	v16 =	vnsel vm1, $0x0, v16;
	vm1 =	vgt.s32 v17, $0x0  }
0x51: {  	v16 =	vmin.u32 v16, $0x1F;
	v17 =	vnsel vm1, $0x0, v17  }
0x52: {  	v17 =	vmin.u32 v17, $0x1F;
	_ =	sdelay $0x3  }
0x53: {  	v18 =	vld.idx.msk [tilespmem:v16+s16+$0x0], $0xffff  }
0x54: {  	v19 =	vld.idx.msk [tilespmem:v17+s16+$0x0], $0xffff  }
0x55: {  	v16 =	vld.idx.msk [tilespmem:v16+s17+$0x0], $0xffff  }
0x56: {  	v17 =	vld.idx.msk [tilespmem:v17+s17+$0x0], $0xffff;
	_ =	sdelay $0x1  }
0x57: {  	v14 =	vmul.f32 v14, v18  }
0x58: {  	v15 =	vmul.f32 v15, v19  }
0x59: {  	v14 =	vadd.f32 v16, v14  }
0x5a: {  	v15 =	vadd.f32 v15, v17  }
0x5b: {  	v14 =	vtrunc.f32 v14  }
0x5c: {  	v14 =	vcvt.f32.s32 v14;
	v15 =	vtrunc.f32 v15  }
0x5d: {  	v15 =	vcvt.f32.s32 v15  }
0x5e: {  	vm1 =	vgt.s32 v14, $0x0  }
0x5f: {  	v14 =	vnsel vm1, $0x0, v14;
	vm1 =	vgt.s32 v15, $0x0  }
0x60: {  	v14 =	vmin.u32 v14, $0x30FF;
	v15 =	vnsel vm1, $0x0, v15  }
0x61: {  	(xrf1) =	vunique.msk.u32 $0xffff, v14;
	v15 =	vmin.u32 v15, $0x30FF  }
0x62: {  	(xrf1) =	vunique.msk.u32 $0xffff, v15;
	_ =	sdelay $0xc  }
0x63: {  	_, v20, vm1 =	vpop (xrf1)  }
0x64: {  	_, v21, vm2 =	vpop (xrf1);
	_ =	sdelay $0x4  }
0x65: {  	[tilespmem:v14+s20+$0x0] =	vst.idx.add.s32.msk vm1, v20  }
0x66: {  	[tilespmem:v15+s21+$0x0] =	vst.idx.add.s32.msk vm2, v21  }
0x67: {  	[tilespmem:v12+s0+$0xFFFFFFC0 ss:$0x1] =	vst.idx.msk $0xffff, v13  }
0x68: {  	v13 =	vld [tilespmem:s0+$0x1F310];
	_ =	sdelay $0x1  }
0x69: {  	v14 =	vld [tilespmem:s0+$0x1EC10];
	_ =	sdelay $0x2  }
0x6a: {  	v13 =	vmul.f32 v13, v11;
	_ =	sdelay $0x1  }
0x6b: {  	v15 =	vmul.f32 $8.999999760e-01, v14;
	v13 =	vadd.f32 v13, v10;
	_ =	sdelay $0x1  }
0x6c: {  	v13 =	vadd.f32 v13, v15  }
0x6d: {  	v14 =	vsub.f32 v14, v6  }
0x6e: {  	v15 =	vsub.f32 v13, v8  }
0x6f: {  	v14 =	vmul.f32 v14, v7  }
0x70: {  	v15 =	vmul.f32 v15, v9  }
0x71: {  	v22 =	vadd.f32 $5.500000000e+00, v14  }
0x72: {  	v23 =	vadd.f32 $5.500000000e+00, v15  }
0x73: {  	v16 =	vmul.f32 $2.909091000e+00, v22  }
0x74: {  	v17 =	vmul.f32 $2.909091000e+00, v23  }
0x75: {  	v16 =	vtrunc.f32 v16  }
0x76: {  	v16 =	vcvt.f32.s32 v16;
	v17 =	vtrunc.f32 v17  }
0x77: {  	v17 =	vcvt.f32.s32 v17  }
0x78: {  	vm1 =	vgt.s32 v16, $0x0  }
0x79: {  	v16 =	vnsel vm1, $0x0, v16;
	vm1 =	vgt.s32 v17, $0x0  }
0x7a: {  	v16 =	vmin.u32 v16, $0x1F;
	v17 =	vnsel vm1, $0x0, v17  }
0x7b: {  	v17 =	vmin.u32 v17, $0x1F;
	_ =	sdelay $0x3  }
0x7c: {  	v24 =	vld.idx.msk [tilespmem:v16+s16+$0x0], $0xffff  }
0x7d: {  	v25 =	vld.idx.msk [tilespmem:v17+s16+$0x0], $0xffff  }
0x7e: {  	v16 =	vld.idx.msk [tilespmem:v16+s17+$0x0], $0xffff  }
0x7f: {  	v17 =	vld.idx.msk [tilespmem:v17+s17+$0x0], $0xffff;
	_ =	sdelay $0x1  }
0x80: {  	v14 =	vmul.f32 v14, v24  }
0x81: {  	v15 =	vmul.f32 v15, v25  }
0x82: {  	v14 =	vadd.f32 v16, v14  }
0x83: {  	v15 =	vadd.f32 v15, v17  }
0x84: {  	v14 =	vtrunc.f32 v14  }
0x85: {  	v14 =	vcvt.f32.s32 v14;
	v15 =	vtrunc.f32 v15  }
0x86: {  	v15 =	vcvt.f32.s32 v15  }
0x87: {  	vm1 =	vgt.s32 v14, $0x0  }
0x88: {  	v14 =	vnsel vm1, $0x0, v14;
	vm1 =	vgt.s32 v15, $0x0  }
0x89: {  	v14 =	vmin.u32 v14, $0x30FF;
	v15 =	vnsel vm1, $0x0, v15  }
0x8a: {  	(xrf1) =	vunique.msk.u32 $0xffff, v14;
	v15 =	vmin.u32 v15, $0x30FF  }
0x8b: {  	(xrf1) =	vunique.msk.u32 $0xffff, v15;
	_ =	sdelay $0xc  }
0x8c: {  	_, v26, vm1 =	vpop (xrf1)  }
0x8d: {  	_, v27, vm2 =	vpop (xrf1);
	_ =	sdelay $0x4  }
0x8e: {  	[tilespmem:v14+s20+$0x0] =	vst.idx.add.s32.msk vm1, v26  }
0x8f: {  	[tilespmem:v15+s21+$0x0] =	vst.idx.add.s32.msk vm2, v27  }
0x90: {  	[tilespmem:v12+s0+$0xFFFFFFD0 ss:$0x1] =	vst.idx.msk $0xffff, v13  }
0x91: {  	v13 =	vld [tilespmem:s0+$0x1F320];
	_ =	sdelay $0x1  }
0x92: {  	v14 =	vld [tilespmem:s0+$0x1EC20];
	_ =	sdelay $0x2  }
0x93: {  	v13 =	vmul.f32 v13, v11;
	_ =	sdelay $0x1  }
0x94: {  	v15 =	vmul.f32 $8.999999760e-01, v14;
	v13 =	vadd.f32 v13, v10;
	_ =	sdelay $0x1  }
0x95: {  	v13 =	vadd.f32 v13, v15  }
0x96: {  	v14 =	vsub.f32 v14, v6  }
0x97: {  	v15 =	vsub.f32 v13, v8  }
0x98: {  	v14 =	vmul.f32 v14, v7  }
0x99: {  	v15 =	vmul.f32 v15, v9  }
0x9a: {  	v28 =	vadd.f32 $5.500000000e+00, v14  }
0x9b: {  	v29 =	vadd.f32 $5.500000000e+00, v15  }
0x9c: {  	v16 =	vmul.f32 $2.909091000e+00, v28  }
0x9d: {  	v17 =	vmul.f32 $2.909091000e+00, v29  }
0x9e: {  	v16 =	vtrunc.f32 v16  }
0x9f: {  	v16 =	vcvt.f32.s32 v16;
	v17 =	vtrunc.f32 v17  }
0xa0: {  	v17 =	vcvt.f32.s32 v17  }
0xa1: {  	vm1 =	vgt.s32 v16, $0x0  }
0xa2: {  	v16 =	vnsel vm1, $0x0, v16;
	vm1 =	vgt.s32 v17, $0x0  }
0xa3: {  	v16 =	vmin.u32 v16, $0x1F;
	v17 =	vnsel vm1, $0x0, v17  }
0xa4: {  	v17 =	vmin.u32 v17, $0x1F;
	_ =	sdelay $0x3  }
0xa5: {  	v30 =	vld.idx.msk [tilespmem:v16+s16+$0x0], $0xffff  }
0xa6: {  	v31 =	vld.idx.msk [tilespmem:v17+s16+$0x0], $0xffff  }
0xa7: {  	v16 =	vld.idx.msk [tilespmem:v16+s17+$0x0], $0xffff  }
0xa8: {  	v17 =	vld.idx.msk [tilespmem:v17+s17+$0x0], $0xffff;
	_ =	sdelay $0x1  }
0xa9: {  	v14 =	vmul.f32 v14, v30  }
0xaa: {  	v15 =	vmul.f32 v15, v31  }
0xab: {  	v14 =	vadd.f32 v16, v14  }
0xac: {  	v15 =	vadd.f32 v15, v17  }
0xad: {  	v14 =	vtrunc.f32 v14  }
0xae: {  	v14 =	vcvt.f32.s32 v14;
	v15 =	vtrunc.f32 v15  }
0xaf: {  	v15 =	vcvt.f32.s32 v15  }
0xb0: {  	vm1 =	vgt.s32 v14, $0x0  }
0xb1: {  	v14 =	vnsel vm1, $0x0, v14;
	vm1 =	vgt.s32 v15, $0x0  }
0xb2: {  	v14 =	vmin.u32 v14, $0x30FF;
	v15 =	vnsel vm1, $0x0, v15  }
0xb3: {  	(xrf1) =	vunique.msk.u32 $0xffff, v14;
	v15 =	vmin.u32 v15, $0x30FF  }
0xb4: {  	(xrf1) =	vunique.msk.u32 $0xffff, v15;
	_ =	sdelay $0xc  }
0xb5: {  	_, v32, vm1 =	vpop (xrf1)  }
0xb6: {  	_, v33, vm2 =	vpop (xrf1);
	_ =	sdelay $0x4  }
0xb7: {  	[tilespmem:v14+s20+$0x0] =	vst.idx.add.s32.msk vm1, v32  }
0xb8: {  	[tilespmem:v15+s21+$0x0] =	vst.idx.add.s32.msk vm2, v33  }
0xb9: {  	[tilespmem:v12+s0+$0xFFFFFFE0 ss:$0x1] =	vst.idx.msk $0xffff, v13  }
0xba: {  	v13 =	vld [tilespmem:s0+$0x1F330];
	_ =	sdelay $0x1  }
0xbb: {  	v14 =	vld [tilespmem:s0+$0x1EC30];
	_ =	sdelay $0x2  }
0xbc: {  	v13 =	vmul.f32 v13, v11;
	_ =	sdelay $0x1  }
0xbd: {  	v15 =	vmul.f32 $8.999999760e-01, v14;
	v13 =	vadd.f32 v13, v10;
	_ =	sdelay $0x1  }
0xbe: {  	v13 =	vadd.f32 v13, v15  }
0xbf: {  	v14 =	vsub.f32 v14, v6  }
0xc0: {  	v15 =	vsub.f32 v13, v8  }
0xc1: {  	v14 =	vmul.f32 v14, v7  }
0xc2: {  	v15 =	vmul.f32 v15, v9  }
0xc3: {  	v34 =	vadd.f32 $5.500000000e+00, v14  }
0xc4: {  	v35 =	vadd.f32 $5.500000000e+00, v15  }
0xc5: {  	v16 =	vmul.f32 $2.909091000e+00, v34  }
0xc6: {  	v17 =	vmul.f32 $2.909091000e+00, v35  }
0xc7: {  	v16 =	vtrunc.f32 v16  }
0xc8: {  	v16 =	vcvt.f32.s32 v16;
	v17 =	vtrunc.f32 v17  }
0xc9: {  	v17 =	vcvt.f32.s32 v17  }
0xca: {  	vm1 =	vgt.s32 v16, $0x0  }
0xcb: {  	v16 =	vnsel vm1, $0x0, v16;
	vm1 =	vgt.s32 v17, $0x0  }
0xcc: {  	v16 =	vmin.u32 v16, $0x1F;
	v17 =	vnsel vm1, $0x0, v17  }
0xcd: {  	v17 =	vmin.u32 v17, $0x1F;
	_ =	sdelay $0x3  }
0xce: {  	v36 =	vld.idx.msk [tilespmem:v16+s16+$0x0], $0xffff  }
0xcf: {  	v37 =	vld.idx.msk [tilespmem:v17+s16+$0x0], $0xffff  }
0xd0: {  	v16 =	vld.idx.msk [tilespmem:v16+s17+$0x0], $0xffff  }
0xd1: {  	v17 =	vld.idx.msk [tilespmem:v17+s17+$0x0], $0xffff;
	_ =	sdelay $0x1  }
0xd2: {  	v14 =	vmul.f32 v14, v36  }
0xd3: {  	v15 =	vmul.f32 v15, v37  }
0xd4: {  	v14 =	vadd.f32 v16, v14  }
0xd5: {  	v15 =	vadd.f32 v15, v17  }
0xd6: {  	v14 =	vtrunc.f32 v14  }
0xd7: {  	v14 =	vcvt.f32.s32 v14;
	v15 =	vtrunc.f32 v15  }
0xd8: {  	v15 =	vcvt.f32.s32 v15  }
0xd9: {  	vm1 =	vgt.s32 v14, $0x0  }
0xda: {  	v14 =	vnsel vm1, $0x0, v14;
	vm1 =	vgt.s32 v15, $0x0  }
0xdb: {  	v14 =	vmin.u32 v14, $0x30FF;
	v15 =	vnsel vm1, $0x0, v15  }
0xdc: {  	(xrf1) =	vunique.msk.u32 $0xffff, v14;
	v15 =	vmin.u32 v15, $0x30FF  }
0xdd: {  	(xrf1) =	vunique.msk.u32 $0xffff, v15;
	_ =	sdelay $0xc  }
0xde: {  	_, v38, vm1 =	vpop (xrf1)  }
0xdf: {  	_, v39, vm2 =	vpop (xrf1);
	_ =	sdelay $0x4  }
0xe0: {  	[tilespmem:v14+s20+$0x0] =	vst.idx.add.s32.msk vm1, v38  }
0xe1: {  	[tilespmem:v15+s21+$0x0] =	vst.idx.add.s32.msk vm2, v39  }
0xe2: {  	[tilespmem:v12+s0+$0xFFFFFFF0 ss:$0x1] =	vst.idx.msk $0xffff, v13  }
0xe3: {  	v13 =	vld [tilespmem:s0+$0x1F340];
	_ =	sdelay $0x1  }
0xe4: {  	v14 =	vld [tilespmem:s0+$0x1EC40];
	_ =	sdelay $0x2  }
0xe5: {  	v13 =	vmul.f32 v13, v11;
	_ =	sdelay $0x1  }
0xe6: {  	v15 =	vmul.f32 $8.999999760e-01, v14;
	v13 =	vadd.f32 v13, v10;
	_ =	sdelay $0x1  }
0xe7: {  	v13 =	vadd.f32 v13, v15  }
0xe8: {  	v14 =	vsub.f32 v14, v6  }
0xe9: {  	v15 =	vsub.f32 v13, v8  }
0xea: {  	v14 =	vmul.f32 v14, v7  }
0xeb: {  	v15 =	vmul.f32 v15, v9  }
0xec: {  	v40 =	vadd.f32 $5.500000000e+00, v14  }
0xed: {  	v41 =	vadd.f32 $5.500000000e+00, v15  }
0xee: {  	v16 =	vmul.f32 $2.909091000e+00, v40  }
0xef: {  	v17 =	vmul.f32 $2.909091000e+00, v41  }
0xf0: {  	v16 =	vtrunc.f32 v16  }
0xf1: {  	v16 =	vcvt.f32.s32 v16;
	v17 =	vtrunc.f32 v17  }
0xf2: {  	v17 =	vcvt.f32.s32 v17  }
0xf3: {  	vm1 =	vgt.s32 v16, $0x0  }
0xf4: {  	v16 =	vnsel vm1, $0x0, v16;
	vm1 =	vgt.s32 v17, $0x0  }
0xf5: {  	v16 =	vmin.u32 v16, $0x1F;
	v17 =	vnsel vm1, $0x0, v17  }
0xf6: {  	v17 =	vmin.u32 v17, $0x1F;
	_ =	sdelay $0x3  }
0xf7: {  	v42 =	vld.idx.msk [tilespmem:v16+s16+$0x0], $0xffff  }
0xf8: {  	v43 =	vld.idx.msk [tilespmem:v17+s16+$0x0], $0xffff  }
0xf9: {  	v16 =	vld.idx.msk [tilespmem:v16+s17+$0x0], $0xffff  }
0xfa: {  	v17 =	vld.idx.msk [tilespmem:v17+s17+$0x0], $0xffff;
	_ =	sdelay $0x1  }
0xfb: {  	v14 =	vmul.f32 v14, v42  }
0xfc: {  	v15 =	vmul.f32 v15, v43  }
0xfd: {  	v14 =	vadd.f32 v16, v14  }
0xfe: {  	v15 =	vadd.f32 v15, v17  }
0xff: {  	v14 =	vtrunc.f32 v14  }
0x100: {  	v14 =	vcvt.f32.s32 v14;
	v15 =	vtrunc.f32 v15  }
0x101: {  	v15 =	vcvt.f32.s32 v15  }
0x102: {  	vm1 =	vgt.s32 v14, $0x0  }
0x103: {  	v14 =	vnsel vm1, $0x0, v14;
	vm1 =	vgt.s32 v15, $0x0  }
0x104: {  	v14 =	vmin.u32 v14, $0x30FF;
	v15 =	vnsel vm1, $0x0, v15  }
0x105: {  	(xrf1) =	vunique.msk.u32 $0xffff, v14;
	v15 =	vmin.u32 v15, $0x30FF  }
0x106: {  	(xrf1) =	vunique.msk.u32 $0xffff, v15;
	_ =	sdelay $0xc  }
0x107: {  	_, v44, vm1 =	vpop (xrf1)  }
0x108: {  	_, v45, vm2 =	vpop (xrf1);
	_ =	sdelay $0x4  }
0x109: {  	[tilespmem:v14+s20+$0x0] =	vst.idx.add.s32.msk vm1, v44  }
0x10a: {  	[tilespmem:v15+s21+$0x0] =	vst.idx.add.s32.msk vm2, v45  }
0x10b: {  	[tilespmem:v12+s0+$0x0 ss:$0x1] =	vst.idx.msk $0xffff, v13  }
0x10c: {  	v13 =	vld [tilespmem:s0+$0x1F350];
	_ =	sdelay $0x1  }
0x10d: {  	v14 =	vld [tilespmem:s0+$0x1EC50];
	_ =	sdelay $0x2  }
0x10e: {  	v13 =	vmul.f32 v13, v11;
	_ =	sdelay $0x1  }
0x10f: {  	v15 =	vmul.f32 $8.999999760e-01, v14;
	v13 =	vadd.f32 v13, v10;
	_ =	sdelay $0x1  }
0x110: {  	v13 =	vadd.f32 v13, v15  }
0x111: {  	v14 =	vsub.f32 v14, v6  }
0x112: {  	v15 =	vsub.f32 v13, v8  }
0x113: {  	v14 =	vmul.f32 v14, v7  }
0x114: {  	v15 =	vmul.f32 v15, v9  }
0x115: {  	v46 =	vadd.f32 $5.500000000e+00, v14  }
0x116: {  	v47 =	vadd.f32 $5.500000000e+00, v15  }
0x117: {  	v16 =	vmul.f32 $2.909091000e+00, v46  }
0x118: {  	v17 =	vmul.f32 $2.909091000e+00, v47  }
0x119: {  	v16 =	vtrunc.f32 v16  }
0x11a: {  	v16 =	vcvt.f32.s32 v16;
	v17 =	vtrunc.f32 v17  }
0x11b: {  	v17 =	vcvt.f32.s32 v17  }
0x11c: {  	vm1 =	vgt.s32 v16, $0x0  }
0x11d: {  	v16 =	vnsel vm1, $0x0, v16;
	vm1 =	vgt.s32 v17, $0x0  }
0x11e: {  	v16 =	vmin.u32 v16, $0x1F;
	v17 =	vnsel vm1, $0x0, v17  }
0x11f: {  	v17 =	vmin.u32 v17, $0x1F;
	_ =	sdelay $0x3  }
0x120: {  	v48 =	vld.idx.msk [tilespmem:v16+s16+$0x0], $0xffff  }
0x121: {  	v49 =	vld.idx.msk [tilespmem:v17+s16+$0x0], $0xffff  }
0x122: {  	v16 =	vld.idx.msk [tilespmem:v16+s17+$0x0], $0xffff  }
0x123: {  	v17 =	vld.idx.msk [tilespmem:v17+s17+$0x0], $0xffff;
	_ =	sdelay $0x1  }
0x124: {  	v14 =	vmul.f32 v14, v48  }
0x125: {  	v15 =	vmul.f32 v15, v49  }
0x126: {  	v14 =	vadd.f32 v16, v14  }
0x127: {  	v15 =	vadd.f32 v15, v17  }
0x128: {  	v14 =	vtrunc.f32 v14  }
0x129: {  	v14 =	vcvt.f32.s32 v14;
	v15 =	vtrunc.f32 v15  }
0x12a: {  	v15 =	vcvt.f32.s32 v15  }
0x12b: {  	vm1 =	vgt.s32 v14, $0x0  }
0x12c: {  	v14 =	vnsel vm1, $0x0, v14;
	vm1 =	vgt.s32 v15, $0x0  }
0x12d: {  	v14 =	vmin.u32 v14, $0x30FF;
	v15 =	vnsel vm1, $0x0, v15  }
0x12e: {  	(xrf1) =	vunique.msk.u32 $0xffff, v14;
	v15 =	vmin.u32 v15, $0x30FF  }
0x12f: {  	(xrf1) =	vunique.msk.u32 $0xffff, v15;
	_ =	sdelay $0xc  }
0x130: {  	_, v50, vm1 =	vpop (xrf1)  }
0x131: {  	_, v51, vm2 =	vpop (xrf1);
	_ =	sdelay $0x4  }
0x132: {  	[tilespmem:v14+s20+$0x0] =	vst.idx.add.s32.msk vm1, v50  }
0x133: {  	[tilespmem:v15+s21+$0x0] =	vst.idx.add.s32.msk vm2, v51  }
0x134: {  	[tilespmem:v12+s0+$0x10 ss:$0x1] =	vst.idx.msk $0xffff, v13  }
0x135: {  	v13 =	vld [tilespmem:s0+$0x1F360];
	_ =	sdelay $0x1  }
0x136: {  	v14 =	vld [tilespmem:s0+$0x1EC60];
	_ =	sdelay $0x2  }
0x137: {  	v13 =	vmul.f32 v13, v11;
	_ =	sdelay $0x1  }
0x138: {  	v15 =	vmul.f32 $8.999999760e-01, v14;
	v13 =	vadd.f32 v13, v10;
	_ =	sdelay $0x1  }
0x139: {  	v13 =	vadd.f32 v13, v15  }
0x13a: {  	v14 =	vsub.f32 v14, v6  }
0x13b: {  	v15 =	vsub.f32 v13, v8  }
0x13c: {  	v14 =	vmul.f32 v14, v7  }
0x13d: {  	v15 =	vmul.f32 v15, v9  }
0x13e: {  	v52 =	vadd.f32 $5.500000000e+00, v14  }
0x13f: {  	v53 =	vadd.f32 $5.500000000e+00, v15  }
0x140: {  	v16 =	vmul.f32 $2.909091000e+00, v52  }
0x141: {  	v17 =	vmul.f32 $2.909091000e+00, v53  }
0x142: {  	v16 =	vtrunc.f32 v16  }
0x143: {  	v16 =	vcvt.f32.s32 v16;
	v17 =	vtrunc.f32 v17  }
0x144: {  	v17 =	vcvt.f32.s32 v17  }
0x145: {  	vm1 =	vgt.s32 v16, $0x0  }
0x146: {  	v16 =	vnsel vm1, $0x0, v16;
	vm1 =	vgt.s32 v17, $0x0  }
0x147: {  	v16 =	vmin.u32 v16, $0x1F;
	v17 =	vnsel vm1, $0x0, v17  }
0x148: {  	v17 =	vmin.u32 v17, $0x1F;
	_ =	sdelay $0x3  }
0x149: {  	v54 =	vld.idx.msk [tilespmem:v16+s16+$0x0], $0xffff  }
0x14a: {  	v55 =	vld.idx.msk [tilespmem:v17+s16+$0x0], $0xffff  }
0x14b: {  	v16 =	vld.idx.msk [tilespmem:v16+s17+$0x0], $0xffff  }
0x14c: {  	v17 =	vld.idx.msk [tilespmem:v17+s17+$0x0], $0xffff;
	_ =	sdelay $0x1  }
0x14d: {  	v14 =	vmul.f32 v14, v54  }
0x14e: {  	v15 =	vmul.f32 v15, v55  }
0x14f: {  	v14 =	vadd.f32 v16, v14  }
0x150: {  	v15 =	vadd.f32 v15, v17  }
0x151: {  	v14 =	vtrunc.f32 v14  }
0x152: {  	v14 =	vcvt.f32.s32 v14;
	v15 =	vtrunc.f32 v15  }
0x153: {  	v15 =	vcvt.f32.s32 v15  }
0x154: {  	vm1 =	vgt.s32 v14, $0x0  }
0x155: {  	v14 =	vnsel vm1, $0x0, v14;
	vm1 =	vgt.s32 v15, $0x0  }
0x156: {  	v14 =	vmin.u32 v14, $0x30FF;
	v15 =	vnsel vm1, $0x0, v15  }
0x157: {  	(xrf1) =	vunique.msk.u32 $0xffff, v14;
	v15 =	vmin.u32 v15, $0x30FF  }
0x158: {  	(xrf1) =	vunique.msk.u32 $0xffff, v15;
	_ =	sdelay $0xc  }
0x159: {  	_, v56, vm1 =	vpop (xrf1)  }
0x15a: {  	_, v57, vm2 =	vpop (xrf1);
	_ =	sdelay $0x4  }
0x15b: {  	[tilespmem:v14+s20+$0x0] =	vst.idx.add.s32.msk vm1, v56  }
0x15c: {  	[tilespmem:v15+s21+$0x0] =	vst.idx.add.s32.msk vm2, v57  }
0x15d: {  	[tilespmem:v12+s0+$0x20 ss:$0x1] =	vst.idx.msk $0xffff, v13  }
0x15e: {  	v13 =	vld [tilespmem:s0+$0x1F370];
	_ =	sdelay $0x1  }
0x15f: {  	v14 =	vld [tilespmem:s0+$0x1EC70];
	_ =	sdelay $0x2  }
0x160: {  	v13 =	vmul.f32 v13, v11;
	_ =	sdelay $0x1  }
0x161: {  	v15 =	vmul.f32 $8.999999760e-01, v14;
	v13 =	vadd.f32 v13, v10;
	_ =	sdelay $0x1  }
0x162: {  	v13 =	vadd.f32 v13, v15  }
0x163: {  	v14 =	vsub.f32 v14, v6  }
0x164: {  	v15 =	vsub.f32 v13, v8  }
0x165: {  	v14 =	vmul.f32 v14, v7  }
0x166: {  	v15 =	vmul.f32 v15, v9  }
0x167: {  	v58 =	vadd.f32 $5.500000000e+00, v14  }
0x168: {  	v59 =	vadd.f32 $5.500000000e+00, v15  }
0x169: {  	v16 =	vmul.f32 $2.909091000e+00, v58  }
0x16a: {  	v17 =	vmul.f32 $2.909091000e+00, v59  }
0x16b: {  	v16 =	vtrunc.f32 v16  }
0x16c: {  	v16 =	vcvt.f32.s32 v16;
	v17 =	vtrunc.f32 v17  }
0x16d: {  	v17 =	vcvt.f32.s32 v17  }
0x16e: {  	vm1 =	vgt.s32 v16, $0x0  }
0x16f: {  	v16 =	vnsel vm1, $0x0, v16;
	vm1 =	vgt.s32 v17, $0x0  }
0x170: {  	v16 =	vmin.u32 v16, $0x1F;
	v17 =	vnsel vm1, $0x0, v17  }
0x171: {  	v17 =	vmin.u32 v17, $0x1F;
	_ =	sdelay $0x3  }
0x172: {  	v60 =	vld.idx.msk [tilespmem:v16+s16+$0x0], $0xffff  }
0x173: {  	v61 =	vld.idx.msk [tilespmem:v17+s16+$0x0], $0xffff  }
0x174: {  	v16 =	vld.idx.msk [tilespmem:v16+s17+$0x0], $0xffff  }
0x175: {  	v17 =	vld.idx.msk [tilespmem:v17+s17+$0x0], $0xffff;
	_ =	sdelay $0x1  }
0x176: {  	v14 =	vmul.f32 v14, v60  }
0x177: {  	v15 =	vmul.f32 v15, v61  }
0x178: {  	v14 =	vadd.f32 v16, v14  }
0x179: {  	v15 =	vadd.f32 v15, v17  }
0x17a: {  	v14 =	vtrunc.f32 v14  }
0x17b: {  	v14 =	vcvt.f32.s32 v14;
	v15 =	vtrunc.f32 v15  }
0x17c: {  	v15 =	vcvt.f32.s32 v15  }
0x17d: {  	vm1 =	vgt.s32 v14, $0x0  }
0x17e: {  	v14 =	vnsel vm1, $0x0, v14;
	vm1 =	vgt.s32 v15, $0x0  }
0x17f: {  	v14 =	vmin.u32 v14, $0x30FF;
	v15 =	vnsel vm1, $0x0, v15  }
0x180: {  	(xrf1) =	vunique.msk.u32 $0xffff, v14;
	v15 =	vmin.u32 v15, $0x30FF  }
0x181: {  	(xrf1) =	vunique.msk.u32 $0xffff, v15;
	_ =	sdelay $0xc  }
0x182: {  	_, v62, vm1 =	vpop (xrf1)  }
0x183: {  	_, v63, vm2 =	vpop (xrf1);
	_ =	sdelay $0x1  }
0x184: {  	p0 =	sne.s32 s31, $0x1A00  }
.Ltmp1:
0x185: {  	_ = 	snop;
	(pc) =	sbr.rel @p0 .LBB2_6-.Ltmp1, $4  }
0x186: {  	_ = 	snop  }
0x187: {  	[tilespmem:v14+s20+$0x0] =	vst.idx.add.s32.msk vm1, v62  }
0x188: {  	[tilespmem:v15+s21+$0x0] =	vst.idx.add.s32.msk vm2, v63  }
0x189: {  	s31 =	sadd.s32 $0x200, s31;
	[tilespmem:v12+s0+$0x30 ss:$0x1] =	vst.idx.msk $0xffff, v13  }
0x18a: {  	s30 =	sadd.s32 $0x1, s30  }
0x18b: {  	p0 =	sne.s32 s30, $0x1C  }
.Ltmp2:
0x18c: {  	_ = 	snop;
	(pc) =	sbr.rel @p0 .LBB2_5-.Ltmp2, $2  }
0x18d: {  	_ =	sdelay $0x2  }
0x18e: {  	s29 =	sadd.s32 $0x700, s29  }
0x18f: {  	_ =	strace $0x90000048  }
0x190: {  	s28 =	simm.s32 $0x0;
	_ =	strace $0x80000049  }
0x191: {  	v13 =	vld [tilespmem:s28+$0x18900]  }
0x192: {  	v14 =	vld [tilespmem:s28+$0x1BA80];
	_ =	sdelay $0x3  }
0x193: {  	(xrf0) =	vadd.scan.msk.s32 $0xffff, v13  }
0x194: {  	(xrf0) =	vadd.scan.msk.s32 $0xffff, v14;
	_ =	sdelay $0x3  }
0x195: {  	v12 =	vimm.s32 $0x0  }
0x196: {  	v13 =	vsub.s32 v12, v13;
	v15, _, _ =	vpop (xrf0)  }
0x197: {  	v14 =	vsub.s32 v12, v14;
	v13 =	vadd.s32 v15, v13;
	v16, _, _ =	vpop (xrf0)  }
0x198: {  	s0 =	simm.s32 $0x10;
	v15 =	vperm.xlane v15, v2;
	[tilespmem:s28+$0x18900] =	vst v13;
	v13 =	vadd.s32 v16, v14;
	v16 =	vperm.xlane v16, v2  }
0x199: {  	s2 =	simm.s32 $0x80;
	v14 =	vld [tilespmem:s0+$0x18900];
	[tilespmem:s28+$0x1BA80] =	vst v13;
	v13 =	vimm.s32 $0x0  }
.LBB2_9:
0x19a: {  	p0 =	sne.s32 s2, $0xC3C0;
	v17 =	vld [tilespmem:s0+$0x1BA80];
	v12 =	vadd.s32 v12, v15;
	v13 =	vadd.s32 v13, v16;
	_ =	sdelay $0x3  }
0x19b: {  	v15 =	vsub.s32 v12, v14;
	(xrf0) =	vadd.scan.msk.s32 $0xffff, v14  }
0x19c: {  	v14 =	vsub.s32 v13, v17;
	(xrf0) =	vadd.scan.msk.s32 $0xffff, v17;
	_ =	sdelay $0x3  }
.Ltmp3:
0x19d: {  	(pc) =	sbr.rel @p0 .LBB2_9-.Ltmp3, $4  }
0x19e: {  	v16, _, _ =	vpop (xrf0)  }
0x19f: {  	v15 =	vadd.s32 v16, v15;
	v17, _, _ =	vpop (xrf0)  }
0x1a0: {  	s28 =	sshra.s32 s2, $0x2;
	[tilespmem:s0+$0x18900] =	vst v15;
	v18 =	vadd.s32 v17, v14;
	v15 =	vperm.xlane v16, v2;
	v16 =	vperm.xlane v17, v2  }
0x1a1: {  	s2 =	sadd.s32 $0x40, s2;
	v14 =	vld [tilespmem:s28+$0x18900];
	[tilespmem:s0+$0x1BA80] =	vst v18;
	s0 =	smov.u32 s28  }
0x1a2: {  	v17 =	vld [tilespmem:s0+$0x1BA80];
	_ =	sdelay $0x3  }
0x1a3: {  	(xrf0) =	vadd.scan.msk.s32 $0xffff, v14  }
0x1a4: {  	(xrf0) =	vadd.scan.msk.s32 $0xffff, v17;
	_ =	sdelay $0x3  }
0x1a5: {  	v12 =	vadd.s32 v12, v15  }
0x1a6: {  	v13 =	vadd.s32 v13, v16;
	v12 =	vsub.s32 v12, v14;
	v61, _, _ =	vpop (xrf0)  }
0x1a7: {  	v13 =	vsub.s32 v13, v17;
	v12 =	vadd.s32 v61, v12;
	v62, _, _ =	vpop (xrf0)  }
0x1a8: {  	[tilespmem:s0+$0x18900] =	vst v12;
	v63 =	vadd.s32 v62, v13  }
0x1a9: {  	[tilespmem:s0+$0x1BA80] =	vst v63  }
0x1aa: {  	_ =	strace $0x90000049  }
0x1ab: {  	s0 =	simm.s32 $0x0;
	_ =	strace $0x8000004A  }
.LBB2_11:
0x1ac: {  	s2 =	sshra.s32 s0, $0x2  }
0x1ad: {  	v12 =	vld [tilespmem:s2+$0xC480];
	_ =	sdelay $0x4  }
0x1ae: {  	v13 =	vsub.f32 v12, v8;
	_ =	sdelay $0x1  }
0x1af: {  	v13 =	vmul.f32 v13, v9;
	_ =	sdelay $0x1  }
0x1b0: {  	v14 =	vadd.f32 $5.500000000e+00, v13;
	_ =	sdelay $0x1  }
0x1b1: {  	v14 =	vmul.f32 $2.909091000e+00, v14;
	_ =	sdelay $0x1  }
0x1b2: {  	v14 =	vtrunc.f32 v14  }
0x1b3: {  	v14 =	vcvt.f32.s32 v14;
	_ =	sdelay $0x1  }
0x1b4: {  	vm1 =	vgt.s32 v14, $0x0  }
0x1b5: {  	v14 =	vnsel vm1, $0x0, v14  }
0x1b6: {  	v14 =	vmin.u32 v14, $0x1F;
	_ =	sdelay $0x4  }
0x1b7: {  	v15 =	vld.idx.msk [tilespmem:v14+s16+$0x0], $0xffff;
	_ =	sdelay $0x1  }
0x1b8: {  	v14 =	vld.idx.msk [tilespmem:v14+s17+$0x0], $0xffff;
	_ =	sdelay $0x2  }
0x1b9: {  	v13 =	vmul.f32 v13, v15;
	_ =	sdelay $0x1  }
0x1ba: {  	v13 =	vadd.f32 v13, v14;
	_ =	sdelay $0x1  }
0x1bb: {  	v13 =	vtrunc.f32 v13  }
0x1bc: {  	v13 =	vcvt.f32.s32 v13;
	_ =	sdelay $0x1  }
0x1bd: {  	vm1 =	vgt.s32 v13, $0x0  }
0x1be: {  	v13 =	vnsel vm1, $0x0, v13  }
0x1bf: {  	v13 =	vmin.u32 v13, $0x30FF  }
0x1c0: {  	(xrf1) =	vunique.msk.u32 $0xffff, v13;
	_ =	sdelay $0x9  }
0x1c1: {  	v34 =	vld.idx.msk [tilespmem:v13+s21+$0x0], $0xffff;
	_ =	sdelay $0x3  }
0x1c2: {  	_, v35, vm1 =	vpop (xrf1)  }
0x1c3: {  	v14 =	vadd.s32 v34, v35  }
0x1c4: {  	v15 =	vadd.s32 $0xFFFFFFFF, v14;
	_ =	sdelay $0x4  }
0x1c5: {  	[tilespmem:v15+s3+$0x0] =	vst.idx.msk $0xffff, v12  }
0x1c6: {  	[tilespmem:v13+s21+$0x0] =	vst.idx.msk vm1, v14  }
0x1c7: {  	v12 =	vld [tilespmem:s2+$0xC490];
	_ =	sdelay $0x4  }
0x1c8: {  	v36 =	vsub.f32 v12, v8;
	_ =	sdelay $0x1  }
0x1c9: {  	v13 =	vmul.f32 v36, v9;
	_ =	sdelay $0x1  }
0x1ca: {  	v37 =	vadd.f32 $5.500000000e+00, v13;
	_ =	sdelay $0x1  }
0x1cb: {  	v14 =	vmul.f32 $2.909091000e+00, v37;
	_ =	sdelay $0x1  }
0x1cc: {  	v14 =	vtrunc.f32 v14  }
0x1cd: {  	v14 =	vcvt.f32.s32 v14;
	_ =	sdelay $0x1  }
0x1ce: {  	vm1 =	vgt.s32 v14, $0x0  }
0x1cf: {  	v14 =	vnsel vm1, $0x0, v14  }
0x1d0: {  	v14 =	vmin.u32 v14, $0x1F;
	_ =	sdelay $0x4  }
0x1d1: {  	v15 =	vld.idx.msk [tilespmem:v14+s16+$0x0], $0xffff;
	_ =	sdelay $0x1  }
0x1d2: {  	v14 =	vld.idx.msk [tilespmem:v14+s17+$0x0], $0xffff;
	_ =	sdelay $0x2  }
0x1d3: {  	v13 =	vmul.f32 v13, v15;
	_ =	sdelay $0x1  }
0x1d4: {  	v13 =	vadd.f32 v13, v14;
	_ =	sdelay $0x1  }
0x1d5: {  	v13 =	vtrunc.f32 v13  }
0x1d6: {  	v13 =	vcvt.f32.s32 v13;
	_ =	sdelay $0x1  }
0x1d7: {  	vm1 =	vgt.s32 v13, $0x0  }
0x1d8: {  	v13 =	vnsel vm1, $0x0, v13  }
0x1d9: {  	v13 =	vmin.u32 v13, $0x30FF  }
0x1da: {  	(xrf1) =	vunique.msk.u32 $0xffff, v13;
	_ =	sdelay $0x9  }
0x1db: {  	v38 =	vld.idx.msk [tilespmem:v13+s21+$0x0], $0xffff;
	_ =	sdelay $0x3  }
0x1dc: {  	_, v39, vm1 =	vpop (xrf1)  }
0x1dd: {  	v14 =	vadd.s32 v38, v39  }
0x1de: {  	v15 =	vadd.s32 $0xFFFFFFFF, v14;
	_ =	sdelay $0x4  }
0x1df: {  	[tilespmem:v15+s3+$0x0] =	vst.idx.msk $0xffff, v12  }
0x1e0: {  	[tilespmem:v13+s21+$0x0] =	vst.idx.msk vm1, v14  }
0x1e1: {  	v12 =	vld [tilespmem:s2+$0xC4A0];
	_ =	sdelay $0x4  }
0x1e2: {  	v40 =	vsub.f32 v12, v8;
	_ =	sdelay $0x1  }
0x1e3: {  	v13 =	vmul.f32 v40, v9;
	_ =	sdelay $0x1  }
0x1e4: {  	v41 =	vadd.f32 $5.500000000e+00, v13;
	_ =	sdelay $0x1  }
0x1e5: {  	v14 =	vmul.f32 $2.909091000e+00, v41;
	_ =	sdelay $0x1  }
0x1e6: {  	v14 =	vtrunc.f32 v14  }
0x1e7: {  	v14 =	vcvt.f32.s32 v14;
	_ =	sdelay $0x1  }
0x1e8: {  	vm1 =	vgt.s32 v14, $0x0  }
0x1e9: {  	v14 =	vnsel vm1, $0x0, v14  }
0x1ea: {  	v14 =	vmin.u32 v14, $0x1F;
	_ =	sdelay $0x4  }
0x1eb: {  	v15 =	vld.idx.msk [tilespmem:v14+s16+$0x0], $0xffff;
	_ =	sdelay $0x1  }
0x1ec: {  	v14 =	vld.idx.msk [tilespmem:v14+s17+$0x0], $0xffff;
	_ =	sdelay $0x2  }
0x1ed: {  	v13 =	vmul.f32 v13, v15;
	_ =	sdelay $0x1  }
0x1ee: {  	v13 =	vadd.f32 v13, v14;
	_ =	sdelay $0x1  }
0x1ef: {  	v13 =	vtrunc.f32 v13  }
0x1f0: {  	v13 =	vcvt.f32.s32 v13;
	_ =	sdelay $0x1  }
0x1f1: {  	vm1 =	vgt.s32 v13, $0x0  }
0x1f2: {  	v13 =	vnsel vm1, $0x0, v13  }
0x1f3: {  	v13 =	vmin.u32 v13, $0x30FF  }
0x1f4: {  	(xrf1) =	vunique.msk.u32 $0xffff, v13;
	_ =	sdelay $0x9  }
0x1f5: {  	v42 =	vld.idx.msk [tilespmem:v13+s21+$0x0], $0xffff;
	_ =	sdelay $0x3  }
0x1f6: {  	_, v43, vm1 =	vpop (xrf1)  }
0x1f7: {  	v14 =	vadd.s32 v42, v43  }
0x1f8: {  	v15 =	vadd.s32 $0xFFFFFFFF, v14;
	_ =	sdelay $0x4  }
0x1f9: {  	[tilespmem:v15+s3+$0x0] =	vst.idx.msk $0xffff, v12  }
0x1fa: {  	[tilespmem:v13+s21+$0x0] =	vst.idx.msk vm1, v14  }
0x1fb: {  	v12 =	vld [tilespmem:s2+$0xC4B0];
	_ =	sdelay $0x4  }
0x1fc: {  	v44 =	vsub.f32 v12, v8;
	_ =	sdelay $0x1  }
0x1fd: {  	v13 =	vmul.f32 v44, v9;
	_ =	sdelay $0x1  }
0x1fe: {  	v45 =	vadd.f32 $5.500000000e+00, v13;
	_ =	sdelay $0x1  }
0x1ff: {  	v14 =	vmul.f32 $2.909091000e+00, v45;
	_ =	sdelay $0x1  }
0x200: {  	v14 =	vtrunc.f32 v14  }
0x201: {  	v14 =	vcvt.f32.s32 v14;
	_ =	sdelay $0x1  }
0x202: {  	vm1 =	vgt.s32 v14, $0x0  }
0x203: {  	v14 =	vnsel vm1, $0x0, v14  }
0x204: {  	v14 =	vmin.u32 v14, $0x1F;
	_ =	sdelay $0x4  }
0x205: {  	v15 =	vld.idx.msk [tilespmem:v14+s16+$0x0], $0xffff;
	_ =	sdelay $0x1  }
0x206: {  	v14 =	vld.idx.msk [tilespmem:v14+s17+$0x0], $0xffff;
	_ =	sdelay $0x2  }
0x207: {  	v13 =	vmul.f32 v13, v15;
	_ =	sdelay $0x1  }
0x208: {  	v13 =	vadd.f32 v13, v14;
	_ =	sdelay $0x1  }
0x209: {  	v13 =	vtrunc.f32 v13  }
0x20a: {  	v13 =	vcvt.f32.s32 v13;
	_ =	sdelay $0x1  }
0x20b: {  	vm1 =	vgt.s32 v13, $0x0  }
0x20c: {  	v13 =	vnsel vm1, $0x0, v13  }
0x20d: {  	v13 =	vmin.u32 v13, $0x30FF  }
0x20e: {  	(xrf1) =	vunique.msk.u32 $0xffff, v13;
	_ =	sdelay $0x9  }
0x20f: {  	v46 =	vld.idx.msk [tilespmem:v13+s21+$0x0], $0xffff;
	_ =	sdelay $0x3  }
0x210: {  	_, v47, vm1 =	vpop (xrf1)  }
0x211: {  	v14 =	vadd.s32 v46, v47  }
0x212: {  	v15 =	vadd.s32 $0xFFFFFFFF, v14;
	_ =	sdelay $0x4  }
0x213: {  	[tilespmem:v15+s3+$0x0] =	vst.idx.msk $0xffff, v12  }
0x214: {  	[tilespmem:v13+s21+$0x0] =	vst.idx.msk vm1, v14  }
0x215: {  	v12 =	vld [tilespmem:s2+$0xC4C0];
	_ =	sdelay $0x4  }
0x216: {  	v48 =	vsub.f32 v12, v8;
	_ =	sdelay $0x1  }
0x217: {  	v13 =	vmul.f32 v48, v9;
	_ =	sdelay $0x1  }
0x218: {  	v49 =	vadd.f32 $5.500000000e+00, v13;
	_ =	sdelay $0x1  }
0x219: {  	v14 =	vmul.f32 $2.909091000e+00, v49;
	_ =	sdelay $0x1  }
0x21a: {  	v14 =	vtrunc.f32 v14  }
0x21b: {  	v14 =	vcvt.f32.s32 v14;
	_ =	sdelay $0x1  }
0x21c: {  	vm1 =	vgt.s32 v14, $0x0  }
0x21d: {  	v14 =	vnsel vm1, $0x0, v14  }
0x21e: {  	v14 =	vmin.u32 v14, $0x1F;
	_ =	sdelay $0x4  }
0x21f: {  	v15 =	vld.idx.msk [tilespmem:v14+s16+$0x0], $0xffff;
	_ =	sdelay $0x1  }
0x220: {  	v14 =	vld.idx.msk [tilespmem:v14+s17+$0x0], $0xffff;
	_ =	sdelay $0x2  }
0x221: {  	v13 =	vmul.f32 v13, v15;
	_ =	sdelay $0x1  }
0x222: {  	v13 =	vadd.f32 v13, v14;
	_ =	sdelay $0x1  }
0x223: {  	v13 =	vtrunc.f32 v13  }
0x224: {  	v13 =	vcvt.f32.s32 v13;
	_ =	sdelay $0x1  }
0x225: {  	vm1 =	vgt.s32 v13, $0x0  }
0x226: {  	v13 =	vnsel vm1, $0x0, v13  }
0x227: {  	v13 =	vmin.u32 v13, $0x30FF  }
0x228: {  	(xrf1) =	vunique.msk.u32 $0xffff, v13;
	_ =	sdelay $0x9  }
0x229: {  	v50 =	vld.idx.msk [tilespmem:v13+s21+$0x0], $0xffff;
	_ =	sdelay $0x3  }
0x22a: {  	_, v51, vm1 =	vpop (xrf1)  }
0x22b: {  	v14 =	vadd.s32 v50, v51  }
0x22c: {  	v15 =	vadd.s32 $0xFFFFFFFF, v14;
	_ =	sdelay $0x4  }
0x22d: {  	[tilespmem:v15+s3+$0x0] =	vst.idx.msk $0xffff, v12  }
0x22e: {  	[tilespmem:v13+s21+$0x0] =	vst.idx.msk vm1, v14  }
0x22f: {  	v12 =	vld [tilespmem:s2+$0xC4D0];
	_ =	sdelay $0x4  }
0x230: {  	v52 =	vsub.f32 v12, v8;
	_ =	sdelay $0x1  }
0x231: {  	v13 =	vmul.f32 v52, v9;
	_ =	sdelay $0x1  }
0x232: {  	v53 =	vadd.f32 $5.500000000e+00, v13;
	_ =	sdelay $0x1  }
0x233: {  	v14 =	vmul.f32 $2.909091000e+00, v53;
	_ =	sdelay $0x1  }
0x234: {  	v14 =	vtrunc.f32 v14  }
0x235: {  	v14 =	vcvt.f32.s32 v14;
	_ =	sdelay $0x1  }
0x236: {  	vm1 =	vgt.s32 v14, $0x0  }
0x237: {  	v14 =	vnsel vm1, $0x0, v14  }
0x238: {  	v14 =	vmin.u32 v14, $0x1F;
	_ =	sdelay $0x4  }
0x239: {  	v15 =	vld.idx.msk [tilespmem:v14+s16+$0x0], $0xffff;
	_ =	sdelay $0x1  }
0x23a: {  	v14 =	vld.idx.msk [tilespmem:v14+s17+$0x0], $0xffff;
	_ =	sdelay $0x2  }
0x23b: {  	v13 =	vmul.f32 v13, v15;
	_ =	sdelay $0x1  }
0x23c: {  	v13 =	vadd.f32 v13, v14;
	_ =	sdelay $0x1  }
0x23d: {  	v13 =	vtrunc.f32 v13  }
0x23e: {  	v13 =	vcvt.f32.s32 v13;
	_ =	sdelay $0x1  }
0x23f: {  	vm1 =	vgt.s32 v13, $0x0  }
0x240: {  	v13 =	vnsel vm1, $0x0, v13  }
0x241: {  	v13 =	vmin.u32 v13, $0x30FF  }
0x242: {  	(xrf1) =	vunique.msk.u32 $0xffff, v13;
	_ =	sdelay $0x9  }
0x243: {  	v54 =	vld.idx.msk [tilespmem:v13+s21+$0x0], $0xffff;
	_ =	sdelay $0x3  }
0x244: {  	_, v55, vm1 =	vpop (xrf1)  }
0x245: {  	v14 =	vadd.s32 v54, v55  }
0x246: {  	v15 =	vadd.s32 $0xFFFFFFFF, v14;
	_ =	sdelay $0x4  }
0x247: {  	[tilespmem:v15+s3+$0x0] =	vst.idx.msk $0xffff, v12  }
0x248: {  	[tilespmem:v13+s21+$0x0] =	vst.idx.msk vm1, v14  }
0x249: {  	v12 =	vld [tilespmem:s2+$0xC4E0];
	_ =	sdelay $0x4  }
0x24a: {  	v56 =	vsub.f32 v12, v8;
	_ =	sdelay $0x1  }
0x24b: {  	v13 =	vmul.f32 v56, v9;
	_ =	sdelay $0x1  }
0x24c: {  	v57 =	vadd.f32 $5.500000000e+00, v13;
	_ =	sdelay $0x1  }
0x24d: {  	v14 =	vmul.f32 $2.909091000e+00, v57;
	_ =	sdelay $0x1  }
0x24e: {  	v14 =	vtrunc.f32 v14  }
0x24f: {  	v14 =	vcvt.f32.s32 v14;
	_ =	sdelay $0x1  }
0x250: {  	vm1 =	vgt.s32 v14, $0x0  }
0x251: {  	v14 =	vnsel vm1, $0x0, v14  }
0x252: {  	v14 =	vmin.u32 v14, $0x1F;
	_ =	sdelay $0x4  }
0x253: {  	v15 =	vld.idx.msk [tilespmem:v14+s16+$0x0], $0xffff;
	_ =	sdelay $0x1  }
0x254: {  	v14 =	vld.idx.msk [tilespmem:v14+s17+$0x0], $0xffff;
	_ =	sdelay $0x2  }
0x255: {  	v13 =	vmul.f32 v13, v15;
	_ =	sdelay $0x1  }
0x256: {  	v13 =	vadd.f32 v13, v14;
	_ =	sdelay $0x1  }
0x257: {  	v13 =	vtrunc.f32 v13  }
0x258: {  	v13 =	vcvt.f32.s32 v13;
	_ =	sdelay $0x1  }
0x259: {  	vm1 =	vgt.s32 v13, $0x0  }
0x25a: {  	v13 =	vnsel vm1, $0x0, v13  }
0x25b: {  	v13 =	vmin.u32 v13, $0x30FF  }
0x25c: {  	(xrf1) =	vunique.msk.u32 $0xffff, v13;
	_ =	sdelay $0x9  }
0x25d: {  	v58 =	vld.idx.msk [tilespmem:v13+s21+$0x0], $0xffff;
	_ =	sdelay $0x3  }
0x25e: {  	_, v59, vm1 =	vpop (xrf1)  }
0x25f: {  	v14 =	vadd.s32 v58, v59  }
0x260: {  	v15 =	vadd.s32 $0xFFFFFFFF, v14;
	_ =	sdelay $0x4  }
0x261: {  	[tilespmem:v15+s3+$0x0] =	vst.idx.msk $0xffff, v12  }
0x262: {  	[tilespmem:v13+s21+$0x0] =	vst.idx.msk vm1, v14  }
0x263: {  	v12 =	vld [tilespmem:s2+$0xC4F0];
	_ =	sdelay $0x4  }
0x264: {  	v60 =	vsub.f32 v12, v8;
	_ =	sdelay $0x1  }
0x265: {  	v13 =	vmul.f32 v60, v9;
	_ =	sdelay $0x1  }
0x266: {  	v61 =	vadd.f32 $5.500000000e+00, v13;
	_ =	sdelay $0x1  }
0x267: {  	v14 =	vmul.f32 $2.909091000e+00, v61;
	_ =	sdelay $0x1  }
0x268: {  	v14 =	vtrunc.f32 v14  }
0x269: {  	v14 =	vcvt.f32.s32 v14;
	_ =	sdelay $0x1  }
0x26a: {  	vm1 =	vgt.s32 v14, $0x0  }
0x26b: {  	v14 =	vnsel vm1, $0x0, v14  }
0x26c: {  	v14 =	vmin.u32 v14, $0x1F;
	_ =	sdelay $0x4  }
0x26d: {  	v15 =	vld.idx.msk [tilespmem:v14+s16+$0x0], $0xffff;
	_ =	sdelay $0x1  }
0x26e: {  	v14 =	vld.idx.msk [tilespmem:v14+s17+$0x0], $0xffff;
	_ =	sdelay $0x2  }
0x26f: {  	v13 =	vmul.f32 v13, v15;
	_ =	sdelay $0x1  }
0x270: {  	v13 =	vadd.f32 v13, v14;
	_ =	sdelay $0x1  }
0x271: {  	v13 =	vtrunc.f32 v13  }
0x272: {  	v13 =	vcvt.f32.s32 v13;
	_ =	sdelay $0x1  }
0x273: {  	vm1 =	vgt.s32 v13, $0x0  }
0x274: {  	v13 =	vnsel vm1, $0x0, v13  }
0x275: {  	v13 =	vmin.u32 v13, $0x30FF  }
0x276: {  	(xrf1) =	vunique.msk.u32 $0xffff, v13;
	_ =	sdelay $0x9  }
0x277: {  	v62 =	vld.idx.msk [tilespmem:v13+s21+$0x0], $0xffff;
	_ =	sdelay $0x3  }
0x278: {  	_, v63, vm1 =	vpop (xrf1)  }
0x279: {  	v14 =	vadd.s32 v62, v63  }
0x27a: {  	v15 =	vadd.s32 $0xFFFFFFFF, v14  }
0x27b: {  	p0 =	sne.s32 s0, $0x30E00  }
.Ltmp4:
0x27c: {  	_ = 	snop;
	(pc) =	sbr.rel @p0 .LBB2_11-.Ltmp4, $3  }
0x27d: {  	_ =	sdelay $0x1  }
0x27e: {  	[tilespmem:v15+s3+$0x0] =	vst.idx.msk $0xffff, v12  }
0x27f: {  	s0 =	sadd.s32 $0x200, s0;
	[tilespmem:v13+s21+$0x0] =	vst.idx.msk vm1, v14  }
0x280: {  	_ =	strace $0x9000004A;
	[tilespmem:$0xC400] =	vst v3  }
0x281: {  	s0 =	simm.s32 $0x0;
	_ =	strace $0x8000004B  }
0x282: {  	v16 =	vld [tilespmem:s0+$0x0]  }
0x283: {  	v17 =	vld [tilespmem:s0+$0x10]  }
0x284: {  	v12 =	vld [tilespmem:s0+$0x20]  }
0x285: {  	v13 =	vld [tilespmem:s0+$0x30]  }
0x286: {  	v14 =	vld [tilespmem:s0+$0x40]  }
0x287: {  	v15 =	vld [tilespmem:s0+$0x50];
	(xrf1) =	vsort.ascd.msk.f32 $0xffff, v16, v16  }
0x288: {  	s2 =	simm.s32 $0x200;
	v16 =	vld [tilespmem:s0+$0x60];
	(xrf1) =	vsort.ascd.msk.f32 $0xffff, v17, v17  }
.LBB2_13:
0x289: {  	p0 =	sne.s32 s2, $0x30E00;
	v17 =	vld [tilespmem:s0+$0x70];
	(xrf1) =	vsort.ascd.msk.f32 $0xffff, v12, v12  }
0x28a: {  	(xrf1) =	vsort.ascd.msk.f32 $0xffff, v13, v13  }
0x28b: {  	(xrf1) =	vsort.ascd.msk.f32 $0xffff, v14, v14  }
0x28c: {  	(xrf1) =	vsort.ascd.msk.f32 $0xffff, v15, v15  }
0x28d: {  	(xrf1) =	vsort.ascd.msk.f32 $0xffff, v16, v16  }
0x28e: {  	(xrf1) =	vsort.ascd.msk.f32 $0xffff, v17, v17;
	_ =	sdelay $0x6  }
0x28f: {  	v12, _, _ =	vpop (xrf1)  }
0x290: {  	s28 =	sshra.s32 s2, $0x2;
	[tilespmem:s0+$0x0] =	vst v12;
	v12, _, _ =	vpop (xrf1)  }
0x291: {  	v16 =	vld [tilespmem:s28+$0x0];
	[tilespmem:s0+$0x10] =	vst v12;
	v12, _, _ =	vpop (xrf1)  }
0x292: {  	v17 =	vld [tilespmem:s28+$0x10];
	[tilespmem:s0+$0x20] =	vst v12;
	v13, _, _ =	vpop (xrf1)  }
.Ltmp5:
0x293: {  	v12 =	vld [tilespmem:s28+$0x20];
	[tilespmem:s0+$0x30] =	vst v13;
	v14, _, _ =	vpop (xrf1);
	(pc) =	sbr.rel @p0 .LBB2_13-.Ltmp5, $4  }
0x294: {  	v13 =	vld [tilespmem:s28+$0x30];
	[tilespmem:s0+$0x40] =	vst v14;
	v15, _, _ =	vpop (xrf1)  }
0x295: {  	v14 =	vld [tilespmem:s28+$0x40];
	[tilespmem:s0+$0x50] =	vst v15;
	v18, _, _ =	vpop (xrf1)  }
0x296: {  	v15 =	vld [tilespmem:s28+$0x50];
	(xrf1) =	vsort.ascd.msk.f32 $0xffff, v16, v16;
	[tilespmem:s0+$0x60] =	vst v18;
	v18, _, _ =	vpop (xrf1)  }
0x297: {  	s2 =	sadd.s32 $0x200, s2;
	v16 =	vld [tilespmem:s28+$0x60];
	(xrf1) =	vsort.ascd.msk.f32 $0xffff, v17, v17;
	[tilespmem:s0+$0x70] =	vst v18;
	s0 =	smov.u32 s28  }
0x298: {  	v17 =	vld [tilespmem:s0+$0x70];
	(xrf1) =	vsort.ascd.msk.f32 $0xffff, v12, v12  }
0x299: {  	(xrf1) =	vsort.ascd.msk.f32 $0xffff, v13, v13  }
0x29a: {  	(xrf1) =	vsort.ascd.msk.f32 $0xffff, v14, v14  }
0x29b: {  	(xrf1) =	vsort.ascd.msk.f32 $0xffff, v15, v15  }
0x29c: {  	(xrf1) =	vsort.ascd.msk.f32 $0xffff, v16, v16  }
0x29d: {  	(xrf1) =	vsort.ascd.msk.f32 $0xffff, v17, v17;
	_ =	sdelay $0x6  }
0x29e: {  	v56, _, _ =	vpop (xrf1)  }
0x29f: {  	[tilespmem:s0+$0x0] =	vst v56;
	v57, _, _ =	vpop (xrf1)  }
0x2a0: {  	[tilespmem:s0+$0x10] =	vst v57;
	v58, _, _ =	vpop (xrf1)  }
0x2a1: {  	[tilespmem:s0+$0x20] =	vst v58;
	v59, _, _ =	vpop (xrf1)  }
0x2a2: {  	[tilespmem:s0+$0x30] =	vst v59;
	v60, _, _ =	vpop (xrf1)  }
0x2a3: {  	[tilespmem:s0+$0x40] =	vst v60;
	v61, _, _ =	vpop (xrf1)  }
0x2a4: {  	[tilespmem:s0+$0x50] =	vst v61;
	v62, _, _ =	vpop (xrf1)  }
0x2a5: {  	[tilespmem:s0+$0x60] =	vst v62;
	v63, _, _ =	vpop (xrf1)  }
0x2a6: {  	[tilespmem:s0+$0x70] =	vst v63  }
0x2a7: {  	_ =	strace $0x9000004B  }
0x2a8: {  	vm1 =	vmmov vm0;
	s0 =	simm.s32 $0x0;
	_ =	strace $0x8000004C  }
.LBB2_15:
0x2a9: {  	s2 =	sshll.u32 s0, $0x7  }
0x2aa: {  	s2 =	sand.u32 $0x3FFFFF80, s2  }
0x2ab: {  	v12 =	vld [tilespmem:s2+$0x10]  }
0x2ac: {  	v13 =	vld [tilespmem:s2+$0x0]  }
0x2ad: {  	v14 =	vld [tilespmem:s2+$0x30];
	_ =	sdelay $0x1  }
0x2ae: {  	v15 =	vld [tilespmem:s2+$0x20]  }
0x2af: {  	v17 =	vld [tilespmem:s2+$0x50];
	v16 =	vperm.xlane v12, v4  }
0x2b0: {  	v18 =	vld [tilespmem:s2+$0x40]  }
0x2b1: {  	v21 =	vld [tilespmem:s2+$0x70];
	v20 =	vperm.xlane v14, v4;
	v19 =	vmin.f32 v13, v16  }
0x2b2: {  	v16 =	vmax.f32 v13, v16;
	(xrf1) =	vsort.ascd.msk.f32 $0xffff, v19, v19  }
0x2b3: {  	v51 =	vld [tilespmem:s2+$0x60];
	v50 =	vmin.f32 v15, v20;
	(xrf1) =	vsort.ascd.msk.f32 $0xffff, v16, v16  }
0x2b4: {  	v52 =	vperm.xlane v17, v4;
	v20 =	vmax.f32 v15, v20;
	(xrf1) =	vsort.ascd.msk.f32 $0xffff, v50, v50  }
0x2b5: {  	(xrf1) =	vsort.ascd.msk.f32 $0xffff, v20, v20  }
0x2b6: {  	v22 =	vperm.xlane v21, v4;
	v53 =	vmin.f32 v18, v52  }
0x2b7: {  	v16 =	vmax.f32 v18, v52;
	(xrf1) =	vsort.ascd.msk.f32 $0xffff, v53, v53  }
0x2b8: {  	v54 =	vmin.f32 v51, v22;
	(xrf1) =	vsort.ascd.msk.f32 $0xffff, v16, v16  }
0x2b9: {  	v55 =	vmax.f32 v51, v22;
	(xrf1) =	vsort.ascd.msk.f32 $0xffff, v54, v54  }
0x2ba: {  	(xrf1) =	vsort.ascd.msk.f32 $0xffff, v55, v55;
	_ =	sdelay $0x5  }
0x2bb: {  	v56, _, _ =	vpop (xrf1)  }
0x2bc: {  	v57, _, _ =	vpop (xrf1);
	vm2 =	vlt.f32 v56, v13  }
0x2bd: {  	vm3 =	vgt.f32 v56, v13;
	v58, _, _ =	vpop (xrf1);
	vm4 =	vlt.f32 v57, v12;
	vm5 =	vgt.f32 v57, v12  }
0x2be: {  	vm2 =	vmor vm3, vm2;
	v59, _, _ =	vpop (xrf1);
	vm3 =	vmor vm5, vm4;
	vm12 =	vlt.f32 v58, v15  }
0x2bf: {  	vm13 =	vgt.f32 v58, v15;
	vm6 =	vlt.f32 v59, v14;
	vm7 =	vgt.f32 v59, v14  }
0x2c0: {  	v60, _, _ =	vpop (xrf1);
	vm2 =	vmor vm2, vm3;
	vm3 =	vmor vm13, vm12;
	vm14 =	vmor vm7, vm6  }
0x2c1: {  	[tilespmem:s2+$0x0] =	vst v56;
	v61, _, _ =	vpop (xrf1);
	vm15 =	vlt.f32 v60, v18;
	vm9 =	vgt.f32 v60, v18;
	vm3 =	vmor vm3, vm14  }
0x2c2: {  	s0 =	sadd.s32 $0x1, s0;
	[tilespmem:s2+$0x10] =	vst v57;
	v62, _, _ =	vpop (xrf1);
	vm10 =	vlt.f32 v61, v17;
	vm11 =	vgt.f32 v61, v17;
	vm2 =	vmor vm2, vm3  }
0x2c3: {  	p0 =	sne.s32 s0, $0x188;
	[tilespmem:s2+$0x20] =	vst v58;
	vm3 =	vmor vm9, vm15;
	vm12 =	vlt.f32 v62, v51;
	vm13 =	vgt.f32 v62, v51;
	v63, _, _ =	vpop (xrf1)  }
.Ltmp6:
0x2c4: {  	[tilespmem:s2+$0x30] =	vst v59;
	vm6 =	vmor vm11, vm10;
	vm14 =	vlt.f32 v63, v21;
	vm8 =	vgt.f32 v63, v21;
	(pc) =	sbr.rel @p0 .LBB2_15-.Ltmp6, $4  }
0x2c5: {  	[tilespmem:s2+$0x40] =	vst v60;
	vm3 =	vmor vm3, vm6;
	vm4 =	vmor vm13, vm12;
	vm15 =	vmor vm8, vm14  }
0x2c6: {  	[tilespmem:s2+$0x50] =	vst v61;
	vm2 =	vmor vm2, vm3;
	vm3 =	vmor vm4, vm15  }
0x2c7: {  	[tilespmem:s2+$0x60] =	vst v62;
	vm2 =	vmor vm2, vm3  }
0x2c8: {  	[tilespmem:s2+$0x70] =	vst v63;
	vm1 =	vmor vm1, vm2  }
0x2c9: {  	s2 =	simm.s32 $0x0  }
0x2ca: {  	v17 =	vld [tilespmem:s2+$0x80];
	_ =	sdelay $0x1  }
0x2cb: {  	v12 =	vld [tilespmem:s2+$0x70]  }
0x2cc: {  	v19 =	vld [tilespmem:s2+$0x60];
	_ =	sdelay $0x1  }
0x2cd: {  	v18 =	vld [tilespmem:s2+$0x50];
	v14 =	vperm.xlane v17, v4;
	_ =	sdelay $0x1  }
0x2ce: {  	v15 =	vmin.f32 v12, v14  }
0x2cf: {  	v16 =	vperm.xlane v19, v4;
	v20 =	vmax.f32 v12, v14;
	(xrf1) =	vsort.ascd.msk.f32 $0xffff, v15, v15  }
0x2d0: {  	(xrf1) =	vsort.ascd.msk.f32 $0xffff, v20, v20  }
0x2d1: {  	v15 =	vmin.f32 v18, v16  }
0x2d2: {  	v13 =	vld [tilespmem:s2+$0x40];
	(xrf1) =	vsort.ascd.msk.f32 $0xffff, v15, v15;
	v15 =	vmax.f32 v18, v16  }
0x2d3: {  	(xrf1) =	vsort.ascd.msk.f32 $0xffff, v15, v15  }
0x2d4: {  	v14 =	vld [tilespmem:s2+$0x30];
	_ =	sdelay $0x2  }
0x2d5: {  	v20 =	vperm.xlane v13, v4  }
0x2d6: {  	v16 =	vld [tilespmem:s2+$0x20]  }
0x2d7: {  	v15 =	vmin.f32 v14, v20  }
0x2d8: {  	(xrf1) =	vsort.ascd.msk.f32 $0xffff, v15, v15;
	v15 =	vld [tilespmem:s2+$0x10];
	_ =	sdelay $0x2  }
0x2d9: {  	v20 =	vmax.f32 v14, v20;
	v22 =	vperm.xlane v16, v4;
	v21, _, _ =	vpop (xrf1)  }
0x2da: {  	v23, _, _ =	vpop (xrf1);
	(xrf1) =	vsort.ascd.msk.f32 $0xffff, v20, v20  }
0x2db: {  	[tilespmem:s2+$0x70] =	vst v21;
	v20 =	vmax.f32 v15, v22;
	vm2 =	vlt.f32 v21, v12;
	vm3 =	vgt.f32 v21, v12  }
0x2dc: {  	s0 =	simm.s32 $0x80;
	[tilespmem:s2+$0x80] =	vst v23;
	v63, _, _ =	vpop (xrf1);
	(xrf1) =	vsort.ascd.msk.f32 $0xffff, v20, v20;
	vm3 =	vmor vm3, vm2;
	vm2 =	vlt.f32 v23, v17  }
0x2dd: {  	vm4 =	vgt.f32 v23, v17;
	v12 =	vld [tilespmem:s0+$0x80];
	[tilespmem:s2+$0x50] =	vst v63;
	vm5 =	vlt.f32 v63, v18;
	vm6 =	vgt.f32 v63, v18;
	v17, _, _ =	vpop (xrf1)  }
0x2de: {  	v18 =	vld [tilespmem:s0+$0x70];
	[tilespmem:s2+$0x60] =	vst v17;
	vm7 =	vlt.f32 v17, v19;
	vm8 =	vgt.f32 v17, v19;
	v17 =	vmin.f32 v15, v22  }
0x2df: {  	(xrf1) =	vsort.ascd.msk.f32 $0xffff, v17, v17;
	_ =	sdelay $0x8  }
0x2e0: {  	vm4 =	vmor vm4, vm2  }
0x2e1: {  	s28 =	simm.s32 $0x400;
	vm2 =	vmmov vm0;
	vm5 =	vmor vm6, vm5;
	v17 =	vld [tilespmem:s0+$0x60];
	vm6 =	vmor vm8, vm7;
	v19, _, _ =	vpop (xrf1)  }
.LBB2_17:
0x2e2: {  	p0 =	sne.s32 s28, $0x30E00;
	[tilespmem:s2+$0x30] =	vst v19;
	v20, _, _ =	vpop (xrf1);
	s29 =	smov.u32 s28;
	s28 =	sadd.s32 $0x200, s28  }
0x2e3: {  	v21 =	vld [tilespmem:s0+$0x50];
	[tilespmem:s2+$0x40] =	vst v20;
	vm7 =	vlt.f32 v20, v13;
	vm8 =	vgt.f32 v20, v13  }
0x2e4: {  	vm9 =	vgt.f32 v19, v14;
	v13 =	vld [tilespmem:s0+$0x40];
	v20 =	vperm.xlane v12, v4;
	v22, _, _ =	vpop (xrf1)  }
0x2e5: {  	vm12 =	vlt.f32 v19, v14;
	[tilespmem:s2+$0x20] =	vst v22;
	vm10 =	vlt.f32 v22, v16;
	vm11 =	vgt.f32 v22, v16;
	v14 =	vld [tilespmem:s0+$0x30];
	v19, _, _ =	vpop (xrf1)  }
0x2e6: {  	vm9 =	vmor vm9, vm12;
	v16 =	vld [tilespmem:s0+$0x20];
	v22 =	vperm.xlane v17, v4;
	v23 =	vmin.f32 v18, v20;
	[tilespmem:s2+$0x10] =	vst v19;
	s2 =	smov.u32 s0  }
0x2e7: {  	vm7 =	vmor vm8, vm7;
	v20 =	vmax.f32 v18, v20;
	vm12 =	vlt.f32 v19, v15;
	(xrf1) =	vsort.ascd.msk.f32 $0xffff, v23, v23  }
0x2e8: {  	vm7 =	vmor vm9, vm7;
	v23 =	vmin.f32 v21, v22;
	v22 =	vmax.f32 v21, v22;
	(xrf1) =	vsort.ascd.msk.f32 $0xffff, v20, v20  }
0x2e9: {  	vm8 =	vgt.f32 v19, v15;
	vm9 =	vmor vm11, vm10;
	v20 =	vperm.xlane v13, v4;
	(xrf1) =	vsort.ascd.msk.f32 $0xffff, v23, v23;
	v15 =	vld [tilespmem:s2+$0x10]  }
0x2ea: {  	vm5 =	vmor vm5, vm6;
	vm3 =	vmor vm3, vm4;
	vm8 =	vmor vm8, vm12;
	(xrf1) =	vsort.ascd.msk.f32 $0xffff, v22, v22  }
0x2eb: {  	vm4 =	vmor vm8, vm9;
	v19 =	vmin.f32 v14, v20;
	v20 =	vmax.f32 v14, v20  }
0x2ec: {  	vm4 =	vmor vm4, vm7;
	v22 =	vperm.xlane v16, v4;
	(xrf1) =	vsort.ascd.msk.f32 $0xffff, v19, v19  }
0x2ed: {  	vm4 =	vmor vm4, vm5;
	(xrf1) =	vsort.ascd.msk.f32 $0xffff, v20, v20  }
0x2ee: {  	vm3 =	vmor vm4, vm3;
	v19 =	vmin.f32 v15, v22;
	v20 =	vmax.f32 v15, v22  }
0x2ef: {  	vm2 =	vmor vm2, vm3;
	(xrf1) =	vsort.ascd.msk.f32 $0xffff, v20, v20  }
0x2f0: {  	(xrf1) =	vsort.ascd.msk.f32 $0xffff, v19, v19;
	_ =	sdelay $0x4  }
0x2f1: {  	v19, _, _ =	vpop (xrf1)  }
.Ltmp7:
0x2f2: {  	s0 =	sshra.s32 s29, $0x2;
	[tilespmem:s2+$0x70] =	vst v19;
	vm3 =	vlt.f32 v19, v18;
	vm4 =	vgt.f32 v19, v18;
	v18, _, _ =	vpop (xrf1);
	(pc) =	sbr.rel @p0 .LBB2_17-.Ltmp7, $4  }
0x2f3: {  	[tilespmem:s2+$0x80] =	vst v18;
	vm3 =	vmor vm4, vm3;
	vm4 =	vlt.f32 v18, v12;
	vm5 =	vgt.f32 v18, v12;
	v18, _, _ =	vpop (xrf1)  }
0x2f4: {  	v12 =	vld [tilespmem:s0+$0x80];
	[tilespmem:s2+$0x50] =	vst v18;
	vm6 =	vlt.f32 v18, v21;
	vm7 =	vgt.f32 v18, v21;
	vm4 =	vmor vm5, vm4;
	v19, _, _ =	vpop (xrf1)  }
0x2f5: {  	v18 =	vld [tilespmem:s0+$0x70];
	[tilespmem:s2+$0x60] =	vst v19;
	vm5 =	vmor vm7, vm6;
	vm6 =	vlt.f32 v19, v17;
	vm7 =	vgt.f32 v19, v17  }
0x2f6: {  	v17 =	vld [tilespmem:s0+$0x60];
	vm6 =	vmor vm7, vm6;
	v19, _, _ =	vpop (xrf1)  }
0x2f7: {  	[tilespmem:s2+$0x30] =	vst v19;
	v20, _, _ =	vpop (xrf1)  }
0x2f8: {  	v21 =	vld [tilespmem:s0+$0x50];
	[tilespmem:s2+$0x40] =	vst v20  }
0x2f9: {  	v22 =	vld [tilespmem:s0+$0x40];
	v24, _, _ =	vpop (xrf1)  }
0x2fa: {  	v23 =	vperm.xlane v12, v4;
	v25 =	vld [tilespmem:s0+$0x30];
	[tilespmem:s2+$0x20] =	vst v24  }
0x2fb: {  	v26, _, _ =	vpop (xrf1);
	v27 =	vld [tilespmem:s0+$0x20]  }
0x2fc: {  	v28 =	vperm.xlane v17, v4;
	v29 =	vmin.f32 v18, v23;
	[tilespmem:s2+$0x10] =	vst v26  }
0x2fd: {  	v23 =	vmax.f32 v18, v23;
	(xrf1) =	vsort.ascd.msk.f32 $0xffff, v29, v29;
	v50 =	vld [tilespmem:s0+$0x10]  }
0x2fe: {  	v49 =	vmin.f32 v21, v28;
	(xrf1) =	vsort.ascd.msk.f32 $0xffff, v23, v23;
	v30 =	vperm.xlane v22, v4  }
0x2ff: {  	v28 =	vmax.f32 v21, v28;
	(xrf1) =	vsort.ascd.msk.f32 $0xffff, v49, v49  }
0x300: {  	(xrf1) =	vsort.ascd.msk.f32 $0xffff, v28, v28;
	v51 =	vmin.f32 v25, v30;
	v53 =	vperm.xlane v27, v4  }
0x301: {  	v52 =	vmax.f32 v25, v30;
	(xrf1) =	vsort.ascd.msk.f32 $0xffff, v51, v51  }
0x302: {  	(xrf1) =	vsort.ascd.msk.f32 $0xffff, v52, v52;
	v54 =	vmax.f32 v50, v53  }
0x303: {  	v28 =	vmin.f32 v50, v53;
	(xrf1) =	vsort.ascd.msk.f32 $0xffff, v54, v54  }
0x304: {  	(xrf1) =	vsort.ascd.msk.f32 $0xffff, v28, v28;
	_ =	sdelay $0x2  }
0x305: {  	vm9 =	vgt.f32 v19, v14  }
0x306: {  	vm10 =	vlt.f32 v19, v14;
	vm5 =	vmor vm5, vm6;
	vm7 =	vlt.f32 v20, v13  }
0x307: {  	vm8 =	vgt.f32 v20, v13;
	vm9 =	vmor vm9, vm10;
	vm11 =	vlt.f32 v24, v16  }
0x308: {  	vm12 =	vgt.f32 v24, v16;
	vm13 =	vlt.f32 v26, v15;
	vm14 =	vgt.f32 v26, v15  }
0x309: {  	vm7 =	vmor vm8, vm7;
	vm15 =	vmor vm12, vm11;
	vm8 =	vmor vm14, vm13;
	v55, _, _ =	vpop (xrf1)  }
0x30a: {  	vm3 =	vmor vm3, vm4;
	vm7 =	vmor vm9, vm7;
	vm11 =	vmor vm8, vm15;
	v56, _, _ =	vpop (xrf1)  }
0x30b: {  	vm4 =	vmor vm11, vm7;
	vm12 =	vlt.f32 v55, v18;
	vm13 =	vgt.f32 v55, v18;
	v57, _, _ =	vpop (xrf1)  }
0x30c: {  	vm4 =	vmor vm4, vm5;
	vm5 =	vmor vm13, vm12;
	v58, _, _ =	vpop (xrf1);
	vm14 =	vlt.f32 v57, v21  }
0x30d: {  	vm15 =	vgt.f32 v57, v21;
	vm12 =	vlt.f32 v58, v17;
	vm13 =	vgt.f32 v58, v17;
	v59, _, _ =	vpop (xrf1)  }
0x30e: {  	vm6 =	vmor vm15, vm14;
	vm7 =	vmor vm13, vm12;
	v60, _, _ =	vpop (xrf1);
	vm10 =	vgt.f32 v59, v25  }
0x30f: {  	vm11 =	vlt.f32 v59, v25;
	vm8 =	vlt.f32 v60, v22;
	vm9 =	vgt.f32 v60, v22;
	v61, _, _ =	vpop (xrf1)  }
0x310: {  	vm10 =	vmor vm10, vm11;
	vm12 =	vlt.f32 v61, v27;
	vm13 =	vgt.f32 v61, v27;
	v62, _, _ =	vpop (xrf1)  }
0x311: {  	vm8 =	vmor vm9, vm8;
	vm11 =	vlt.f32 v62, v50;
	vm9 =	vgt.f32 v62, v50  }
0x312: {  	vm14 =	vlt.f32 v56, v12;
	vm12 =	vmor vm13, vm12;
	vm9 =	vmor vm9, vm11  }
0x313: {  	vm15 =	vgt.f32 v56, v12;
	vm8 =	vmor vm10, vm8;
	vm9 =	vmor vm9, vm12  }
0x314: {  	vm6 =	vmor vm6, vm7;
	vm10 =	vmor vm15, vm14;
	vm13 =	vmor vm9, vm8  }
0x315: {  	vm3 =	vmor vm4, vm3;
	vm14 =	vmor vm5, vm10;
	vm15 =	vmor vm13, vm6  }
0x316: {  	vm2 =	vmor vm2, vm3;
	vm3 =	vmor vm15, vm14  }
0x317: {  	vm2 =	vmor vm2, vm3  }
0x318: {  	vm1 =	vmor vm1, vm2  }
0x319: {  	v63 =	vsel vm1, $0x3F800000, v5  }
0x31a: {  	(xrf0) =	vmax.scan.msk.f32 $0xffff, v63;
	_ =	sdelay $0x5  }
0x31b: {  	v12, _, _ =	vpop (xrf0)  }
0x31c: {  	(v2sf) =	vpush v12, $0xF;
	_ =	sdelay $0xd  }
0x31d: {  	[tilespmem:s0+$0x70] =	vst v55  }
0x31e: {  	[tilespmem:s0+$0x80] =	vst v56;
	s31 =	spop (v2sf)  }
0x31f: {  	[tilespmem:s0+$0x50] =	vst v57;
	p0 =	sgt.f32 s31, $0.0e+00  }
.Ltmp8:
0x320: {  	[tilespmem:s0+$0x60] =	vst v58;
	(pc) =	sbr.rel @p0 .LBB2_15-.Ltmp8, $4  }
0x321: {  	[tilespmem:s0+$0x30] =	vst v59  }
0x322: {  	[tilespmem:s0+$0x40] =	vst v60  }
0x323: {  	[tilespmem:s0+$0x20] =	vst v61  }
0x324: {  	[tilespmem:s0+$0x10] =	vst v62;
	s0 =	simm.s32 $0x0;
	vm1 =	vmmov vm0  }
0x325: {  	_ =	strace $0x9000004C  }
0x326: {  	s0 =	simm.s32 $0x0;
	_ =	strace $0x8000004D  }
0x327: {  	[hbm4b:s12+s0] =	stream.linear.scatter [tilespmem:s0], [sflag:$0x1], $0xC400, $0x200038;
	[tilespmem:$0x1FF00] =	vst v63  }
0x328: {  	_ =	swait.ge [sflag:s15], $0xC400  }
0x329: {  	[sflag:s15] =	ssyncset.done $0x0  }
0x32a: {  	[sflag:s15] =	ssyncadd.s32 $0xFFFF3C00  }
0x32b: {  	_ =	strace $0x9000004D  }
0x32c: {  	s28 =	simm.s32 $0x0;
	s29 =	simm.s32 $0x0;
	_ =	strace $0x8000004E  }
.LBB2_20:
0x32d: {  	s2 =	smul.u32 $0x700, s29;
	_ =	sdelay $0x1  }
0x32e: {  	s2 =	sadd.s32 s26, s2  }
0x32f: {  	s2 =	sshrl.u32 s2, $0x3  }
0x330: {  	s2 =	sadd.s32 s1, s2  }
0x331: {  	[tilespmem:s18], [sflag:$0x1] =	stream.linear.gather [hbm4b:s2+s0], $0x700, $0x200038;
	[tilespmem:$0x1FF00] =	vst v63  }
0x332: {  	_ =	swait.ge [sflag:s15], $0x700  }
0x333: {  	[sflag:s15] =	ssyncset.done $0x0  }
0x334: {  	s30 =	simm.s32 $0x1EC40;
	s31 =	simm.s32 $0x0;
	[sflag:s15] =	ssyncadd.s32 $0xFFFFF900  }
.LBB2_21:
0x335: {  	v12 =	vld [tilespmem:s30+$0xFFFFFFC0];
	_ =	sdelay $0x4  }
0x336: {  	v13 =	vsub.f32 v12, v6;
	_ =	sdelay $0x1  }
0x337: {  	v13 =	vmul.f32 v13, v7;
	_ =	sdelay $0x1  }
0x338: {  	v14 =	vadd.f32 $5.500000000e+00, v13;
	_ =	sdelay $0x1  }
0x339: {  	v14 =	vmul.f32 $2.909091000e+00, v14;
	_ =	sdelay $0x1  }
0x33a: {  	v14 =	vtrunc.f32 v14  }
0x33b: {  	v14 =	vcvt.f32.s32 v14;
	_ =	sdelay $0x1  }
0x33c: {  	vm1 =	vgt.s32 v14, $0x0  }
0x33d: {  	v14 =	vnsel vm1, $0x0, v14  }
0x33e: {  	v14 =	vmin.u32 v14, $0x1F;
	_ =	sdelay $0x4  }
0x33f: {  	v15 =	vld.idx.msk [tilespmem:v14+s16+$0x0], $0xffff;
	_ =	sdelay $0x1  }
0x340: {  	v14 =	vld.idx.msk [tilespmem:v14+s17+$0x0], $0xffff;
	_ =	sdelay $0x2  }
0x341: {  	v13 =	vmul.f32 v13, v15;
	_ =	sdelay $0x1  }
0x342: {  	v13 =	vadd.f32 v13, v14;
	_ =	sdelay $0x1  }
0x343: {  	v13 =	vtrunc.f32 v13  }
0x344: {  	v13 =	vcvt.f32.s32 v13;
	_ =	sdelay $0x1  }
0x345: {  	vm1 =	vgt.s32 v13, $0x0  }
0x346: {  	v13 =	vnsel vm1, $0x0, v13  }
0x347: {  	v13 =	vmin.u32 v13, $0x30FF  }
0x348: {  	(xrf1) =	vunique.msk.u32 $0xffff, v13;
	_ =	sdelay $0x9  }
0x349: {  	v27 =	vld.idx.msk [tilespmem:v13+s20+$0x0], $0xffff;
	_ =	sdelay $0x3  }
0x34a: {  	_, v28, vm1 =	vpop (xrf1)  }
0x34b: {  	v14 =	vadd.s32 v27, v28  }
0x34c: {  	v15 =	vadd.s32 $0xFFFFFFFF, v14;
	_ =	sdelay $0x1  }
0x34d: {  	s2 =	sadd.s32 s31, s28  }
0x34e: {  	v16 =	vor.u32 s2, v0  }
0x34f: {  	v16 =	vcvt.s32.f32 v16  }
0x350: {  	[tilespmem:v15+s22+$0x0] =	vst.idx.msk $0xffff, v12  }
0x351: {  	[tilespmem:v15+s3+$0x0] =	vst.idx.msk $0xffff, v16  }
0x352: {  	[tilespmem:v13+s20+$0x0] =	vst.idx.msk vm1, v14  }
0x353: {  	v12 =	vld [tilespmem:s30+$0xFFFFFFD0];
	_ =	sdelay $0x4  }
0x354: {  	v29 =	vsub.f32 v12, v6;
	_ =	sdelay $0x1  }
0x355: {  	v13 =	vmul.f32 v29, v7;
	_ =	sdelay $0x1  }
0x356: {  	v30 =	vadd.f32 $5.500000000e+00, v13;
	_ =	sdelay $0x1  }
0x357: {  	v14 =	vmul.f32 $2.909091000e+00, v30;
	_ =	sdelay $0x1  }
0x358: {  	v14 =	vtrunc.f32 v14  }
0x359: {  	v14 =	vcvt.f32.s32 v14;
	_ =	sdelay $0x1  }
0x35a: {  	vm1 =	vgt.s32 v14, $0x0  }
0x35b: {  	v14 =	vnsel vm1, $0x0, v14  }
0x35c: {  	v14 =	vmin.u32 v14, $0x1F;
	_ =	sdelay $0x4  }
0x35d: {  	v15 =	vld.idx.msk [tilespmem:v14+s16+$0x0], $0xffff;
	_ =	sdelay $0x1  }
0x35e: {  	v14 =	vld.idx.msk [tilespmem:v14+s17+$0x0], $0xffff;
	_ =	sdelay $0x2  }
0x35f: {  	v13 =	vmul.f32 v13, v15;
	_ =	sdelay $0x1  }
0x360: {  	v13 =	vadd.f32 v13, v14;
	_ =	sdelay $0x1  }
0x361: {  	v13 =	vtrunc.f32 v13  }
0x362: {  	v13 =	vcvt.f32.s32 v13;
	_ =	sdelay $0x1  }
0x363: {  	vm1 =	vgt.s32 v13, $0x0  }
0x364: {  	v13 =	vnsel vm1, $0x0, v13  }
0x365: {  	v13 =	vmin.u32 v13, $0x30FF  }
0x366: {  	(xrf1) =	vunique.msk.u32 $0xffff, v13;
	_ =	sdelay $0x9  }
0x367: {  	v31 =	vld.idx.msk [tilespmem:v13+s20+$0x0], $0xffff;
	_ =	sdelay $0x3  }
0x368: {  	_, v32, vm1 =	vpop (xrf1)  }
0x369: {  	v14 =	vadd.s32 v31, v32  }
0x36a: {  	v15 =	vadd.s32 $0xFFFFFFFF, v14;
	_ =	sdelay $0x1  }
0x36b: {  	s14 =	sadd.s32 $0x10, s2  }
0x36c: {  	v33 =	vor.u32 s14, v0  }
0x36d: {  	v16 =	vcvt.s32.f32 v33  }
0x36e: {  	[tilespmem:v15+s22+$0x0] =	vst.idx.msk $0xffff, v12  }
0x36f: {  	[tilespmem:v15+s3+$0x0] =	vst.idx.msk $0xffff, v16  }
0x370: {  	[tilespmem:v13+s20+$0x0] =	vst.idx.msk vm1, v14  }
0x371: {  	v12 =	vld [tilespmem:s30+$0xFFFFFFE0];
	_ =	sdelay $0x4  }
0x372: {  	v34 =	vsub.f32 v12, v6;
	_ =	sdelay $0x1  }
0x373: {  	v13 =	vmul.f32 v34, v7;
	_ =	sdelay $0x1  }
0x374: {  	v35 =	vadd.f32 $5.500000000e+00, v13;
	_ =	sdelay $0x1  }
0x375: {  	v14 =	vmul.f32 $2.909091000e+00, v35;
	_ =	sdelay $0x1  }
0x376: {  	v14 =	vtrunc.f32 v14  }
0x377: {  	v14 =	vcvt.f32.s32 v14;
	_ =	sdelay $0x1  }
0x378: {  	vm1 =	vgt.s32 v14, $0x0  }
0x379: {  	v14 =	vnsel vm1, $0x0, v14  }
0x37a: {  	v14 =	vmin.u32 v14, $0x1F;
	_ =	sdelay $0x4  }
0x37b: {  	v15 =	vld.idx.msk [tilespmem:v14+s16+$0x0], $0xffff;
	_ =	sdelay $0x1  }
0x37c: {  	v14 =	vld.idx.msk [tilespmem:v14+s17+$0x0], $0xffff;
	_ =	sdelay $0x2  }
0x37d: {  	v13 =	vmul.f32 v13, v15;
	_ =	sdelay $0x1  }
0x37e: {  	v13 =	vadd.f32 v13, v14;
	_ =	sdelay $0x1  }
0x37f: {  	v13 =	vtrunc.f32 v13  }
0x380: {  	v13 =	vcvt.f32.s32 v13;
	_ =	sdelay $0x1  }
0x381: {  	vm1 =	vgt.s32 v13, $0x0  }
0x382: {  	v13 =	vnsel vm1, $0x0, v13  }
0x383: {  	v13 =	vmin.u32 v13, $0x30FF  }
0x384: {  	(xrf1) =	vunique.msk.u32 $0xffff, v13;
	_ =	sdelay $0x9  }
0x385: {  	v36 =	vld.idx.msk [tilespmem:v13+s20+$0x0], $0xffff;
	_ =	sdelay $0x3  }
0x386: {  	_, v37, vm1 =	vpop (xrf1)  }
0x387: {  	v14 =	vadd.s32 v36, v37  }
0x388: {  	v15 =	vadd.s32 $0xFFFFFFFF, v14;
	_ =	sdelay $0x1  }
0x389: {  	s14 =	sadd.s32 $0x20, s2  }
0x38a: {  	v38 =	vor.u32 s14, v0  }
0x38b: {  	v16 =	vcvt.s32.f32 v38  }
0x38c: {  	[tilespmem:v15+s22+$0x0] =	vst.idx.msk $0xffff, v12  }
0x38d: {  	[tilespmem:v15+s3+$0x0] =	vst.idx.msk $0xffff, v16  }
0x38e: {  	[tilespmem:v13+s20+$0x0] =	vst.idx.msk vm1, v14  }
0x38f: {  	v12 =	vld [tilespmem:s30+$0xFFFFFFF0];
	_ =	sdelay $0x4  }
0x390: {  	v39 =	vsub.f32 v12, v6;
	_ =	sdelay $0x1  }
0x391: {  	v13 =	vmul.f32 v39, v7;
	_ =	sdelay $0x1  }
0x392: {  	v40 =	vadd.f32 $5.500000000e+00, v13;
	_ =	sdelay $0x1  }
0x393: {  	v14 =	vmul.f32 $2.909091000e+00, v40;
	_ =	sdelay $0x1  }
0x394: {  	v14 =	vtrunc.f32 v14  }
0x395: {  	v14 =	vcvt.f32.s32 v14;
	_ =	sdelay $0x1  }
0x396: {  	vm1 =	vgt.s32 v14, $0x0  }
0x397: {  	v14 =	vnsel vm1, $0x0, v14  }
0x398: {  	v14 =	vmin.u32 v14, $0x1F;
	_ =	sdelay $0x4  }
0x399: {  	v15 =	vld.idx.msk [tilespmem:v14+s16+$0x0], $0xffff;
	_ =	sdelay $0x1  }
0x39a: {  	v14 =	vld.idx.msk [tilespmem:v14+s17+$0x0], $0xffff;
	_ =	sdelay $0x2  }
0x39b: {  	v13 =	vmul.f32 v13, v15;
	_ =	sdelay $0x1  }
0x39c: {  	v13 =	vadd.f32 v13, v14;
	_ =	sdelay $0x1  }
0x39d: {  	v13 =	vtrunc.f32 v13  }
0x39e: {  	v13 =	vcvt.f32.s32 v13;
	_ =	sdelay $0x1  }
0x39f: {  	vm1 =	vgt.s32 v13, $0x0  }
0x3a0: {  	v13 =	vnsel vm1, $0x0, v13  }
0x3a1: {  	v13 =	vmin.u32 v13, $0x30FF  }
0x3a2: {  	(xrf1) =	vunique.msk.u32 $0xffff, v13;
	_ =	sdelay $0x9  }
0x3a3: {  	v41 =	vld.idx.msk [tilespmem:v13+s20+$0x0], $0xffff;
	_ =	sdelay $0x3  }
0x3a4: {  	_, v42, vm1 =	vpop (xrf1)  }
0x3a5: {  	v14 =	vadd.s32 v41, v42  }
0x3a6: {  	v15 =	vadd.s32 $0xFFFFFFFF, v14;
	_ =	sdelay $0x1  }
0x3a7: {  	s14 =	sadd.s32 $0x30, s2  }
0x3a8: {  	v43 =	vor.u32 s14, v0  }
0x3a9: {  	v16 =	vcvt.s32.f32 v43  }
0x3aa: {  	[tilespmem:v15+s22+$0x0] =	vst.idx.msk $0xffff, v12  }
0x3ab: {  	[tilespmem:v15+s3+$0x0] =	vst.idx.msk $0xffff, v16  }
0x3ac: {  	[tilespmem:v13+s20+$0x0] =	vst.idx.msk vm1, v14  }
0x3ad: {  	v12 =	vld [tilespmem:s30+$0x0];
	_ =	sdelay $0x4  }
0x3ae: {  	v44 =	vsub.f32 v12, v6;
	_ =	sdelay $0x1  }
0x3af: {  	v13 =	vmul.f32 v44, v7;
	_ =	sdelay $0x1  }
0x3b0: {  	v45 =	vadd.f32 $5.500000000e+00, v13;
	_ =	sdelay $0x1  }
0x3b1: {  	v14 =	vmul.f32 $2.909091000e+00, v45;
	_ =	sdelay $0x1  }
0x3b2: {  	v14 =	vtrunc.f32 v14  }
0x3b3: {  	v14 =	vcvt.f32.s32 v14;
	_ =	sdelay $0x1  }
0x3b4: {  	vm1 =	vgt.s32 v14, $0x0  }
0x3b5: {  	v14 =	vnsel vm1, $0x0, v14  }
0x3b6: {  	v14 =	vmin.u32 v14, $0x1F;
	_ =	sdelay $0x4  }
0x3b7: {  	v15 =	vld.idx.msk [tilespmem:v14+s16+$0x0], $0xffff;
	_ =	sdelay $0x1  }
0x3b8: {  	v14 =	vld.idx.msk [tilespmem:v14+s17+$0x0], $0xffff;
	_ =	sdelay $0x2  }
0x3b9: {  	v13 =	vmul.f32 v13, v15;
	_ =	sdelay $0x1  }
0x3ba: {  	v13 =	vadd.f32 v13, v14;
	_ =	sdelay $0x1  }
0x3bb: {  	v13 =	vtrunc.f32 v13  }
0x3bc: {  	v13 =	vcvt.f32.s32 v13;
	_ =	sdelay $0x1  }
0x3bd: {  	vm1 =	vgt.s32 v13, $0x0  }
0x3be: {  	v13 =	vnsel vm1, $0x0, v13  }
0x3bf: {  	v13 =	vmin.u32 v13, $0x30FF  }
0x3c0: {  	(xrf1) =	vunique.msk.u32 $0xffff, v13;
	_ =	sdelay $0x9  }
0x3c1: {  	v46 =	vld.idx.msk [tilespmem:v13+s20+$0x0], $0xffff;
	_ =	sdelay $0x3  }
0x3c2: {  	_, v47, vm1 =	vpop (xrf1)  }
0x3c3: {  	v14 =	vadd.s32 v46, v47  }
0x3c4: {  	v15 =	vadd.s32 $0xFFFFFFFF, v14;
	_ =	sdelay $0x1  }
0x3c5: {  	s14 =	sadd.s32 $0x40, s2  }
0x3c6: {  	v48 =	vor.u32 s14, v0  }
0x3c7: {  	v16 =	vcvt.s32.f32 v48  }
0x3c8: {  	[tilespmem:v15+s22+$0x0] =	vst.idx.msk $0xffff, v12  }
0x3c9: {  	[tilespmem:v15+s3+$0x0] =	vst.idx.msk $0xffff, v16  }
0x3ca: {  	[tilespmem:v13+s20+$0x0] =	vst.idx.msk vm1, v14  }
0x3cb: {  	v12 =	vld [tilespmem:s30+$0x10];
	_ =	sdelay $0x4  }
0x3cc: {  	v49 =	vsub.f32 v12, v6;
	_ =	sdelay $0x1  }
0x3cd: {  	v13 =	vmul.f32 v49, v7;
	_ =	sdelay $0x1  }
0x3ce: {  	v50 =	vadd.f32 $5.500000000e+00, v13;
	_ =	sdelay $0x1  }
0x3cf: {  	v14 =	vmul.f32 $2.909091000e+00, v50;
	_ =	sdelay $0x1  }
0x3d0: {  	v14 =	vtrunc.f32 v14  }
0x3d1: {  	v14 =	vcvt.f32.s32 v14;
	_ =	sdelay $0x1  }
0x3d2: {  	vm1 =	vgt.s32 v14, $0x0  }
0x3d3: {  	v14 =	vnsel vm1, $0x0, v14  }
0x3d4: {  	v14 =	vmin.u32 v14, $0x1F;
	_ =	sdelay $0x4  }
0x3d5: {  	v15 =	vld.idx.msk [tilespmem:v14+s16+$0x0], $0xffff;
	_ =	sdelay $0x1  }
0x3d6: {  	v14 =	vld.idx.msk [tilespmem:v14+s17+$0x0], $0xffff;
	_ =	sdelay $0x2  }
0x3d7: {  	v13 =	vmul.f32 v13, v15;
	_ =	sdelay $0x1  }
0x3d8: {  	v13 =	vadd.f32 v13, v14;
	_ =	sdelay $0x1  }
0x3d9: {  	v13 =	vtrunc.f32 v13  }
0x3da: {  	v13 =	vcvt.f32.s32 v13;
	_ =	sdelay $0x1  }
0x3db: {  	vm1 =	vgt.s32 v13, $0x0  }
0x3dc: {  	v13 =	vnsel vm1, $0x0, v13  }
0x3dd: {  	v13 =	vmin.u32 v13, $0x30FF  }
0x3de: {  	(xrf1) =	vunique.msk.u32 $0xffff, v13;
	_ =	sdelay $0x9  }
0x3df: {  	v51 =	vld.idx.msk [tilespmem:v13+s20+$0x0], $0xffff;
	_ =	sdelay $0x3  }
0x3e0: {  	_, v52, vm1 =	vpop (xrf1)  }
0x3e1: {  	v14 =	vadd.s32 v51, v52  }
0x3e2: {  	v15 =	vadd.s32 $0xFFFFFFFF, v14;
	_ =	sdelay $0x1  }
0x3e3: {  	s14 =	sadd.s32 $0x50, s2  }
0x3e4: {  	v53 =	vor.u32 s14, v0  }
0x3e5: {  	v16 =	vcvt.s32.f32 v53  }
0x3e6: {  	[tilespmem:v15+s22+$0x0] =	vst.idx.msk $0xffff, v12  }
0x3e7: {  	[tilespmem:v15+s3+$0x0] =	vst.idx.msk $0xffff, v16  }
0x3e8: {  	[tilespmem:v13+s20+$0x0] =	vst.idx.msk vm1, v14  }
0x3e9: {  	v12 =	vld [tilespmem:s30+$0x20];
	_ =	sdelay $0x4  }
0x3ea: {  	v54 =	vsub.f32 v12, v6;
	_ =	sdelay $0x1  }
0x3eb: {  	v13 =	vmul.f32 v54, v7;
	_ =	sdelay $0x1  }
0x3ec: {  	v55 =	vadd.f32 $5.500000000e+00, v13;
	_ =	sdelay $0x1  }
0x3ed: {  	v14 =	vmul.f32 $2.909091000e+00, v55;
	_ =	sdelay $0x1  }
0x3ee: {  	v14 =	vtrunc.f32 v14  }
0x3ef: {  	v14 =	vcvt.f32.s32 v14;
	_ =	sdelay $0x1  }
0x3f0: {  	vm1 =	vgt.s32 v14, $0x0  }
0x3f1: {  	v14 =	vnsel vm1, $0x0, v14  }
0x3f2: {  	v14 =	vmin.u32 v14, $0x1F;
	_ =	sdelay $0x4  }
0x3f3: {  	v15 =	vld.idx.msk [tilespmem:v14+s16+$0x0], $0xffff;
	_ =	sdelay $0x1  }
0x3f4: {  	v14 =	vld.idx.msk [tilespmem:v14+s17+$0x0], $0xffff;
	_ =	sdelay $0x2  }
0x3f5: {  	v13 =	vmul.f32 v13, v15;
	_ =	sdelay $0x1  }
0x3f6: {  	v13 =	vadd.f32 v13, v14;
	_ =	sdelay $0x1  }
0x3f7: {  	v13 =	vtrunc.f32 v13  }
0x3f8: {  	v13 =	vcvt.f32.s32 v13;
	_ =	sdelay $0x1  }
0x3f9: {  	vm1 =	vgt.s32 v13, $0x0  }
0x3fa: {  	v13 =	vnsel vm1, $0x0, v13  }
0x3fb: {  	v13 =	vmin.u32 v13, $0x30FF  }
0x3fc: {  	(xrf1) =	vunique.msk.u32 $0xffff, v13;
	_ =	sdelay $0x9  }
0x3fd: {  	v56 =	vld.idx.msk [tilespmem:v13+s20+$0x0], $0xffff;
	_ =	sdelay $0x3  }
0x3fe: {  	_, v57, vm1 =	vpop (xrf1)  }
0x3ff: {  	v14 =	vadd.s32 v56, v57  }
0x400: {  	v15 =	vadd.s32 $0xFFFFFFFF, v14;
	_ =	sdelay $0x1  }
0x401: {  	s14 =	sadd.s32 $0x60, s2  }
0x402: {  	v58 =	vor.u32 s14, v0  }
0x403: {  	v16 =	vcvt.s32.f32 v58  }
0x404: {  	[tilespmem:v15+s22+$0x0] =	vst.idx.msk $0xffff, v12  }
0x405: {  	[tilespmem:v15+s3+$0x0] =	vst.idx.msk $0xffff, v16  }
0x406: {  	[tilespmem:v13+s20+$0x0] =	vst.idx.msk vm1, v14  }
0x407: {  	v12 =	vld [tilespmem:s30+$0x30];
	_ =	sdelay $0x4  }
0x408: {  	v59 =	vsub.f32 v12, v6;
	_ =	sdelay $0x1  }
0x409: {  	v13 =	vmul.f32 v59, v7;
	_ =	sdelay $0x1  }
0x40a: {  	v60 =	vadd.f32 $5.500000000e+00, v13;
	_ =	sdelay $0x1  }
0x40b: {  	v14 =	vmul.f32 $2.909091000e+00, v60;
	_ =	sdelay $0x1  }
0x40c: {  	v14 =	vtrunc.f32 v14  }
0x40d: {  	v14 =	vcvt.f32.s32 v14;
	_ =	sdelay $0x1  }
0x40e: {  	vm1 =	vgt.s32 v14, $0x0  }
0x40f: {  	v14 =	vnsel vm1, $0x0, v14  }
0x410: {  	v14 =	vmin.u32 v14, $0x1F;
	_ =	sdelay $0x4  }
0x411: {  	v15 =	vld.idx.msk [tilespmem:v14+s16+$0x0], $0xffff;
	_ =	sdelay $0x1  }
0x412: {  	v14 =	vld.idx.msk [tilespmem:v14+s17+$0x0], $0xffff;
	_ =	sdelay $0x2  }
0x413: {  	v13 =	vmul.f32 v13, v15;
	_ =	sdelay $0x1  }
0x414: {  	v13 =	vadd.f32 v13, v14;
	_ =	sdelay $0x1  }
0x415: {  	v13 =	vtrunc.f32 v13  }
0x416: {  	v13 =	vcvt.f32.s32 v13;
	_ =	sdelay $0x1  }
0x417: {  	vm1 =	vgt.s32 v13, $0x0  }
0x418: {  	v13 =	vnsel vm1, $0x0, v13  }
0x419: {  	v13 =	vmin.u32 v13, $0x30FF  }
0x41a: {  	(xrf1) =	vunique.msk.u32 $0xffff, v13;
	_ =	sdelay $0x9  }
0x41b: {  	v61 =	vld.idx.msk [tilespmem:v13+s20+$0x0], $0xffff;
	_ =	sdelay $0x3  }
0x41c: {  	_, v62, vm1 =	vpop (xrf1)  }
0x41d: {  	v14 =	vadd.s32 v61, v62  }
0x41e: {  	v15 =	vadd.s32 $0xFFFFFFFF, v14;
	_ =	sdelay $0x1  }
0x41f: {  	p0 =	sne.s32 s31, $0x680;
	s2 =	sadd.s32 $0x70, s2  }
.Ltmp9:
0x420: {  	v63 =	vor.u32 s2, v0;
	(pc) =	sbr.rel @p0 .LBB2_21-.Ltmp9, $4  }
0x421: {  	v16 =	vcvt.s32.f32 v63  }
0x422: {  	[tilespmem:v15+s22+$0x0] =	vst.idx.msk $0xffff, v12  }
0x423: {  	[tilespmem:v15+s3+$0x0] =	vst.idx.msk $0xffff, v16  }
0x424: {  	s31 =	sadd.s32 $0x80, s31;
	s30 =	sadd.s32 $0x80, s30;
	[tilespmem:v13+s20+$0x0] =	vst.idx.msk vm1, v14  }
0x425: {  	s29 =	sadd.s32 $0x1, s29  }
0x426: {  	p0 =	sne.s32 s29, $0x1C  }
.Ltmp10:
0x427: {  	_ = 	snop;
	(pc) =	sbr.rel @p0 .LBB2_20-.Ltmp10, $2  }
0x428: {  	_ =	sdelay $0x2  }
0x429: {  	s28 =	sadd.s32 $0x700, s28  }
0x42a: {  	_ =	strace $0x9000004E;
	[tilespmem:$0x18880] =	vst v3  }
0x42b: {  	[tilespmem:$0xC400] =	vst v5  }
0x42c: {  	s0 =	simm.s32 $0x0;
	_ =	strace $0x8000004F  }
0x42d: {  	v12 =	vld [tilespmem:s0+$0xC490]  }
0x42e: {  	v13 =	vld [tilespmem:s0+$0x10]  }
0x42f: {  	v14 =	vld [tilespmem:s0+$0xC4C0]  }
0x430: {  	v15 =	vld [tilespmem:s0+$0xC4E0]  }
0x431: {  	v16 =	vld [tilespmem:s0+$0x40]  }
0x432: {  	v17 =	vld [tilespmem:s0+$0x60]  }
0x433: {  	v18 =	vld [tilespmem:s0+$0xC4F0];
	(xrf1) =	vsort.ascd.msk.f32 $0xffff, v12, v13  }
0x434: {  	v19 =	vld [tilespmem:s0+$0x70];
	_ =	sdelay $0x1  }
0x435: {  	v20 =	vld [tilespmem:s0+$0x50];
	(xrf1) =	vsort.ascd.msk.f32 $0xffff, v14, v16  }
0x436: {  	v21 =	vld [tilespmem:s0+$0xC4A0];
	(xrf1) =	vsort.ascd.msk.f32 $0xffff, v15, v17  }
0x437: {  	v22 =	vld [tilespmem:s0+$0xC4D0]  }
0x438: {  	v23 =	vld [tilespmem:s0+$0x20];
	(xrf1) =	vsort.ascd.msk.f32 $0xffff, v18, v19  }
0x439: {  	v12 =	vld [tilespmem:s0+$0x30]  }
0x43a: {  	v13 =	vld [tilespmem:s0+$0x0]  }
0x43b: {  	v14 =	vld [tilespmem:s0+$0xC4B0]  }
0x43c: {  	v15 =	vld [tilespmem:s0+$0xC480];
	(xrf1) =	vsort.ascd.msk.f32 $0xffff, v22, v20  }
0x43d: {  	s2 =	simm.s32 $0x200;
	(xrf1) =	vsort.ascd.msk.f32 $0xffff, v21, v23  }
.LBB2_24:
0x43e: {  	_ =	sdelay $0x1  }
0x43f: {  	p0 =	sne.s32 s2, $0x30E00;
	s14 =	smov.u32 s2;
	s2 =	sadd.s32 $0x200, s2;
	v16, v17, _ =	vpop (xrf1);
	(xrf1) =	vsort.ascd.msk.f32 $0xffff, v14, v12  }
0x440: {  	[tilespmem:s0+$0xC490] =	vst v16;
	(xrf1) =	vsort.ascd.msk.f32 $0xffff, v15, v13  }
0x441: {  	s14 =	sshra.s32 s14, $0x2;
	[tilespmem:s0+$0x10] =	vst v17  }
0x442: {  	v12 =	vld [tilespmem:s14+$0xC490];
	v13, v14, _ =	vpop (xrf1)  }
0x443: {  	v15 =	vld [tilespmem:s14+$0x10];
	[tilespmem:s0+$0xC4C0] =	vst v13;
	v13, v16, _ =	vpop (xrf1)  }
0x444: {  	v17 =	vld [tilespmem:s14+$0xC4C0];
	[tilespmem:s0+$0xC4E0] =	vst v13  }
0x445: {  	v13 =	vld [tilespmem:s14+$0xC4E0];
	[tilespmem:s0+$0x40] =	vst v14;
	v14, v18, _ =	vpop (xrf1)  }
0x446: {  	v19 =	vld [tilespmem:s14+$0x40];
	[tilespmem:s0+$0x60] =	vst v16  }
0x447: {  	v16 =	vld [tilespmem:s14+$0x60];
	[tilespmem:s0+$0xC4F0] =	vst v14  }
0x448: {  	v14 =	vld [tilespmem:s14+$0xC4F0];
	(xrf1) =	vsort.ascd.msk.f32 $0xffff, v12, v15;
	[tilespmem:s0+$0x70] =	vst v18  }
0x449: {  	v12 =	vld [tilespmem:s14+$0x70];
	v15, v18, _ =	vpop (xrf1)  }
0x44a: {  	[tilespmem:s0+$0x50] =	vst v18;
	v18, v20, _ =	vpop (xrf1)  }
0x44b: {  	v21 =	vld [tilespmem:s14+$0x50];
	(xrf1) =	vsort.ascd.msk.f32 $0xffff, v17, v19;
	[tilespmem:s0+$0xC4A0] =	vst v18  }
0x44c: {  	v17 =	vld [tilespmem:s14+$0xC4A0];
	(xrf1) =	vsort.ascd.msk.f32 $0xffff, v13, v16;
	[tilespmem:s0+$0xC4D0] =	vst v15  }
0x44d: {  	v16 =	vld [tilespmem:s14+$0xC4D0];
	[tilespmem:s0+$0x20] =	vst v20;
	v13, v15, _ =	vpop (xrf1)  }
0x44e: {  	v18 =	vld [tilespmem:s14+$0x20];
	(xrf1) =	vsort.ascd.msk.f32 $0xffff, v14, v12;
	[tilespmem:s0+$0x30] =	vst v15;
	v15, v19, _ =	vpop (xrf1)  }
.Ltmp11:
0x44f: {  	v12 =	vld [tilespmem:s14+$0x30];
	[tilespmem:s0+$0xC4B0] =	vst v13;
	(pc) =	sbr.rel @p0 .LBB2_24-.Ltmp11, $4  }
0x450: {  	v14 =	vld [tilespmem:s14+$0xC4B0];
	[tilespmem:s0+$0x0] =	vst v19  }
0x451: {  	v13 =	vld [tilespmem:s14+$0x0];
	[tilespmem:s0+$0xC480] =	vst v15;
	s0 =	smov.u32 s14  }
0x452: {  	v15 =	vld [tilespmem:s0+$0xC480];
	(xrf1) =	vsort.ascd.msk.f32 $0xffff, v16, v21  }
0x453: {  	(xrf1) =	vsort.ascd.msk.f32 $0xffff, v17, v18  }
0x454: {  	_ =	sdelay $0x1  }
0x455: {  	(xrf1) =	vsort.ascd.msk.f32 $0xffff, v14, v12;
	_ =	sdelay $0x1  }
0x456: {  	v12, v14, _ =	vpop (xrf1);
	(xrf1) =	vsort.ascd.msk.f32 $0xffff, v15, v13  }
0x457: {  	[tilespmem:s0+$0xC490] =	vst v12  }
0x458: {  	[tilespmem:s0+$0x10] =	vst v14;
	v51, v50, _ =	vpop (xrf1)  }
0x459: {  	[tilespmem:s0+$0xC4C0] =	vst v51  }
0x45a: {  	v53, v52, _ =	vpop (xrf1);
	[tilespmem:s0+$0x40] =	vst v50  }
0x45b: {  	[tilespmem:s0+$0xC4E0] =	vst v53  }
0x45c: {  	[tilespmem:s0+$0x60] =	vst v52;
	v54, v55, _ =	vpop (xrf1)  }
0x45d: {  	[tilespmem:s0+$0xC4F0] =	vst v54  }
0x45e: {  	[tilespmem:s0+$0x70] =	vst v55;
	v56, v57, _ =	vpop (xrf1)  }
0x45f: {  	[tilespmem:s0+$0x50] =	vst v57  }
0x460: {  	v59, v58, _ =	vpop (xrf1);
	[tilespmem:s0+$0xC4D0] =	vst v56  }
0x461: {  	[tilespmem:s0+$0xC4A0] =	vst v59  }
0x462: {  	[tilespmem:s0+$0x20] =	vst v58;
	v61, v60, _ =	vpop (xrf1)  }
0x463: {  	[tilespmem:s0+$0x30] =	vst v60  }
0x464: {  	[tilespmem:s0+$0xC4B0] =	vst v61;
	v63, v62, _ =	vpop (xrf1)  }
0x465: {  	[tilespmem:s0+$0x0] =	vst v62  }
0x466: {  	[tilespmem:s0+$0xC480] =	vst v63  }
0x467: {  	_ =	strace $0x9000004F  }
0x468: {  	vm1 =	vmmov vm0;
	s0 =	simm.s32 $0x0;
	_ =	strace $0x80000050  }
.LBB2_26:
0x469: {  	s2 =	sshll.u32 s0, $0x7  }
0x46a: {  	v12 =	vld [tilespmem:s2+$0xC480]  }
0x46b: {  	v13 =	vld [tilespmem:s2+$0x0]  }
0x46c: {  	v14 =	vld [tilespmem:s2+$0xC490]  }
0x46d: {  	v15 =	vld [tilespmem:s2+$0x10]  }
0x46e: {  	v16 =	vld [tilespmem:s2+$0xC4A0]  }
0x46f: {  	v17 =	vld [tilespmem:s2+$0xC4B0]  }
0x470: {  	v18 =	vld [tilespmem:s2+$0x20]  }
0x471: {  	v20 =	vld [tilespmem:s2+$0x30];
	v19 =	vperm.xlane v14, v4  }
0x472: {  	v21 =	vld [tilespmem:s2+$0xC4C0];
	v15 =	vperm.xlane v15, v4  }
0x473: {  	v22 =	vld [tilespmem:s2+$0xC4D0];
	vm2 =	vle.f32 v12, v19  }
0x474: {  	v26 =	vld [tilespmem:s2+$0x50];
	v23 =	vsel vm2, v12, v19;
	v24 =	vsel vm2, v13, v15  }
0x475: {  	v36 =	vld [tilespmem:s2+$0xC4F0];
	v25 =	vperm.xlane v17, v4;
	(xrf1) =	vsort.ascd.msk.f32 $0xffff, v23, v24  }
0x476: {  	v38 =	vld [tilespmem:s2+$0x70];
	v35 =	vperm.xlane v20, v4;
	v19 =	vsel vm2, v19, v12;
	v13 =	vsel vm2, v15, v13  }
0x477: {  	v34 =	vld [tilespmem:s2+$0x40];
	vm2 =	vle.f32 v16, v25;
	(xrf1) =	vsort.ascd.msk.f32 $0xffff, v19, v13  }
0x478: {  	v27 =	vld [tilespmem:s2+$0xC4E0];
	v37 =	vsel vm2, v16, v25;
	v39 =	vsel vm2, v18, v35  }
0x479: {  	v42 =	vld [tilespmem:s2+$0x60];
	v40 =	vperm.xlane v22, v4;
	v41 =	vperm.xlane v26, v4;
	(xrf1) =	vsort.ascd.msk.f32 $0xffff, v37, v39  }
0x47a: {  	v45 =	vperm.xlane v36, v4;
	v15 =	vsel vm2, v35, v18;
	v25 =	vsel vm2, v25, v16  }
0x47b: {  	v46 =	vperm.xlane v38, v4;
	vm2 =	vle.f32 v21, v40;
	(xrf1) =	vsort.ascd.msk.f32 $0xffff, v25, v15  }
0x47c: {  	v43 =	vsel vm2, v21, v40;
	v44 =	vsel vm2, v34, v41;
	v13 =	vsel vm2, v41, v34  }
0x47d: {  	v18 =	vsel vm2, v40, v21;
	vm2 =	vle.f32 v27, v45;
	(xrf1) =	vsort.ascd.msk.f32 $0xffff, v43, v44  }
0x47e: {  	v47 =	vsel vm2, v27, v45;
	v48 =	vsel vm2, v42, v46;
	(xrf1) =	vsort.ascd.msk.f32 $0xffff, v18, v13  }
0x47f: {  	v49 =	vsel vm2, v45, v27;
	v15 =	vsel vm2, v46, v42;
	(xrf1) =	vsort.ascd.msk.f32 $0xffff, v47, v48  }
0x480: {  	(xrf1) =	vsort.ascd.msk.f32 $0xffff, v49, v15;
	_ =	sdelay $0x2  }
0x481: {  	v50, v51, _ =	vpop (xrf1)  }
0x482: {  	[tilespmem:s2+$0xC480] =	vst v50  }
0x483: {  	v52, v53, _ =	vpop (xrf1);
	[tilespmem:s2+$0x0] =	vst v51  }
0x484: {  	[tilespmem:s2+$0x10] =	vst v53  }
0x485: {  	vm2 =	vlt.f32 v50, v12;
	v54, v55, _ =	vpop (xrf1);
	[tilespmem:s2+$0xC490] =	vst v52  }
0x486: {  	vm3 =	vgt.f32 v50, v12;
	vm4 =	vlt.f32 v52, v14;
	vm5 =	vgt.f32 v52, v14;
	[tilespmem:s2+$0xC4A0] =	vst v54  }
0x487: {  	vm2 =	vmor vm3, vm2;
	v12, v13, _ =	vpop (xrf1);
	vm6 =	vlt.f32 v54, v16;
	vm7 =	vgt.f32 v54, v16;
	[tilespmem:s2+$0x20] =	vst v55  }
0x488: {  	vm3 =	vmor vm5, vm4;
	[tilespmem:s2+$0xC4B0] =	vst v12;
	vm10 =	vlt.f32 v12, v17;
	vm11 =	vgt.f32 v12, v17  }
0x489: {  	v57, v56, _ =	vpop (xrf1);
	vm2 =	vmor vm2, vm3;
	[tilespmem:s2+$0x30] =	vst v13;
	vm3 =	vmor vm7, vm6;
	vm4 =	vmor vm11, vm10  }
0x48a: {  	v59, v58, _ =	vpop (xrf1);
	[tilespmem:s2+$0xC4C0] =	vst v57;
	vm12 =	vlt.f32 v57, v21;
	vm13 =	vgt.f32 v57, v21;
	vm3 =	vmor vm3, vm4  }
0x48b: {  	s0 =	sadd.s32 $0x1, s0;
	[tilespmem:s2+$0x40] =	vst v56;
	v61, v60, _ =	vpop (xrf1);
	vm14 =	vgt.f32 v59, v22;
	vm4 =	vmor vm13, vm12;
	vm2 =	vmor vm2, vm3  }
0x48c: {  	p0 =	sne.s32 s0, $0x188;
	[tilespmem:s2+$0xC4D0] =	vst v59;
	vm3 =	vlt.f32 v59, v22;
	v63, v62, _ =	vpop (xrf1);
	vm15 =	vlt.f32 v61, v27;
	vm12 =	vgt.f32 v61, v27  }
.Ltmp12:
0x48d: {  	[tilespmem:s2+$0x50] =	vst v58;
	vm3 =	vmor vm14, vm3;
	vm13 =	vlt.f32 v63, v36;
	vm8 =	vgt.f32 v63, v36;
	(pc) =	sbr.rel @p0 .LBB2_26-.Ltmp12, $4  }
0x48e: {  	[tilespmem:s2+$0xC4E0] =	vst v61;
	vm14 =	vmor vm12, vm15;
	vm3 =	vmor vm4, vm3;
	vm15 =	vmor vm8, vm13  }
0x48f: {  	[tilespmem:s2+$0x60] =	vst v60;
	vm2 =	vmor vm2, vm3;
	vm3 =	vmor vm14, vm15  }
0x490: {  	[tilespmem:s2+$0xC4F0] =	vst v63;
	vm2 =	vmor vm2, vm3  }
0x491: {  	[tilespmem:s2+$0x70] =	vst v62;
	vm1 =	vmor vm1, vm2  }
0x492: {  	s26 =	simm.s32 $0x0  }
0x493: {  	v17 =	vld [tilespmem:s26+$0xC500]  }
0x494: {  	v12 =	vld [tilespmem:s26+$0x80]  }
0x495: {  	v13 =	vld [tilespmem:s26+$0xC4F0]  }
0x496: {  	v14 =	vld [tilespmem:s26+$0x70];
	_ =	sdelay $0x1  }
0x497: {  	v15 =	vperm.xlane v17, v4  }
0x498: {  	v12 =	vperm.xlane v12, v4  }
0x499: {  	vm2 =	vle.f32 v13, v15  }
0x49a: {  	v16 =	vsel vm2, v15, v13;
	v18 =	vsel vm2, v12, v14  }
0x49b: {  	(xrf1) =	vsort.ascd.msk.f32 $0xffff, v16, v18  }
0x49c: {  	v15 =	vsel vm2, v13, v15;
	v12 =	vsel vm2, v14, v12  }
0x49d: {  	(xrf1) =	vsort.ascd.msk.f32 $0xffff, v15, v12;
	v12 =	vld [tilespmem:s26+$0xC4E0]  }
0x49e: {  	v16 =	vld [tilespmem:s26+$0x60]  }
0x49f: {  	v18 =	vld [tilespmem:s26+$0xC4D0]  }
0x4a0: {  	v20 =	vld [tilespmem:s26+$0x50];
	_ =	sdelay $0x1  }
0x4a1: {  	v21 =	vperm.xlane v12, v4  }
0x4a2: {  	v23 =	vperm.xlane v16, v4  }
0x4a3: {  	vm2 =	vle.f32 v18, v21  }
0x4a4: {  	v27 =	vsel vm2, v23, v20  }
0x4a5: {  	v19 =	vld [tilespmem:s26+$0x20];
	v24 =	vsel vm2, v18, v21;
	v21 =	vsel vm2, v21, v18  }
0x4a6: {  	v22 =	vld [tilespmem:s26+$0x10]  }
0x4a7: {  	v14 =	vld [tilespmem:s26+$0xC4A0];
	v20 =	vsel vm2, v20, v23;
	(xrf1) =	vsort.ascd.msk.f32 $0xffff, v21, v27  }
0x4a8: {  	v15 =	vld [tilespmem:s26+$0xC490];
	v21, v27, _ =	vpop (xrf1);
	(xrf1) =	vsort.ascd.msk.f32 $0xffff, v24, v20  }
0x4a9: {  	v16 =	vld [tilespmem:s26+$0xC4C0]  }
0x4aa: {  	v25 =	vld [tilespmem:s26+$0x40]  }
0x4ab: {  	v28 =	vperm.xlane v19, v4;
	v19 =	vld [tilespmem:s26+$0xC4B0]  }
0x4ac: {  	v26 =	vperm.xlane v14, v4;
	_ =	sdelay $0x1  }
0x4ad: {  	v23 =	vld [tilespmem:s26+$0x30];
	vm2 =	vle.f32 v15, v26;
	v29 =	vperm.xlane v16, v4  }
0x4ae: {  	v20 =	vsel vm2, v26, v15;
	v24 =	vsel vm2, v28, v22  }
0x4af: {  	v25 =	vperm.xlane v25, v4;
	vm5 =	vle.f32 v19, v29;
	(xrf1) =	vsort.ascd.msk.f32 $0xffff, v20, v24  }
0x4b0: {  	s0 =	simm.s32 $0x80;
	v28 =	vsel vm2, v22, v28;
	[tilespmem:s26+$0xC500] =	vst v21;
	v24 =	vsel vm2, v15, v26;
	vm3 =	vlt.f32 v21, v17  }
0x4b1: {  	v22, v30, _ =	vpop (xrf1);
	v26 =	vsel vm5, v19, v29;
	vm2 =	vmmov vm0;
	v20 =	vld [tilespmem:s0+$0xC500];
	[tilespmem:s26+$0x80] =	vst v27;
	(xrf1) =	vsort.ascd.msk.f32 $0xffff, v24, v28  }
0x4b2: {  	s2 =	simm.s32 $0x400;
	vm4 =	vlt.f32 v22, v13;
	v27 =	vsel vm5, v29, v19;
	v28 =	vsel vm5, v25, v23;
	v24 =	vld [tilespmem:s0+$0x80];
	[tilespmem:s26+$0x70] =	vst v30  }
.LBB2_28:
0x4b3: {  	p0 =	sne.s32 s2, $0x30E00;
	v29 =	vld [tilespmem:s0+$0x70];
	v23 =	vsel vm5, v23, v25;
	[tilespmem:s26+$0xC4F0] =	vst v22;
	vm5 =	vgt.f32 v22, v13;
	(xrf1) =	vsort.ascd.msk.f32 $0xffff, v27, v28;
	s28 =	smov.u32 s2;
	s2 =	sadd.s32 $0x200, s2  }
0x4b4: {  	v13 =	vld [tilespmem:s0+$0xC4F0];
	vm4 =	vmor vm5, vm4;
	vm5 =	vgt.f32 v21, v17;
	(xrf1) =	vsort.ascd.msk.f32 $0xffff, v26, v23;
	v17, v21, _ =	vpop (xrf1)  }
0x4b5: {  	[tilespmem:s26+$0x60] =	vst v21;
	vm6 =	vlt.f32 v17, v12;
	vm7 =	vgt.f32 v17, v12;
	vm3 =	vmor vm5, vm3;
	v21, v22, _ =	vpop (xrf1)  }
0x4b6: {  	v23 =	vld [tilespmem:s0+$0x60];
	v25 =	vperm.xlane v20, v4;
	[tilespmem:s26+$0xC4E0] =	vst v17;
	vm5 =	vlt.f32 v21, v18;
	vm8 =	vgt.f32 v21, v18  }
0x4b7: {  	vm6 =	vmor vm7, vm6;
	v17 =	vmov v20;
	v12 =	vld [tilespmem:s0+$0xC4E0];
	[tilespmem:s26+$0xC4D0] =	vst v21;
	vm5 =	vmor vm8, vm5  }
0x4b8: {  	v20 =	vperm.xlane v24, v4;
	v18 =	vld [tilespmem:s0+$0xC4D0];
	[tilespmem:s26+$0x50] =	vst v22  }
0x4b9: {  	v21 =	vld [tilespmem:s0+$0x50];
	vm7 =	vle.f32 v13, v25  }
0x4ba: {  	v22 =	vsel vm7, v13, v25;
	v24 =	vsel vm7, v25, v13;
	v25 =	vsel vm7, v20, v29  }
0x4bb: {  	v20 =	vsel vm7, v29, v20;
	(xrf1) =	vsort.ascd.msk.f32 $0xffff, v24, v25  }
0x4bc: {  	v24 =	vperm.xlane v12, v4;
	(xrf1) =	vsort.ascd.msk.f32 $0xffff, v22, v20  }
0x4bd: {  	v20 =	vperm.xlane v23, v4;
	v22, v23, _ =	vpop (xrf1)  }
0x4be: {  	vm7 =	vle.f32 v18, v24;
	[tilespmem:s26+$0xC4A0] =	vst v22;
	vm8 =	vlt.f32 v22, v14;
	vm9 =	vgt.f32 v22, v14  }
0x4bf: {  	v14 =	vld [tilespmem:s0+$0xC4A0];
	v22 =	vsel vm7, v18, v24;
	v24 =	vsel vm7, v24, v18;
	v25 =	vsel vm7, v20, v21;
	[tilespmem:s26+$0x20] =	vst v23;
	v23, v26, _ =	vpop (xrf1)  }
0x4c0: {  	v28 =	vsel vm7, v21, v20;
	v27 =	vld [tilespmem:s0+$0x20];
	(xrf1) =	vsort.ascd.msk.f32 $0xffff, v24, v25;
	[tilespmem:s26+$0xC490] =	vst v23;
	vm7 =	vlt.f32 v23, v15  }
0x4c1: {  	vm8 =	vmor vm9, vm8;
	vm10 =	vgt.f32 v23, v15;
	(xrf1) =	vsort.ascd.msk.f32 $0xffff, v22, v28;
	[tilespmem:s26+$0x10] =	vst v26;
	v15 =	vld [tilespmem:s0+$0xC490];
	v20, v21, _ =	vpop (xrf1)  }
0x4c2: {  	vm7 =	vmor vm10, vm7;
	v22 =	vld [tilespmem:s0+$0x10];
	[tilespmem:s26+$0xC4C0] =	vst v20;
	vm9 =	vlt.f32 v20, v16;
	vm10 =	vgt.f32 v20, v16;
	v20, v23, _ =	vpop (xrf1)  }
0x4c3: {  	v16 =	vld [tilespmem:s0+$0xC4C0];
	[tilespmem:s26+$0x40] =	vst v21;
	vm11 =	vlt.f32 v20, v19;
	vm12 =	vgt.f32 v20, v19;
	vm9 =	vmor vm10, vm9  }
0x4c4: {  	v24 =	vld [tilespmem:s0+$0x40];
	[tilespmem:s26+$0x30] =	vst v23;
	vm10 =	vmor vm12, vm11  }
0x4c5: {  	vm7 =	vmor vm7, vm8;
	v25 =	vperm.xlane v14, v4;
	v23 =	vld [tilespmem:s0+$0x30];
	[tilespmem:s26+$0xC4B0] =	vst v20;
	vm8 =	vmor vm10, vm9;
	s26 =	smov.u32 s0  }
0x4c6: {  	vm5 =	vmor vm5, vm6;
	v20 =	vperm.xlane v27, v4;
	v19 =	vld [tilespmem:s26+$0xC4B0];
	vm7 =	vmor vm7, vm8  }
0x4c7: {  	vm3 =	vmor vm4, vm3;
	vm6 =	vle.f32 v15, v25;
	vm5 =	vmor vm7, vm5  }
.Ltmp13:
0x4c8: {  	s0 =	sshra.s32 s28, $0x2;
	v31 =	vsel vm6, v25, v15;
	v29 =	vsel vm6, v20, v22;
	vm3 =	vmor vm5, vm3;
	(pc) =	sbr.rel @p0 .LBB2_28-.Ltmp13, $4  }
0x4c9: {  	v27 =	vsel vm6, v22, v20;
	v28 =	vperm.xlane v16, v4;
	(xrf1) =	vsort.ascd.msk.f32 $0xffff, v31, v29;
	v21, v26, _ =	vpop (xrf1);
	vm2 =	vmor vm2, vm3  }
0x4ca: {  	v29 =	vsel vm6, v15, v25;
	v25 =	vperm.xlane v24, v4;
	[tilespmem:s26+$0xC500] =	vst v21;
	vm3 =	vlt.f32 v21, v17;
	v22, v30, _ =	vpop (xrf1)  }
0x4cb: {  	v20 =	vld [tilespmem:s0+$0xC500];
	vm5 =	vle.f32 v19, v28;
	[tilespmem:s26+$0x80] =	vst v26;
	vm4 =	vlt.f32 v22, v13;
	(xrf1) =	vsort.ascd.msk.f32 $0xffff, v29, v27  }
0x4cc: {  	v24 =	vld [tilespmem:s0+$0x80];
	v26 =	vsel vm5, v19, v28;
	v27 =	vsel vm5, v28, v19;
	v28 =	vsel vm5, v25, v23;
	[tilespmem:s26+$0x70] =	vst v30  }
0x4cd: {  	(xrf1) =	vsort.ascd.msk.f32 $0xffff, v27, v28  }
0x4ce: {  	v23 =	vsel vm5, v23, v25  }
0x4cf: {  	(xrf1) =	vsort.ascd.msk.f32 $0xffff, v26, v23;
	_ =	sdelay $0x3  }
0x4d0: {  	v29 =	vld [tilespmem:s0+$0x70];
	[tilespmem:s26+$0xC4F0] =	vst v22;
	v31, v32, _ =	vpop (xrf1)  }
0x4d1: {  	v30 =	vld [tilespmem:s0+$0xC4F0];
	[tilespmem:s26+$0x60] =	vst v32  }
0x4d2: {  	v48, v47, _ =	vpop (xrf1);
	v63 =	vld [tilespmem:s0+$0x60];
	[tilespmem:s26+$0xC4E0] =	vst v31  }
0x4d3: {  	v33 =	vld [tilespmem:s0+$0xC4E0];
	[tilespmem:s26+$0xC4D0] =	vst v48  }
0x4d4: {  	v23 =	vld [tilespmem:s0+$0xC4D0];
	[tilespmem:s26+$0x50] =	vst v47;
	v50, v51, _ =	vpop (xrf1)  }
0x4d5: {  	v49 =	vld [tilespmem:s0+$0x50];
	[tilespmem:s26+$0xC4A0] =	vst v50  }
0x4d6: {  	v40 =	vperm.xlane v20, v4;
	v34 =	vld [tilespmem:s0+$0xC4A0];
	[tilespmem:s26+$0x20] =	vst v51;
	v52, v35, _ =	vpop (xrf1)  }
0x4d7: {  	v36 =	vld [tilespmem:s0+$0x20];
	[tilespmem:s26+$0xC490] =	vst v52  }
0x4d8: {  	v24 =	vperm.xlane v24, v4;
	vm9 =	vle.f32 v30, v40;
	v37 =	vld [tilespmem:s0+$0xC490];
	[tilespmem:s26+$0x10] =	vst v35;
	v53, v38, _ =	vpop (xrf1)  }
0x4d9: {  	v54 =	vsel vm9, v40, v30;
	v43 =	vperm.xlane v33, v4;
	v39 =	vld [tilespmem:s0+$0x10];
	[tilespmem:s26+$0xC4C0] =	vst v53  }
0x4da: {  	v42 =	vsel vm9, v24, v29;
	v55 =	vsel vm9, v30, v40;
	v24 =	vsel vm9, v29, v24;
	v44, v45, _ =	vpop (xrf1);
	v41 =	vld [tilespmem:s0+$0xC4C0];
	[tilespmem:s26+$0x40] =	vst v38  }
0x4db: {  	(xrf1) =	vsort.ascd.msk.f32 $0xffff, v54, v42;
	v27 =	vperm.xlane v63, v4;
	vm10 =	vle.f32 v23, v43;
	v46 =	vld [tilespmem:s0+$0x40];
	[tilespmem:s26+$0x30] =	vst v45  }
0x4dc: {  	(xrf1) =	vsort.ascd.msk.f32 $0xffff, v55, v24;
	v57 =	vsel vm10, v43, v23;
	v56 =	vld [tilespmem:s0+$0x30];
	[tilespmem:s26+$0xC4B0] =	vst v44  }
0x4dd: {  	v58 =	vsel vm10, v27, v49;
	v60 =	vsel vm10, v23, v43;
	v59 =	vperm.xlane v34, v4;
	v38 =	vld [tilespmem:s0+$0xC4B0]  }
0x4de: {  	v25 =	vsel vm10, v49, v27;
	(xrf1) =	vsort.ascd.msk.f32 $0xffff, v57, v58;
	v61 =	vperm.xlane v36, v4  }
0x4df: {  	(xrf1) =	vsort.ascd.msk.f32 $0xffff, v60, v25;
	vm11 =	vle.f32 v37, v59  }
0x4e0: {  	v62 =	vsel vm11, v59, v37;
	v36 =	vsel vm11, v61, v39;
	v63 =	vperm.xlane v41, v4  }
0x4e1: {  	(xrf1) =	vsort.ascd.msk.f32 $0xffff, v62, v36;
	v36 =	vperm.xlane v46, v4  }
0x4e2: {  	v27 =	vsel vm11, v39, v61;
	v24 =	vsel vm11, v37, v59;
	vm12 =	vle.f32 v38, v63  }
0x4e3: {  	(xrf1) =	vsort.ascd.msk.f32 $0xffff, v24, v27;
	v42 =	vsel vm12, v63, v38;
	v43 =	vsel vm12, v36, v56  }
0x4e4: {  	v45 =	vsel vm12, v56, v36;
	v46 =	vsel vm12, v38, v63;
	(xrf1) =	vsort.ascd.msk.f32 $0xffff, v42, v43  }
0x4e5: {  	vm13 =	vgt.f32 v22, v13;
	vm6 =	vgt.f32 v21, v17;
	(xrf1) =	vsort.ascd.msk.f32 $0xffff, v46, v45  }
0x4e6: {  	vm4 =	vmor vm13, vm4;
	vm6 =	vmor vm6, vm3;
	vm7 =	vlt.f32 v48, v18  }
0x4e7: {  	vm8 =	vgt.f32 v48, v18;
	vm14 =	vlt.f32 v50, v14;
	vm9 =	vgt.f32 v50, v14  }
0x4e8: {  	vm5 =	vlt.f32 v31, v12;
	vm7 =	vmor vm8, vm7;
	vm8 =	vmor vm9, vm14  }
0x4e9: {  	vm10 =	vlt.f32 v52, v15;
	vm13 =	vgt.f32 v44, v19;
	vm11 =	vgt.f32 v52, v15  }
0x4ea: {  	vm9 =	vmor vm11, vm10;
	vm10 =	vlt.f32 v53, v16;
	vm11 =	vgt.f32 v53, v16  }
0x4eb: {  	vm10 =	vmor vm11, vm10;
	vm11 =	vgt.f32 v31, v12;
	vm12 =	vlt.f32 v44, v19  }
0x4ec: {  	vm6 =	vmor vm4, vm6;
	v48, v47, _ =	vpop (xrf1);
	vm5 =	vmor vm11, vm5;
	vm12 =	vmor vm13, vm12  }
0x4ed: {  	vm8 =	vmor vm9, vm8;
	v49, v50, _ =	vpop (xrf1);
	vm5 =	vmor vm7, vm5;
	vm15 =	vmor vm12, vm10  }
0x4ee: {  	vm11 =	vgt.f32 v49, v30;
	vm10 =	vlt.f32 v49, v30;
	v52, v51, _ =	vpop (xrf1);
	vm3 =	vmor vm8, vm15  }
0x4ef: {  	vm4 =	vmor vm11, vm10;
	vm12 =	vlt.f32 v52, v33;
	v53, v54, _ =	vpop (xrf1);
	vm13 =	vgt.f32 v52, v33  }
0x4f0: {  	vm3 =	vmor vm3, vm5;
	vm14 =	vlt.f32 v53, v23;
	vm15 =	vgt.f32 v53, v23;
	v56, v55, _ =	vpop (xrf1)  }
0x4f1: {  	vm5 =	vmor vm13, vm12;
	vm8 =	vmor vm15, vm14;
	vm12 =	vlt.f32 v56, v34;
	v58, v57, _ =	vpop (xrf1)  }
0x4f2: {  	vm13 =	vgt.f32 v56, v34;
	vm10 =	vlt.f32 v58, v37;
	vm11 =	vgt.f32 v58, v37;
	v59, v60, _ =	vpop (xrf1)  }
0x4f3: {  	vm7 =	vmor vm13, vm12;
	vm10 =	vmor vm11, vm10;
	vm9 =	vlt.f32 v59, v41;
	v61, v62, _ =	vpop (xrf1)  }
0x4f4: {  	vm12 =	vgt.f32 v59, v41;
	vm11 =	vlt.f32 v61, v38;
	vm13 =	vgt.f32 v61, v38  }
0x4f5: {  	vm14 =	vlt.f32 v48, v20;
	vm9 =	vmor vm12, vm9;
	vm11 =	vmor vm13, vm11  }
0x4f6: {  	vm15 =	vgt.f32 v48, v20;
	vm7 =	vmor vm10, vm7;
	vm9 =	vmor vm11, vm9  }
0x4f7: {  	vm5 =	vmor vm8, vm5;
	vm10 =	vmor vm15, vm14;
	vm7 =	vmor vm7, vm9  }
0x4f8: {  	vm3 =	vmor vm3, vm6;
	vm4 =	vmor vm4, vm10;
	vm5 =	vmor vm7, vm5  }
0x4f9: {  	vm2 =	vmor vm2, vm3;
	vm3 =	vmor vm5, vm4  }
0x4fa: {  	vm2 =	vmor vm2, vm3  }
0x4fb: {  	vm1 =	vmor vm1, vm2  }
0x4fc: {  	v63 =	vsel vm1, $0x3F800000, v5  }
0x4fd: {  	(xrf0) =	vmax.scan.msk.f32 $0xffff, v63;
	_ =	sdelay $0x5  }
0x4fe: {  	v20, _, _ =	vpop (xrf0)  }
0x4ff: {  	(v2sf) =	vpush v20, $0xF;
	_ =	sdelay $0x5  }
0x500: {  	[tilespmem:s0+$0xC500] =	vst v48  }
0x501: {  	[tilespmem:s0+$0x80] =	vst v47  }
0x502: {  	[tilespmem:s0+$0x70] =	vst v50  }
0x503: {  	[tilespmem:s0+$0xC4F0] =	vst v49  }
0x504: {  	[tilespmem:s0+$0x60] =	vst v51  }
0x505: {  	[tilespmem:s0+$0xC4E0] =	vst v52  }
0x506: {  	[tilespmem:s0+$0xC4D0] =	vst v53  }
0x507: {  	[tilespmem:s0+$0x50] =	vst v54  }
0x508: {  	[tilespmem:s0+$0xC4A0] =	vst v56  }
0x509: {  	[tilespmem:s0+$0x20] =	vst v55;
	s2 =	spop (v2sf)  }
0x50a: {  	[tilespmem:s0+$0xC490] =	vst v58;
	p0 =	sgt.f32 s2, $0.0e+00  }
.Ltmp14:
0x50b: {  	[tilespmem:s0+$0x10] =	vst v57;
	(pc) =	sbr.rel @p0 .LBB2_26-.Ltmp14, $4  }
0x50c: {  	[tilespmem:s0+$0xC4C0] =	vst v59  }
0x50d: {  	[tilespmem:s0+$0x40] =	vst v60  }
0x50e: {  	[tilespmem:s0+$0x30] =	vst v62  }
0x50f: {  	[tilespmem:s0+$0xC4B0] =	vst v61;
	s0 =	simm.s32 $0x0;
	vm1 =	vmmov vm0  }
0x510: {  	_ =	strace $0x90000050;
	s0 =	simm.s32 $0x0  }
0x511: {  	s2 =	simm.s32 $0x40;
	s26 =	simm.s32 $0x0;
	_ =	strace $0x80000051  }
.LBB2_31:
0x512: {  	s14 =	smul.u32 $0x700, s26;
	_ =	sdelay $0x1  }
0x513: {  	s14 =	sadd.s32 s8, s14  }
0x514: {  	s14 =	sshrl.u32 s14, $0x3  }
0x515: {  	s14 =	sadd.s32 s10, s14  }
0x516: {  	v12 =	vmov s2;
	[tilespmem:s18], [sflag:$0x1] =	stream.linear.gather [hbm4b:s14+s0], $0x700, $0x200038;
	[tilespmem:$0x1FF00] =	vst v63  }
0x517: {  	_ =	swait.ge [sflag:s15], $0x700  }
0x518: {  	[sflag:s15] =	ssyncset.done $0x0  }
0x519: {  	s28 =	simm.s32 $0x0;
	[sflag:s15] =	ssyncadd.s32 $0xFFFFF900  }
.LBB2_32:
0x51a: {  	s14 =	sshra.s32 s28, $0x2  }
0x51b: {  	v13 =	vld.idx.msk [tilespmem:v12+s14+$0xFFFFFFC0 ss:$0x1], $0xffff;
	_ =	sdelay $0x4  }
0x51c: {  	v13 =	vtrunc.f32 v13  }
0x51d: {  	v13 =	vcvt.f32.s32 v13  }
0x51e: {  	v14 =	vld [tilespmem:s14+$0x1EC00];
	_ =	sdelay $0x4  }
0x51f: {  	[tilespmem:v13+s22+$0x0] =	vst.idx.msk $0xffff, v14  }
0x520: {  	v13 =	vld.idx.msk [tilespmem:v12+s14+$0xFFFFFFD0 ss:$0x1], $0xffff;
	_ =	sdelay $0x4  }
0x521: {  	v13 =	vtrunc.f32 v13  }
0x522: {  	v13 =	vcvt.f32.s32 v13  }
0x523: {  	v14 =	vld [tilespmem:s14+$0x1EC10];
	_ =	sdelay $0x4  }
0x524: {  	[tilespmem:v13+s22+$0x0] =	vst.idx.msk $0xffff, v14  }
0x525: {  	v13 =	vld.idx.msk [tilespmem:v12+s14+$0xFFFFFFE0 ss:$0x1], $0xffff;
	_ =	sdelay $0x4  }
0x526: {  	v13 =	vtrunc.f32 v13  }
0x527: {  	v13 =	vcvt.f32.s32 v13  }
0x528: {  	v14 =	vld [tilespmem:s14+$0x1EC20];
	_ =	sdelay $0x4  }
0x529: {  	[tilespmem:v13+s22+$0x0] =	vst.idx.msk $0xffff, v14  }
0x52a: {  	v13 =	vld.idx.msk [tilespmem:v12+s14+$0xFFFFFFF0 ss:$0x1], $0xffff;
	_ =	sdelay $0x4  }
0x52b: {  	v13 =	vtrunc.f32 v13  }
0x52c: {  	v13 =	vcvt.f32.s32 v13  }
0x52d: {  	v14 =	vld [tilespmem:s14+$0x1EC30];
	_ =	sdelay $0x4  }
0x52e: {  	[tilespmem:v13+s22+$0x0] =	vst.idx.msk $0xffff, v14  }
0x52f: {  	v13 =	vld.idx.msk [tilespmem:v12+s14+$0x0 ss:$0x1], $0xffff;
	_ =	sdelay $0x4  }
0x530: {  	v13 =	vtrunc.f32 v13  }
0x531: {  	v13 =	vcvt.f32.s32 v13  }
0x532: {  	v14 =	vld [tilespmem:s14+$0x1EC40];
	_ =	sdelay $0x4  }
0x533: {  	[tilespmem:v13+s22+$0x0] =	vst.idx.msk $0xffff, v14  }
0x534: {  	v13 =	vld.idx.msk [tilespmem:v12+s14+$0x10 ss:$0x1], $0xffff;
	_ =	sdelay $0x4  }
0x535: {  	v13 =	vtrunc.f32 v13  }
0x536: {  	v13 =	vcvt.f32.s32 v13  }
0x537: {  	v14 =	vld [tilespmem:s14+$0x1EC50];
	_ =	sdelay $0x4  }
0x538: {  	[tilespmem:v13+s22+$0x0] =	vst.idx.msk $0xffff, v14  }
0x539: {  	v13 =	vld.idx.msk [tilespmem:v12+s14+$0x20 ss:$0x1], $0xffff;
	_ =	sdelay $0x4  }
0x53a: {  	v13 =	vtrunc.f32 v13  }
0x53b: {  	v13 =	vcvt.f32.s32 v13  }
0x53c: {  	v14 =	vld [tilespmem:s14+$0x1EC60];
	_ =	sdelay $0x4  }
0x53d: {  	[tilespmem:v13+s22+$0x0] =	vst.idx.msk $0xffff, v14  }
0x53e: {  	v13 =	vld.idx.msk [tilespmem:v12+s14+$0x30 ss:$0x1], $0xffff;
	_ =	sdelay $0x4  }
0x53f: {  	v13 =	vtrunc.f32 v13  }
0x540: {  	v13 =	vcvt.f32.s32 v13  }
0x541: {  	p0 =	sne.s32 s28, $0x1A00;
	v14 =	vld [tilespmem:s14+$0x1EC70]  }
.Ltmp15:
0x542: {  	_ = 	snop;
	(pc) =	sbr.rel @p0 .LBB2_32-.Ltmp15, $2  }
0x543: {  	_ =	sdelay $0x2  }
0x544: {  	s28 =	sadd.s32 $0x200, s28;
	[tilespmem:v13+s22+$0x0] =	vst.idx.msk $0xffff, v14  }
0x545: {  	s26 =	sadd.s32 $0x1, s26  }
0x546: {  	p0 =	sne.s32 s26, $0x1C  }
.Ltmp16:
0x547: {  	_ = 	snop;
	(pc) =	sbr.rel @p0 .LBB2_31-.Ltmp16, $2  }
0x548: {  	_ =	sdelay $0x2  }
0x549: {  	s2 =	sadd.s32 $0x700, s2  }
0x54a: {  	s0 =	smul.u32 $0x1880, s25  }
0x54b: {  	s24 =	sadd.s32 $0x1, s24  }
0x54c: {  	p0 =	sne.s32 s24, $0x18;
	s0 =	sadd.s32 s9, s0  }
0x54d: {  	[hbm4b:s0+s3] =	stream.linear.scatter [tilespmem:s22], [sflag:$0x1], $0xC400, $0x200038;
	[tilespmem:$0x1FF00] =	vst v63  }
.Ltmp17:
0x54e: {  	_ = 	snop;
	(pc) =	sbr.rel @p0 .LBB2_2-.Ltmp17, $4  }
0x54f: {  	_ =	swait.ge [sflag:s15], $0xC400  }
0x550: {  	[sflag:s15] =	ssyncset.done $0x0  }
0x551: {  	[sflag:s15] =	ssyncadd.s32 $0xFFFF3C00  }
0x552: {  	_ =	strace $0x90000051  }
0x553: {  	s23 =	sadd.s32 $0x1, s23  }
0x554: {  	p0 =	sne.s32 s23, s13  }
.Ltmp18:
0x555: {  	_ = 	snop;
	(pc) =	sbr.rel @p0 .LBB2_1-.Ltmp18, $1  }
0x556: {  	_ =	sdelay $0x3  }
0x557: {  	_ =	sfence.sel $0x180000  }
0x558: {  	[bflag:$0x0] =	sbarrier.arrive $0xFFFF  }
0x559: {  	_ =	strace $0x90000047  }
0x55a: {  	s0 =	stileid.u32;
	[bflag:$0x2] =	sbarrier.arrive $0xFFFF  }
0x55b: {  	p0 =	sne.s32 s0, $0x0;
	s0 =	rddreg [dreg:$0x2]  }
0x55c: {  	s0 =	sadd.s32 @!p0 $0x100000, s0  }
0x55d: {  	[sflag:s0] =	ssyncadd.tile.s32 @!p0 $0x1;
	_ =	shalt  }
.Lfunc_end2:
_tile_overlayer_lowered:
.L_overlay_start_2:
0x55e: {  	(tag) =	ssettag $0x2  }
0x55f: {  	s0 =	rddreg [dreg:$0x0];
	s2 =	stileid.u32  }
0x560: {  	s1 =	rddreg [dreg:$0x1];
	p0 =	sne.s32 s2, $0x0  }
0x561: {  	s3 =	rddreg [dreg:$0x2];
	[bflag:$0x3] =	sbarrier.arrive $0xFFFF;
	s2 =	simm.s32 @!p0 $0x1C01  }
0x562: {  	[timem:s3], [sflag:s2] =	dma.local @!p0 [hbm:s0], s1  }
0x563: {  	s0 =	simm.s32 @!p0 $0x1  }
0x564: {  	_ =	swait.ge @!p0 [sflag:s0], s1  }
0x565: {  	s1 =	ssub.s32 @!p0 $0x0, s1;
	[sflag:s0] =	ssyncset.done @!p0 $0x0  }
0x566: {  	[sflag:s0] =	ssyncadd.s32 @!p0 s1  }
0x567: {  	[bflag:$0x3] =	sbarrier.arrive $0xFFFF  }
0x568: {  	_ =	shalt  }

</sc_bundles>
